<compile_context>
chip_gen: v7x
topology: tpu7x:2x2x1
jax: 0.10.2.dev20260603
libtpu: 0.0.44.dev20260713+nightly
codegen_flags: <defaults>
</compile_context>

<pallas_src>
import functools

import jax
import jax.numpy as jnp
from jax import lax
from jax.experimental import pallas as pl
from jax.experimental.pallas import tpu as pltpu
from jax.experimental.pallas import tpu_sc as plsc

NC = 2
NS = 16
CH = 128


def _gcn_sc(n_pad, d2, k_tile, grp, n):
  rows_per_tile = n_pad // NS
  rb_chunks = rows_per_tile // CH
  n_groups = k_tile // grp
  mesh = plsc.VectorSubcoreMesh(core_axis_name="c", subcore_axis_name="s")

  @functools.partial(
      pl.kernel,
      out_type=(jax.ShapeDtypeStruct((NC, n_pad, d2), jnp.float32),
                jax.ShapeDtypeStruct((NC, n_pad, d2), jnp.float32)),
      mesh=mesh,
      scratch_types=[
          pltpu.VMEM((k_tile, CH), jnp.int32),
          pltpu.VMEM((k_tile, CH), jnp.int32),
          [pltpu.VMEM((CH, d2), jnp.float32) for _ in range(grp)],
          pltpu.VMEM((CH, d2), jnp.float32),
          pltpu.VMEM((CH, d2), jnp.float32),
          pltpu.VMEM((CH, d2), jnp.float32),
          pltpu.VMEM((d2,), jnp.float32),
          pltpu.VMEM_SHARED((n_pad, d2), jnp.float32),
          pltpu.SemaphoreType.DMA,
          pltpu.SemaphoreType.DMA,
      ],
      compiler_params=pltpu.CompilerParams(use_tc_tiling_on_sc=False),
  )
  def k(hs1_hbm, edges_hbm, dis_hbm, b1_hbm, t2_hbm, seg2_hbm,
        src_v, dst_v, rows, wbuf, hbuf, dbuf, b1v, acc, gsem, ssem):
    c = lax.axis_index("c")
    s = lax.axis_index("s")
    row0 = s * rows_per_tile
    rsl = pl.ds(row0, rows_per_tile)
    zbuf = rows[0]

    def zrow(r, carry):
      for i in range(d2 // 16):
        zbuf[r, pl.ds(i * 16, 16)] = jnp.zeros((16,), jnp.float32)
      return carry

    def zero_acc():
      for t in range(rb_chunks):
        pltpu.sync_copy(zbuf, acc.at[pl.ds(row0 + t * CH, CH)])

    def segsum(table_hbm, sem):
      def outer(u, carry):
        gds = []
        for b in range(grp):
          gds.append(
              pltpu.async_copy(table_hbm.at[c].at[src_v.at[u * grp + b]],
                               rows[b], sem))
        for b in range(grp):
          gds[b].wait()
          pltpu.sync_copy(rows[b], acc.at[dst_v.at[u * grp + b]], add=True)
        return carry

      lax.fori_loop(0, n_groups, outer, 0)

    i0 = pltpu.async_copy(edges_hbm.at[0, pl.ds(s * k_tile, k_tile)], src_v,
                          gsem)
    i1 = pltpu.async_copy(edges_hbm.at[1, pl.ds(s * k_tile, k_tile)], dst_v,
                          ssem)
    lax.fori_loop(0, CH, zrow, 0)
    zero_acc()
    pltpu.sync_copy(b1_hbm.at[pl.ds(c * d2, d2)], b1v)
    i0.wait()
    i1.wait()
    plsc.subcore_barrier()

    segsum(hs1_hbm, gsem)
    plsc.subcore_barrier()

    def brow(r, carry):
      for i in range(d2 // 16):
        csl = pl.ds(i * 16, 16)
        d = dbuf[r, csl]
        agg = (wbuf[r, csl] + hbuf[r, csl]) * d + b1v[csl]
        wbuf[r, csl] = jnp.maximum(agg, 0.0) * d
      return carry

    for t in range(rb_chunks):
      csl = pl.ds(row0 + t * CH, CH)
      pltpu.sync_copy(acc.at[csl], wbuf)
      pltpu.sync_copy(hs1_hbm.at[c, csl], hbuf)
      pltpu.sync_copy(dis_hbm.at[csl], dbuf)
      lax.fori_loop(0, CH, brow, 0)
      pltpu.sync_copy(wbuf, t2_hbm.at[c, csl])
    plsc.subcore_barrier()

    lax.fori_loop(0, CH, zrow, 0)
    zero_acc()
    plsc.subcore_barrier()
    segsum(t2_hbm, ssem)
    plsc.subcore_barrier()
    pltpu.sync_copy(acc.at[rsl], seg2_hbm.at[c, rsl])

  return k


def _deg_sc(n_pad, e_chunks, kd):
  rows_per_tile = n_pad // NS
  last_cnt = e_chunks - (NC * NS - 1) * kd
  assert 0 < last_cnt <= kd
  mesh = plsc.VectorSubcoreMesh(core_axis_name="c", subcore_axis_name="s")

  @functools.partial(
      pl.kernel,
      out_type=jax.ShapeDtypeStruct((NC, n_pad), jnp.float32),
      mesh=mesh,
      scratch_types=[
          pltpu.VMEM((kd, CH), jnp.int32),
          pltpu.VMEM((CH,), jnp.float32),
          pltpu.VMEM((rows_per_tile,), jnp.float32),
          pltpu.VMEM_SHARED((n_pad,), jnp.float32),
      ],
      compiler_params=pltpu.CompilerParams(use_tc_tiling_on_sc=False),
  )
  def k(edges_hbm, out_hbm, dst_v, ones_v, rb_v, acc):
    c = lax.axis_index("c")
    s = lax.axis_index("s")
    row0 = s * rows_per_tile
    w = c * NS + s
    is_last = w == NC * NS - 1
    n_my = jnp.where(is_last, last_cnt, kd)
    for i in range(CH // 16):
      ones_v[pl.ds(i * 16, 16)] = jnp.ones((16,), jnp.float32)

    def zrow(r, carry):
      rb_v[pl.ds(r * 16, 16)] = jnp.zeros((16,), jnp.float32)
      return carry

    lax.fori_loop(0, rows_per_tile // 16, zrow, 0)
    pltpu.sync_copy(rb_v, acc.at[pl.ds(row0, rows_per_tile)])

    @pl.when(jnp.logical_not(is_last))
    def _():
      pltpu.sync_copy(edges_hbm.at[1, pl.ds(w * kd, kd)], dst_v)

    @pl.when(is_last)
    def _():
      pltpu.sync_copy(edges_hbm.at[1, pl.ds(w * kd, last_cnt)],
                      dst_v.at[pl.ds(0, last_cnt)])

    plsc.subcore_barrier()

    def body(j, carry):
      pltpu.sync_copy(ones_v, acc.at[dst_v.at[j]], add=True)
      return carry

    lax.fori_loop(0, n_my, body, 0)
    plsc.subcore_barrier()
    sl = pl.ds(row0, rows_per_tile)
    pltpu.sync_copy(acc.at[sl], rb_v)
    pltpu.sync_copy(rb_v, out_hbm.at[c, sl])

  return k




def _dis_from_parts(deg_p):
  deg = deg_p[0] + deg_p[1] + 1.0
  return lax.rsqrt(deg)


def _tc_a_body(n, k_rows, ei_ref, x_ref, w1_ref, edges_ref, h1_ref):
  ei = ei_ref[...]
  pad_rows = k_rows - ei.shape[1]
  edges_ref[...] = jnp.concatenate(
      [ei, jnp.full((2, pad_rows, CH), n, jnp.int32)], axis=1)
  h1_ref[...] = jnp.dot(x_ref[...], w1_ref[...],
                        preferred_element_type=jnp.float32)


def _split_cols(x):
  d2 = x.shape[1] // 2
  return jnp.stack([x[:, :d2], x[:, d2:]])


def _cat_cols(ref):
  return jnp.concatenate([ref[0], ref[1]], axis=1)


def _tc1_body(n, deg_p_ref, h1_ref, hs1_ref, dis_ref):
  n_pad = deg_p_ref.shape[1]
  d2 = dis_ref.shape[1]
  dis = _dis_from_parts(deg_p_ref[...])[:n]
  hs = h1_ref[...] * dis[:, None]
  hs = jnp.concatenate(
      [hs, jnp.zeros((n_pad - n, hs.shape[1]), jnp.float32)], axis=0)
  hs1_ref[...] = _split_cols(hs)
  dis_ref[...] = jnp.concatenate(
      [jnp.broadcast_to(dis[:, None], (n, d2)),
       jnp.zeros((n_pad - n, d2), jnp.float32)], axis=0)


def _tc3_body(n, deg_p_ref, seg_ref, t2_ref, w2_ref, b2_ref, out_ref):
  dis = _dis_from_parts(deg_p_ref[...])[:n]
  agg = (_cat_cols(seg_ref) + _cat_cols(t2_ref))[:n] * dis[:, None]
  out_ref[...] = jnp.dot(
      agg, w2_ref[...], preferred_element_type=jnp.float32) + b2_ref[...]


def kernel(x, edge_index, W1, b1, W2, b2):
  n, d_in = x.shape
  d_hid = W1.shape[1]
  d_out = W2.shape[1]
  e = edge_index.shape[1]

  n_pad = ((n + NS * CH) // (NS * CH)) * NS * CH
  epc = NS * CH
  k_tile = (e + epc - 1) // epc
  k_tile = ((k_tile + 7) // 8) * 8
  e_pad = k_tile * epc

  k_rows = NS * k_tile
  assert e % CH == 0
  e_chunks = e // CH
  ei3 = edge_index.reshape(2, e_chunks, CH)

  kd = ((e_chunks + NC * NS - 1) // (NC * NS) + 7) // 8 * 8
  deg_p = _deg_sc(n_pad, e_chunks, kd)(ei3)

  edges, h1 = pl.pallas_call(
      functools.partial(_tc_a_body, n, k_rows),
      out_shape=(jax.ShapeDtypeStruct((2, k_rows, CH), jnp.int32),
                 jax.ShapeDtypeStruct((n, d_hid), jnp.float32)),
  )(ei3, x, W1)

  hs1, dis_exp = pl.pallas_call(
      functools.partial(_tc1_body, n),
      out_shape=(jax.ShapeDtypeStruct((NC, n_pad, d_hid // 2), jnp.float32),
                 jax.ShapeDtypeStruct((n_pad, d_hid // 2), jnp.float32)),
  )(deg_p, h1)

  t2, seg2 = _gcn_sc(n_pad, d_hid // 2, k_tile, 8, n)(hs1, edges, dis_exp, b1)

  return pl.pallas_call(
      functools.partial(_tc3_body, n),
      out_shape=jax.ShapeDtypeStruct((n, d_out), jnp.float32),
  )(deg_p, seg2, t2, W2, b2)

# --- scband reference (transcript-rebuilt; emitter-appended) ---
"""Pipeline reference for scband-encoder-18657337934153 (READ-ONLY COPY).

The authoritative reference and input builder live on the scoring server;
editing this copy changes nothing except your own understanding.
"""

import jax, jax.numpy as jnp
import numpy as np

N = 10000
E = 320000
D_IN = 128
D_HID = 64
D_OUT = 128


def setup_inputs(seed: int = 0) -> dict:
    key = jax.random.key(seed)
    k1, k2, k3, k4, k5, k6 = jax.random.split(key, 6)
    x = jax.random.normal(k1, (N, D_IN), dtype=jnp.float32)
    edge_index = jax.random.randint(k2, (2, E), 0, N, dtype=jnp.int32)
    # GCNConv parameters (glorot-style init)
    W1 = jax.random.normal(k3, (D_IN, D_HID), dtype=jnp.float32) * (1.0 / np.sqrt(D_IN))
    b1 = jnp.zeros((D_HID,), dtype=jnp.float32)
    W2 = jax.random.normal(k4, (D_HID, D_OUT), dtype=jnp.float32) * (1.0 / np.sqrt(D_HID))
    b2 = jnp.zeros((D_OUT,), dtype=jnp.float32)
    return {"x": x, "edge_index": edge_index, "W1": W1, "b1": b1, "W2": W2, "b2": b2}


def _gcn_conv(x, edge_index, W, b, num_nodes):
    # PyG GCNConv semantics: add self-loops, symmetric normalization,
    # linear transform, scatter-add aggregation, bias.
    loop = jnp.arange(num_nodes, dtype=edge_index.dtype)
    src = jnp.concatenate([edge_index[0], loop])
    dst = jnp.concatenate([edge_index[1], loop])
    ones = jnp.ones(src.shape[0], dtype=x.dtype)
    deg = jax.ops.segment_sum(ones, dst, num_segments=num_nodes)
    deg_inv_sqrt = jnp.where(deg > 0, 1.0 / jnp.sqrt(deg), 0.0)
    norm = deg_inv_sqrt[src] * deg_inv_sqrt[dst]
    h = x @ W
    msg = h[src] * norm[:, None]
    out = jax.ops.segment_sum(msg, dst, num_segments=num_nodes)
    return out + b


def reference(x, edge_index, W1, b1, W2, b2):
    h = jax.nn.relu(_gcn_conv(x, edge_index, W1, b1, N))
    return _gcn_conv(h, edge_index, W2, b2, N)

if __name__ == "__main__":
    import jax
    _d = setup_inputs()
    print(jax.jit(kernel)(*tuple(_d.values())))

</pallas_src>

<mosaic_0001>
#map = affine_map<(d0, d1) -> (0, 0, 0)>
#map1 = affine_map<(d0, d1) -> (0, 0)>
module attributes {stable_mosaic.version = 14 : i64} {
  func.func @k(%arg0: i32, %arg1: i32, %arg2: memref<2x2500x128xi32, #tpu.memory_space<hbm>>, %arg3: memref<2x10240xf32, #tpu.memory_space<hbm>>, %arg4: memref<80x128xi32, #tpu.memory_space<vmem>>, %arg5: memref<128xf32, #tpu.memory_space<vmem>>, %arg6: memref<640xf32, #tpu.memory_space<vmem>>, %arg7: memref<10240xf32, #tpu.memory_space<vmem_shared>>) attributes {dimension_semantics = [#tpu.dimension_semantics<core_parallel>, #tpu.dimension_semantics<subcore_parallel>], iteration_bounds = array<i64: 2, 16>, scalar_prefetch = 0 : i64, scratch_operands = 4 : i64, tpu.core_type = #tpu.core_type<sc_vector_subcore>, window_params = [{transform_indices = #map}, {transform_indices = #map1}]} {
    %mul3A = arith.constant 640 : i32
    %mul3A_0 = arith.muli %arg1, %mul3A : i32
    %mul3A_1 = arith.constant 16 : i32
    %mul3A_2 = arith.muli %arg0, %mul3A_1 : i32
    %add3A = arith.addi %mul3A_2, %arg1 : i32
    %eq3A = arith.constant 31 : i32
    %eq3A_3 = arith.cmpi eq, %add3A, %eq3A : i32
    %jit3A = arith.constant 20 : i32
    %jit3A_4 = arith.constant 80 : i32
    %select_n3A = arith.select %eq3A_3, %jit3A, %jit3A_4 : i32
    %broadcast_in_dim3A = arith.constant 1.000000e+00 : f32
    %broadcast_in_dim3A_5 = vector.broadcast %broadcast_in_dim3A : f32 to vector<16xf32>
    %swap3A = arith.constant 0 : index
    %swap3A_6 = tpu.vector_load %arg5[%swap3A] {strides = array<i32>} : memref<128xf32, #tpu.memory_space<vmem>>, vector<16xf32>,
    %swap3A_7 = vector.shape_cast %swap3A_6 : vector<16xf32> to vector<16xf32>
    %swap3A_8 = vector.shape_cast %broadcast_in_dim3A_5 : vector<16xf32> to vector<16xf32>
    tpu.vector_store %arg5[%swap3A], %swap3A_8 {strides = array<i32>} : memref<128xf32, #tpu.memory_space<vmem>>, vector<16xf32>,
    %broadcast_in_dim3A_9 = arith.constant 1.000000e+00 : f32
    %broadcast_in_dim3A_10 = vector.broadcast %broadcast_in_dim3A_9 : f32 to vector<16xf32>
    %swap3A_11 = arith.constant 16 : index
    %swap3A_12 = tpu.vector_load %arg5[%swap3A_11] {strides = array<i32>} : memref<128xf32, #tpu.memory_space<vmem>>, vector<16xf32>,
    %swap3A_13 = vector.shape_cast %swap3A_12 : vector<16xf32> to vector<16xf32>
    %swap3A_14 = vector.shape_cast %broadcast_in_dim3A_10 : vector<16xf32> to vector<16xf32>
    tpu.vector_store %arg5[%swap3A_11], %swap3A_14 {strides = array<i32>} : memref<128xf32, #tpu.memory_space<vmem>>, vector<16xf32>,
    %broadcast_in_dim3A_15 = arith.constant 1.000000e+00 : f32
    %broadcast_in_dim3A_16 = vector.broadcast %broadcast_in_dim3A_15 : f32 to vector<16xf32>
    %swap3A_17 = arith.constant 32 : index
    %swap3A_18 = tpu.vector_load %arg5[%swap3A_17] {strides = array<i32>} : memref<128xf32, #tpu.memory_space<vmem>>, vector<16xf32>,
    %swap3A_19 = vector.shape_cast %swap3A_18 : vector<16xf32> to vector<16xf32>
    %swap3A_20 = vector.shape_cast %broadcast_in_dim3A_16 : vector<16xf32> to vector<16xf32>
    tpu.vector_store %arg5[%swap3A_17], %swap3A_20 {strides = array<i32>} : memref<128xf32, #tpu.memory_space<vmem>>, vector<16xf32>,
    %broadcast_in_dim3A_21 = arith.constant 1.000000e+00 : f32
    %broadcast_in_dim3A_22 = vector.broadcast %broadcast_in_dim3A_21 : f32 to vector<16xf32>
    %swap3A_23 = arith.constant 48 : index
    %swap3A_24 = tpu.vector_load %arg5[%swap3A_23] {strides = array<i32>} : memref<128xf32, #tpu.memory_space<vmem>>, vector<16xf32>,
    %swap3A_25 = vector.shape_cast %swap3A_24 : vector<16xf32> to vector<16xf32>
    %swap3A_26 = vector.shape_cast %broadcast_in_dim3A_22 : vector<16xf32> to vector<16xf32>
    tpu.vector_store %arg5[%swap3A_23], %swap3A_26 {strides = array<i32>} : memref<128xf32, #tpu.memory_space<vmem>>, vector<16xf32>,
    %broadcast_in_dim3A_27 = arith.constant 1.000000e+00 : f32
    %broadcast_in_dim3A_28 = vector.broadcast %broadcast_in_dim3A_27 : f32 to vector<16xf32>
    %swap3A_29 = arith.constant 64 : index
    %swap3A_30 = tpu.vector_load %arg5[%swap3A_29] {strides = array<i32>} : memref<128xf32, #tpu.memory_space<vmem>>, vector<16xf32>,
    %swap3A_31 = vector.shape_cast %swap3A_30 : vector<16xf32> to vector<16xf32>
    %swap3A_32 = vector.shape_cast %broadcast_in_dim3A_28 : vector<16xf32> to vector<16xf32>
    tpu.vector_store %arg5[%swap3A_29], %swap3A_32 {strides = array<i32>} : memref<128xf32, #tpu.memory_space<vmem>>, vector<16xf32>,
    %broadcast_in_dim3A_33 = arith.constant 1.000000e+00 : f32
    %broadcast_in_dim3A_34 = vector.broadcast %broadcast_in_dim3A_33 : f32 to vector<16xf32>
    %swap3A_35 = arith.constant 80 : index
    %swap3A_36 = tpu.vector_load %arg5[%swap3A_35] {strides = array<i32>} : memref<128xf32, #tpu.memory_space<vmem>>, vector<16xf32>,
    %swap3A_37 = vector.shape_cast %swap3A_36 : vector<16xf32> to vector<16xf32>
    %swap3A_38 = vector.shape_cast %broadcast_in_dim3A_34 : vector<16xf32> to vector<16xf32>
    tpu.vector_store %arg5[%swap3A_35], %swap3A_38 {strides = array<i32>} : memref<128xf32, #tpu.memory_space<vmem>>, vector<16xf32>,
    %broadcast_in_dim3A_39 = arith.constant 1.000000e+00 : f32
    %broadcast_in_dim3A_40 = vector.broadcast %broadcast_in_dim3A_39 : f32 to vector<16xf32>
    %swap3A_41 = arith.constant 96 : index
    %swap3A_42 = tpu.vector_load %arg5[%swap3A_41] {strides = array<i32>} : memref<128xf32, #tpu.memory_space<vmem>>, vector<16xf32>,
    %swap3A_43 = vector.shape_cast %swap3A_42 : vector<16xf32> to vector<16xf32>
    %swap3A_44 = vector.shape_cast %broadcast_in_dim3A_40 : vector<16xf32> to vector<16xf32>
    tpu.vector_store %arg5[%swap3A_41], %swap3A_44 {strides = array<i32>} : memref<128xf32, #tpu.memory_space<vmem>>, vector<16xf32>,
    %broadcast_in_dim3A_45 = arith.constant 1.000000e+00 : f32
    %broadcast_in_dim3A_46 = vector.broadcast %broadcast_in_dim3A_45 : f32 to vector<16xf32>
    %swap3A_47 = arith.constant 112 : index
    %swap3A_48 = tpu.vector_load %arg5[%swap3A_47] {strides = array<i32>} : memref<128xf32, #tpu.memory_space<vmem>>, vector<16xf32>,
    %swap3A_49 = vector.shape_cast %swap3A_48 : vector<16xf32> to vector<16xf32>
    %swap3A_50 = vector.shape_cast %broadcast_in_dim3A_46 : vector<16xf32> to vector<16xf32>
    tpu.vector_store %arg5[%swap3A_47], %swap3A_50 {strides = array<i32>} : memref<128xf32, #tpu.memory_space<vmem>>, vector<16xf32>,
    %scan3A = arith.constant 0 : i32
    %scan3A_51 = arith.constant 0 : i32
    %scan3A_52 = arith.constant 40 : i32
    %scan3A_53 = arith.addi %scan3A_51, %scan3A_52 : i32
    %scan3A_54 = arith.constant 1 : i32
    scf.for %scan3A_71 = %scan3A_51 to %scan3A_53 step %scan3A_54  : i32 {
      %broadcast_in_dim3A_72 = arith.constant 0.000000e+00 : f32
      %broadcast_in_dim3A_73 = vector.broadcast %broadcast_in_dim3A_72 : f32 to vector<16xf32>
      %mul3A_74 = arith.constant 16 : i32
      %mul3A_75 = arith.muli %scan3A_71, %mul3A_74 : i32
      %swap3A_76 = arith.index_cast %mul3A_75 : i32 to index
      %swap3A_77 = tpu.vector_load %arg6[%swap3A_76] {strides = array<i32>} : memref<640xf32, #tpu.memory_space<vmem>>, vector<16xf32>,
      %swap3A_78 = vector.shape_cast %swap3A_77 : vector<16xf32> to vector<16xf32>
      %swap3A_79 = vector.shape_cast %broadcast_in_dim3A_73 : vector<16xf32> to vector<16xf32>
      tpu.vector_store %arg6[%swap3A_76], %swap3A_79 {strides = array<i32>} : memref<640xf32, #tpu.memory_space<vmem>>, vector<16xf32>,
    }
    %scan3A_55 = arith.constant 40 : i32
    "tpu.region"() ({
      %run_scoped3A = tpu.sem_alloc : memref<!tpu.dma_semaphore, #tpu.memory_space<semaphore_mem>>
      %dma_start3A = tpu.memref_slice %arg7[%mul3A_0] : memref<10240xf32, #tpu.memory_space<vmem_shared>> -> memref<640xf32, #tpu.memory_space<vmem_shared>>
      %dma_start3A_71 = tpu.memref_slice %arg7[%mul3A_0] : memref<10240xf32, #tpu.memory_space<vmem_shared>> -> memref<640xf32, #tpu.memory_space<vmem_shared>>
      tpu.enqueue_dma source(%arg6 : memref<640xf32, #tpu.memory_space<vmem>>) target(%dma_start3A_71 : memref<640xf32, #tpu.memory_space<vmem_shared>>) target_semaphore(%run_scoped3A : memref<!tpu.dma_semaphore, #tpu.memory_space<semaphore_mem>>)
      %dma_wait3A = tpu.memref_slice %arg7[%mul3A_0] : memref<10240xf32, #tpu.memory_space<vmem_shared>> -> memref<640xf32, #tpu.memory_space<vmem_shared>>
      %dma_wait3A_72 = tpu.memref_slice %arg7[%mul3A_0] : memref<10240xf32, #tpu.memory_space<vmem_shared>> -> memref<640xf32, #tpu.memory_space<vmem_shared>>
      tpu.wait_dma2 semaphore(%run_scoped3A : memref<!tpu.dma_semaphore, #tpu.memory_space<semaphore_mem>>) src(%arg6 : memref<640xf32, #tpu.memory_space<vmem>>) dst(%dma_wait3A_72 : memref<640xf32, #tpu.memory_space<vmem_shared>>)
      tpu.yield
    }) : () -> ()
    %not3A = arith.constant true
    %not3A_56 = arith.xori %eq3A_3, %not3A : i1
    %convert_element_type3A = arith.extui %not3A_56 : i1 to i32
    %cond3A = arith.constant 0 : i32
    %cond3A_57 = arith.cmpi ne, %convert_element_type3A, %cond3A : i32
    scf.if %cond3A_57 {
      %mul3A_71 = arith.constant 80 : i32
      %mul3A_72 = arith.muli %add3A, %mul3A_71 : i32
      %run_scoped3A = arith.constant 1 : i32
      "tpu.region"() ({
        %run_scoped3A_73 = tpu.sem_alloc : memref<!tpu.dma_semaphore, #tpu.memory_space<semaphore_mem>>
        %dma_start3A = arith.constant 0 : i32
        %dma_start3A_74 = tpu.memref_slice %arg2[%run_scoped3A, %mul3A_72, %dma_start3A] : memref<2x2500x128xi32, #tpu.memory_space<hbm>> -> memref<1x80x128xi32, #tpu.memory_space<hbm>>
        %dma_start3A_75 = tpu.memref_squeeze %dma_start3A_74 : memref<1x80x128xi32, #tpu.memory_space<hbm>> -> memref<80x128xi32, #tpu.memory_space<hbm>>
        %dma_start3A_76 = arith.constant 0 : i32
        %dma_start3A_77 = tpu.memref_slice %arg2[%run_scoped3A, %mul3A_72, %dma_start3A_76] : memref<2x2500x128xi32, #tpu.memory_space<hbm>> -> memref<1x80x128xi32, #tpu.memory_space<hbm>>
        %dma_start3A_78 = tpu.memref_squeeze %dma_start3A_77 : memref<1x80x128xi32, #tpu.memory_space<hbm>> -> memref<80x128xi32, #tpu.memory_space<hbm>>
        tpu.enqueue_dma source(%dma_start3A_78 : memref<80x128xi32, #tpu.memory_space<hbm>>) target(%arg4 : memref<80x128xi32, #tpu.memory_space<vmem>>) target_semaphore(%run_scoped3A_73 : memref<!tpu.dma_semaphore, #tpu.memory_space<semaphore_mem>>)
        %dma_wait3A = arith.constant 0 : i32
        %dma_wait3A_79 = tpu.memref_slice %arg2[%run_scoped3A, %mul3A_72, %dma_wait3A] : memref<2x2500x128xi32, #tpu.memory_space<hbm>> -> memref<1x80x128xi32, #tpu.memory_space<hbm>>
        %dma_wait3A_80 = tpu.memref_squeeze %dma_wait3A_79 : memref<1x80x128xi32, #tpu.memory_space<hbm>> -> memref<80x128xi32, #tpu.memory_space<hbm>>
        %dma_wait3A_81 = arith.constant 0 : i32
        %dma_wait3A_82 = tpu.memref_slice %arg2[%run_scoped3A, %mul3A_72, %dma_wait3A_81] : memref<2x2500x128xi32, #tpu.memory_space<hbm>> -> memref<1x80x128xi32, #tpu.memory_space<hbm>>
        %dma_wait3A_83 = tpu.memref_squeeze %dma_wait3A_82 : memref<1x80x128xi32, #tpu.memory_space<hbm>> -> memref<80x128xi32, #tpu.memory_space<hbm>>
        tpu.wait_dma2 semaphore(%run_scoped3A_73 : memref<!tpu.dma_semaphore, #tpu.memory_space<semaphore_mem>>) src(%dma_wait3A_83 : memref<80x128xi32, #tpu.memory_space<hbm>>) dst(%arg4 : memref<80x128xi32, #tpu.memory_space<vmem>>)
        tpu.yield
      }) : () -> ()
    } else {
    }
    %convert_element_type3A_58 = arith.extui %eq3A_3 : i1 to i32
    %cond3A_59 = arith.constant 0 : i32
    %cond3A_60 = arith.cmpi ne, %convert_element_type3A_58, %cond3A_59 : i32
    scf.if %cond3A_60 {
      %mul3A_71 = arith.constant 80 : i32
      %mul3A_72 = arith.muli %add3A, %mul3A_71 : i32
      %run_scoped3A = arith.constant 1 : i32
      "tpu.region"() ({
        %run_scoped3A_73 = tpu.sem_alloc : memref<!tpu.dma_semaphore, #tpu.memory_space<semaphore_mem>>
        %dma_start3A = arith.constant 0 : i32
        %dma_start3A_74 = arith.constant 0 : i32
        %dma_start3A_75 = tpu.memref_slice %arg4[%dma_start3A, %dma_start3A_74] : memref<80x128xi32, #tpu.memory_space<vmem>> -> memref<20x128xi32, #tpu.memory_space<vmem>>
        %dma_start3A_76 = arith.constant 0 : i32
        %dma_start3A_77 = tpu.memref_slice %arg2[%run_scoped3A, %mul3A_72, %dma_start3A_76] : memref<2x2500x128xi32, #tpu.memory_space<hbm>> -> memref<1x20x128xi32, #tpu.memory_space<hbm>>
        %dma_start3A_78 = tpu.memref_squeeze %dma_start3A_77 : memref<1x20x128xi32, #tpu.memory_space<hbm>> -> memref<20x128xi32, #tpu.memory_space<hbm>>
        %dma_start3A_79 = arith.constant 0 : i32
        %dma_start3A_80 = arith.constant 0 : i32
        %dma_start3A_81 = tpu.memref_slice %arg4[%dma_start3A_79, %dma_start3A_80] : memref<80x128xi32, #tpu.memory_space<vmem>> -> memref<20x128xi32, #tpu.memory_space<vmem>>
        %dma_start3A_82 = arith.constant 0 : i32
        %dma_start3A_83 = tpu.memref_slice %arg2[%run_scoped3A, %mul3A_72, %dma_start3A_82] : memref<2x2500x128xi32, #tpu.memory_space<hbm>> -> memref<1x20x128xi32, #tpu.memory_space<hbm>>
        %dma_start3A_84 = tpu.memref_squeeze %dma_start3A_83 : memref<1x20x128xi32, #tpu.memory_space<hbm>> -> memref<20x128xi32, #tpu.memory_space<hbm>>
        tpu.enqueue_dma source(%dma_start3A_84 : memref<20x128xi32, #tpu.memory_space<hbm>>) target(%dma_start3A_81 : memref<20x128xi32, #tpu.memory_space<vmem>>) target_semaphore(%run_scoped3A_73 : memref<!tpu.dma_semaphore, #tpu.memory_space<semaphore_mem>>)
        %dma_wait3A = arith.constant 0 : i32
        %dma_wait3A_85 = arith.constant 0 : i32
        %dma_wait3A_86 = tpu.memref_slice %arg4[%dma_wait3A, %dma_wait3A_85] : memref<80x128xi32, #tpu.memory_space<vmem>> -> memref<20x128xi32, #tpu.memory_space<vmem>>
        %dma_wait3A_87 = arith.constant 0 : i32
        %dma_wait3A_88 = tpu.memref_slice %arg2[%run_scoped3A, %mul3A_72, %dma_wait3A_87] : memref<2x2500x128xi32, #tpu.memory_space<hbm>> -> memref<1x20x128xi32, #tpu.memory_space<hbm>>
        %dma_wait3A_89 = tpu.memref_squeeze %dma_wait3A_88 : memref<1x20x128xi32, #tpu.memory_space<hbm>> -> memref<20x128xi32, #tpu.memory_space<hbm>>
        %dma_wait3A_90 = arith.constant 0 : i32
        %dma_wait3A_91 = arith.constant 0 : i32
        %dma_wait3A_92 = tpu.memref_slice %arg4[%dma_wait3A_90, %dma_wait3A_91] : memref<80x128xi32, #tpu.memory_space<vmem>> -> memref<20x128xi32, #tpu.memory_space<vmem>>
        %dma_wait3A_93 = arith.constant 0 : i32
        %dma_wait3A_94 = tpu.memref_slice %arg2[%run_scoped3A, %mul3A_72, %dma_wait3A_93] : memref<2x2500x128xi32, #tpu.memory_space<hbm>> -> memref<1x20x128xi32, #tpu.memory_space<hbm>>
        %dma_wait3A_95 = tpu.memref_squeeze %dma_wait3A_94 : memref<1x20x128xi32, #tpu.memory_space<hbm>> -> memref<20x128xi32, #tpu.memory_space<hbm>>
        tpu.wait_dma2 semaphore(%run_scoped3A_73 : memref<!tpu.dma_semaphore, #tpu.memory_space<semaphore_mem>>) src(%dma_wait3A_95 : memref<20x128xi32, #tpu.memory_space<hbm>>) dst(%dma_wait3A_92 : memref<20x128xi32, #tpu.memory_space<vmem>>)
        tpu.yield
      }) : () -> ()
    } else {
    }
    %barrier3A = arith.constant 0 : index
    tpu.barrier barrier_id(%barrier3A)
    %while3A = arith.constant 0 : i32
    %while3A_61 = arith.constant 0 : i32
    %while3A_62 = arith.subi %select_n3A, %while3A_61 : i32
    %while3A_63 = arith.addi %while3A_61, %while3A_62 : i32
    %while3A_64 = arith.constant 1 : i32
    %while3A_65 = arith.divsi %while3A_62, %while3A_64 : i32
    %while3A_66 = arith.muli %while3A_65, %while3A_64 : i32
    %while3A_67 = arith.addi %while3A_61, %while3A_66 : i32
    %while3A_68 = arith.constant 1 : i32
    scf.for %while3A_71 = %while3A_61 to %while3A_67 step %while3A_68  : i32 {
      "tpu.region"() ({
        %run_scoped3A = tpu.sem_alloc : memref<!tpu.dma_semaphore, #tpu.memory_space<semaphore_mem>>
        %dma_start3A = arith.constant 0 : i32
        %dma_start3A_72 = tpu.memref_slice %arg4[%while3A_71, %dma_start3A] : memref<80x128xi32, #tpu.memory_space<vmem>> -> memref<1x128xi32, #tpu.memory_space<vmem>>
        %dma_start3A_73 = tpu.memref_squeeze %dma_start3A_72 : memref<1x128xi32, #tpu.memory_space<vmem>> -> memref<128xi32, #tpu.memory_space<vmem>>
        %dma_start3A_74 = arith.constant 0 : i32
        %dma_start3A_75 = tpu.memref_slice %arg7[%dma_start3A_74] : memref<10240xf32, #tpu.memory_space<vmem_shared>> -> memref<10240xf32, #tpu.memory_space<vmem_shared>>
        tpu.enqueue_indirect_dma source(%arg5 : memref<128xf32, #tpu.memory_space<vmem>>) target(%dma_start3A_75 : memref<10240xf32, #tpu.memory_space<vmem_shared>>) offsets(%dma_start3A_73 : memref<128xi32, #tpu.memory_space<vmem>>) semaphore(%run_scoped3A : memref<!tpu.dma_semaphore, #tpu.memory_space<semaphore_mem>>) {add = true}
        %dma_wait3A = arith.constant 0 : i32
        %dma_wait3A_76 = tpu.memref_slice %arg4[%while3A_71, %dma_wait3A] : memref<80x128xi32, #tpu.memory_space<vmem>> -> memref<1x128xi32, #tpu.memory_space<vmem>>
        %dma_wait3A_77 = tpu.memref_squeeze %dma_wait3A_76 : memref<1x128xi32, #tpu.memory_space<vmem>> -> memref<128xi32, #tpu.memory_space<vmem>>
        %dma_wait3A_78 = arith.constant 0 : i32
        %dma_wait3A_79 = tpu.memref_slice %arg7[%dma_wait3A_78] : memref<10240xf32, #tpu.memory_space<vmem_shared>> -> memref<10240xf32, #tpu.memory_space<vmem_shared>>
        tpu.wait_indirect_dma semaphore(%run_scoped3A : memref<!tpu.dma_semaphore, #tpu.memory_space<semaphore_mem>>) src(%arg5 : memref<128xf32, #tpu.memory_space<vmem>>) dst(%dma_wait3A_79 : memref<10240xf32, #tpu.memory_space<vmem_shared>>)
        tpu.yield
      }) : () -> ()
    }
    %while3A_69 = arith.constant 1 : i32
    scf.for %while3A_71 = %while3A_67 to %while3A_63 step %while3A_69  : i32 {
      "tpu.region"() ({
        %run_scoped3A = tpu.sem_alloc : memref<!tpu.dma_semaphore, #tpu.memory_space<semaphore_mem>>
        %dma_start3A = arith.constant 0 : i32
        %dma_start3A_72 = tpu.memref_slice %arg4[%while3A_71, %dma_start3A] : memref<80x128xi32, #tpu.memory_space<vmem>> -> memref<1x128xi32, #tpu.memory_space<vmem>>
        %dma_start3A_73 = tpu.memref_squeeze %dma_start3A_72 : memref<1x128xi32, #tpu.memory_space<vmem>> -> memref<128xi32, #tpu.memory_space<vmem>>
        %dma_start3A_74 = arith.constant 0 : i32
        %dma_start3A_75 = tpu.memref_slice %arg7[%dma_start3A_74] : memref<10240xf32, #tpu.memory_space<vmem_shared>> -> memref<10240xf32, #tpu.memory_space<vmem_shared>>
        tpu.enqueue_indirect_dma source(%arg5 : memref<128xf32, #tpu.memory_space<vmem>>) target(%dma_start3A_75 : memref<10240xf32, #tpu.memory_space<vmem_shared>>) offsets(%dma_start3A_73 : memref<128xi32, #tpu.memory_space<vmem>>) semaphore(%run_scoped3A : memref<!tpu.dma_semaphore, #tpu.memory_space<semaphore_mem>>) {add = true}
        %dma_wait3A = arith.constant 0 : i32
        %dma_wait3A_76 = tpu.memref_slice %arg4[%while3A_71, %dma_wait3A] : memref<80x128xi32, #tpu.memory_space<vmem>> -> memref<1x128xi32, #tpu.memory_space<vmem>>
        %dma_wait3A_77 = tpu.memref_squeeze %dma_wait3A_76 : memref<1x128xi32, #tpu.memory_space<vmem>> -> memref<128xi32, #tpu.memory_space<vmem>>
        %dma_wait3A_78 = arith.constant 0 : i32
        %dma_wait3A_79 = tpu.memref_slice %arg7[%dma_wait3A_78] : memref<10240xf32, #tpu.memory_space<vmem_shared>> -> memref<10240xf32, #tpu.memory_space<vmem_shared>>
        tpu.wait_indirect_dma semaphore(%run_scoped3A : memref<!tpu.dma_semaphore, #tpu.memory_space<semaphore_mem>>) src(%arg5 : memref<128xf32, #tpu.memory_space<vmem>>) dst(%dma_wait3A_79 : memref<10240xf32, #tpu.memory_space<vmem_shared>>)
        tpu.yield
      }) : () -> ()
    }
    %barrier3A_70 = arith.constant 0 : index
    tpu.barrier barrier_id(%barrier3A_70)
    "tpu.region"() ({
      %run_scoped3A = tpu.sem_alloc : memref<!tpu.dma_semaphore, #tpu.memory_space<semaphore_mem>>
      %dma_start3A = tpu.memref_slice %arg7[%mul3A_0] : memref<10240xf32, #tpu.memory_space<vmem_shared>> -> memref<640xf32, #tpu.memory_space<vmem_shared>>
      %dma_start3A_71 = tpu.memref_slice %arg7[%mul3A_0] : memref<10240xf32, #tpu.memory_space<vmem_shared>> -> memref<640xf32, #tpu.memory_space<vmem_shared>>
      tpu.enqueue_dma source(%dma_start3A_71 : memref<640xf32, #tpu.memory_space<vmem_shared>>) target(%arg6 : memref<640xf32, #tpu.memory_space<vmem>>) target_semaphore(%run_scoped3A : memref<!tpu.dma_semaphore, #tpu.memory_space<semaphore_mem>>)
      %dma_wait3A = tpu.memref_slice %arg7[%mul3A_0] : memref<10240xf32, #tpu.memory_space<vmem_shared>> -> memref<640xf32, #tpu.memory_space<vmem_shared>>
      %dma_wait3A_72 = tpu.memref_slice %arg7[%mul3A_0] : memref<10240xf32, #tpu.memory_space<vmem_shared>> -> memref<640xf32, #tpu.memory_space<vmem_shared>>
      tpu.wait_dma2 semaphore(%run_scoped3A : memref<!tpu.dma_semaphore, #tpu.memory_space<semaphore_mem>>) src(%dma_wait3A_72 : memref<640xf32, #tpu.memory_space<vmem_shared>>) dst(%arg6 : memref<640xf32, #tpu.memory_space<vmem>>)
      tpu.yield
    }) : () -> ()
    "tpu.region"() ({
      %run_scoped3A = tpu.sem_alloc : memref<!tpu.dma_semaphore, #tpu.memory_space<semaphore_mem>>
      %dma_start3A = tpu.memref_slice %arg3[%arg0, %mul3A_0] : memref<2x10240xf32, #tpu.memory_space<hbm>> -> memref<1x640xf32, #tpu.memory_space<hbm>>
      %dma_start3A_71 = tpu.memref_squeeze %dma_start3A : memref<1x640xf32, #tpu.memory_space<hbm>> -> memref<640xf32, #tpu.memory_space<hbm>>
      %dma_start3A_72 = tpu.memref_slice %arg3[%arg0, %mul3A_0] : memref<2x10240xf32, #tpu.memory_space<hbm>> -> memref<1x640xf32, #tpu.memory_space<hbm>>
      %dma_start3A_73 = tpu.memref_squeeze %dma_start3A_72 : memref<1x640xf32, #tpu.memory_space<hbm>> -> memref<640xf32, #tpu.memory_space<hbm>>
      tpu.enqueue_dma source(%arg6 : memref<640xf32, #tpu.memory_space<vmem>>) target(%dma_start3A_73 : memref<640xf32, #tpu.memory_space<hbm>>) target_semaphore(%run_scoped3A : memref<!tpu.dma_semaphore, #tpu.memory_space<semaphore_mem>>)
      %dma_wait3A = tpu.memref_slice %arg3[%arg0, %mul3A_0] : memref<2x10240xf32, #tpu.memory_space<hbm>> -> memref<1x640xf32, #tpu.memory_space<hbm>>
      %dma_wait3A_74 = tpu.memref_squeeze %dma_wait3A : memref<1x640xf32, #tpu.memory_space<hbm>> -> memref<640xf32, #tpu.memory_space<hbm>>
      %dma_wait3A_75 = tpu.memref_slice %arg3[%arg0, %mul3A_0] : memref<2x10240xf32, #tpu.memory_space<hbm>> -> memref<1x640xf32, #tpu.memory_space<hbm>>
      %dma_wait3A_76 = tpu.memref_squeeze %dma_wait3A_75 : memref<1x640xf32, #tpu.memory_space<hbm>> -> memref<640xf32, #tpu.memory_space<hbm>>
      tpu.wait_dma2 semaphore(%run_scoped3A : memref<!tpu.dma_semaphore, #tpu.memory_space<semaphore_mem>>) src(%arg6 : memref<640xf32, #tpu.memory_space<vmem>>) dst(%dma_wait3A_76 : memref<640xf32, #tpu.memory_space<hbm>>)
      tpu.yield
    }) : () -> ()
    return
  }
}

#map = affine_map<(d0, d1) -> (0, 0, 0)>
#map1 = affine_map<(d0, d1) -> (0, 0)>
#map2 = affine_map<(d0, d1) -> (0)>
module attributes {stable_mosaic.version = 14 : i64} {
  func.func @k(%arg0: i32, %arg1: i32, %arg2: memref<2x10240x32xf32, #tpu.memory_space<hbm>>, %arg3: memref<2x2560x128xi32, #tpu.memory_space<hbm>>, %arg4: memref<10240x32xf32, #tpu.memory_space<hbm>>, %arg5: memref<64xf32, #tpu.memory_space<hbm>>, %arg6: memref<2x10240x32xf32, #tpu.memory_space<hbm>>, %arg7: memref<2x10240x32xf32, #tpu.memory_space<hbm>>, %arg8: memref<160x128xi32, #tpu.memory_space<vmem>>, %arg9: memref<160x128xi32, #tpu.memory_space<vmem>>, %arg10: memref<128x32xf32, #tpu.memory_space<vmem>>, %arg11: memref<128x32xf32, #tpu.memory_space<vmem>>, %arg12: memref<128x32xf32, #tpu.memory_space<vmem>>, %arg13: memref<128x32xf32, #tpu.memory_space<vmem>>, %arg14: memref<128x32xf32, #tpu.memory_space<vmem>>, %arg15: memref<128x32xf32, #tpu.memory_space<vmem>>, %arg16: memref<128x32xf32, #tpu.memory_space<vmem>>, %arg17: memref<128x32xf32, #tpu.memory_space<vmem>>, %arg18: memref<128x32xf32, #tpu.memory_space<vmem>>, %arg19: memref<128x32xf32, #tpu.memory_space<vmem>>, %arg20: memref<128x32xf32, #tpu.memory_space<vmem>>, %arg21: memref<32xf32, #tpu.memory_space<vmem>>, %arg22: memref<10240x32xf32, #tpu.memory_space<vmem_shared>>, %arg23: memref<!tpu.dma_semaphore, #tpu.memory_space<semaphore_mem>>, %arg24: memref<!tpu.dma_semaphore, #tpu.memory_space<semaphore_mem>>) attributes {dimension_semantics = [#tpu.dimension_semantics<core_parallel>, #tpu.dimension_semantics<subcore_parallel>], iteration_bounds = array<i64: 2, 16>, scalar_prefetch = 0 : i64, scratch_operands = 17 : i64, tpu.core_type = #tpu.core_type<sc_vector_subcore>, window_params = [{transform_indices = #map}, {transform_indices = #map}, {transform_indices = #map1}, {transform_indices = #map2}, {transform_indices = #map}, {transform_indices = #map}]} {
    %mul3A = arith.constant 640 : i32
    %mul3A_0 = arith.muli %arg1, %mul3A : i32
    %mul3A_1 = arith.constant 160 : i32
    %mul3A_2 = arith.muli %arg1, %mul3A_1 : i32
    %dma_start3A = arith.constant 0 : i32
    %dma_start3A_3 = arith.constant 0 : i32
    %dma_start3A_4 = tpu.memref_slice %arg3[%dma_start3A, %mul3A_2, %dma_start3A_3] : memref<2x2560x128xi32, #tpu.memory_space<hbm>> -> memref<1x160x128xi32, #tpu.memory_space<hbm>>
    %dma_start3A_5 = tpu.memref_squeeze %dma_start3A_4 : memref<1x160x128xi32, #tpu.memory_space<hbm>> -> memref<160x128xi32, #tpu.memory_space<hbm>>
    %dma_start3A_6 = arith.constant 0 : i32
    %dma_start3A_7 = tpu.memref_slice %arg3[%dma_start3A, %mul3A_2, %dma_start3A_6] : memref<2x2560x128xi32, #tpu.memory_space<hbm>> -> memref<1x160x128xi32, #tpu.memory_space<hbm>>
    %dma_start3A_8 = tpu.memref_squeeze %dma_start3A_7 : memref<1x160x128xi32, #tpu.memory_space<hbm>> -> memref<160x128xi32, #tpu.memory_space<hbm>>
    tpu.enqueue_dma source(%dma_start3A_8 : memref<160x128xi32, #tpu.memory_space<hbm>>) target(%arg8 : memref<160x128xi32, #tpu.memory_space<vmem>>) target_semaphore(%arg23 : memref<!tpu.dma_semaphore, #tpu.memory_space<semaphore_mem>>)
    %mul3A_9 = arith.constant 160 : i32
    %mul3A_10 = arith.muli %arg1, %mul3A_9 : i32
    %dma_start3A_11 = arith.constant 1 : i32
    %dma_start3A_12 = arith.constant 0 : i32
    %dma_start3A_13 = tpu.memref_slice %arg3[%dma_start3A_11, %mul3A_10, %dma_start3A_12] : memref<2x2560x128xi32, #tpu.memory_space<hbm>> -> memref<1x160x128xi32, #tpu.memory_space<hbm>>
    %dma_start3A_14 = tpu.memref_squeeze %dma_start3A_13 : memref<1x160x128xi32, #tpu.memory_space<hbm>> -> memref<160x128xi32, #tpu.memory_space<hbm>>
    %dma_start3A_15 = arith.constant 0 : i32
    %dma_start3A_16 = tpu.memref_slice %arg3[%dma_start3A_11, %mul3A_10, %dma_start3A_15] : memref<2x2560x128xi32, #tpu.memory_space<hbm>> -> memref<1x160x128xi32, #tpu.memory_space<hbm>>
    %dma_start3A_17 = tpu.memref_squeeze %dma_start3A_16 : memref<1x160x128xi32, #tpu.memory_space<hbm>> -> memref<160x128xi32, #tpu.memory_space<hbm>>
    tpu.enqueue_dma source(%dma_start3A_17 : memref<160x128xi32, #tpu.memory_space<hbm>>) target(%arg9 : memref<160x128xi32, #tpu.memory_space<vmem>>) target_semaphore(%arg24 : memref<!tpu.dma_semaphore, #tpu.memory_space<semaphore_mem>>)
    %scan3A = arith.constant 0 : i32
    %scan3A_18 = arith.constant 0 : i32
    %scan3A_19 = arith.constant 128 : i32
    %scan3A_20 = arith.addi %scan3A_18, %scan3A_19 : i32
    %scan3A_21 = arith.constant 1 : i32
    scf.for %scan3A_119 = %scan3A_18 to %scan3A_20 step %scan3A_21  : i32 {
      %broadcast_in_dim3A = arith.constant 0.000000e+00 : f32
      %broadcast_in_dim3A_120 = vector.broadcast %broadcast_in_dim3A : f32 to vector<16xf32>
      %swap3A = arith.index_cast %scan3A_119 : i32 to index
      %swap3A_121 = arith.constant 0 : index
      %swap3A_122 = tpu.vector_load %arg10[%swap3A, %swap3A_121] {strides = array<i32>} : memref<128x32xf32, #tpu.memory_space<vmem>>, vector<1x16xf32>,
      %swap3A_123 = vector.shape_cast %swap3A_122 : vector<1x16xf32> to vector<16xf32>
      %swap3A_124 = vector.shape_cast %broadcast_in_dim3A_120 : vector<16xf32> to vector<1x16xf32>
      tpu.vector_store %arg10[%swap3A, %swap3A_121], %swap3A_124 {strides = array<i32>} : memref<128x32xf32, #tpu.memory_space<vmem>>, vector<1x16xf32>,
      %broadcast_in_dim3A_125 = arith.constant 0.000000e+00 : f32
      %broadcast_in_dim3A_126 = vector.broadcast %broadcast_in_dim3A_125 : f32 to vector<16xf32>
      %swap3A_127 = arith.index_cast %scan3A_119 : i32 to index
      %swap3A_128 = arith.constant 16 : index
      %swap3A_129 = tpu.vector_load %arg10[%swap3A_127, %swap3A_128] {strides = array<i32>} : memref<128x32xf32, #tpu.memory_space<vmem>>, vector<1x16xf32>,
      %swap3A_130 = vector.shape_cast %swap3A_129 : vector<1x16xf32> to vector<16xf32>
      %swap3A_131 = vector.shape_cast %broadcast_in_dim3A_126 : vector<16xf32> to vector<1x16xf32>
      tpu.vector_store %arg10[%swap3A_127, %swap3A_128], %swap3A_131 {strides = array<i32>} : memref<128x32xf32, #tpu.memory_space<vmem>>, vector<1x16xf32>,
    }
    %scan3A_22 = arith.constant 128 : i32
    %add3A = arith.constant 0 : i32
    %add3A_23 = arith.addi %mul3A_0, %add3A : i32
    "tpu.region"() ({
      %run_scoped3A = tpu.sem_alloc : memref<!tpu.dma_semaphore, #tpu.memory_space<semaphore_mem>>
      %dma_start3A_119 = arith.constant 0 : i32
      %dma_start3A_120 = tpu.memref_slice %arg22[%add3A_23, %dma_start3A_119] : memref<10240x32xf32, #tpu.memory_space<vmem_shared>> -> memref<128x32xf32, #tpu.memory_space<vmem_shared>>
      %dma_start3A_121 = arith.constant 0 : i32
      %dma_start3A_122 = tpu.memref_slice %arg22[%add3A_23, %dma_start3A_121] : memref<10240x32xf32, #tpu.memory_space<vmem_shared>> -> memref<128x32xf32, #tpu.memory_space<vmem_shared>>
      tpu.enqueue_dma source(%arg10 : memref<128x32xf32, #tpu.memory_space<vmem>>) target(%dma_start3A_122 : memref<128x32xf32, #tpu.memory_space<vmem_shared>>) target_semaphore(%run_scoped3A : memref<!tpu.dma_semaphore, #tpu.memory_space<semaphore_mem>>)
      %dma_wait3A_123 = arith.constant 0 : i32
      %dma_wait3A_124 = tpu.memref_slice %arg22[%add3A_23, %dma_wait3A_123] : memref<10240x32xf32, #tpu.memory_space<vmem_shared>> -> memref<128x32xf32, #tpu.memory_space<vmem_shared>>
      %dma_wait3A_125 = arith.constant 0 : i32
      %dma_wait3A_126 = tpu.memref_slice %arg22[%add3A_23, %dma_wait3A_125] : memref<10240x32xf32, #tpu.memory_space<vmem_shared>> -> memref<128x32xf32, #tpu.memory_space<vmem_shared>>
      tpu.wait_dma2 semaphore(%run_scoped3A : memref<!tpu.dma_semaphore, #tpu.memory_space<semaphore_mem>>) src(%arg10 : memref<128x32xf32, #tpu.memory_space<vmem>>) dst(%dma_wait3A_126 : memref<128x32xf32, #tpu.memory_space<vmem_shared>>)
      tpu.yield
    }) : () -> ()
    %add3A_24 = arith.constant 128 : i32
    %add3A_25 = arith.addi %mul3A_0, %add3A_24 : i32
    "tpu.region"() ({
      %run_scoped3A = tpu.sem_alloc : memref<!tpu.dma_semaphore, #tpu.memory_space<semaphore_mem>>
      %dma_start3A_119 = arith.constant 0 : i32
      %dma_start3A_120 = tpu.memref_slice %arg22[%add3A_25, %dma_start3A_119] : memref<10240x32xf32, #tpu.memory_space<vmem_shared>> -> memref<128x32xf32, #tpu.memory_space<vmem_shared>>
      %dma_start3A_121 = arith.constant 0 : i32
      %dma_start3A_122 = tpu.memref_slice %arg22[%add3A_25, %dma_start3A_121] : memref<10240x32xf32, #tpu.memory_space<vmem_shared>> -> memref<128x32xf32, #tpu.memory_space<vmem_shared>>
      tpu.enqueue_dma source(%arg10 : memref<128x32xf32, #tpu.memory_space<vmem>>) target(%dma_start3A_122 : memref<128x32xf32, #tpu.memory_space<vmem_shared>>) target_semaphore(%run_scoped3A : memref<!tpu.dma_semaphore, #tpu.memory_space<semaphore_mem>>)
      %dma_wait3A_123 = arith.constant 0 : i32
      %dma_wait3A_124 = tpu.memref_slice %arg22[%add3A_25, %dma_wait3A_123] : memref<10240x32xf32, #tpu.memory_space<vmem_shared>> -> memref<128x32xf32, #tpu.memory_space<vmem_shared>>
      %dma_wait3A_125 = arith.constant 0 : i32
      %dma_wait3A_126 = tpu.memref_slice %arg22[%add3A_25, %dma_wait3A_125] : memref<10240x32xf32, #tpu.memory_space<vmem_shared>> -> memref<128x32xf32, #tpu.memory_space<vmem_shared>>
      tpu.wait_dma2 semaphore(%run_scoped3A : memref<!tpu.dma_semaphore, #tpu.memory_space<semaphore_mem>>) src(%arg10 : memref<128x32xf32, #tpu.memory_space<vmem>>) dst(%dma_wait3A_126 : memref<128x32xf32, #tpu.memory_space<vmem_shared>>)
      tpu.yield
    }) : () -> ()
    %add3A_26 = arith.constant 256 : i32
    %add3A_27 = arith.addi %mul3A_0, %add3A_26 : i32
    "tpu.region"() ({
      %run_scoped3A = tpu.sem_alloc : memref<!tpu.dma_semaphore, #tpu.memory_space<semaphore_mem>>
      %dma_start3A_119 = arith.constant 0 : i32
      %dma_start3A_120 = tpu.memref_slice %arg22[%add3A_27, %dma_start3A_119] : memref<10240x32xf32, #tpu.memory_space<vmem_shared>> -> memref<128x32xf32, #tpu.memory_space<vmem_shared>>
      %dma_start3A_121 = arith.constant 0 : i32
      %dma_start3A_122 = tpu.memref_slice %arg22[%add3A_27, %dma_start3A_121] : memref<10240x32xf32, #tpu.memory_space<vmem_shared>> -> memref<128x32xf32, #tpu.memory_space<vmem_shared>>
      tpu.enqueue_dma source(%arg10 : memref<128x32xf32, #tpu.memory_space<vmem>>) target(%dma_start3A_122 : memref<128x32xf32, #tpu.memory_space<vmem_shared>>) target_semaphore(%run_scoped3A : memref<!tpu.dma_semaphore, #tpu.memory_space<semaphore_mem>>)
      %dma_wait3A_123 = arith.constant 0 : i32
      %dma_wait3A_124 = tpu.memref_slice %arg22[%add3A_27, %dma_wait3A_123] : memref<10240x32xf32, #tpu.memory_space<vmem_shared>> -> memref<128x32xf32, #tpu.memory_space<vmem_shared>>
      %dma_wait3A_125 = arith.constant 0 : i32
      %dma_wait3A_126 = tpu.memref_slice %arg22[%add3A_27, %dma_wait3A_125] : memref<10240x32xf32, #tpu.memory_space<vmem_shared>> -> memref<128x32xf32, #tpu.memory_space<vmem_shared>>
      tpu.wait_dma2 semaphore(%run_scoped3A : memref<!tpu.dma_semaphore, #tpu.memory_space<semaphore_mem>>) src(%arg10 : memref<128x32xf32, #tpu.memory_space<vmem>>) dst(%dma_wait3A_126 : memref<128x32xf32, #tpu.memory_space<vmem_shared>>)
      tpu.yield
    }) : () -> ()
    %add3A_28 = arith.constant 384 : i32
    %add3A_29 = arith.addi %mul3A_0, %add3A_28 : i32
    "tpu.region"() ({
      %run_scoped3A = tpu.sem_alloc : memref<!tpu.dma_semaphore, #tpu.memory_space<semaphore_mem>>
      %dma_start3A_119 = arith.constant 0 : i32
      %dma_start3A_120 = tpu.memref_slice %arg22[%add3A_29, %dma_start3A_119] : memref<10240x32xf32, #tpu.memory_space<vmem_shared>> -> memref<128x32xf32, #tpu.memory_space<vmem_shared>>
      %dma_start3A_121 = arith.constant 0 : i32
      %dma_start3A_122 = tpu.memref_slice %arg22[%add3A_29, %dma_start3A_121] : memref<10240x32xf32, #tpu.memory_space<vmem_shared>> -> memref<128x32xf32, #tpu.memory_space<vmem_shared>>
      tpu.enqueue_dma source(%arg10 : memref<128x32xf32, #tpu.memory_space<vmem>>) target(%dma_start3A_122 : memref<128x32xf32, #tpu.memory_space<vmem_shared>>) target_semaphore(%run_scoped3A : memref<!tpu.dma_semaphore, #tpu.memory_space<semaphore_mem>>)
      %dma_wait3A_123 = arith.constant 0 : i32
      %dma_wait3A_124 = tpu.memref_slice %arg22[%add3A_29, %dma_wait3A_123] : memref<10240x32xf32, #tpu.memory_space<vmem_shared>> -> memref<128x32xf32, #tpu.memory_space<vmem_shared>>
      %dma_wait3A_125 = arith.constant 0 : i32
      %dma_wait3A_126 = tpu.memref_slice %arg22[%add3A_29, %dma_wait3A_125] : memref<10240x32xf32, #tpu.memory_space<vmem_shared>> -> memref<128x32xf32, #tpu.memory_space<vmem_shared>>
      tpu.wait_dma2 semaphore(%run_scoped3A : memref<!tpu.dma_semaphore, #tpu.memory_space<semaphore_mem>>) src(%arg10 : memref<128x32xf32, #tpu.memory_space<vmem>>) dst(%dma_wait3A_126 : memref<128x32xf32, #tpu.memory_space<vmem_shared>>)
      tpu.yield
    }) : () -> ()
    %add3A_30 = arith.constant 512 : i32
    %add3A_31 = arith.addi %mul3A_0, %add3A_30 : i32
    "tpu.region"() ({
      %run_scoped3A = tpu.sem_alloc : memref<!tpu.dma_semaphore, #tpu.memory_space<semaphore_mem>>
      %dma_start3A_119 = arith.constant 0 : i32
      %dma_start3A_120 = tpu.memref_slice %arg22[%add3A_31, %dma_start3A_119] : memref<10240x32xf32, #tpu.memory_space<vmem_shared>> -> memref<128x32xf32, #tpu.memory_space<vmem_shared>>
      %dma_start3A_121 = arith.constant 0 : i32
      %dma_start3A_122 = tpu.memref_slice %arg22[%add3A_31, %dma_start3A_121] : memref<10240x32xf32, #tpu.memory_space<vmem_shared>> -> memref<128x32xf32, #tpu.memory_space<vmem_shared>>
      tpu.enqueue_dma source(%arg10 : memref<128x32xf32, #tpu.memory_space<vmem>>) target(%dma_start3A_122 : memref<128x32xf32, #tpu.memory_space<vmem_shared>>) target_semaphore(%run_scoped3A : memref<!tpu.dma_semaphore, #tpu.memory_space<semaphore_mem>>)
      %dma_wait3A_123 = arith.constant 0 : i32
      %dma_wait3A_124 = tpu.memref_slice %arg22[%add3A_31, %dma_wait3A_123] : memref<10240x32xf32, #tpu.memory_space<vmem_shared>> -> memref<128x32xf32, #tpu.memory_space<vmem_shared>>
      %dma_wait3A_125 = arith.constant 0 : i32
      %dma_wait3A_126 = tpu.memref_slice %arg22[%add3A_31, %dma_wait3A_125] : memref<10240x32xf32, #tpu.memory_space<vmem_shared>> -> memref<128x32xf32, #tpu.memory_space<vmem_shared>>
      tpu.wait_dma2 semaphore(%run_scoped3A : memref<!tpu.dma_semaphore, #tpu.memory_space<semaphore_mem>>) src(%arg10 : memref<128x32xf32, #tpu.memory_space<vmem>>) dst(%dma_wait3A_126 : memref<128x32xf32, #tpu.memory_space<vmem_shared>>)
      tpu.yield
    }) : () -> ()
    %mul3A_32 = arith.constant 32 : i32
    %mul3A_33 = arith.muli %arg0, %mul3A_32 : i32
    "tpu.region"() ({
      %run_scoped3A = tpu.sem_alloc : memref<!tpu.dma_semaphore, #tpu.memory_space<semaphore_mem>>
      %dma_start3A_119 = tpu.memref_slice %arg5[%mul3A_33] : memref<64xf32, #tpu.memory_space<hbm>> -> memref<32xf32, #tpu.memory_space<hbm>>
      %dma_start3A_120 = tpu.memref_slice %arg5[%mul3A_33] : memref<64xf32, #tpu.memory_space<hbm>> -> memref<32xf32, #tpu.memory_space<hbm>>
      tpu.enqueue_dma source(%dma_start3A_120 : memref<32xf32, #tpu.memory_space<hbm>>) target(%arg21 : memref<32xf32, #tpu.memory_space<vmem>>) target_semaphore(%run_scoped3A : memref<!tpu.dma_semaphore, #tpu.memory_space<semaphore_mem>>)
      %dma_wait3A_121 = tpu.memref_slice %arg5[%mul3A_33] : memref<64xf32, #tpu.memory_space<hbm>> -> memref<32xf32, #tpu.memory_space<hbm>>
      %dma_wait3A_122 = tpu.memref_slice %arg5[%mul3A_33] : memref<64xf32, #tpu.memory_space<hbm>> -> memref<32xf32, #tpu.memory_space<hbm>>
      tpu.wait_dma2 semaphore(%run_scoped3A : memref<!tpu.dma_semaphore, #tpu.memory_space<semaphore_mem>>) src(%dma_wait3A_122 : memref<32xf32, #tpu.memory_space<hbm>>) dst(%arg21 : memref<32xf32, #tpu.memory_space<vmem>>)
      tpu.yield
    }) : () -> ()
    %dma_wait3A = arith.constant 0 : i32
    %dma_wait3A_34 = arith.constant 0 : i32
    %dma_wait3A_35 = tpu.memref_slice %arg3[%dma_wait3A, %mul3A_2, %dma_wait3A_34] : memref<2x2560x128xi32, #tpu.memory_space<hbm>> -> memref<1x160x128xi32, #tpu.memory_space<hbm>>
    %dma_wait3A_36 = tpu.memref_squeeze %dma_wait3A_35 : memref<1x160x128xi32, #tpu.memory_space<hbm>> -> memref<160x128xi32, #tpu.memory_space<hbm>>
    %dma_wait3A_37 = arith.constant 0 : i32
    %dma_wait3A_38 = tpu.memref_slice %arg3[%dma_wait3A, %mul3A_2, %dma_wait3A_37] : memref<2x2560x128xi32, #tpu.memory_space<hbm>> -> memref<1x160x128xi32, #tpu.memory_space<hbm>>
    %dma_wait3A_39 = tpu.memref_squeeze %dma_wait3A_38 : memref<1x160x128xi32, #tpu.memory_space<hbm>> -> memref<160x128xi32, #tpu.memory_space<hbm>>
    tpu.wait_dma2 semaphore(%arg23 : memref<!tpu.dma_semaphore, #tpu.memory_space<semaphore_mem>>) src(%dma_wait3A_39 : memref<160x128xi32, #tpu.memory_space<hbm>>) dst(%arg8 : memref<160x128xi32, #tpu.memory_space<vmem>>)
    %dma_wait3A_40 = arith.constant 1 : i32
    %dma_wait3A_41 = arith.constant 0 : i32
    %dma_wait3A_42 = tpu.memref_slice %arg3[%dma_wait3A_40, %mul3A_10, %dma_wait3A_41] : memref<2x2560x128xi32, #tpu.memory_space<hbm>> -> memref<1x160x128xi32, #tpu.memory_space<hbm>>
    %dma_wait3A_43 = tpu.memref_squeeze %dma_wait3A_42 : memref<1x160x128xi32, #tpu.memory_space<hbm>> -> memref<160x128xi32, #tpu.memory_space<hbm>>
    %dma_wait3A_44 = arith.constant 0 : i32
    %dma_wait3A_45 = tpu.memref_slice %arg3[%dma_wait3A_40, %mul3A_10, %dma_wait3A_44] : memref<2x2560x128xi32, #tpu.memory_space<hbm>> -> memref<1x160x128xi32, #tpu.memory_space<hbm>>
    %dma_wait3A_46 = tpu.memref_squeeze %dma_wait3A_45 : memref<1x160x128xi32, #tpu.memory_space<hbm>> -> memref<160x128xi32, #tpu.memory_space<hbm>>
    tpu.wait_dma2 semaphore(%arg24 : memref<!tpu.dma_semaphore, #tpu.memory_space<semaphore_mem>>) src(%dma_wait3A_46 : memref<160x128xi32, #tpu.memory_space<hbm>>) dst(%arg9 : memref<160x128xi32, #tpu.memory_space<vmem>>)
    %barrier3A = arith.constant 0 : index
    tpu.barrier barrier_id(%barrier3A)
    %scan3A_47 = arith.constant 0 : i32
    %scan3A_48 = arith.constant 0 : i32
    %scan3A_49 = arith.constant 20 : i32
    %scan3A_50 = arith.addi %scan3A_48, %scan3A_49 : i32
    %scan3A_51 = arith.constant 1 : i32
    scf.for %scan3A_119 = %scan3A_48 to %scan3A_50 step %scan3A_51  : i32 {
      %mul3A_120 = arith.constant 8 : i32
      %mul3A_121 = arith.muli %scan3A_119, %mul3A_120 : i32
      %add3A_122 = arith.constant 0 : i32
      %add3A_123 = arith.addi %mul3A_121, %add3A_122 : i32
      %dma_start3A_124 = arith.constant 0 : i32
      %dma_start3A_125 = tpu.memref_slice %arg8[%add3A_123, %dma_start3A_124] : memref<160x128xi32, #tpu.memory_space<vmem>> -> memref<1x128xi32, #tpu.memory_space<vmem>>
      %dma_start3A_126 = tpu.memref_squeeze %dma_start3A_125 : memref<1x128xi32, #tpu.memory_space<vmem>> -> memref<128xi32, #tpu.memory_space<vmem>>
      %dma_start3A_127 = arith.constant 0 : i32
      %dma_start3A_128 = arith.constant 0 : i32
      %dma_start3A_129 = tpu.memref_slice %arg2[%arg0, %dma_start3A_127, %dma_start3A_128] : memref<2x10240x32xf32, #tpu.memory_space<hbm>> -> memref<1x10240x32xf32, #tpu.memory_space<hbm>>
      %dma_start3A_130 = tpu.memref_squeeze %dma_start3A_129 : memref<1x10240x32xf32, #tpu.memory_space<hbm>> -> memref<10240x32xf32, #tpu.memory_space<hbm>>
      %dma_start3A_131 = arith.constant 0 : i32
      %dma_start3A_132 = arith.constant 0 : i32
      %dma_start3A_133 = tpu.memref_slice %dma_start3A_130[%dma_start3A_131, %dma_start3A_132] : memref<10240x32xf32, #tpu.memory_space<hbm>> -> memref<10240x32xf32, #tpu.memory_space<hbm>>
      tpu.enqueue_indirect_dma source(%dma_start3A_133 : memref<10240x32xf32, #tpu.memory_space<hbm>>) target(%arg10 : memref<128x32xf32, #tpu.memory_space<vmem>>) offsets(%dma_start3A_126 : memref<128xi32, #tpu.memory_space<vmem>>) semaphore(%arg23 : memref<!tpu.dma_semaphore, #tpu.memory_space<semaphore_mem>>)
      %mul3A_134 = arith.constant 8 : i32
      %mul3A_135 = arith.muli %scan3A_119, %mul3A_134 : i32
      %add3A_136 = arith.constant 1 : i32
      %add3A_137 = arith.addi %mul3A_135, %add3A_136 : i32
      %dma_start3A_138 = arith.constant 0 : i32
      %dma_start3A_139 = tpu.memref_slice %arg8[%add3A_137, %dma_start3A_138] : memref<160x128xi32, #tpu.memory_space<vmem>> -> memref<1x128xi32, #tpu.memory_space<vmem>>
      %dma_start3A_140 = tpu.memref_squeeze %dma_start3A_139 : memref<1x128xi32, #tpu.memory_space<vmem>> -> memref<128xi32, #tpu.memory_space<vmem>>
      %dma_start3A_141 = arith.constant 0 : i32
      %dma_start3A_142 = arith.constant 0 : i32
      %dma_start3A_143 = tpu.memref_slice %arg2[%arg0, %dma_start3A_141, %dma_start3A_142] : memref<2x10240x32xf32, #tpu.memory_space<hbm>> -> memref<1x10240x32xf32, #tpu.memory_space<hbm>>
      %dma_start3A_144 = tpu.memref_squeeze %dma_start3A_143 : memref<1x10240x32xf32, #tpu.memory_space<hbm>> -> memref<10240x32xf32, #tpu.memory_space<hbm>>
      %dma_start3A_145 = arith.constant 0 : i32
      %dma_start3A_146 = arith.constant 0 : i32
      %dma_start3A_147 = tpu.memref_slice %dma_start3A_144[%dma_start3A_145, %dma_start3A_146] : memref<10240x32xf32, #tpu.memory_space<hbm>> -> memref<10240x32xf32, #tpu.memory_space<hbm>>
      tpu.enqueue_indirect_dma source(%dma_start3A_147 : memref<10240x32xf32, #tpu.memory_space<hbm>>) target(%arg11 : memref<128x32xf32, #tpu.memory_space<vmem>>) offsets(%dma_start3A_140 : memref<128xi32, #tpu.memory_space<vmem>>) semaphore(%arg23 : memref<!tpu.dma_semaphore, #tpu.memory_space<semaphore_mem>>)
      %mul3A_148 = arith.constant 8 : i32
      %mul3A_149 = arith.muli %scan3A_119, %mul3A_148 : i32
      %add3A_150 = arith.constant 2 : i32
      %add3A_151 = arith.addi %mul3A_149, %add3A_150 : i32
      %dma_start3A_152 = arith.constant 0 : i32
      %dma_start3A_153 = tpu.memref_slice %arg8[%add3A_151, %dma_start3A_152] : memref<160x128xi32, #tpu.memory_space<vmem>> -> memref<1x128xi32, #tpu.memory_space<vmem>>
      %dma_start3A_154 = tpu.memref_squeeze %dma_start3A_153 : memref<1x128xi32, #tpu.memory_space<vmem>> -> memref<128xi32, #tpu.memory_space<vmem>>
      %dma_start3A_155 = arith.constant 0 : i32
      %dma_start3A_156 = arith.constant 0 : i32
      %dma_start3A_157 = tpu.memref_slice %arg2[%arg0, %dma_start3A_155, %dma_start3A_156] : memref<2x10240x32xf32, #tpu.memory_space<hbm>> -> memref<1x10240x32xf32, #tpu.memory_space<hbm>>
      %dma_start3A_158 = tpu.memref_squeeze %dma_start3A_157 : memref<1x10240x32xf32, #tpu.memory_space<hbm>> -> memref<10240x32xf32, #tpu.memory_space<hbm>>
      %dma_start3A_159 = arith.constant 0 : i32
      %dma_start3A_160 = arith.constant 0 : i32
      %dma_start3A_161 = tpu.memref_slice %dma_start3A_158[%dma_start3A_159, %dma_start3A_160] : memref<10240x32xf32, #tpu.memory_space<hbm>> -> memref<10240x32xf32, #tpu.memory_space<hbm>>
      tpu.enqueue_indirect_dma source(%dma_start3A_161 : memref<10240x32xf32, #tpu.memory_space<hbm>>) target(%arg12 : memref<128x32xf32, #tpu.memory_space<vmem>>) offsets(%dma_start3A_154 : memref<128xi32, #tpu.memory_space<vmem>>) semaphore(%arg23 : memref<!tpu.dma_semaphore, #tpu.memory_space<semaphore_mem>>)
      %mul3A_162 = arith.constant 8 : i32
      %mul3A_163 = arith.muli %scan3A_119, %mul3A_162 : i32
      %add3A_164 = arith.constant 3 : i32
      %add3A_165 = arith.addi %mul3A_163, %add3A_164 : i32
      %dma_start3A_166 = arith.constant 0 : i32
      %dma_start3A_167 = tpu.memref_slice %arg8[%add3A_165, %dma_start3A_166] : memref<160x128xi32, #tpu.memory_space<vmem>> -> memref<1x128xi32, #tpu.memory_space<vmem>>
      %dma_start3A_168 = tpu.memref_squeeze %dma_start3A_167 : memref<1x128xi32, #tpu.memory_space<vmem>> -> memref<128xi32, #tpu.memory_space<vmem>>
      %dma_start3A_169 = arith.constant 0 : i32
      %dma_start3A_170 = arith.constant 0 : i32
      %dma_start3A_171 = tpu.memref_slice %arg2[%arg0, %dma_start3A_169, %dma_start3A_170] : memref<2x10240x32xf32, #tpu.memory_space<hbm>> -> memref<1x10240x32xf32, #tpu.memory_space<hbm>>
      %dma_start3A_172 = tpu.memref_squeeze %dma_start3A_171 : memref<1x10240x32xf32, #tpu.memory_space<hbm>> -> memref<10240x32xf32, #tpu.memory_space<hbm>>
      %dma_start3A_173 = arith.constant 0 : i32
      %dma_start3A_174 = arith.constant 0 : i32
      %dma_start3A_175 = tpu.memref_slice %dma_start3A_172[%dma_start3A_173, %dma_start3A_174] : memref<10240x32xf32, #tpu.memory_space<hbm>> -> memref<10240x32xf32, #tpu.memory_space<hbm>>
      tpu.enqueue_indirect_dma source(%dma_start3A_175 : memref<10240x32xf32, #tpu.memory_space<hbm>>) target(%arg13 : memref<128x32xf32, #tpu.memory_space<vmem>>) offsets(%dma_start3A_168 : memref<128xi32, #tpu.memory_space<vmem>>) semaphore(%arg23 : memref<!tpu.dma_semaphore, #tpu.memory_space<semaphore_mem>>)
      %mul3A_176 = arith.constant 8 : i32
      %mul3A_177 = arith.muli %scan3A_119, %mul3A_176 : i32
      %add3A_178 = arith.constant 4 : i32
      %add3A_179 = arith.addi %mul3A_177, %add3A_178 : i32
      %dma_start3A_180 = arith.constant 0 : i32
      %dma_start3A_181 = tpu.memref_slice %arg8[%add3A_179, %dma_start3A_180] : memref<160x128xi32, #tpu.memory_space<vmem>> -> memref<1x128xi32, #tpu.memory_space<vmem>>
      %dma_start3A_182 = tpu.memref_squeeze %dma_start3A_181 : memref<1x128xi32, #tpu.memory_space<vmem>> -> memref<128xi32, #tpu.memory_space<vmem>>
      %dma_start3A_183 = arith.constant 0 : i32
      %dma_start3A_184 = arith.constant 0 : i32
      %dma_start3A_185 = tpu.memref_slice %arg2[%arg0, %dma_start3A_183, %dma_start3A_184] : memref<2x10240x32xf32, #tpu.memory_space<hbm>> -> memref<1x10240x32xf32, #tpu.memory_space<hbm>>
      %dma_start3A_186 = tpu.memref_squeeze %dma_start3A_185 : memref<1x10240x32xf32, #tpu.memory_space<hbm>> -> memref<10240x32xf32, #tpu.memory_space<hbm>>
      %dma_start3A_187 = arith.constant 0 : i32
      %dma_start3A_188 = arith.constant 0 : i32
      %dma_start3A_189 = tpu.memref_slice %dma_start3A_186[%dma_start3A_187, %dma_start3A_188] : memref<10240x32xf32, #tpu.memory_space<hbm>> -> memref<10240x32xf32, #tpu.memory_space<hbm>>
      tpu.enqueue_indirect_dma source(%dma_start3A_189 : memref<10240x32xf32, #tpu.memory_space<hbm>>) target(%arg14 : memref<128x32xf32, #tpu.memory_space<vmem>>) offsets(%dma_start3A_182 : memref<128xi32, #tpu.memory_space<vmem>>) semaphore(%arg23 : memref<!tpu.dma_semaphore, #tpu.memory_space<semaphore_mem>>)
      %mul3A_190 = arith.constant 8 : i32
      %mul3A_191 = arith.muli %scan3A_119, %mul3A_190 : i32
      %add3A_192 = arith.constant 5 : i32
      %add3A_193 = arith.addi %mul3A_191, %add3A_192 : i32
      %dma_start3A_194 = arith.constant 0 : i32
      %dma_start3A_195 = tpu.memref_slice %arg8[%add3A_193, %dma_start3A_194] : memref<160x128xi32, #tpu.memory_space<vmem>> -> memref<1x128xi32, #tpu.memory_space<vmem>>
      %dma_start3A_196 = tpu.memref_squeeze %dma_start3A_195 : memref<1x128xi32, #tpu.memory_space<vmem>> -> memref<128xi32, #tpu.memory_space<vmem>>
      %dma_start3A_197 = arith.constant 0 : i32
      %dma_start3A_198 = arith.constant 0 : i32
      %dma_start3A_199 = tpu.memref_slice %arg2[%arg0, %dma_start3A_197, %dma_start3A_198] : memref<2x10240x32xf32, #tpu.memory_space<hbm>> -> memref<1x10240x32xf32, #tpu.memory_space<hbm>>
      %dma_start3A_200 = tpu.memref_squeeze %dma_start3A_199 : memref<1x10240x32xf32, #tpu.memory_space<hbm>> -> memref<10240x32xf32, #tpu.memory_space<hbm>>
      %dma_start3A_201 = arith.constant 0 : i32
      %dma_start3A_202 = arith.constant 0 : i32
      %dma_start3A_203 = tpu.memref_slice %dma_start3A_200[%dma_start3A_201, %dma_start3A_202] : memref<10240x32xf32, #tpu.memory_space<hbm>> -> memref<10240x32xf32, #tpu.memory_space<hbm>>
      tpu.enqueue_indirect_dma source(%dma_start3A_203 : memref<10240x32xf32, #tpu.memory_space<hbm>>) target(%arg15 : memref<128x32xf32, #tpu.memory_space<vmem>>) offsets(%dma_start3A_196 : memref<128xi32, #tpu.memory_space<vmem>>) semaphore(%arg23 : memref<!tpu.dma_semaphore, #tpu.memory_space<semaphore_mem>>)
      %mul3A_204 = arith.constant 8 : i32
      %mul3A_205 = arith.muli %scan3A_119, %mul3A_204 : i32
      %add3A_206 = arith.constant 6 : i32
      %add3A_207 = arith.addi %mul3A_205, %add3A_206 : i32
      %dma_start3A_208 = arith.constant 0 : i32
      %dma_start3A_209 = tpu.memref_slice %arg8[%add3A_207, %dma_start3A_208] : memref<160x128xi32, #tpu.memory_space<vmem>> -> memref<1x128xi32, #tpu.memory_space<vmem>>
      %dma_start3A_210 = tpu.memref_squeeze %dma_start3A_209 : memref<1x128xi32, #tpu.memory_space<vmem>> -> memref<128xi32, #tpu.memory_space<vmem>>
      %dma_start3A_211 = arith.constant 0 : i32
      %dma_start3A_212 = arith.constant 0 : i32
      %dma_start3A_213 = tpu.memref_slice %arg2[%arg0, %dma_start3A_211, %dma_start3A_212] : memref<2x10240x32xf32, #tpu.memory_space<hbm>> -> memref<1x10240x32xf32, #tpu.memory_space<hbm>>
      %dma_start3A_214 = tpu.memref_squeeze %dma_start3A_213 : memref<1x10240x32xf32, #tpu.memory_space<hbm>> -> memref<10240x32xf32, #tpu.memory_space<hbm>>
      %dma_start3A_215 = arith.constant 0 : i32
      %dma_start3A_216 = arith.constant 0 : i32
      %dma_start3A_217 = tpu.memref_slice %dma_start3A_214[%dma_start3A_215, %dma_start3A_216] : memref<10240x32xf32, #tpu.memory_space<hbm>> -> memref<10240x32xf32, #tpu.memory_space<hbm>>
      tpu.enqueue_indirect_dma source(%dma_start3A_217 : memref<10240x32xf32, #tpu.memory_space<hbm>>) target(%arg16 : memref<128x32xf32, #tpu.memory_space<vmem>>) offsets(%dma_start3A_210 : memref<128xi32, #tpu.memory_space<vmem>>) semaphore(%arg23 : memref<!tpu.dma_semaphore, #tpu.memory_space<semaphore_mem>>)
      %mul3A_218 = arith.constant 8 : i32
      %mul3A_219 = arith.muli %scan3A_119, %mul3A_218 : i32
      %add3A_220 = arith.constant 7 : i32
      %add3A_221 = arith.addi %mul3A_219, %add3A_220 : i32
      %dma_start3A_222 = arith.constant 0 : i32
      %dma_start3A_223 = tpu.memref_slice %arg8[%add3A_221, %dma_start3A_222] : memref<160x128xi32, #tpu.memory_space<vmem>> -> memref<1x128xi32, #tpu.memory_space<vmem>>
      %dma_start3A_224 = tpu.memref_squeeze %dma_start3A_223 : memref<1x128xi32, #tpu.memory_space<vmem>> -> memref<128xi32, #tpu.memory_space<vmem>>
      %dma_start3A_225 = arith.constant 0 : i32
      %dma_start3A_226 = arith.constant 0 : i32
      %dma_start3A_227 = tpu.memref_slice %arg2[%arg0, %dma_start3A_225, %dma_start3A_226] : memref<2x10240x32xf32, #tpu.memory_space<hbm>> -> memref<1x10240x32xf32, #tpu.memory_space<hbm>>
      %dma_start3A_228 = tpu.memref_squeeze %dma_start3A_227 : memref<1x10240x32xf32, #tpu.memory_space<hbm>> -> memref<10240x32xf32, #tpu.memory_space<hbm>>
      %dma_start3A_229 = arith.constant 0 : i32
      %dma_start3A_230 = arith.constant 0 : i32
      %dma_start3A_231 = tpu.memref_slice %dma_start3A_228[%dma_start3A_229, %dma_start3A_230] : memref<10240x32xf32, #tpu.memory_space<hbm>> -> memref<10240x32xf32, #tpu.memory_space<hbm>>
      tpu.enqueue_indirect_dma source(%dma_start3A_231 : memref<10240x32xf32, #tpu.memory_space<hbm>>) target(%arg17 : memref<128x32xf32, #tpu.memory_space<vmem>>) offsets(%dma_start3A_224 : memref<128xi32, #tpu.memory_space<vmem>>) semaphore(%arg23 : memref<!tpu.dma_semaphore, #tpu.memory_space<semaphore_mem>>)
      %dma_wait3A_232 = arith.constant 0 : i32
      %dma_wait3A_233 = tpu.memref_slice %arg8[%add3A_123, %dma_wait3A_232] : memref<160x128xi32, #tpu.memory_space<vmem>> -> memref<1x128xi32, #tpu.memory_space<vmem>>
      %dma_wait3A_234 = tpu.memref_squeeze %dma_wait3A_233 : memref<1x128xi32, #tpu.memory_space<vmem>> -> memref<128xi32, #tpu.memory_space<vmem>>
      %dma_wait3A_235 = arith.constant 0 : i32
      %dma_wait3A_236 = arith.constant 0 : i32
      %dma_wait3A_237 = tpu.memref_slice %arg2[%arg0, %dma_wait3A_235, %dma_wait3A_236] : memref<2x10240x32xf32, #tpu.memory_space<hbm>> -> memref<1x10240x32xf32, #tpu.memory_space<hbm>>
      %dma_wait3A_238 = tpu.memref_squeeze %dma_wait3A_237 : memref<1x10240x32xf32, #tpu.memory_space<hbm>> -> memref<10240x32xf32, #tpu.memory_space<hbm>>
      %dma_wait3A_239 = arith.constant 0 : i32
      %dma_wait3A_240 = arith.constant 0 : i32
      %dma_wait3A_241 = tpu.memref_slice %dma_wait3A_238[%dma_wait3A_239, %dma_wait3A_240] : memref<10240x32xf32, #tpu.memory_space<hbm>> -> memref<10240x32xf32, #tpu.memory_space<hbm>>
      tpu.wait_indirect_dma semaphore(%arg23 : memref<!tpu.dma_semaphore, #tpu.memory_space<semaphore_mem>>) src(%dma_wait3A_241 : memref<10240x32xf32, #tpu.memory_space<hbm>>) dst(%arg10 : memref<128x32xf32, #tpu.memory_space<vmem>>)
      %mul3A_242 = arith.constant 8 : i32
      %mul3A_243 = arith.muli %scan3A_119, %mul3A_242 : i32
      %add3A_244 = arith.constant 0 : i32
      %add3A_245 = arith.addi %mul3A_243, %add3A_244 : i32
      "tpu.region"() ({
        %run_scoped3A = tpu.sem_alloc : memref<!tpu.dma_semaphore, #tpu.memory_space<semaphore_mem>>
        %dma_start3A_344 = arith.constant 0 : i32
        %dma_start3A_345 = tpu.memref_slice %arg9[%add3A_245, %dma_start3A_344] : memref<160x128xi32, #tpu.memory_space<vmem>> -> memref<1x128xi32, #tpu.memory_space<vmem>>
        %dma_start3A_346 = tpu.memref_squeeze %dma_start3A_345 : memref<1x128xi32, #tpu.memory_space<vmem>> -> memref<128xi32, #tpu.memory_space<vmem>>
        %dma_start3A_347 = arith.constant 0 : i32
        %dma_start3A_348 = arith.constant 0 : i32
        %dma_start3A_349 = tpu.memref_slice %arg22[%dma_start3A_347, %dma_start3A_348] : memref<10240x32xf32, #tpu.memory_space<vmem_shared>> -> memref<10240x32xf32, #tpu.memory_space<vmem_shared>>
        tpu.enqueue_indirect_dma source(%arg10 : memref<128x32xf32, #tpu.memory_space<vmem>>) target(%dma_start3A_349 : memref<10240x32xf32, #tpu.memory_space<vmem_shared>>) offsets(%dma_start3A_346 : memref<128xi32, #tpu.memory_space<vmem>>) semaphore(%run_scoped3A : memref<!tpu.dma_semaphore, #tpu.memory_space<semaphore_mem>>) {add = true}
        %dma_wait3A_350 = arith.constant 0 : i32
        %dma_wait3A_351 = tpu.memref_slice %arg9[%add3A_245, %dma_wait3A_350] : memref<160x128xi32, #tpu.memory_space<vmem>> -> memref<1x128xi32, #tpu.memory_space<vmem>>
        %dma_wait3A_352 = tpu.memref_squeeze %dma_wait3A_351 : memref<1x128xi32, #tpu.memory_space<vmem>> -> memref<128xi32, #tpu.memory_space<vmem>>
        %dma_wait3A_353 = arith.constant 0 : i32
        %dma_wait3A_354 = arith.constant 0 : i32
        %dma_wait3A_355 = tpu.memref_slice %arg22[%dma_wait3A_353, %dma_wait3A_354] : memref<10240x32xf32, #tpu.memory_space<vmem_shared>> -> memref<10240x32xf32, #tpu.memory_space<vmem_shared>>
        tpu.wait_indirect_dma semaphore(%run_scoped3A : memref<!tpu.dma_semaphore, #tpu.memory_space<semaphore_mem>>) src(%arg10 : memref<128x32xf32, #tpu.memory_space<vmem>>) dst(%dma_wait3A_355 : memref<10240x32xf32, #tpu.memory_space<vmem_shared>>)
        tpu.yield
      }) : () -> ()
      %dma_wait3A_246 = arith.constant 0 : i32
      %dma_wait3A_247 = tpu.memref_slice %arg8[%add3A_137, %dma_wait3A_246] : memref<160x128xi32, #tpu.memory_space<vmem>> -> memref<1x128xi32, #tpu.memory_space<vmem>>
      %dma_wait3A_248 = tpu.memref_squeeze %dma_wait3A_247 : memref<1x128xi32, #tpu.memory_space<vmem>> -> memref<128xi32, #tpu.memory_space<vmem>>
      %dma_wait3A_249 = arith.constant 0 : i32
      %dma_wait3A_250 = arith.constant 0 : i32
      %dma_wait3A_251 = tpu.memref_slice %arg2[%arg0, %dma_wait3A_249, %dma_wait3A_250] : memref<2x10240x32xf32, #tpu.memory_space<hbm>> -> memref<1x10240x32xf32, #tpu.memory_space<hbm>>
      %dma_wait3A_252 = tpu.memref_squeeze %dma_wait3A_251 : memref<1x10240x32xf32, #tpu.memory_space<hbm>> -> memref<10240x32xf32, #tpu.memory_space<hbm>>
      %dma_wait3A_253 = arith.constant 0 : i32
      %dma_wait3A_254 = arith.constant 0 : i32
      %dma_wait3A_255 = tpu.memref_slice %dma_wait3A_252[%dma_wait3A_253, %dma_wait3A_254] : memref<10240x32xf32, #tpu.memory_space<hbm>> -> memref<10240x32xf32, #tpu.memory_space<hbm>>
      tpu.wait_indirect_dma semaphore(%arg23 : memref<!tpu.dma_semaphore, #tpu.memory_space<semaphore_mem>>) src(%dma_wait3A_255 : memref<10240x32xf32, #tpu.memory_space<hbm>>) dst(%arg11 : memref<128x32xf32, #tpu.memory_space<vmem>>)
      %mul3A_256 = arith.constant 8 : i32
      %mul3A_257 = arith.muli %scan3A_119, %mul3A_256 : i32
      %add3A_258 = arith.constant 1 : i32
      %add3A_259 = arith.addi %mul3A_257, %add3A_258 : i32
      "tpu.region"() ({
        %run_scoped3A = tpu.sem_alloc : memref<!tpu.dma_semaphore, #tpu.memory_space<semaphore_mem>>
        %dma_start3A_344 = arith.constant 0 : i32
        %dma_start3A_345 = tpu.memref_slice %arg9[%add3A_259, %dma_start3A_344] : memref<160x128xi32, #tpu.memory_space<vmem>> -> memref<1x128xi32, #tpu.memory_space<vmem>>
        %dma_start3A_346 = tpu.memref_squeeze %dma_start3A_345 : memref<1x128xi32, #tpu.memory_space<vmem>> -> memref<128xi32, #tpu.memory_space<vmem>>
        %dma_start3A_347 = arith.constant 0 : i32
        %dma_start3A_348 = arith.constant 0 : i32
        %dma_start3A_349 = tpu.memref_slice %arg22[%dma_start3A_347, %dma_start3A_348] : memref<10240x32xf32, #tpu.memory_space<vmem_shared>> -> memref<10240x32xf32, #tpu.memory_space<vmem_shared>>
        tpu.enqueue_indirect_dma source(%arg11 : memref<128x32xf32, #tpu.memory_space<vmem>>) target(%dma_start3A_349 : memref<10240x32xf32, #tpu.memory_space<vmem_shared>>) offsets(%dma_start3A_346 : memref<128xi32, #tpu.memory_space<vmem>>) semaphore(%run_scoped3A : memref<!tpu.dma_semaphore, #tpu.memory_space<semaphore_mem>>) {add = true}
        %dma_wait3A_350 = arith.constant 0 : i32
        %dma_wait3A_351 = tpu.memref_slice %arg9[%add3A_259, %dma_wait3A_350] : memref<160x128xi32, #tpu.memory_space<vmem>> -> memref<1x128xi32, #tpu.memory_space<vmem>>
        %dma_wait3A_352 = tpu.memref_squeeze %dma_wait3A_351 : memref<1x128xi32, #tpu.memory_space<vmem>> -> memref<128xi32, #tpu.memory_space<vmem>>
        %dma_wait3A_353 = arith.constant 0 : i32
        %dma_wait3A_354 = arith.constant 0 : i32
        %dma_wait3A_355 = tpu.memref_slice %arg22[%dma_wait3A_353, %dma_wait3A_354] : memref<10240x32xf32, #tpu.memory_space<vmem_shared>> -> memref<10240x32xf32, #tpu.memory_space<vmem_shared>>
        tpu.wait_indirect_dma semaphore(%run_scoped3A : memref<!tpu.dma_semaphore, #tpu.memory_space<semaphore_mem>>) src(%arg11 : memref<128x32xf32, #tpu.memory_space<vmem>>) dst(%dma_wait3A_355 : memref<10240x32xf32, #tpu.memory_space<vmem_shared>>)
        tpu.yield
      }) : () -> ()
      %dma_wait3A_260 = arith.constant 0 : i32
      %dma_wait3A_261 = tpu.memref_slice %arg8[%add3A_151, %dma_wait3A_260] : memref<160x128xi32, #tpu.memory_space<vmem>> -> memref<1x128xi32, #tpu.memory_space<vmem>>
      %dma_wait3A_262 = tpu.memref_squeeze %dma_wait3A_261 : memref<1x128xi32, #tpu.memory_space<vmem>> -> memref<128xi32, #tpu.memory_space<vmem>>
      %dma_wait3A_263 = arith.constant 0 : i32
      %dma_wait3A_264 = arith.constant 0 : i32
      %dma_wait3A_265 = tpu.memref_slice %arg2[%arg0, %dma_wait3A_263, %dma_wait3A_264] : memref<2x10240x32xf32, #tpu.memory_space<hbm>> -> memref<1x10240x32xf32, #tpu.memory_space<hbm>>
      %dma_wait3A_266 = tpu.memref_squeeze %dma_wait3A_265 : memref<1x10240x32xf32, #tpu.memory_space<hbm>> -> memref<10240x32xf32, #tpu.memory_space<hbm>>
      %dma_wait3A_267 = arith.constant 0 : i32
      %dma_wait3A_268 = arith.constant 0 : i32
      %dma_wait3A_269 = tpu.memref_slice %dma_wait3A_266[%dma_wait3A_267, %dma_wait3A_268] : memref<10240x32xf32, #tpu.memory_space<hbm>> -> memref<10240x32xf32, #tpu.memory_space<hbm>>
      tpu.wait_indirect_dma semaphore(%arg23 : memref<!tpu.dma_semaphore, #tpu.memory_space<semaphore_mem>>) src(%dma_wait3A_269 : memref<10240x32xf32, #tpu.memory_space<hbm>>) dst(%arg12 : memref<128x32xf32, #tpu.memory_space<vmem>>)
      %mul3A_270 = arith.constant 8 : i32
      %mul3A_271 = arith.muli %scan3A_119, %mul3A_270 : i32
      %add3A_272 = arith.constant 2 : i32
      %add3A_273 = arith.addi %mul3A_271, %add3A_272 : i32
      "tpu.region"() ({
        %run_scoped3A = tpu.sem_alloc : memref<!tpu.dma_semaphore, #tpu.memory_space<semaphore_mem>>
        %dma_start3A_344 = arith.constant 0 : i32
        %dma_start3A_345 = tpu.memref_slice %arg9[%add3A_273, %dma_start3A_344] : memref<160x128xi32, #tpu.memory_space<vmem>> -> memref<1x128xi32, #tpu.memory_space<vmem>>
        %dma_start3A_346 = tpu.memref_squeeze %dma_start3A_345 : memref<1x128xi32, #tpu.memory_space<vmem>> -> memref<128xi32, #tpu.memory_space<vmem>>
        %dma_start3A_347 = arith.constant 0 : i32
        %dma_start3A_348 = arith.constant 0 : i32
        %dma_start3A_349 = tpu.memref_slice %arg22[%dma_start3A_347, %dma_start3A_348] : memref<10240x32xf32, #tpu.memory_space<vmem_shared>> -> memref<10240x32xf32, #tpu.memory_space<vmem_shared>>
        tpu.enqueue_indirect_dma source(%arg12 : memref<128x32xf32, #tpu.memory_space<vmem>>) target(%dma_start3A_349 : memref<10240x32xf32, #tpu.memory_space<vmem_shared>>) offsets(%dma_start3A_346 : memref<128xi32, #tpu.memory_space<vmem>>) semaphore(%run_scoped3A : memref<!tpu.dma_semaphore, #tpu.memory_space<semaphore_mem>>) {add = true}
        %dma_wait3A_350 = arith.constant 0 : i32
        %dma_wait3A_351 = tpu.memref_slice %arg9[%add3A_273, %dma_wait3A_350] : memref<160x128xi32, #tpu.memory_space<vmem>> -> memref<1x128xi32, #tpu.memory_space<vmem>>
        %dma_wait3A_352 = tpu.memref_squeeze %dma_wait3A_351 : memref<1x128xi32, #tpu.memory_space<vmem>> -> memref<128xi32, #tpu.memory_space<vmem>>
        %dma_wait3A_353 = arith.constant 0 : i32
        %dma_wait3A_354 = arith.constant 0 : i32
        %dma_wait3A_355 = tpu.memref_slice %arg22[%dma_wait3A_353, %dma_wait3A_354] : memref<10240x32xf32, #tpu.memory_space<vmem_shared>> -> memref<10240x32xf32, #tpu.memory_space<vmem_shared>>
        tpu.wait_indirect_dma semaphore(%run_scoped3A : memref<!tpu.dma_semaphore, #tpu.memory_space<semaphore_mem>>) src(%arg12 : memref<128x32xf32, #tpu.memory_space<vmem>>) dst(%dma_wait3A_355 : memref<10240x32xf32, #tpu.memory_space<vmem_shared>>)
        tpu.yield
      }) : () -> ()
      %dma_wait3A_274 = arith.constant 0 : i32
      %dma_wait3A_275 = tpu.memref_slice %arg8[%add3A_165, %dma_wait3A_274] : memref<160x128xi32, #tpu.memory_space<vmem>> -> memref<1x128xi32, #tpu.memory_space<vmem>>
      %dma_wait3A_276 = tpu.memref_squeeze %dma_wait3A_275 : memref<1x128xi32, #tpu.memory_space<vmem>> -> memref<128xi32, #tpu.memory_space<vmem>>
      %dma_wait3A_277 = arith.constant 0 : i32
      %dma_wait3A_278 = arith.constant 0 : i32
      %dma_wait3A_279 = tpu.memref_slice %arg2[%arg0, %dma_wait3A_277, %dma_wait3A_278] : memref<2x10240x32xf32, #tpu.memory_space<hbm>> -> memref<1x10240x32xf32, #tpu.memory_space<hbm>>
      %dma_wait3A_280 = tpu.memref_squeeze %dma_wait3A_279 : memref<1x10240x32xf32, #tpu.memory_space<hbm>> -> memref<10240x32xf32, #tpu.memory_space<hbm>>
      %dma_wait3A_281 = arith.constant 0 : i32
      %dma_wait3A_282 = arith.constant 0 : i32
      %dma_wait3A_283 = tpu.memref_slice %dma_wait3A_280[%dma_wait3A_281, %dma_wait3A_282] : memref<10240x32xf32, #tpu.memory_space<hbm>> -> memref<10240x32xf32, #tpu.memory_space<hbm>>
      tpu.wait_indirect_dma semaphore(%arg23 : memref<!tpu.dma_semaphore, #tpu.memory_space<semaphore_mem>>) src(%dma_wait3A_283 : memref<10240x32xf32, #tpu.memory_space<hbm>>) dst(%arg13 : memref<128x32xf32, #tpu.memory_space<vmem>>)
      %mul3A_284 = arith.constant 8 : i32
      %mul3A_285 = arith.muli %scan3A_119, %mul3A_284 : i32
      %add3A_286 = arith.constant 3 : i32
      %add3A_287 = arith.addi %mul3A_285, %add3A_286 : i32
      "tpu.region"() ({
        %run_scoped3A = tpu.sem_alloc : memref<!tpu.dma_semaphore, #tpu.memory_space<semaphore_mem>>
        %dma_start3A_344 = arith.constant 0 : i32
        %dma_start3A_345 = tpu.memref_slice %arg9[%add3A_287, %dma_start3A_344] : memref<160x128xi32, #tpu.memory_space<vmem>> -> memref<1x128xi32, #tpu.memory_space<vmem>>
        %dma_start3A_346 = tpu.memref_squeeze %dma_start3A_345 : memref<1x128xi32, #tpu.memory_space<vmem>> -> memref<128xi32, #tpu.memory_space<vmem>>
        %dma_start3A_347 = arith.constant 0 : i32
        %dma_start3A_348 = arith.constant 0 : i32
        %dma_start3A_349 = tpu.memref_slice %arg22[%dma_start3A_347, %dma_start3A_348] : memref<10240x32xf32, #tpu.memory_space<vmem_shared>> -> memref<10240x32xf32, #tpu.memory_space<vmem_shared>>
        tpu.enqueue_indirect_dma source(%arg13 : memref<128x32xf32, #tpu.memory_space<vmem>>) target(%dma_start3A_349 : memref<10240x32xf32, #tpu.memory_space<vmem_shared>>) offsets(%dma_start3A_346 : memref<128xi32, #tpu.memory_space<vmem>>) semaphore(%run_scoped3A : memref<!tpu.dma_semaphore, #tpu.memory_space<semaphore_mem>>) {add = true}
        %dma_wait3A_350 = arith.constant 0 : i32
        %dma_wait3A_351 = tpu.memref_slice %arg9[%add3A_287, %dma_wait3A_350] : memref<160x128xi32, #tpu.memory_space<vmem>> -> memref<1x128xi32, #tpu.memory_space<vmem>>
        %dma_wait3A_352 = tpu.memref_squeeze %dma_wait3A_351 : memref<1x128xi32, #tpu.memory_space<vmem>> -> memref<128xi32, #tpu.memory_space<vmem>>
        %dma_wait3A_353 = arith.constant 0 : i32
        %dma_wait3A_354 = arith.constant 0 : i32
        %dma_wait3A_355 = tpu.memref_slice %arg22[%dma_wait3A_353, %dma_wait3A_354] : memref<10240x32xf32, #tpu.memory_space<vmem_shared>> -> memref<10240x32xf32, #tpu.memory_space<vmem_shared>>
        tpu.wait_indirect_dma semaphore(%run_scoped3A : memref<!tpu.dma_semaphore, #tpu.memory_space<semaphore_mem>>) src(%arg13 : memref<128x32xf32, #tpu.memory_space<vmem>>) dst(%dma_wait3A_355 : memref<10240x32xf32, #tpu.memory_space<vmem_shared>>)
        tpu.yield
      }) : () -> ()
      %dma_wait3A_288 = arith.constant 0 : i32
      %dma_wait3A_289 = tpu.memref_slice %arg8[%add3A_179, %dma_wait3A_288] : memref<160x128xi32, #tpu.memory_space<vmem>> -> memref<1x128xi32, #tpu.memory_space<vmem>>
      %dma_wait3A_290 = tpu.memref_squeeze %dma_wait3A_289 : memref<1x128xi32, #tpu.memory_space<vmem>> -> memref<128xi32, #tpu.memory_space<vmem>>
      %dma_wait3A_291 = arith.constant 0 : i32
      %dma_wait3A_292 = arith.constant 0 : i32
      %dma_wait3A_293 = tpu.memref_slice %arg2[%arg0, %dma_wait3A_291, %dma_wait3A_292] : memref<2x10240x32xf32, #tpu.memory_space<hbm>> -> memref<1x10240x32xf32, #tpu.memory_space<hbm>>
      %dma_wait3A_294 = tpu.memref_squeeze %dma_wait3A_293 : memref<1x10240x32xf32, #tpu.memory_space<hbm>> -> memref<10240x32xf32, #tpu.memory_space<hbm>>
      %dma_wait3A_295 = arith.constant 0 : i32
      %dma_wait3A_296 = arith.constant 0 : i32
      %dma_wait3A_297 = tpu.memref_slice %dma_wait3A_294[%dma_wait3A_295, %dma_wait3A_296] : memref<10240x32xf32, #tpu.memory_space<hbm>> -> memref<10240x32xf32, #tpu.memory_space<hbm>>
      tpu.wait_indirect_dma semaphore(%arg23 : memref<!tpu.dma_semaphore, #tpu.memory_space<semaphore_mem>>) src(%dma_wait3A_297 : memref<10240x32xf32, #tpu.memory_space<hbm>>) dst(%arg14 : memref<128x32xf32, #tpu.memory_space<vmem>>)
      %mul3A_298 = arith.constant 8 : i32
      %mul3A_299 = arith.muli %scan3A_119, %mul3A_298 : i32
      %add3A_300 = arith.constant 4 : i32
      %add3A_301 = arith.addi %mul3A_299, %add3A_300 : i32
      "tpu.region"() ({
        %run_scoped3A = tpu.sem_alloc : memref<!tpu.dma_semaphore, #tpu.memory_space<semaphore_mem>>
        %dma_start3A_344 = arith.constant 0 : i32
        %dma_start3A_345 = tpu.memref_slice %arg9[%add3A_301, %dma_start3A_344] : memref<160x128xi32, #tpu.memory_space<vmem>> -> memref<1x128xi32, #tpu.memory_space<vmem>>
        %dma_start3A_346 = tpu.memref_squeeze %dma_start3A_345 : memref<1x128xi32, #tpu.memory_space<vmem>> -> memref<128xi32, #tpu.memory_space<vmem>>
        %dma_start3A_347 = arith.constant 0 : i32
        %dma_start3A_348 = arith.constant 0 : i32
        %dma_start3A_349 = tpu.memref_slice %arg22[%dma_start3A_347, %dma_start3A_348] : memref<10240x32xf32, #tpu.memory_space<vmem_shared>> -> memref<10240x32xf32, #tpu.memory_space<vmem_shared>>
        tpu.enqueue_indirect_dma source(%arg14 : memref<128x32xf32, #tpu.memory_space<vmem>>) target(%dma_start3A_349 : memref<10240x32xf32, #tpu.memory_space<vmem_shared>>) offsets(%dma_start3A_346 : memref<128xi32, #tpu.memory_space<vmem>>) semaphore(%run_scoped3A : memref<!tpu.dma_semaphore, #tpu.memory_space<semaphore_mem>>) {add = true}
        %dma_wait3A_350 = arith.constant 0 : i32
        %dma_wait3A_351 = tpu.memref_slice %arg9[%add3A_301, %dma_wait3A_350] : memref<160x128xi32, #tpu.memory_space<vmem>> -> memref<1x128xi32, #tpu.memory_space<vmem>>
        %dma_wait3A_352 = tpu.memref_squeeze %dma_wait3A_351 : memref<1x128xi32, #tpu.memory_space<vmem>> -> memref<128xi32, #tpu.memory_space<vmem>>
        %dma_wait3A_353 = arith.constant 0 : i32
        %dma_wait3A_354 = arith.constant 0 : i32
        %dma_wait3A_355 = tpu.memref_slice %arg22[%dma_wait3A_353, %dma_wait3A_354] : memref<10240x32xf32, #tpu.memory_space<vmem_shared>> -> memref<10240x32xf32, #tpu.memory_space<vmem_shared>>
        tpu.wait_indirect_dma semaphore(%run_scoped3A : memref<!tpu.dma_semaphore, #tpu.memory_space<semaphore_mem>>) src(%arg14 : memref<128x32xf32, #tpu.memory_space<vmem>>) dst(%dma_wait3A_355 : memref<10240x32xf32, #tpu.memory_space<vmem_shared>>)
        tpu.yield
      }) : () -> ()
      %dma_wait3A_302 = arith.constant 0 : i32
      %dma_wait3A_303 = tpu.memref_slice %arg8[%add3A_193, %dma_wait3A_302] : memref<160x128xi32, #tpu.memory_space<vmem>> -> memref<1x128xi32, #tpu.memory_space<vmem>>
      %dma_wait3A_304 = tpu.memref_squeeze %dma_wait3A_303 : memref<1x128xi32, #tpu.memory_space<vmem>> -> memref<128xi32, #tpu.memory_space<vmem>>
      %dma_wait3A_305 = arith.constant 0 : i32
      %dma_wait3A_306 = arith.constant 0 : i32
      %dma_wait3A_307 = tpu.memref_slice %arg2[%arg0, %dma_wait3A_305, %dma_wait3A_306] : memref<2x10240x32xf32, #tpu.memory_space<hbm>> -> memref<1x10240x32xf32, #tpu.memory_space<hbm>>
      %dma_wait3A_308 = tpu.memref_squeeze %dma_wait3A_307 : memref<1x10240x32xf32, #tpu.memory_space<hbm>> -> memref<10240x32xf32, #tpu.memory_space<hbm>>
      %dma_wait3A_309 = arith.constant 0 : i32
      %dma_wait3A_310 = arith.constant 0 : i32
      %dma_wait3A_311 = tpu.memref_slice %dma_wait3A_308[%dma_wait3A_309, %dma_wait3A_310] : memref<10240x32xf32, #tpu.memory_space<hbm>> -> memref<10240x32xf32, #tpu.memory_space<hbm>>
      tpu.wait_indirect_dma semaphore(%arg23 : memref<!tpu.dma_semaphore, #tpu.memory_space<semaphore_mem>>) src(%dma_wait3A_311 : memref<10240x32xf32, #tpu.memory_space<hbm>>) dst(%arg15 : memref<128x32xf32, #tpu.memory_space<vmem>>)
      %mul3A_312 = arith.constant 8 : i32
      %mul3A_313 = arith.muli %scan3A_119, %mul3A_312 : i32
      %add3A_314 = arith.constant 5 : i32
      %add3A_315 = arith.addi %mul3A_313, %add3A_314 : i32
      "tpu.region"() ({
        %run_scoped3A = tpu.sem_alloc : memref<!tpu.dma_semaphore, #tpu.memory_space<semaphore_mem>>
        %dma_start3A_344 = arith.constant 0 : i32
        %dma_start3A_345 = tpu.memref_slice %arg9[%add3A_315, %dma_start3A_344] : memref<160x128xi32, #tpu.memory_space<vmem>> -> memref<1x128xi32, #tpu.memory_space<vmem>>
        %dma_start3A_346 = tpu.memref_squeeze %dma_start3A_345 : memref<1x128xi32, #tpu.memory_space<vmem>> -> memref<128xi32, #tpu.memory_space<vmem>>
        %dma_start3A_347 = arith.constant 0 : i32
        %dma_start3A_348 = arith.constant 0 : i32
        %dma_start3A_349 = tpu.memref_slice %arg22[%dma_start3A_347, %dma_start3A_348] : memref<10240x32xf32, #tpu.memory_space<vmem_shared>> -> memref<10240x32xf32, #tpu.memory_space<vmem_shared>>
        tpu.enqueue_indirect_dma source(%arg15 : memref<128x32xf32, #tpu.memory_space<vmem>>) target(%dma_start3A_349 : memref<10240x32xf32, #tpu.memory_space<vmem_shared>>) offsets(%dma_start3A_346 : memref<128xi32, #tpu.memory_space<vmem>>) semaphore(%run_scoped3A : memref<!tpu.dma_semaphore, #tpu.memory_space<semaphore_mem>>) {add = true}
        %dma_wait3A_350 = arith.constant 0 : i32
        %dma_wait3A_351 = tpu.memref_slice %arg9[%add3A_315, %dma_wait3A_350] : memref<160x128xi32, #tpu.memory_space<vmem>> -> memref<1x128xi32, #tpu.memory_space<vmem>>
        %dma_wait3A_352 = tpu.memref_squeeze %dma_wait3A_351 : memref<1x128xi32, #tpu.memory_space<vmem>> -> memref<128xi32, #tpu.memory_space<vmem>>
        %dma_wait3A_353 = arith.constant 0 : i32
        %dma_wait3A_354 = arith.constant 0 : i32
        %dma_wait3A_355 = tpu.memref_slice %arg22[%dma_wait3A_353, %dma_wait3A_354] : memref<10240x32xf32, #tpu.memory_space<vmem_shared>> -> memref<10240x32xf32, #tpu.memory_space<vmem_shared>>
        tpu.wait_indirect_dma semaphore(%run_scoped3A : memref<!tpu.dma_semaphore, #tpu.memory_space<semaphore_mem>>) src(%arg15 : memref<128x32xf32, #tpu.memory_space<vmem>>) dst(%dma_wait3A_355 : memref<10240x32xf32, #tpu.memory_space<vmem_shared>>)
        tpu.yield
      }) : () -> ()
      %dma_wait3A_316 = arith.constant 0 : i32
      %dma_wait3A_317 = tpu.memref_slice %arg8[%add3A_207, %dma_wait3A_316] : memref<160x128xi32, #tpu.memory_space<vmem>> -> memref<1x128xi32, #tpu.memory_space<vmem>>
      %dma_wait3A_318 = tpu.memref_squeeze %dma_wait3A_317 : memref<1x128xi32, #tpu.memory_space<vmem>> -> memref<128xi32, #tpu.memory_space<vmem>>
      %dma_wait3A_319 = arith.constant 0 : i32
      %dma_wait3A_320 = arith.constant 0 : i32
      %dma_wait3A_321 = tpu.memref_slice %arg2[%arg0, %dma_wait3A_319, %dma_wait3A_320] : memref<2x10240x32xf32, #tpu.memory_space<hbm>> -> memref<1x10240x32xf32, #tpu.memory_space<hbm>>
      %dma_wait3A_322 = tpu.memref_squeeze %dma_wait3A_321 : memref<1x10240x32xf32, #tpu.memory_space<hbm>> -> memref<10240x32xf32, #tpu.memory_space<hbm>>
      %dma_wait3A_323 = arith.constant 0 : i32
      %dma_wait3A_324 = arith.constant 0 : i32
      %dma_wait3A_325 = tpu.memref_slice %dma_wait3A_322[%dma_wait3A_323, %dma_wait3A_324] : memref<10240x32xf32, #tpu.memory_space<hbm>> -> memref<10240x32xf32, #tpu.memory_space<hbm>>
      tpu.wait_indirect_dma semaphore(%arg23 : memref<!tpu.dma_semaphore, #tpu.memory_space<semaphore_mem>>) src(%dma_wait3A_325 : memref<10240x32xf32, #tpu.memory_space<hbm>>) dst(%arg16 : memref<128x32xf32, #tpu.memory_space<vmem>>)
      %mul3A_326 = arith.constant 8 : i32
      %mul3A_327 = arith.muli %scan3A_119, %mul3A_326 : i32
      %add3A_328 = arith.constant 6 : i32
      %add3A_329 = arith.addi %mul3A_327, %add3A_328 : i32
      "tpu.region"() ({
        %run_scoped3A = tpu.sem_alloc : memref<!tpu.dma_semaphore, #tpu.memory_space<semaphore_mem>>
        %dma_start3A_344 = arith.constant 0 : i32
        %dma_start3A_345 = tpu.memref_slice %arg9[%add3A_329, %dma_start3A_344] : memref<160x128xi32, #tpu.memory_space<vmem>> -> memref<1x128xi32, #tpu.memory_space<vmem>>
        %dma_start3A_346 = tpu.memref_squeeze %dma_start3A_345 : memref<1x128xi32, #tpu.memory_space<vmem>> -> memref<128xi32, #tpu.memory_space<vmem>>
        %dma_start3A_347 = arith.constant 0 : i32
        %dma_start3A_348 = arith.constant 0 : i32
        %dma_start3A_349 = tpu.memref_slice %arg22[%dma_start3A_347, %dma_start3A_348] : memref<10240x32xf32, #tpu.memory_space<vmem_shared>> -> memref<10240x32xf32, #tpu.memory_space<vmem_shared>>
        tpu.enqueue_indirect_dma source(%arg16 : memref<128x32xf32, #tpu.memory_space<vmem>>) target(%dma_start3A_349 : memref<10240x32xf32, #tpu.memory_space<vmem_shared>>) offsets(%dma_start3A_346 : memref<128xi32, #tpu.memory_space<vmem>>) semaphore(%run_scoped3A : memref<!tpu.dma_semaphore, #tpu.memory_space<semaphore_mem>>) {add = true}
        %dma_wait3A_350 = arith.constant 0 : i32
        %dma_wait3A_351 = tpu.memref_slice %arg9[%add3A_329, %dma_wait3A_350] : memref<160x128xi32, #tpu.memory_space<vmem>> -> memref<1x128xi32, #tpu.memory_space<vmem>>
        %dma_wait3A_352 = tpu.memref_squeeze %dma_wait3A_351 : memref<1x128xi32, #tpu.memory_space<vmem>> -> memref<128xi32, #tpu.memory_space<vmem>>
        %dma_wait3A_353 = arith.constant 0 : i32
        %dma_wait3A_354 = arith.constant 0 : i32
        %dma_wait3A_355 = tpu.memref_slice %arg22[%dma_wait3A_353, %dma_wait3A_354] : memref<10240x32xf32, #tpu.memory_space<vmem_shared>> -> memref<10240x32xf32, #tpu.memory_space<vmem_shared>>
        tpu.wait_indirect_dma semaphore(%run_scoped3A : memref<!tpu.dma_semaphore, #tpu.memory_space<semaphore_mem>>) src(%arg16 : memref<128x32xf32, #tpu.memory_space<vmem>>) dst(%dma_wait3A_355 : memref<10240x32xf32, #tpu.memory_space<vmem_shared>>)
        tpu.yield
      }) : () -> ()
      %dma_wait3A_330 = arith.constant 0 : i32
      %dma_wait3A_331 = tpu.memref_slice %arg8[%add3A_221, %dma_wait3A_330] : memref<160x128xi32, #tpu.memory_space<vmem>> -> memref<1x128xi32, #tpu.memory_space<vmem>>
      %dma_wait3A_332 = tpu.memref_squeeze %dma_wait3A_331 : memref<1x128xi32, #tpu.memory_space<vmem>> -> memref<128xi32, #tpu.memory_space<vmem>>
      %dma_wait3A_333 = arith.constant 0 : i32
      %dma_wait3A_334 = arith.constant 0 : i32
      %dma_wait3A_335 = tpu.memref_slice %arg2[%arg0, %dma_wait3A_333, %dma_wait3A_334] : memref<2x10240x32xf32, #tpu.memory_space<hbm>> -> memref<1x10240x32xf32, #tpu.memory_space<hbm>>
      %dma_wait3A_336 = tpu.memref_squeeze %dma_wait3A_335 : memref<1x10240x32xf32, #tpu.memory_space<hbm>> -> memref<10240x32xf32, #tpu.memory_space<hbm>>
      %dma_wait3A_337 = arith.constant 0 : i32
      %dma_wait3A_338 = arith.constant 0 : i32
      %dma_wait3A_339 = tpu.memref_slice %dma_wait3A_336[%dma_wait3A_337, %dma_wait3A_338] : memref<10240x32xf32, #tpu.memory_space<hbm>> -> memref<10240x32xf32, #tpu.memory_space<hbm>>
      tpu.wait_indirect_dma semaphore(%arg23 : memref<!tpu.dma_semaphore, #tpu.memory_space<semaphore_mem>>) src(%dma_wait3A_339 : memref<10240x32xf32, #tpu.memory_space<hbm>>) dst(%arg17 : memref<128x32xf32, #tpu.memory_space<vmem>>)
      %mul3A_340 = arith.constant 8 : i32
      %mul3A_341 = arith.muli %scan3A_119, %mul3A_340 : i32
      %add3A_342 = arith.constant 7 : i32
      %add3A_343 = arith.addi %mul3A_341, %add3A_342 : i32
      "tpu.region"() ({
        %run_scoped3A = tpu.sem_alloc : memref<!tpu.dma_semaphore, #tpu.memory_space<semaphore_mem>>
        %dma_start3A_344 = arith.constant 0 : i32
        %dma_start3A_345 = tpu.memref_slice %arg9[%add3A_343, %dma_start3A_344] : memref<160x128xi32, #tpu.memory_space<vmem>> -> memref<1x128xi32, #tpu.memory_space<vmem>>
        %dma_start3A_346 = tpu.memref_squeeze %dma_start3A_345 : memref<1x128xi32, #tpu.memory_space<vmem>> -> memref<128xi32, #tpu.memory_space<vmem>>
        %dma_start3A_347 = arith.constant 0 : i32
        %dma_start3A_348 = arith.constant 0 : i32
        %dma_start3A_349 = tpu.memref_slice %arg22[%dma_start3A_347, %dma_start3A_348] : memref<10240x32xf32, #tpu.memory_space<vmem_shared>> -> memref<10240x32xf32, #tpu.memory_space<vmem_shared>>
        tpu.enqueue_indirect_dma source(%arg17 : memref<128x32xf32, #tpu.memory_space<vmem>>) target(%dma_start3A_349 : memref<10240x32xf32, #tpu.memory_space<vmem_shared>>) offsets(%dma_start3A_346 : memref<128xi32, #tpu.memory_space<vmem>>) semaphore(%run_scoped3A : memref<!tpu.dma_semaphore, #tpu.memory_space<semaphore_mem>>) {add = true}
        %dma_wait3A_350 = arith.constant 0 : i32
        %dma_wait3A_351 = tpu.memref_slice %arg9[%add3A_343, %dma_wait3A_350] : memref<160x128xi32, #tpu.memory_space<vmem>> -> memref<1x128xi32, #tpu.memory_space<vmem>>
        %dma_wait3A_352 = tpu.memref_squeeze %dma_wait3A_351 : memref<1x128xi32, #tpu.memory_space<vmem>> -> memref<128xi32, #tpu.memory_space<vmem>>
        %dma_wait3A_353 = arith.constant 0 : i32
        %dma_wait3A_354 = arith.constant 0 : i32
        %dma_wait3A_355 = tpu.memref_slice %arg22[%dma_wait3A_353, %dma_wait3A_354] : memref<10240x32xf32, #tpu.memory_space<vmem_shared>> -> memref<10240x32xf32, #tpu.memory_space<vmem_shared>>
        tpu.wait_indirect_dma semaphore(%run_scoped3A : memref<!tpu.dma_semaphore, #tpu.memory_space<semaphore_mem>>) src(%arg17 : memref<128x32xf32, #tpu.memory_space<vmem>>) dst(%dma_wait3A_355 : memref<10240x32xf32, #tpu.memory_space<vmem_shared>>)
        tpu.yield
      }) : () -> ()
    }
    %scan3A_52 = arith.constant 20 : i32
    %barrier3A_53 = arith.constant 0 : index
    tpu.barrier barrier_id(%barrier3A_53)
    %add3A_54 = arith.constant 0 : i32
    %add3A_55 = arith.addi %mul3A_0, %add3A_54 : i32
    "tpu.region"() ({
      %run_scoped3A = tpu.sem_alloc : memref<!tpu.dma_semaphore, #tpu.memory_space<semaphore_mem>>
      %dma_start3A_119 = arith.constant 0 : i32
      %dma_start3A_120 = tpu.memref_slice %arg22[%add3A_55, %dma_start3A_119] : memref<10240x32xf32, #tpu.memory_space<vmem_shared>> -> memref<128x32xf32, #tpu.memory_space<vmem_shared>>
      %dma_start3A_121 = arith.constant 0 : i32
      %dma_start3A_122 = tpu.memref_slice %arg22[%add3A_55, %dma_start3A_121] : memref<10240x32xf32, #tpu.memory_space<vmem_shared>> -> memref<128x32xf32, #tpu.memory_space<vmem_shared>>
      tpu.enqueue_dma source(%dma_start3A_122 : memref<128x32xf32, #tpu.memory_space<vmem_shared>>) target(%arg18 : memref<128x32xf32, #tpu.memory_space<vmem>>) target_semaphore(%run_scoped3A : memref<!tpu.dma_semaphore, #tpu.memory_space<semaphore_mem>>)
      %dma_wait3A_123 = arith.constant 0 : i32
      %dma_wait3A_124 = tpu.memref_slice %arg22[%add3A_55, %dma_wait3A_123] : memref<10240x32xf32, #tpu.memory_space<vmem_shared>> -> memref<128x32xf32, #tpu.memory_space<vmem_shared>>
      %dma_wait3A_125 = arith.constant 0 : i32
      %dma_wait3A_126 = tpu.memref_slice %arg22[%add3A_55, %dma_wait3A_125] : memref<10240x32xf32, #tpu.memory_space<vmem_shared>> -> memref<128x32xf32, #tpu.memory_space<vmem_shared>>
      tpu.wait_dma2 semaphore(%run_scoped3A : memref<!tpu.dma_semaphore, #tpu.memory_space<semaphore_mem>>) src(%dma_wait3A_126 : memref<128x32xf32, #tpu.memory_space<vmem_shared>>) dst(%arg18 : memref<128x32xf32, #tpu.memory_space<vmem>>)
      tpu.yield
    }) : () -> ()
    "tpu.region"() ({
      %run_scoped3A = tpu.sem_alloc : memref<!tpu.dma_semaphore, #tpu.memory_space<semaphore_mem>>
      %dma_start3A_119 = arith.constant 0 : i32
      %dma_start3A_120 = tpu.memref_slice %arg2[%arg0, %add3A_55, %dma_start3A_119] : memref<2x10240x32xf32, #tpu.memory_space<hbm>> -> memref<1x128x32xf32, #tpu.memory_space<hbm>>
      %dma_start3A_121 = tpu.memref_squeeze %dma_start3A_120 : memref<1x128x32xf32, #tpu.memory_space<hbm>> -> memref<128x32xf32, #tpu.memory_space<hbm>>
      %dma_start3A_122 = arith.constant 0 : i32
      %dma_start3A_123 = tpu.memref_slice %arg2[%arg0, %add3A_55, %dma_start3A_122] : memref<2x10240x32xf32, #tpu.memory_space<hbm>> -> memref<1x128x32xf32, #tpu.memory_space<hbm>>
      %dma_start3A_124 = tpu.memref_squeeze %dma_start3A_123 : memref<1x128x32xf32, #tpu.memory_space<hbm>> -> memref<128x32xf32, #tpu.memory_space<hbm>>
      tpu.enqueue_dma source(%dma_start3A_124 : memref<128x32xf32, #tpu.memory_space<hbm>>) target(%arg19 : memref<128x32xf32, #tpu.memory_space<vmem>>) target_semaphore(%run_scoped3A : memref<!tpu.dma_semaphore, #tpu.memory_space<semaphore_mem>>)
      %dma_wait3A_125 = arith.constant 0 : i32
      %dma_wait3A_126 = tpu.memref_slice %arg2[%arg0, %add3A_55, %dma_wait3A_125] : memref<2x10240x32xf32, #tpu.memory_space<hbm>> -> memref<1x128x32xf32, #tpu.memory_space<hbm>>
      %dma_wait3A_127 = tpu.memref_squeeze %dma_wait3A_126 : memref<1x128x32xf32, #tpu.memory_space<hbm>> -> memref<128x32xf32, #tpu.memory_space<hbm>>
      %dma_wait3A_128 = arith.constant 0 : i32
      %dma_wait3A_129 = tpu.memref_slice %arg2[%arg0, %add3A_55, %dma_wait3A_128] : memref<2x10240x32xf32, #tpu.memory_space<hbm>> -> memref<1x128x32xf32, #tpu.memory_space<hbm>>
      %dma_wait3A_130 = tpu.memref_squeeze %dma_wait3A_129 : memref<1x128x32xf32, #tpu.memory_space<hbm>> -> memref<128x32xf32, #tpu.memory_space<hbm>>
      tpu.wait_dma2 semaphore(%run_scoped3A : memref<!tpu.dma_semaphore, #tpu.memory_space<semaphore_mem>>) src(%dma_wait3A_130 : memref<128x32xf32, #tpu.memory_space<hbm>>) dst(%arg19 : memref<128x32xf32, #tpu.memory_space<vmem>>)
      tpu.yield
    }) : () -> ()
    "tpu.region"() ({
      %run_scoped3A = tpu.sem_alloc : memref<!tpu.dma_semaphore, #tpu.memory_space<semaphore_mem>>
      %dma_start3A_119 = arith.constant 0 : i32
      %dma_start3A_120 = tpu.memref_slice %arg4[%add3A_55, %dma_start3A_119] : memref<10240x32xf32, #tpu.memory_space<hbm>> -> memref<128x32xf32, #tpu.memory_space<hbm>>
      %dma_start3A_121 = arith.constant 0 : i32
      %dma_start3A_122 = tpu.memref_slice %arg4[%add3A_55, %dma_start3A_121] : memref<10240x32xf32, #tpu.memory_space<hbm>> -> memref<128x32xf32, #tpu.memory_space<hbm>>
      tpu.enqueue_dma source(%dma_start3A_122 : memref<128x32xf32, #tpu.memory_space<hbm>>) target(%arg20 : memref<128x32xf32, #tpu.memory_space<vmem>>) target_semaphore(%run_scoped3A : memref<!tpu.dma_semaphore, #tpu.memory_space<semaphore_mem>>)
      %dma_wait3A_123 = arith.constant 0 : i32
      %dma_wait3A_124 = tpu.memref_slice %arg4[%add3A_55, %dma_wait3A_123] : memref<10240x32xf32, #tpu.memory_space<hbm>> -> memref<128x32xf32, #tpu.memory_space<hbm>>
      %dma_wait3A_125 = arith.constant 0 : i32
      %dma_wait3A_126 = tpu.memref_slice %arg4[%add3A_55, %dma_wait3A_125] : memref<10240x32xf32, #tpu.memory_space<hbm>> -> memref<128x32xf32, #tpu.memory_space<hbm>>
      tpu.wait_dma2 semaphore(%run_scoped3A : memref<!tpu.dma_semaphore, #tpu.memory_space<semaphore_mem>>) src(%dma_wait3A_126 : memref<128x32xf32, #tpu.memory_space<hbm>>) dst(%arg20 : memref<128x32xf32, #tpu.memory_space<vmem>>)
      tpu.yield
    }) : () -> ()
    %scan3A_56 = arith.constant 0 : i32
    %scan3A_57 = arith.constant 0 : i32
    %scan3A_58 = arith.constant 128 : i32
    %scan3A_59 = arith.addi %scan3A_57, %scan3A_58 : i32
    %scan3A_60 = arith.constant 1 : i32
    scf.for %scan3A_119 = %scan3A_57 to %scan3A_59 step %scan3A_60  : i32 {
      %get3A = arith.index_cast %scan3A_119 : i32 to index
      %get3A_120 = arith.constant 0 : index
      %get3A_121 = tpu.vector_load %arg20[%get3A, %get3A_120] {strides = array<i32>} : memref<128x32xf32, #tpu.memory_space<vmem>>, vector<1x16xf32>,
      %get3A_122 = vector.shape_cast %get3A_121 : vector<1x16xf32> to vector<16xf32>
      %get3A_123 = arith.index_cast %scan3A_119 : i32 to index
      %get3A_124 = arith.constant 0 : index
      %get3A_125 = tpu.vector_load %arg18[%get3A_123, %get3A_124] {strides = array<i32>} : memref<128x32xf32, #tpu.memory_space<vmem>>, vector<1x16xf32>,
      %get3A_126 = vector.shape_cast %get3A_125 : vector<1x16xf32> to vector<16xf32>
      %get3A_127 = arith.index_cast %scan3A_119 : i32 to index
      %get3A_128 = arith.constant 0 : index
      %get3A_129 = tpu.vector_load %arg19[%get3A_127, %get3A_128] {strides = array<i32>} : memref<128x32xf32, #tpu.memory_space<vmem>>, vector<1x16xf32>,
      %get3A_130 = vector.shape_cast %get3A_129 : vector<1x16xf32> to vector<16xf32>
      %add3A_131 = arith.addf %get3A_126, %get3A_130 : vector<16xf32>
      %mul3A_132 = arith.mulf %add3A_131, %get3A_122 : vector<16xf32>
      %get3A_133 = arith.constant 0 : index
      %get3A_134 = tpu.vector_load %arg21[%get3A_133] {strides = array<i32>} : memref<32xf32, #tpu.memory_space<vmem>>, vector<16xf32>,
      %get3A_135 = vector.shape_cast %get3A_134 : vector<16xf32> to vector<16xf32>
      %add3A_136 = arith.addf %mul3A_132, %get3A_135 : vector<16xf32>
      %max3A = arith.constant 0.000000e+00 : f32
      %max3A_137 = vector.broadcast %max3A : f32 to vector<16xf32>
      %max3A_138 = arith.maximumf %add3A_136, %max3A_137 : vector<16xf32>
      %mul3A_139 = arith.mulf %max3A_138, %get3A_122 : vector<16xf32>
      %swap3A = arith.index_cast %scan3A_119 : i32 to index
      %swap3A_140 = arith.constant 0 : index
      %swap3A_141 = tpu.vector_load %arg18[%swap3A, %swap3A_140] {strides = array<i32>} : memref<128x32xf32, #tpu.memory_space<vmem>>, vector<1x16xf32>,
      %swap3A_142 = vector.shape_cast %swap3A_141 : vector<1x16xf32> to vector<16xf32>
      %swap3A_143 = vector.shape_cast %mul3A_139 : vector<16xf32> to vector<1x16xf32>
      tpu.vector_store %arg18[%swap3A, %swap3A_140], %swap3A_143 {strides = array<i32>} : memref<128x32xf32, #tpu.memory_space<vmem>>, vector<1x16xf32>,
      %get3A_144 = arith.index_cast %scan3A_119 : i32 to index
      %get3A_145 = arith.constant 16 : index
      %get3A_146 = tpu.vector_load %arg20[%get3A_144, %get3A_145] {strides = array<i32>} : memref<128x32xf32, #tpu.memory_space<vmem>>, vector<1x16xf32>,
      %get3A_147 = vector.shape_cast %get3A_146 : vector<1x16xf32> to vector<16xf32>
      %get3A_148 = arith.index_cast %scan3A_119 : i32 to index
      %get3A_149 = arith.constant 16 : index
      %get3A_150 = tpu.vector_load %arg18[%get3A_148, %get3A_149] {strides = array<i32>} : memref<128x32xf32, #tpu.memory_space<vmem>>, vector<1x16xf32>,
      %get3A_151 = vector.shape_cast %get3A_150 : vector<1x16xf32> to vector<16xf32>
      %get3A_152 = arith.index_cast %scan3A_119 : i32 to index
      %get3A_153 = arith.constant 16 : index
      %get3A_154 = tpu.vector_load %arg19[%get3A_152, %get3A_153] {strides = array<i32>} : memref<128x32xf32, #tpu.memory_space<vmem>>, vector<1x16xf32>,
      %get3A_155 = vector.shape_cast %get3A_154 : vector<1x16xf32> to vector<16xf32>
      %add3A_156 = arith.addf %get3A_151, %get3A_155 : vector<16xf32>
      %mul3A_157 = arith.mulf %add3A_156, %get3A_147 : vector<16xf32>
      %get3A_158 = arith.constant 16 : index
      %get3A_159 = tpu.vector_load %arg21[%get3A_158] {strides = array<i32>} : memref<32xf32, #tpu.memory_space<vmem>>, vector<16xf32>,
      %get3A_160 = vector.shape_cast %get3A_159 : vector<16xf32> to vector<16xf32>
      %add3A_161 = arith.addf %mul3A_157, %get3A_160 : vector<16xf32>
      %max3A_162 = arith.constant 0.000000e+00 : f32
      %max3A_163 = vector.broadcast %max3A_162 : f32 to vector<16xf32>
      %max3A_164 = arith.maximumf %add3A_161, %max3A_163 : vector<16xf32>
      %mul3A_165 = arith.mulf %max3A_164, %get3A_147 : vector<16xf32>
      %swap3A_166 = arith.index_cast %scan3A_119 : i32 to index
      %swap3A_167 = arith.constant 16 : index
      %swap3A_168 = tpu.vector_load %arg18[%swap3A_166, %swap3A_167] {strides = array<i32>} : memref<128x32xf32, #tpu.memory_space<vmem>>, vector<1x16xf32>,
      %swap3A_169 = vector.shape_cast %swap3A_168 : vector<1x16xf32> to vector<16xf32>
      %swap3A_170 = vector.shape_cast %mul3A_165 : vector<16xf32> to vector<1x16xf32>
      tpu.vector_store %arg18[%swap3A_166, %swap3A_167], %swap3A_170 {strides = array<i32>} : memref<128x32xf32, #tpu.memory_space<vmem>>, vector<1x16xf32>,
    }
    %scan3A_61 = arith.constant 128 : i32
    "tpu.region"() ({
      %run_scoped3A = tpu.sem_alloc : memref<!tpu.dma_semaphore, #tpu.memory_space<semaphore_mem>>
      %dma_start3A_119 = arith.constant 0 : i32
      %dma_start3A_120 = tpu.memref_slice %arg6[%arg0, %add3A_55, %dma_start3A_119] : memref<2x10240x32xf32, #tpu.memory_space<hbm>> -> memref<1x128x32xf32, #tpu.memory_space<hbm>>
      %dma_start3A_121 = tpu.memref_squeeze %dma_start3A_120 : memref<1x128x32xf32, #tpu.memory_space<hbm>> -> memref<128x32xf32, #tpu.memory_space<hbm>>
      %dma_start3A_122 = arith.constant 0 : i32
      %dma_start3A_123 = tpu.memref_slice %arg6[%arg0, %add3A_55, %dma_start3A_122] : memref<2x10240x32xf32, #tpu.memory_space<hbm>> -> memref<1x128x32xf32, #tpu.memory_space<hbm>>
      %dma_start3A_124 = tpu.memref_squeeze %dma_start3A_123 : memref<1x128x32xf32, #tpu.memory_space<hbm>> -> memref<128x32xf32, #tpu.memory_space<hbm>>
      tpu.enqueue_dma source(%arg18 : memref<128x32xf32, #tpu.memory_space<vmem>>) target(%dma_start3A_124 : memref<128x32xf32, #tpu.memory_space<hbm>>) target_semaphore(%run_scoped3A : memref<!tpu.dma_semaphore, #tpu.memory_space<semaphore_mem>>)
      %dma_wait3A_125 = arith.constant 0 : i32
      %dma_wait3A_126 = tpu.memref_slice %arg6[%arg0, %add3A_55, %dma_wait3A_125] : memref<2x10240x32xf32, #tpu.memory_space<hbm>> -> memref<1x128x32xf32, #tpu.memory_space<hbm>>
      %dma_wait3A_127 = tpu.memref_squeeze %dma_wait3A_126 : memref<1x128x32xf32, #tpu.memory_space<hbm>> -> memref<128x32xf32, #tpu.memory_space<hbm>>
      %dma_wait3A_128 = arith.constant 0 : i32
      %dma_wait3A_129 = tpu.memref_slice %arg6[%arg0, %add3A_55, %dma_wait3A_128] : memref<2x10240x32xf32, #tpu.memory_space<hbm>> -> memref<1x128x32xf32, #tpu.memory_space<hbm>>
      %dma_wait3A_130 = tpu.memref_squeeze %dma_wait3A_129 : memref<1x128x32xf32, #tpu.memory_space<hbm>> -> memref<128x32xf32, #tpu.memory_space<hbm>>
      tpu.wait_dma2 semaphore(%run_scoped3A : memref<!tpu.dma_semaphore, #tpu.memory_space<semaphore_mem>>) src(%arg18 : memref<128x32xf32, #tpu.memory_space<vmem>>) dst(%dma_wait3A_130 : memref<128x32xf32, #tpu.memory_space<hbm>>)
      tpu.yield
    }) : () -> ()
    %add3A_62 = arith.constant 128 : i32
    %add3A_63 = arith.addi %mul3A_0, %add3A_62 : i32
    "tpu.region"() ({
      %run_scoped3A = tpu.sem_alloc : memref<!tpu.dma_semaphore, #tpu.memory_space<semaphore_mem>>
      %dma_start3A_119 = arith.constant 0 : i32
      %dma_start3A_120 = tpu.memref_slice %arg22[%add3A_63, %dma_start3A_119] : memref<10240x32xf32, #tpu.memory_space<vmem_shared>> -> memref<128x32xf32, #tpu.memory_space<vmem_shared>>
      %dma_start3A_121 = arith.constant 0 : i32
      %dma_start3A_122 = tpu.memref_slice %arg22[%add3A_63, %dma_start3A_121] : memref<10240x32xf32, #tpu.memory_space<vmem_shared>> -> memref<128x32xf32, #tpu.memory_space<vmem_shared>>
      tpu.enqueue_dma source(%dma_start3A_122 : memref<128x32xf32, #tpu.memory_space<vmem_shared>>) target(%arg18 : memref<128x32xf32, #tpu.memory_space<vmem>>) target_semaphore(%run_scoped3A : memref<!tpu.dma_semaphore, #tpu.memory_space<semaphore_mem>>)
      %dma_wait3A_123 = arith.constant 0 : i32
      %dma_wait3A_124 = tpu.memref_slice %arg22[%add3A_63, %dma_wait3A_123] : memref<10240x32xf32, #tpu.memory_space<vmem_shared>> -> memref<128x32xf32, #tpu.memory_space<vmem_shared>>
      %dma_wait3A_125 = arith.constant 0 : i32
      %dma_wait3A_126 = tpu.memref_slice %arg22[%add3A_63, %dma_wait3A_125] : memref<10240x32xf32, #tpu.memory_space<vmem_shared>> -> memref<128x32xf32, #tpu.memory_space<vmem_shared>>
      tpu.wait_dma2 semaphore(%run_scoped3A : memref<!tpu.dma_semaphore, #tpu.memory_space<semaphore_mem>>) src(%dma_wait3A_126 : memref<128x32xf32, #tpu.memory_space<vmem_shared>>) dst(%arg18 : memref<128x32xf32, #tpu.memory_space<vmem>>)
      tpu.yield
    }) : () -> ()
    "tpu.region"() ({
      %run_scoped3A = tpu.sem_alloc : memref<!tpu.dma_semaphore, #tpu.memory_space<semaphore_mem>>
      %dma_start3A_119 = arith.constant 0 : i32
      %dma_start3A_120 = tpu.memref_slice %arg2[%arg0, %add3A_63, %dma_start3A_119] : memref<2x10240x32xf32, #tpu.memory_space<hbm>> -> memref<1x128x32xf32, #tpu.memory_space<hbm>>
      %dma_start3A_121 = tpu.memref_squeeze %dma_start3A_120 : memref<1x128x32xf32, #tpu.memory_space<hbm>> -> memref<128x32xf32, #tpu.memory_space<hbm>>
      %dma_start3A_122 = arith.constant 0 : i32
      %dma_start3A_123 = tpu.memref_slice %arg2[%arg0, %add3A_63, %dma_start3A_122] : memref<2x10240x32xf32, #tpu.memory_space<hbm>> -> memref<1x128x32xf32, #tpu.memory_space<hbm>>
      %dma_start3A_124 = tpu.memref_squeeze %dma_start3A_123 : memref<1x128x32xf32, #tpu.memory_space<hbm>> -> memref<128x32xf32, #tpu.memory_space<hbm>>
      tpu.enqueue_dma source(%dma_start3A_124 : memref<128x32xf32, #tpu.memory_space<hbm>>) target(%arg19 : memref<128x32xf32, #tpu.memory_space<vmem>>) target_semaphore(%run_scoped3A : memref<!tpu.dma_semaphore, #tpu.memory_space<semaphore_mem>>)
      %dma_wait3A_125 = arith.constant 0 : i32
      %dma_wait3A_126 = tpu.memref_slice %arg2[%arg0, %add3A_63, %dma_wait3A_125] : memref<2x10240x32xf32, #tpu.memory_space<hbm>> -> memref<1x128x32xf32, #tpu.memory_space<hbm>>
      %dma_wait3A_127 = tpu.memref_squeeze %dma_wait3A_126 : memref<1x128x32xf32, #tpu.memory_space<hbm>> -> memref<128x32xf32, #tpu.memory_space<hbm>>
      %dma_wait3A_128 = arith.constant 0 : i32
      %dma_wait3A_129 = tpu.memref_slice %arg2[%arg0, %add3A_63, %dma_wait3A_128] : memref<2x10240x32xf32, #tpu.memory_space<hbm>> -> memref<1x128x32xf32, #tpu.memory_space<hbm>>
      %dma_wait3A_130 = tpu.memref_squeeze %dma_wait3A_129 : memref<1x128x32xf32, #tpu.memory_space<hbm>> -> memref<128x32xf32, #tpu.memory_space<hbm>>
      tpu.wait_dma2 semaphore(%run_scoped3A : memref<!tpu.dma_semaphore, #tpu.memory_space<semaphore_mem>>) src(%dma_wait3A_130 : memref<128x32xf32, #tpu.memory_space<hbm>>) dst(%arg19 : memref<128x32xf32, #tpu.memory_space<vmem>>)
      tpu.yield
    }) : () -> ()
    "tpu.region"() ({
      %run_scoped3A = tpu.sem_alloc : memref<!tpu.dma_semaphore, #tpu.memory_space<semaphore_mem>>
      %dma_start3A_119 = arith.constant 0 : i32
      %dma_start3A_120 = tpu.memref_slice %arg4[%add3A_63, %dma_start3A_119] : memref<10240x32xf32, #tpu.memory_space<hbm>> -> memref<128x32xf32, #tpu.memory_space<hbm>>
      %dma_start3A_121 = arith.constant 0 : i32
      %dma_start3A_122 = tpu.memref_slice %arg4[%add3A_63, %dma_start3A_121] : memref<10240x32xf32, #tpu.memory_space<hbm>> -> memref<128x32xf32, #tpu.memory_space<hbm>>
      tpu.enqueue_dma source(%dma_start3A_122 : memref<128x32xf32, #tpu.memory_space<hbm>>) target(%arg20 : memref<128x32xf32, #tpu.memory_space<vmem>>) target_semaphore(%run_scoped3A : memref<!tpu.dma_semaphore, #tpu.memory_space<semaphore_mem>>)
      %dma_wait3A_123 = arith.constant 0 : i32
      %dma_wait3A_124 = tpu.memref_slice %arg4[%add3A_63, %dma_wait3A_123] : memref<10240x32xf32, #tpu.memory_space<hbm>> -> memref<128x32xf32, #tpu.memory_space<hbm>>
      %dma_wait3A_125 = arith.constant 0 : i32
      %dma_wait3A_126 = tpu.memref_slice %arg4[%add3A_63, %dma_wait3A_125] : memref<10240x32xf32, #tpu.memory_space<hbm>> -> memref<128x32xf32, #tpu.memory_space<hbm>>
      tpu.wait_dma2 semaphore(%run_scoped3A : memref<!tpu.dma_semaphore, #tpu.memory_space<semaphore_mem>>) src(%dma_wait3A_126 : memref<128x32xf32, #tpu.memory_space<hbm>>) dst(%arg20 : memref<128x32xf32, #tpu.memory_space<vmem>>)
      tpu.yield
    }) : () -> ()
    %scan3A_64 = arith.constant 0 : i32
    %scan3A_65 = arith.constant 0 : i32
    %scan3A_66 = arith.constant 128 : i32
    %scan3A_67 = arith.addi %scan3A_65, %scan3A_66 : i32
    %scan3A_68 = arith.constant 1 : i32
    scf.for %scan3A_119 = %scan3A_65 to %scan3A_67 step %scan3A_68  : i32 {
      %get3A = arith.index_cast %scan3A_119 : i32 to index
      %get3A_120 = arith.constant 0 : index
      %get3A_121 = tpu.vector_load %arg20[%get3A, %get3A_120] {strides = array<i32>} : memref<128x32xf32, #tpu.memory_space<vmem>>, vector<1x16xf32>,
      %get3A_122 = vector.shape_cast %get3A_121 : vector<1x16xf32> to vector<16xf32>
      %get3A_123 = arith.index_cast %scan3A_119 : i32 to index
      %get3A_124 = arith.constant 0 : index
      %get3A_125 = tpu.vector_load %arg18[%get3A_123, %get3A_124] {strides = array<i32>} : memref<128x32xf32, #tpu.memory_space<vmem>>, vector<1x16xf32>,
      %get3A_126 = vector.shape_cast %get3A_125 : vector<1x16xf32> to vector<16xf32>
      %get3A_127 = arith.index_cast %scan3A_119 : i32 to index
      %get3A_128 = arith.constant 0 : index
      %get3A_129 = tpu.vector_load %arg19[%get3A_127, %get3A_128] {strides = array<i32>} : memref<128x32xf32, #tpu.memory_space<vmem>>, vector<1x16xf32>,
      %get3A_130 = vector.shape_cast %get3A_129 : vector<1x16xf32> to vector<16xf32>
      %add3A_131 = arith.addf %get3A_126, %get3A_130 : vector<16xf32>
      %mul3A_132 = arith.mulf %add3A_131, %get3A_122 : vector<16xf32>
      %get3A_133 = arith.constant 0 : index
      %get3A_134 = tpu.vector_load %arg21[%get3A_133] {strides = array<i32>} : memref<32xf32, #tpu.memory_space<vmem>>, vector<16xf32>,
      %get3A_135 = vector.shape_cast %get3A_134 : vector<16xf32> to vector<16xf32>
      %add3A_136 = arith.addf %mul3A_132, %get3A_135 : vector<16xf32>
      %max3A = arith.constant 0.000000e+00 : f32
      %max3A_137 = vector.broadcast %max3A : f32 to vector<16xf32>
      %max3A_138 = arith.maximumf %add3A_136, %max3A_137 : vector<16xf32>
      %mul3A_139 = arith.mulf %max3A_138, %get3A_122 : vector<16xf32>
      %swap3A = arith.index_cast %scan3A_119 : i32 to index
      %swap3A_140 = arith.constant 0 : index
      %swap3A_141 = tpu.vector_load %arg18[%swap3A, %swap3A_140] {strides = array<i32>} : memref<128x32xf32, #tpu.memory_space<vmem>>, vector<1x16xf32>,
      %swap3A_142 = vector.shape_cast %swap3A_141 : vector<1x16xf32> to vector<16xf32>
      %swap3A_143 = vector.shape_cast %mul3A_139 : vector<16xf32> to vector<1x16xf32>
      tpu.vector_store %arg18[%swap3A, %swap3A_140], %swap3A_143 {strides = array<i32>} : memref<128x32xf32, #tpu.memory_space<vmem>>, vector<1x16xf32>,
      %get3A_144 = arith.index_cast %scan3A_119 : i32 to index
      %get3A_145 = arith.constant 16 : index
      %get3A_146 = tpu.vector_load %arg20[%get3A_144, %get3A_145] {strides = array<i32>} : memref<128x32xf32, #tpu.memory_space<vmem>>, vector<1x16xf32>,
      %get3A_147 = vector.shape_cast %get3A_146 : vector<1x16xf32> to vector<16xf32>
      %get3A_148 = arith.index_cast %scan3A_119 : i32 to index
      %get3A_149 = arith.constant 16 : index
      %get3A_150 = tpu.vector_load %arg18[%get3A_148, %get3A_149] {strides = array<i32>} : memref<128x32xf32, #tpu.memory_space<vmem>>, vector<1x16xf32>,
      %get3A_151 = vector.shape_cast %get3A_150 : vector<1x16xf32> to vector<16xf32>
      %get3A_152 = arith.index_cast %scan3A_119 : i32 to index
      %get3A_153 = arith.constant 16 : index
      %get3A_154 = tpu.vector_load %arg19[%get3A_152, %get3A_153] {strides = array<i32>} : memref<128x32xf32, #tpu.memory_space<vmem>>, vector<1x16xf32>,
      %get3A_155 = vector.shape_cast %get3A_154 : vector<1x16xf32> to vector<16xf32>
      %add3A_156 = arith.addf %get3A_151, %get3A_155 : vector<16xf32>
      %mul3A_157 = arith.mulf %add3A_156, %get3A_147 : vector<16xf32>
      %get3A_158 = arith.constant 16 : index
      %get3A_159 = tpu.vector_load %arg21[%get3A_158] {strides = array<i32>} : memref<32xf32, #tpu.memory_space<vmem>>, vector<16xf32>,
      %get3A_160 = vector.shape_cast %get3A_159 : vector<16xf32> to vector<16xf32>
      %add3A_161 = arith.addf %mul3A_157, %get3A_160 : vector<16xf32>
      %max3A_162 = arith.constant 0.000000e+00 : f32
      %max3A_163 = vector.broadcast %max3A_162 : f32 to vector<16xf32>
      %max3A_164 = arith.maximumf %add3A_161, %max3A_163 : vector<16xf32>
      %mul3A_165 = arith.mulf %max3A_164, %get3A_147 : vector<16xf32>
      %swap3A_166 = arith.index_cast %scan3A_119 : i32 to index
      %swap3A_167 = arith.constant 16 : index
      %swap3A_168 = tpu.vector_load %arg18[%swap3A_166, %swap3A_167] {strides = array<i32>} : memref<128x32xf32, #tpu.memory_space<vmem>>, vector<1x16xf32>,
      %swap3A_169 = vector.shape_cast %swap3A_168 : vector<1x16xf32> to vector<16xf32>
      %swap3A_170 = vector.shape_cast %mul3A_165 : vector<16xf32> to vector<1x16xf32>
      tpu.vector_store %arg18[%swap3A_166, %swap3A_167], %swap3A_170 {strides = array<i32>} : memref<128x32xf32, #tpu.memory_space<vmem>>, vector<1x16xf32>,
    }
    %scan3A_69 = arith.constant 128 : i32
    "tpu.region"() ({
      %run_scoped3A = tpu.sem_alloc : memref<!tpu.dma_semaphore, #tpu.memory_space<semaphore_mem>>
      %dma_start3A_119 = arith.constant 0 : i32
      %dma_start3A_120 = tpu.memref_slice %arg6[%arg0, %add3A_63, %dma_start3A_119] : memref<2x10240x32xf32, #tpu.memory_space<hbm>> -> memref<1x128x32xf32, #tpu.memory_space<hbm>>
      %dma_start3A_121 = tpu.memref_squeeze %dma_start3A_120 : memref<1x128x32xf32, #tpu.memory_space<hbm>> -> memref<128x32xf32, #tpu.memory_space<hbm>>
      %dma_start3A_122 = arith.constant 0 : i32
      %dma_start3A_123 = tpu.memref_slice %arg6[%arg0, %add3A_63, %dma_start3A_122] : memref<2x10240x32xf32, #tpu.memory_space<hbm>> -> memref<1x128x32xf32, #tpu.memory_space<hbm>>
      %dma_start3A_124 = tpu.memref_squeeze %dma_start3A_123 : memref<1x128x32xf32, #tpu.memory_space<hbm>> -> memref<128x32xf32, #tpu.memory_space<hbm>>
      tpu.enqueue_dma source(%arg18 : memref<128x32xf32, #tpu.memory_space<vmem>>) target(%dma_start3A_124 : memref<128x32xf32, #tpu.memory_space<hbm>>) target_semaphore(%run_scoped3A : memref<!tpu.dma_semaphore, #tpu.memory_space<semaphore_mem>>)
      %dma_wait3A_125 = arith.constant 0 : i32
      %dma_wait3A_126 = tpu.memref_slice %arg6[%arg0, %add3A_63, %dma_wait3A_125] : memref<2x10240x32xf32, #tpu.memory_space<hbm>> -> memref<1x128x32xf32, #tpu.memory_space<hbm>>
      %dma_wait3A_127 = tpu.memref_squeeze %dma_wait3A_126 : memref<1x128x32xf32, #tpu.memory_space<hbm>> -> memref<128x32xf32, #tpu.memory_space<hbm>>
      %dma_wait3A_128 = arith.constant 0 : i32
      %dma_wait3A_129 = tpu.memref_slice %arg6[%arg0, %add3A_63, %dma_wait3A_128] : memref<2x10240x32xf32, #tpu.memory_space<hbm>> -> memref<1x128x32xf32, #tpu.memory_space<hbm>>
      %dma_wait3A_130 = tpu.memref_squeeze %dma_wait3A_129 : memref<1x128x32xf32, #tpu.memory_space<hbm>> -> memref<128x32xf32, #tpu.memory_space<hbm>>
      tpu.wait_dma2 semaphore(%run_scoped3A : memref<!tpu.dma_semaphore, #tpu.memory_space<semaphore_mem>>) src(%arg18 : memref<128x32xf32, #tpu.memory_space<vmem>>) dst(%dma_wait3A_130 : memref<128x32xf32, #tpu.memory_space<hbm>>)
      tpu.yield
    }) : () -> ()
    %add3A_70 = arith.constant 256 : i32
    %add3A_71 = arith.addi %mul3A_0, %add3A_70 : i32
    "tpu.region"() ({
      %run_scoped3A = tpu.sem_alloc : memref<!tpu.dma_semaphore, #tpu.memory_space<semaphore_mem>>
      %dma_start3A_119 = arith.constant 0 : i32
      %dma_start3A_120 = tpu.memref_slice %arg22[%add3A_71, %dma_start3A_119] : memref<10240x32xf32, #tpu.memory_space<vmem_shared>> -> memref<128x32xf32, #tpu.memory_space<vmem_shared>>
      %dma_start3A_121 = arith.constant 0 : i32
      %dma_start3A_122 = tpu.memref_slice %arg22[%add3A_71, %dma_start3A_121] : memref<10240x32xf32, #tpu.memory_space<vmem_shared>> -> memref<128x32xf32, #tpu.memory_space<vmem_shared>>
      tpu.enqueue_dma source(%dma_start3A_122 : memref<128x32xf32, #tpu.memory_space<vmem_shared>>) target(%arg18 : memref<128x32xf32, #tpu.memory_space<vmem>>) target_semaphore(%run_scoped3A : memref<!tpu.dma_semaphore, #tpu.memory_space<semaphore_mem>>)
      %dma_wait3A_123 = arith.constant 0 : i32
      %dma_wait3A_124 = tpu.memref_slice %arg22[%add3A_71, %dma_wait3A_123] : memref<10240x32xf32, #tpu.memory_space<vmem_shared>> -> memref<128x32xf32, #tpu.memory_space<vmem_shared>>
      %dma_wait3A_125 = arith.constant 0 : i32
      %dma_wait3A_126 = tpu.memref_slice %arg22[%add3A_71, %dma_wait3A_125] : memref<10240x32xf32, #tpu.memory_space<vmem_shared>> -> memref<128x32xf32, #tpu.memory_space<vmem_shared>>
      tpu.wait_dma2 semaphore(%run_scoped3A : memref<!tpu.dma_semaphore, #tpu.memory_space<semaphore_mem>>) src(%dma_wait3A_126 : memref<128x32xf32, #tpu.memory_space<vmem_shared>>) dst(%arg18 : memref<128x32xf32, #tpu.memory_space<vmem>>)
      tpu.yield
    }) : () -> ()
    "tpu.region"() ({
      %run_scoped3A = tpu.sem_alloc : memref<!tpu.dma_semaphore, #tpu.memory_space<semaphore_mem>>
      %dma_start3A_119 = arith.constant 0 : i32
      %dma_start3A_120 = tpu.memref_slice %arg2[%arg0, %add3A_71, %dma_start3A_119] : memref<2x10240x32xf32, #tpu.memory_space<hbm>> -> memref<1x128x32xf32, #tpu.memory_space<hbm>>
      %dma_start3A_121 = tpu.memref_squeeze %dma_start3A_120 : memref<1x128x32xf32, #tpu.memory_space<hbm>> -> memref<128x32xf32, #tpu.memory_space<hbm>>
      %dma_start3A_122 = arith.constant 0 : i32
      %dma_start3A_123 = tpu.memref_slice %arg2[%arg0, %add3A_71, %dma_start3A_122] : memref<2x10240x32xf32, #tpu.memory_space<hbm>> -> memref<1x128x32xf32, #tpu.memory_space<hbm>>
      %dma_start3A_124 = tpu.memref_squeeze %dma_start3A_123 : memref<1x128x32xf32, #tpu.memory_space<hbm>> -> memref<128x32xf32, #tpu.memory_space<hbm>>
      tpu.enqueue_dma source(%dma_start3A_124 : memref<128x32xf32, #tpu.memory_space<hbm>>) target(%arg19 : memref<128x32xf32, #tpu.memory_space<vmem>>) target_semaphore(%run_scoped3A : memref<!tpu.dma_semaphore, #tpu.memory_space<semaphore_mem>>)
      %dma_wait3A_125 = arith.constant 0 : i32
      %dma_wait3A_126 = tpu.memref_slice %arg2[%arg0, %add3A_71, %dma_wait3A_125] : memref<2x10240x32xf32, #tpu.memory_space<hbm>> -> memref<1x128x32xf32, #tpu.memory_space<hbm>>
      %dma_wait3A_127 = tpu.memref_squeeze %dma_wait3A_126 : memref<1x128x32xf32, #tpu.memory_space<hbm>> -> memref<128x32xf32, #tpu.memory_space<hbm>>
      %dma_wait3A_128 = arith.constant 0 : i32
      %dma_wait3A_129 = tpu.memref_slice %arg2[%arg0, %add3A_71, %dma_wait3A_128] : memref<2x10240x32xf32, #tpu.memory_space<hbm>> -> memref<1x128x32xf32, #tpu.memory_space<hbm>>
      %dma_wait3A_130 = tpu.memref_squeeze %dma_wait3A_129 : memref<1x128x32xf32, #tpu.memory_space<hbm>> -> memref<128x32xf32, #tpu.memory_space<hbm>>
      tpu.wait_dma2 semaphore(%run_scoped3A : memref<!tpu.dma_semaphore, #tpu.memory_space<semaphore_mem>>) src(%dma_wait3A_130 : memref<128x32xf32, #tpu.memory_space<hbm>>) dst(%arg19 : memref<128x32xf32, #tpu.memory_space<vmem>>)
      tpu.yield
    }) : () -> ()
    "tpu.region"() ({
      %run_scoped3A = tpu.sem_alloc : memref<!tpu.dma_semaphore, #tpu.memory_space<semaphore_mem>>
      %dma_start3A_119 = arith.constant 0 : i32
      %dma_start3A_120 = tpu.memref_slice %arg4[%add3A_71, %dma_start3A_119] : memref<10240x32xf32, #tpu.memory_space<hbm>> -> memref<128x32xf32, #tpu.memory_space<hbm>>
      %dma_start3A_121 = arith.constant 0 : i32
      %dma_start3A_122 = tpu.memref_slice %arg4[%add3A_71, %dma_start3A_121] : memref<10240x32xf32, #tpu.memory_space<hbm>> -> memref<128x32xf32, #tpu.memory_space<hbm>>
      tpu.enqueue_dma source(%dma_start3A_122 : memref<128x32xf32, #tpu.memory_space<hbm>>) target(%arg20 : memref<128x32xf32, #tpu.memory_space<vmem>>) target_semaphore(%run_scoped3A : memref<!tpu.dma_semaphore, #tpu.memory_space<semaphore_mem>>)
      %dma_wait3A_123 = arith.constant 0 : i32
      %dma_wait3A_124 = tpu.memref_slice %arg4[%add3A_71, %dma_wait3A_123] : memref<10240x32xf32, #tpu.memory_space<hbm>> -> memref<128x32xf32, #tpu.memory_space<hbm>>
      %dma_wait3A_125 = arith.constant 0 : i32
      %dma_wait3A_126 = tpu.memref_slice %arg4[%add3A_71, %dma_wait3A_125] : memref<10240x32xf32, #tpu.memory_space<hbm>> -> memref<128x32xf32, #tpu.memory_space<hbm>>
      tpu.wait_dma2 semaphore(%run_scoped3A : memref<!tpu.dma_semaphore, #tpu.memory_space<semaphore_mem>>) src(%dma_wait3A_126 : memref<128x32xf32, #tpu.memory_space<hbm>>) dst(%arg20 : memref<128x32xf32, #tpu.memory_space<vmem>>)
      tpu.yield
    }) : () -> ()
    %scan3A_72 = arith.constant 0 : i32
    %scan3A_73 = arith.constant 0 : i32
    %scan3A_74 = arith.constant 128 : i32
    %scan3A_75 = arith.addi %scan3A_73, %scan3A_74 : i32
    %scan3A_76 = arith.constant 1 : i32
    scf.for %scan3A_119 = %scan3A_73 to %scan3A_75 step %scan3A_76  : i32 {
      %get3A = arith.index_cast %scan3A_119 : i32 to index
      %get3A_120 = arith.constant 0 : index
      %get3A_121 = tpu.vector_load %arg20[%get3A, %get3A_120] {strides = array<i32>} : memref<128x32xf32, #tpu.memory_space<vmem>>, vector<1x16xf32>,
      %get3A_122 = vector.shape_cast %get3A_121 : vector<1x16xf32> to vector<16xf32>
      %get3A_123 = arith.index_cast %scan3A_119 : i32 to index
      %get3A_124 = arith.constant 0 : index
      %get3A_125 = tpu.vector_load %arg18[%get3A_123, %get3A_124] {strides = array<i32>} : memref<128x32xf32, #tpu.memory_space<vmem>>, vector<1x16xf32>,
      %get3A_126 = vector.shape_cast %get3A_125 : vector<1x16xf32> to vector<16xf32>
      %get3A_127 = arith.index_cast %scan3A_119 : i32 to index
      %get3A_128 = arith.constant 0 : index
      %get3A_129 = tpu.vector_load %arg19[%get3A_127, %get3A_128] {strides = array<i32>} : memref<128x32xf32, #tpu.memory_space<vmem>>, vector<1x16xf32>,
      %get3A_130 = vector.shape_cast %get3A_129 : vector<1x16xf32> to vector<16xf32>
      %add3A_131 = arith.addf %get3A_126, %get3A_130 : vector<16xf32>
      %mul3A_132 = arith.mulf %add3A_131, %get3A_122 : vector<16xf32>
      %get3A_133 = arith.constant 0 : index
      %get3A_134 = tpu.vector_load %arg21[%get3A_133] {strides = array<i32>} : memref<32xf32, #tpu.memory_space<vmem>>, vector<16xf32>,
      %get3A_135 = vector.shape_cast %get3A_134 : vector<16xf32> to vector<16xf32>
      %add3A_136 = arith.addf %mul3A_132, %get3A_135 : vector<16xf32>
      %max3A = arith.constant 0.000000e+00 : f32
      %max3A_137 = vector.broadcast %max3A : f32 to vector<16xf32>
      %max3A_138 = arith.maximumf %add3A_136, %max3A_137 : vector<16xf32>
      %mul3A_139 = arith.mulf %max3A_138, %get3A_122 : vector<16xf32>
      %swap3A = arith.index_cast %scan3A_119 : i32 to index
      %swap3A_140 = arith.constant 0 : index
      %swap3A_141 = tpu.vector_load %arg18[%swap3A, %swap3A_140] {strides = array<i32>} : memref<128x32xf32, #tpu.memory_space<vmem>>, vector<1x16xf32>,
      %swap3A_142 = vector.shape_cast %swap3A_141 : vector<1x16xf32> to vector<16xf32>
      %swap3A_143 = vector.shape_cast %mul3A_139 : vector<16xf32> to vector<1x16xf32>
      tpu.vector_store %arg18[%swap3A, %swap3A_140], %swap3A_143 {strides = array<i32>} : memref<128x32xf32, #tpu.memory_space<vmem>>, vector<1x16xf32>,
      %get3A_144 = arith.index_cast %scan3A_119 : i32 to index
      %get3A_145 = arith.constant 16 : index
      %get3A_146 = tpu.vector_load %arg20[%get3A_144, %get3A_145] {strides = array<i32>} : memref<128x32xf32, #tpu.memory_space<vmem>>, vector<1x16xf32>,
      %get3A_147 = vector.shape_cast %get3A_146 : vector<1x16xf32> to vector<16xf32>
      %get3A_148 = arith.index_cast %scan3A_119 : i32 to index
      %get3A_149 = arith.constant 16 : index
      %get3A_150 = tpu.vector_load %arg18[%get3A_148, %get3A_149] {strides = array<i32>} : memref<128x32xf32, #tpu.memory_space<vmem>>, vector<1x16xf32>,
      %get3A_151 = vector.shape_cast %get3A_150 : vector<1x16xf32> to vector<16xf32>
      %get3A_152 = arith.index_cast %scan3A_119 : i32 to index
      %get3A_153 = arith.constant 16 : index
      %get3A_154 = tpu.vector_load %arg19[%get3A_152, %get3A_153] {strides = array<i32>} : memref<128x32xf32, #tpu.memory_space<vmem>>, vector<1x16xf32>,
      %get3A_155 = vector.shape_cast %get3A_154 : vector<1x16xf32> to vector<16xf32>
      %add3A_156 = arith.addf %get3A_151, %get3A_155 : vector<16xf32>
      %mul3A_157 = arith.mulf %add3A_156, %get3A_147 : vector<16xf32>
      %get3A_158 = arith.constant 16 : index
      %get3A_159 = tpu.vector_load %arg21[%get3A_158] {strides = array<i32>} : memref<32xf32, #tpu.memory_space<vmem>>, vector<16xf32>,
      %get3A_160 = vector.shape_cast %get3A_159 : vector<16xf32> to vector<16xf32>
      %add3A_161 = arith.addf %mul3A_157, %get3A_160 : vector<16xf32>
      %max3A_162 = arith.constant 0.000000e+00 : f32
      %max3A_163 = vector.broadcast %max3A_162 : f32 to vector<16xf32>
      %max3A_164 = arith.maximumf %add3A_161, %max3A_163 : vector<16xf32>
      %mul3A_165 = arith.mulf %max3A_164, %get3A_147 : vector<16xf32>
      %swap3A_166 = arith.index_cast %scan3A_119 : i32 to index
      %swap3A_167 = arith.constant 16 : index
      %swap3A_168 = tpu.vector_load %arg18[%swap3A_166, %swap3A_167] {strides = array<i32>} : memref<128x32xf32, #tpu.memory_space<vmem>>, vector<1x16xf32>,
      %swap3A_169 = vector.shape_cast %swap3A_168 : vector<1x16xf32> to vector<16xf32>
      %swap3A_170 = vector.shape_cast %mul3A_165 : vector<16xf32> to vector<1x16xf32>
      tpu.vector_store %arg18[%swap3A_166, %swap3A_167], %swap3A_170 {strides = array<i32>} : memref<128x32xf32, #tpu.memory_space<vmem>>, vector<1x16xf32>,
    }
    %scan3A_77 = arith.constant 128 : i32
    "tpu.region"() ({
      %run_scoped3A = tpu.sem_alloc : memref<!tpu.dma_semaphore, #tpu.memory_space<semaphore_mem>>
      %dma_start3A_119 = arith.constant 0 : i32
      %dma_start3A_120 = tpu.memref_slice %arg6[%arg0, %add3A_71, %dma_start3A_119] : memref<2x10240x32xf32, #tpu.memory_space<hbm>> -> memref<1x128x32xf32, #tpu.memory_space<hbm>>
      %dma_start3A_121 = tpu.memref_squeeze %dma_start3A_120 : memref<1x128x32xf32, #tpu.memory_space<hbm>> -> memref<128x32xf32, #tpu.memory_space<hbm>>
      %dma_start3A_122 = arith.constant 0 : i32
      %dma_start3A_123 = tpu.memref_slice %arg6[%arg0, %add3A_71, %dma_start3A_122] : memref<2x10240x32xf32, #tpu.memory_space<hbm>> -> memref<1x128x32xf32, #tpu.memory_space<hbm>>
      %dma_start3A_124 = tpu.memref_squeeze %dma_start3A_123 : memref<1x128x32xf32, #tpu.memory_space<hbm>> -> memref<128x32xf32, #tpu.memory_space<hbm>>
      tpu.enqueue_dma source(%arg18 : memref<128x32xf32, #tpu.memory_space<vmem>>) target(%dma_start3A_124 : memref<128x32xf32, #tpu.memory_space<hbm>>) target_semaphore(%run_scoped3A : memref<!tpu.dma_semaphore, #tpu.memory_space<semaphore_mem>>)
      %dma_wait3A_125 = arith.constant 0 : i32
      %dma_wait3A_126 = tpu.memref_slice %arg6[%arg0, %add3A_71, %dma_wait3A_125] : memref<2x10240x32xf32, #tpu.memory_space<hbm>> -> memref<1x128x32xf32, #tpu.memory_space<hbm>>
      %dma_wait3A_127 = tpu.memref_squeeze %dma_wait3A_126 : memref<1x128x32xf32, #tpu.memory_space<hbm>> -> memref<128x32xf32, #tpu.memory_space<hbm>>
      %dma_wait3A_128 = arith.constant 0 : i32
      %dma_wait3A_129 = tpu.memref_slice %arg6[%arg0, %add3A_71, %dma_wait3A_128] : memref<2x10240x32xf32, #tpu.memory_space<hbm>> -> memref<1x128x32xf32, #tpu.memory_space<hbm>>
      %dma_wait3A_130 = tpu.memref_squeeze %dma_wait3A_129 : memref<1x128x32xf32, #tpu.memory_space<hbm>> -> memref<128x32xf32, #tpu.memory_space<hbm>>
      tpu.wait_dma2 semaphore(%run_scoped3A : memref<!tpu.dma_semaphore, #tpu.memory_space<semaphore_mem>>) src(%arg18 : memref<128x32xf32, #tpu.memory_space<vmem>>) dst(%dma_wait3A_130 : memref<128x32xf32, #tpu.memory_space<hbm>>)
      tpu.yield
    }) : () -> ()
    %add3A_78 = arith.constant 384 : i32
    %add3A_79 = arith.addi %mul3A_0, %add3A_78 : i32
    "tpu.region"() ({
      %run_scoped3A = tpu.sem_alloc : memref<!tpu.dma_semaphore, #tpu.memory_space<semaphore_mem>>
      %dma_start3A_119 = arith.constant 0 : i32
      %dma_start3A_120 = tpu.memref_slice %arg22[%add3A_79, %dma_start3A_119] : memref<10240x32xf32, #tpu.memory_space<vmem_shared>> -> memref<128x32xf32, #tpu.memory_space<vmem_shared>>
      %dma_start3A_121 = arith.constant 0 : i32
      %dma_start3A_122 = tpu.memref_slice %arg22[%add3A_79, %dma_start3A_121] : memref<10240x32xf32, #tpu.memory_space<vmem_shared>> -> memref<128x32xf32, #tpu.memory_space<vmem_shared>>
      tpu.enqueue_dma source(%dma_start3A_122 : memref<128x32xf32, #tpu.memory_space<vmem_shared>>) target(%arg18 : memref<128x32xf32, #tpu.memory_space<vmem>>) target_semaphore(%run_scoped3A : memref<!tpu.dma_semaphore, #tpu.memory_space<semaphore_mem>>)
      %dma_wait3A_123 = arith.constant 0 : i32
      %dma_wait3A_124 = tpu.memref_slice %arg22[%add3A_79, %dma_wait3A_123] : memref<10240x32xf32, #tpu.memory_space<vmem_shared>> -> memref<128x32xf32, #tpu.memory_space<vmem_shared>>
      %dma_wait3A_125 = arith.constant 0 : i32
      %dma_wait3A_126 = tpu.memref_slice %arg22[%add3A_79, %dma_wait3A_125] : memref<10240x32xf32, #tpu.memory_space<vmem_shared>> -> memref<128x32xf32, #tpu.memory_space<vmem_shared>>
      tpu.wait_dma2 semaphore(%run_scoped3A : memref<!tpu.dma_semaphore, #tpu.memory_space<semaphore_mem>>) src(%dma_wait3A_126 : memref<128x32xf32, #tpu.memory_space<vmem_shared>>) dst(%arg18 : memref<128x32xf32, #tpu.memory_space<vmem>>)
      tpu.yield
    }) : () -> ()
    "tpu.region"() ({
      %run_scoped3A = tpu.sem_alloc : memref<!tpu.dma_semaphore, #tpu.memory_space<semaphore_mem>>
      %dma_start3A_119 = arith.constant 0 : i32
      %dma_start3A_120 = tpu.memref_slice %arg2[%arg0, %add3A_79, %dma_start3A_119] : memref<2x10240x32xf32, #tpu.memory_space<hbm>> -> memref<1x128x32xf32, #tpu.memory_space<hbm>>
      %dma_start3A_121 = tpu.memref_squeeze %dma_start3A_120 : memref<1x128x32xf32, #tpu.memory_space<hbm>> -> memref<128x32xf32, #tpu.memory_space<hbm>>
      %dma_start3A_122 = arith.constant 0 : i32
      %dma_start3A_123 = tpu.memref_slice %arg2[%arg0, %add3A_79, %dma_start3A_122] : memref<2x10240x32xf32, #tpu.memory_space<hbm>> -> memref<1x128x32xf32, #tpu.memory_space<hbm>>
      %dma_start3A_124 = tpu.memref_squeeze %dma_start3A_123 : memref<1x128x32xf32, #tpu.memory_space<hbm>> -> memref<128x32xf32, #tpu.memory_space<hbm>>
      tpu.enqueue_dma source(%dma_start3A_124 : memref<128x32xf32, #tpu.memory_space<hbm>>) target(%arg19 : memref<128x32xf32, #tpu.memory_space<vmem>>) target_semaphore(%run_scoped3A : memref<!tpu.dma_semaphore, #tpu.memory_space<semaphore_mem>>)
      %dma_wait3A_125 = arith.constant 0 : i32
      %dma_wait3A_126 = tpu.memref_slice %arg2[%arg0, %add3A_79, %dma_wait3A_125] : memref<2x10240x32xf32, #tpu.memory_space<hbm>> -> memref<1x128x32xf32, #tpu.memory_space<hbm>>
      %dma_wait3A_127 = tpu.memref_squeeze %dma_wait3A_126 : memref<1x128x32xf32, #tpu.memory_space<hbm>> -> memref<128x32xf32, #tpu.memory_space<hbm>>
      %dma_wait3A_128 = arith.constant 0 : i32
      %dma_wait3A_129 = tpu.memref_slice %arg2[%arg0, %add3A_79, %dma_wait3A_128] : memref<2x10240x32xf32, #tpu.memory_space<hbm>> -> memref<1x128x32xf32, #tpu.memory_space<hbm>>
      %dma_wait3A_130 = tpu.memref_squeeze %dma_wait3A_129 : memref<1x128x32xf32, #tpu.memory_space<hbm>> -> memref<128x32xf32, #tpu.memory_space<hbm>>
      tpu.wait_dma2 semaphore(%run_scoped3A : memref<!tpu.dma_semaphore, #tpu.memory_space<semaphore_mem>>) src(%dma_wait3A_130 : memref<128x32xf32, #tpu.memory_space<hbm>>) dst(%arg19 : memref<128x32xf32, #tpu.memory_space<vmem>>)
      tpu.yield
    }) : () -> ()
    "tpu.region"() ({
      %run_scoped3A = tpu.sem_alloc : memref<!tpu.dma_semaphore, #tpu.memory_space<semaphore_mem>>
      %dma_start3A_119 = arith.constant 0 : i32
      %dma_start3A_120 = tpu.memref_slice %arg4[%add3A_79, %dma_start3A_119] : memref<10240x32xf32, #tpu.memory_space<hbm>> -> memref<128x32xf32, #tpu.memory_space<hbm>>
      %dma_start3A_121 = arith.constant 0 : i32
      %dma_start3A_122 = tpu.memref_slice %arg4[%add3A_79, %dma_start3A_121] : memref<10240x32xf32, #tpu.memory_space<hbm>> -> memref<128x32xf32, #tpu.memory_space<hbm>>
      tpu.enqueue_dma source(%dma_start3A_122 : memref<128x32xf32, #tpu.memory_space<hbm>>) target(%arg20 : memref<128x32xf32, #tpu.memory_space<vmem>>) target_semaphore(%run_scoped3A : memref<!tpu.dma_semaphore, #tpu.memory_space<semaphore_mem>>)
      %dma_wait3A_123 = arith.constant 0 : i32
      %dma_wait3A_124 = tpu.memref_slice %arg4[%add3A_79, %dma_wait3A_123] : memref<10240x32xf32, #tpu.memory_space<hbm>> -> memref<128x32xf32, #tpu.memory_space<hbm>>
      %dma_wait3A_125 = arith.constant 0 : i32
      %dma_wait3A_126 = tpu.memref_slice %arg4[%add3A_79, %dma_wait3A_125] : memref<10240x32xf32, #tpu.memory_space<hbm>> -> memref<128x32xf32, #tpu.memory_space<hbm>>
      tpu.wait_dma2 semaphore(%run_scoped3A : memref<!tpu.dma_semaphore, #tpu.memory_space<semaphore_mem>>) src(%dma_wait3A_126 : memref<128x32xf32, #tpu.memory_space<hbm>>) dst(%arg20 : memref<128x32xf32, #tpu.memory_space<vmem>>)
      tpu.yield
    }) : () -> ()
    %scan3A_80 = arith.constant 0 : i32
    %scan3A_81 = arith.constant 0 : i32
    %scan3A_82 = arith.constant 128 : i32
    %scan3A_83 = arith.addi %scan3A_81, %scan3A_82 : i32
    %scan3A_84 = arith.constant 1 : i32
    scf.for %scan3A_119 = %scan3A_81 to %scan3A_83 step %scan3A_84  : i32 {
      %get3A = arith.index_cast %scan3A_119 : i32 to index
      %get3A_120 = arith.constant 0 : index
      %get3A_121 = tpu.vector_load %arg20[%get3A, %get3A_120] {strides = array<i32>} : memref<128x32xf32, #tpu.memory_space<vmem>>, vector<1x16xf32>,
      %get3A_122 = vector.shape_cast %get3A_121 : vector<1x16xf32> to vector<16xf32>
      %get3A_123 = arith.index_cast %scan3A_119 : i32 to index
      %get3A_124 = arith.constant 0 : index
      %get3A_125 = tpu.vector_load %arg18[%get3A_123, %get3A_124] {strides = array<i32>} : memref<128x32xf32, #tpu.memory_space<vmem>>, vector<1x16xf32>,
      %get3A_126 = vector.shape_cast %get3A_125 : vector<1x16xf32> to vector<16xf32>
      %get3A_127 = arith.index_cast %scan3A_119 : i32 to index
      %get3A_128 = arith.constant 0 : index
      %get3A_129 = tpu.vector_load %arg19[%get3A_127, %get3A_128] {strides = array<i32>} : memref<128x32xf32, #tpu.memory_space<vmem>>, vector<1x16xf32>,
      %get3A_130 = vector.shape_cast %get3A_129 : vector<1x16xf32> to vector<16xf32>
      %add3A_131 = arith.addf %get3A_126, %get3A_130 : vector<16xf32>
      %mul3A_132 = arith.mulf %add3A_131, %get3A_122 : vector<16xf32>
      %get3A_133 = arith.constant 0 : index
      %get3A_134 = tpu.vector_load %arg21[%get3A_133] {strides = array<i32>} : memref<32xf32, #tpu.memory_space<vmem>>, vector<16xf32>,
      %get3A_135 = vector.shape_cast %get3A_134 : vector<16xf32> to vector<16xf32>
      %add3A_136 = arith.addf %mul3A_132, %get3A_135 : vector<16xf32>
      %max3A = arith.constant 0.000000e+00 : f32
      %max3A_137 = vector.broadcast %max3A : f32 to vector<16xf32>
      %max3A_138 = arith.maximumf %add3A_136, %max3A_137 : vector<16xf32>
      %mul3A_139 = arith.mulf %max3A_138, %get3A_122 : vector<16xf32>
      %swap3A = arith.index_cast %scan3A_119 : i32 to index
      %swap3A_140 = arith.constant 0 : index
      %swap3A_141 = tpu.vector_load %arg18[%swap3A, %swap3A_140] {strides = array<i32>} : memref<128x32xf32, #tpu.memory_space<vmem>>, vector<1x16xf32>,
      %swap3A_142 = vector.shape_cast %swap3A_141 : vector<1x16xf32> to vector<16xf32>
      %swap3A_143 = vector.shape_cast %mul3A_139 : vector<16xf32> to vector<1x16xf32>
      tpu.vector_store %arg18[%swap3A, %swap3A_140], %swap3A_143 {strides = array<i32>} : memref<128x32xf32, #tpu.memory_space<vmem>>, vector<1x16xf32>,
      %get3A_144 = arith.index_cast %scan3A_119 : i32 to index
      %get3A_145 = arith.constant 16 : index
      %get3A_146 = tpu.vector_load %arg20[%get3A_144, %get3A_145] {strides = array<i32>} : memref<128x32xf32, #tpu.memory_space<vmem>>, vector<1x16xf32>,
      %get3A_147 = vector.shape_cast %get3A_146 : vector<1x16xf32> to vector<16xf32>
      %get3A_148 = arith.index_cast %scan3A_119 : i32 to index
      %get3A_149 = arith.constant 16 : index
      %get3A_150 = tpu.vector_load %arg18[%get3A_148, %get3A_149] {strides = array<i32>} : memref<128x32xf32, #tpu.memory_space<vmem>>, vector<1x16xf32>,
      %get3A_151 = vector.shape_cast %get3A_150 : vector<1x16xf32> to vector<16xf32>
      %get3A_152 = arith.index_cast %scan3A_119 : i32 to index
      %get3A_153 = arith.constant 16 : index
      %get3A_154 = tpu.vector_load %arg19[%get3A_152, %get3A_153] {strides = array<i32>} : memref<128x32xf32, #tpu.memory_space<vmem>>, vector<1x16xf32>,
      %get3A_155 = vector.shape_cast %get3A_154 : vector<1x16xf32> to vector<16xf32>
      %add3A_156 = arith.addf %get3A_151, %get3A_155 : vector<16xf32>
      %mul3A_157 = arith.mulf %add3A_156, %get3A_147 : vector<16xf32>
      %get3A_158 = arith.constant 16 : index
      %get3A_159 = tpu.vector_load %arg21[%get3A_158] {strides = array<i32>} : memref<32xf32, #tpu.memory_space<vmem>>, vector<16xf32>,
      %get3A_160 = vector.shape_cast %get3A_159 : vector<16xf32> to vector<16xf32>
      %add3A_161 = arith.addf %mul3A_157, %get3A_160 : vector<16xf32>
      %max3A_162 = arith.constant 0.000000e+00 : f32
      %max3A_163 = vector.broadcast %max3A_162 : f32 to vector<16xf32>
      %max3A_164 = arith.maximumf %add3A_161, %max3A_163 : vector<16xf32>
      %mul3A_165 = arith.mulf %max3A_164, %get3A_147 : vector<16xf32>
      %swap3A_166 = arith.index_cast %scan3A_119 : i32 to index
      %swap3A_167 = arith.constant 16 : index
      %swap3A_168 = tpu.vector_load %arg18[%swap3A_166, %swap3A_167] {strides = array<i32>} : memref<128x32xf32, #tpu.memory_space<vmem>>, vector<1x16xf32>,
      %swap3A_169 = vector.shape_cast %swap3A_168 : vector<1x16xf32> to vector<16xf32>
      %swap3A_170 = vector.shape_cast %mul3A_165 : vector<16xf32> to vector<1x16xf32>
      tpu.vector_store %arg18[%swap3A_166, %swap3A_167], %swap3A_170 {strides = array<i32>} : memref<128x32xf32, #tpu.memory_space<vmem>>, vector<1x16xf32>,
    }
    %scan3A_85 = arith.constant 128 : i32
    "tpu.region"() ({
      %run_scoped3A = tpu.sem_alloc : memref<!tpu.dma_semaphore, #tpu.memory_space<semaphore_mem>>
      %dma_start3A_119 = arith.constant 0 : i32
      %dma_start3A_120 = tpu.memref_slice %arg6[%arg0, %add3A_79, %dma_start3A_119] : memref<2x10240x32xf32, #tpu.memory_space<hbm>> -> memref<1x128x32xf32, #tpu.memory_space<hbm>>
      %dma_start3A_121 = tpu.memref_squeeze %dma_start3A_120 : memref<1x128x32xf32, #tpu.memory_space<hbm>> -> memref<128x32xf32, #tpu.memory_space<hbm>>
      %dma_start3A_122 = arith.constant 0 : i32
      %dma_start3A_123 = tpu.memref_slice %arg6[%arg0, %add3A_79, %dma_start3A_122] : memref<2x10240x32xf32, #tpu.memory_space<hbm>> -> memref<1x128x32xf32, #tpu.memory_space<hbm>>
      %dma_start3A_124 = tpu.memref_squeeze %dma_start3A_123 : memref<1x128x32xf32, #tpu.memory_space<hbm>> -> memref<128x32xf32, #tpu.memory_space<hbm>>
      tpu.enqueue_dma source(%arg18 : memref<128x32xf32, #tpu.memory_space<vmem>>) target(%dma_start3A_124 : memref<128x32xf32, #tpu.memory_space<hbm>>) target_semaphore(%run_scoped3A : memref<!tpu.dma_semaphore, #tpu.memory_space<semaphore_mem>>)
      %dma_wait3A_125 = arith.constant 0 : i32
      %dma_wait3A_126 = tpu.memref_slice %arg6[%arg0, %add3A_79, %dma_wait3A_125] : memref<2x10240x32xf32, #tpu.memory_space<hbm>> -> memref<1x128x32xf32, #tpu.memory_space<hbm>>
      %dma_wait3A_127 = tpu.memref_squeeze %dma_wait3A_126 : memref<1x128x32xf32, #tpu.memory_space<hbm>> -> memref<128x32xf32, #tpu.memory_space<hbm>>
      %dma_wait3A_128 = arith.constant 0 : i32
      %dma_wait3A_129 = tpu.memref_slice %arg6[%arg0, %add3A_79, %dma_wait3A_128] : memref<2x10240x32xf32, #tpu.memory_space<hbm>> -> memref<1x128x32xf32, #tpu.memory_space<hbm>>
      %dma_wait3A_130 = tpu.memref_squeeze %dma_wait3A_129 : memref<1x128x32xf32, #tpu.memory_space<hbm>> -> memref<128x32xf32, #tpu.memory_space<hbm>>
      tpu.wait_dma2 semaphore(%run_scoped3A : memref<!tpu.dma_semaphore, #tpu.memory_space<semaphore_mem>>) src(%arg18 : memref<128x32xf32, #tpu.memory_space<vmem>>) dst(%dma_wait3A_130 : memref<128x32xf32, #tpu.memory_space<hbm>>)
      tpu.yield
    }) : () -> ()
    %add3A_86 = arith.constant 512 : i32
    %add3A_87 = arith.addi %mul3A_0, %add3A_86 : i32
    "tpu.region"() ({
      %run_scoped3A = tpu.sem_alloc : memref<!tpu.dma_semaphore, #tpu.memory_space<semaphore_mem>>
      %dma_start3A_119 = arith.constant 0 : i32
      %dma_start3A_120 = tpu.memref_slice %arg22[%add3A_87, %dma_start3A_119] : memref<10240x32xf32, #tpu.memory_space<vmem_shared>> -> memref<128x32xf32, #tpu.memory_space<vmem_shared>>
      %dma_start3A_121 = arith.constant 0 : i32
      %dma_start3A_122 = tpu.memref_slice %arg22[%add3A_87, %dma_start3A_121] : memref<10240x32xf32, #tpu.memory_space<vmem_shared>> -> memref<128x32xf32, #tpu.memory_space<vmem_shared>>
      tpu.enqueue_dma source(%dma_start3A_122 : memref<128x32xf32, #tpu.memory_space<vmem_shared>>) target(%arg18 : memref<128x32xf32, #tpu.memory_space<vmem>>) target_semaphore(%run_scoped3A : memref<!tpu.dma_semaphore, #tpu.memory_space<semaphore_mem>>)
      %dma_wait3A_123 = arith.constant 0 : i32
      %dma_wait3A_124 = tpu.memref_slice %arg22[%add3A_87, %dma_wait3A_123] : memref<10240x32xf32, #tpu.memory_space<vmem_shared>> -> memref<128x32xf32, #tpu.memory_space<vmem_shared>>
      %dma_wait3A_125 = arith.constant 0 : i32
      %dma_wait3A_126 = tpu.memref_slice %arg22[%add3A_87, %dma_wait3A_125] : memref<10240x32xf32, #tpu.memory_space<vmem_shared>> -> memref<128x32xf32, #tpu.memory_space<vmem_shared>>
      tpu.wait_dma2 semaphore(%run_scoped3A : memref<!tpu.dma_semaphore, #tpu.memory_space<semaphore_mem>>) src(%dma_wait3A_126 : memref<128x32xf32, #tpu.memory_space<vmem_shared>>) dst(%arg18 : memref<128x32xf32, #tpu.memory_space<vmem>>)
      tpu.yield
    }) : () -> ()
    "tpu.region"() ({
      %run_scoped3A = tpu.sem_alloc : memref<!tpu.dma_semaphore, #tpu.memory_space<semaphore_mem>>
      %dma_start3A_119 = arith.constant 0 : i32
      %dma_start3A_120 = tpu.memref_slice %arg2[%arg0, %add3A_87, %dma_start3A_119] : memref<2x10240x32xf32, #tpu.memory_space<hbm>> -> memref<1x128x32xf32, #tpu.memory_space<hbm>>
      %dma_start3A_121 = tpu.memref_squeeze %dma_start3A_120 : memref<1x128x32xf32, #tpu.memory_space<hbm>> -> memref<128x32xf32, #tpu.memory_space<hbm>>
      %dma_start3A_122 = arith.constant 0 : i32
      %dma_start3A_123 = tpu.memref_slice %arg2[%arg0, %add3A_87, %dma_start3A_122] : memref<2x10240x32xf32, #tpu.memory_space<hbm>> -> memref<1x128x32xf32, #tpu.memory_space<hbm>>
      %dma_start3A_124 = tpu.memref_squeeze %dma_start3A_123 : memref<1x128x32xf32, #tpu.memory_space<hbm>> -> memref<128x32xf32, #tpu.memory_space<hbm>>
      tpu.enqueue_dma source(%dma_start3A_124 : memref<128x32xf32, #tpu.memory_space<hbm>>) target(%arg19 : memref<128x32xf32, #tpu.memory_space<vmem>>) target_semaphore(%run_scoped3A : memref<!tpu.dma_semaphore, #tpu.memory_space<semaphore_mem>>)
      %dma_wait3A_125 = arith.constant 0 : i32
      %dma_wait3A_126 = tpu.memref_slice %arg2[%arg0, %add3A_87, %dma_wait3A_125] : memref<2x10240x32xf32, #tpu.memory_space<hbm>> -> memref<1x128x32xf32, #tpu.memory_space<hbm>>
      %dma_wait3A_127 = tpu.memref_squeeze %dma_wait3A_126 : memref<1x128x32xf32, #tpu.memory_space<hbm>> -> memref<128x32xf32, #tpu.memory_space<hbm>>
      %dma_wait3A_128 = arith.constant 0 : i32
      %dma_wait3A_129 = tpu.memref_slice %arg2[%arg0, %add3A_87, %dma_wait3A_128] : memref<2x10240x32xf32, #tpu.memory_space<hbm>> -> memref<1x128x32xf32, #tpu.memory_space<hbm>>
      %dma_wait3A_130 = tpu.memref_squeeze %dma_wait3A_129 : memref<1x128x32xf32, #tpu.memory_space<hbm>> -> memref<128x32xf32, #tpu.memory_space<hbm>>
      tpu.wait_dma2 semaphore(%run_scoped3A : memref<!tpu.dma_semaphore, #tpu.memory_space<semaphore_mem>>) src(%dma_wait3A_130 : memref<128x32xf32, #tpu.memory_space<hbm>>) dst(%arg19 : memref<128x32xf32, #tpu.memory_space<vmem>>)
      tpu.yield
    }) : () -> ()
    "tpu.region"() ({
      %run_scoped3A = tpu.sem_alloc : memref<!tpu.dma_semaphore, #tpu.memory_space<semaphore_mem>>
      %dma_start3A_119 = arith.constant 0 : i32
      %dma_start3A_120 = tpu.memref_slice %arg4[%add3A_87, %dma_start3A_119] : memref<10240x32xf32, #tpu.memory_space<hbm>> -> memref<128x32xf32, #tpu.memory_space<hbm>>
      %dma_start3A_121 = arith.constant 0 : i32
      %dma_start3A_122 = tpu.memref_slice %arg4[%add3A_87, %dma_start3A_121] : memref<10240x32xf32, #tpu.memory_space<hbm>> -> memref<128x32xf32, #tpu.memory_space<hbm>>
      tpu.enqueue_dma source(%dma_start3A_122 : memref<128x32xf32, #tpu.memory_space<hbm>>) target(%arg20 : memref<128x32xf32, #tpu.memory_space<vmem>>) target_semaphore(%run_scoped3A : memref<!tpu.dma_semaphore, #tpu.memory_space<semaphore_mem>>)
      %dma_wait3A_123 = arith.constant 0 : i32
      %dma_wait3A_124 = tpu.memref_slice %arg4[%add3A_87, %dma_wait3A_123] : memref<10240x32xf32, #tpu.memory_space<hbm>> -> memref<128x32xf32, #tpu.memory_space<hbm>>
      %dma_wait3A_125 = arith.constant 0 : i32
      %dma_wait3A_126 = tpu.memref_slice %arg4[%add3A_87, %dma_wait3A_125] : memref<10240x32xf32, #tpu.memory_space<hbm>> -> memref<128x32xf32, #tpu.memory_space<hbm>>
      tpu.wait_dma2 semaphore(%run_scoped3A : memref<!tpu.dma_semaphore, #tpu.memory_space<semaphore_mem>>) src(%dma_wait3A_126 : memref<128x32xf32, #tpu.memory_space<hbm>>) dst(%arg20 : memref<128x32xf32, #tpu.memory_space<vmem>>)
      tpu.yield
    }) : () -> ()
    %scan3A_88 = arith.constant 0 : i32
    %scan3A_89 = arith.constant 0 : i32
    %scan3A_90 = arith.constant 128 : i32
    %scan3A_91 = arith.addi %scan3A_89, %scan3A_90 : i32
    %scan3A_92 = arith.constant 1 : i32
    scf.for %scan3A_119 = %scan3A_89 to %scan3A_91 step %scan3A_92  : i32 {
      %get3A = arith.index_cast %scan3A_119 : i32 to index
      %get3A_120 = arith.constant 0 : index
      %get3A_121 = tpu.vector_load %arg20[%get3A, %get3A_120] {strides = array<i32>} : memref<128x32xf32, #tpu.memory_space<vmem>>, vector<1x16xf32>,
      %get3A_122 = vector.shape_cast %get3A_121 : vector<1x16xf32> to vector<16xf32>
      %get3A_123 = arith.index_cast %scan3A_119 : i32 to index
      %get3A_124 = arith.constant 0 : index
      %get3A_125 = tpu.vector_load %arg18[%get3A_123, %get3A_124] {strides = array<i32>} : memref<128x32xf32, #tpu.memory_space<vmem>>, vector<1x16xf32>,
      %get3A_126 = vector.shape_cast %get3A_125 : vector<1x16xf32> to vector<16xf32>
      %get3A_127 = arith.index_cast %scan3A_119 : i32 to index
      %get3A_128 = arith.constant 0 : index
      %get3A_129 = tpu.vector_load %arg19[%get3A_127, %get3A_128] {strides = array<i32>} : memref<128x32xf32, #tpu.memory_space<vmem>>, vector<1x16xf32>,
      %get3A_130 = vector.shape_cast %get3A_129 : vector<1x16xf32> to vector<16xf32>
      %add3A_131 = arith.addf %get3A_126, %get3A_130 : vector<16xf32>
      %mul3A_132 = arith.mulf %add3A_131, %get3A_122 : vector<16xf32>
      %get3A_133 = arith.constant 0 : index
      %get3A_134 = tpu.vector_load %arg21[%get3A_133] {strides = array<i32>} : memref<32xf32, #tpu.memory_space<vmem>>, vector<16xf32>,
      %get3A_135 = vector.shape_cast %get3A_134 : vector<16xf32> to vector<16xf32>
      %add3A_136 = arith.addf %mul3A_132, %get3A_135 : vector<16xf32>
      %max3A = arith.constant 0.000000e+00 : f32
      %max3A_137 = vector.broadcast %max3A : f32 to vector<16xf32>
      %max3A_138 = arith.maximumf %add3A_136, %max3A_137 : vector<16xf32>
      %mul3A_139 = arith.mulf %max3A_138, %get3A_122 : vector<16xf32>
      %swap3A = arith.index_cast %scan3A_119 : i32 to index
      %swap3A_140 = arith.constant 0 : index
      %swap3A_141 = tpu.vector_load %arg18[%swap3A, %swap3A_140] {strides = array<i32>} : memref<128x32xf32, #tpu.memory_space<vmem>>, vector<1x16xf32>,
      %swap3A_142 = vector.shape_cast %swap3A_141 : vector<1x16xf32> to vector<16xf32>
      %swap3A_143 = vector.shape_cast %mul3A_139 : vector<16xf32> to vector<1x16xf32>
      tpu.vector_store %arg18[%swap3A, %swap3A_140], %swap3A_143 {strides = array<i32>} : memref<128x32xf32, #tpu.memory_space<vmem>>, vector<1x16xf32>,
      %get3A_144 = arith.index_cast %scan3A_119 : i32 to index
      %get3A_145 = arith.constant 16 : index
      %get3A_146 = tpu.vector_load %arg20[%get3A_144, %get3A_145] {strides = array<i32>} : memref<128x32xf32, #tpu.memory_space<vmem>>, vector<1x16xf32>,
      %get3A_147 = vector.shape_cast %get3A_146 : vector<1x16xf32> to vector<16xf32>
      %get3A_148 = arith.index_cast %scan3A_119 : i32 to index
      %get3A_149 = arith.constant 16 : index
      %get3A_150 = tpu.vector_load %arg18[%get3A_148, %get3A_149] {strides = array<i32>} : memref<128x32xf32, #tpu.memory_space<vmem>>, vector<1x16xf32>,
      %get3A_151 = vector.shape_cast %get3A_150 : vector<1x16xf32> to vector<16xf32>
      %get3A_152 = arith.index_cast %scan3A_119 : i32 to index
      %get3A_153 = arith.constant 16 : index
      %get3A_154 = tpu.vector_load %arg19[%get3A_152, %get3A_153] {strides = array<i32>} : memref<128x32xf32, #tpu.memory_space<vmem>>, vector<1x16xf32>,
      %get3A_155 = vector.shape_cast %get3A_154 : vector<1x16xf32> to vector<16xf32>
      %add3A_156 = arith.addf %get3A_151, %get3A_155 : vector<16xf32>
      %mul3A_157 = arith.mulf %add3A_156, %get3A_147 : vector<16xf32>
      %get3A_158 = arith.constant 16 : index
      %get3A_159 = tpu.vector_load %arg21[%get3A_158] {strides = array<i32>} : memref<32xf32, #tpu.memory_space<vmem>>, vector<16xf32>,
      %get3A_160 = vector.shape_cast %get3A_159 : vector<16xf32> to vector<16xf32>
      %add3A_161 = arith.addf %mul3A_157, %get3A_160 : vector<16xf32>
      %max3A_162 = arith.constant 0.000000e+00 : f32
      %max3A_163 = vector.broadcast %max3A_162 : f32 to vector<16xf32>
      %max3A_164 = arith.maximumf %add3A_161, %max3A_163 : vector<16xf32>
      %mul3A_165 = arith.mulf %max3A_164, %get3A_147 : vector<16xf32>
      %swap3A_166 = arith.index_cast %scan3A_119 : i32 to index
      %swap3A_167 = arith.constant 16 : index
      %swap3A_168 = tpu.vector_load %arg18[%swap3A_166, %swap3A_167] {strides = array<i32>} : memref<128x32xf32, #tpu.memory_space<vmem>>, vector<1x16xf32>,
      %swap3A_169 = vector.shape_cast %swap3A_168 : vector<1x16xf32> to vector<16xf32>
      %swap3A_170 = vector.shape_cast %mul3A_165 : vector<16xf32> to vector<1x16xf32>
      tpu.vector_store %arg18[%swap3A_166, %swap3A_167], %swap3A_170 {strides = array<i32>} : memref<128x32xf32, #tpu.memory_space<vmem>>, vector<1x16xf32>,
    }
    %scan3A_93 = arith.constant 128 : i32
    "tpu.region"() ({
      %run_scoped3A = tpu.sem_alloc : memref<!tpu.dma_semaphore, #tpu.memory_space<semaphore_mem>>
      %dma_start3A_119 = arith.constant 0 : i32
      %dma_start3A_120 = tpu.memref_slice %arg6[%arg0, %add3A_87, %dma_start3A_119] : memref<2x10240x32xf32, #tpu.memory_space<hbm>> -> memref<1x128x32xf32, #tpu.memory_space<hbm>>
      %dma_start3A_121 = tpu.memref_squeeze %dma_start3A_120 : memref<1x128x32xf32, #tpu.memory_space<hbm>> -> memref<128x32xf32, #tpu.memory_space<hbm>>
      %dma_start3A_122 = arith.constant 0 : i32
      %dma_start3A_123 = tpu.memref_slice %arg6[%arg0, %add3A_87, %dma_start3A_122] : memref<2x10240x32xf32, #tpu.memory_space<hbm>> -> memref<1x128x32xf32, #tpu.memory_space<hbm>>
      %dma_start3A_124 = tpu.memref_squeeze %dma_start3A_123 : memref<1x128x32xf32, #tpu.memory_space<hbm>> -> memref<128x32xf32, #tpu.memory_space<hbm>>
      tpu.enqueue_dma source(%arg18 : memref<128x32xf32, #tpu.memory_space<vmem>>) target(%dma_start3A_124 : memref<128x32xf32, #tpu.memory_space<hbm>>) target_semaphore(%run_scoped3A : memref<!tpu.dma_semaphore, #tpu.memory_space<semaphore_mem>>)
      %dma_wait3A_125 = arith.constant 0 : i32
      %dma_wait3A_126 = tpu.memref_slice %arg6[%arg0, %add3A_87, %dma_wait3A_125] : memref<2x10240x32xf32, #tpu.memory_space<hbm>> -> memref<1x128x32xf32, #tpu.memory_space<hbm>>
      %dma_wait3A_127 = tpu.memref_squeeze %dma_wait3A_126 : memref<1x128x32xf32, #tpu.memory_space<hbm>> -> memref<128x32xf32, #tpu.memory_space<hbm>>
      %dma_wait3A_128 = arith.constant 0 : i32
      %dma_wait3A_129 = tpu.memref_slice %arg6[%arg0, %add3A_87, %dma_wait3A_128] : memref<2x10240x32xf32, #tpu.memory_space<hbm>> -> memref<1x128x32xf32, #tpu.memory_space<hbm>>
      %dma_wait3A_130 = tpu.memref_squeeze %dma_wait3A_129 : memref<1x128x32xf32, #tpu.memory_space<hbm>> -> memref<128x32xf32, #tpu.memory_space<hbm>>
      tpu.wait_dma2 semaphore(%run_scoped3A : memref<!tpu.dma_semaphore, #tpu.memory_space<semaphore_mem>>) src(%arg18 : memref<128x32xf32, #tpu.memory_space<vmem>>) dst(%dma_wait3A_130 : memref<128x32xf32, #tpu.memory_space<hbm>>)
      tpu.yield
    }) : () -> ()
    %barrier3A_94 = arith.constant 0 : index
    tpu.barrier barrier_id(%barrier3A_94)
    %scan3A_95 = arith.constant 0 : i32
    %scan3A_96 = arith.constant 0 : i32
    %scan3A_97 = arith.constant 128 : i32
    %scan3A_98 = arith.addi %scan3A_96, %scan3A_97 : i32
    %scan3A_99 = arith.constant 1 : i32
    scf.for %scan3A_119 = %scan3A_96 to %scan3A_98 step %scan3A_99  : i32 {
      %broadcast_in_dim3A = arith.constant 0.000000e+00 : f32
      %broadcast_in_dim3A_120 = vector.broadcast %broadcast_in_dim3A : f32 to vector<16xf32>
      %swap3A = arith.index_cast %scan3A_119 : i32 to index
      %swap3A_121 = arith.constant 0 : index
      %swap3A_122 = tpu.vector_load %arg10[%swap3A, %swap3A_121] {strides = array<i32>} : memref<128x32xf32, #tpu.memory_space<vmem>>, vector<1x16xf32>,
      %swap3A_123 = vector.shape_cast %swap3A_122 : vector<1x16xf32> to vector<16xf32>
      %swap3A_124 = vector.shape_cast %broadcast_in_dim3A_120 : vector<16xf32> to vector<1x16xf32>
      tpu.vector_store %arg10[%swap3A, %swap3A_121], %swap3A_124 {strides = array<i32>} : memref<128x32xf32, #tpu.memory_space<vmem>>, vector<1x16xf32>,
      %broadcast_in_dim3A_125 = arith.constant 0.000000e+00 : f32
      %broadcast_in_dim3A_126 = vector.broadcast %broadcast_in_dim3A_125 : f32 to vector<16xf32>
      %swap3A_127 = arith.index_cast %scan3A_119 : i32 to index
      %swap3A_128 = arith.constant 16 : index
      %swap3A_129 = tpu.vector_load %arg10[%swap3A_127, %swap3A_128] {strides = array<i32>} : memref<128x32xf32, #tpu.memory_space<vmem>>, vector<1x16xf32>,
      %swap3A_130 = vector.shape_cast %swap3A_129 : vector<1x16xf32> to vector<16xf32>
      %swap3A_131 = vector.shape_cast %broadcast_in_dim3A_126 : vector<16xf32> to vector<1x16xf32>
      tpu.vector_store %arg10[%swap3A_127, %swap3A_128], %swap3A_131 {strides = array<i32>} : memref<128x32xf32, #tpu.memory_space<vmem>>, vector<1x16xf32>,
    }
    %scan3A_100 = arith.constant 128 : i32
    %add3A_101 = arith.constant 0 : i32
    %add3A_102 = arith.addi %mul3A_0, %add3A_101 : i32
    "tpu.region"() ({
      %run_scoped3A = tpu.sem_alloc : memref<!tpu.dma_semaphore, #tpu.memory_space<semaphore_mem>>
      %dma_start3A_119 = arith.constant 0 : i32
      %dma_start3A_120 = tpu.memref_slice %arg22[%add3A_102, %dma_start3A_119] : memref<10240x32xf32, #tpu.memory_space<vmem_shared>> -> memref<128x32xf32, #tpu.memory_space<vmem_shared>>
      %dma_start3A_121 = arith.constant 0 : i32
      %dma_start3A_122 = tpu.memref_slice %arg22[%add3A_102, %dma_start3A_121] : memref<10240x32xf32, #tpu.memory_space<vmem_shared>> -> memref<128x32xf32, #tpu.memory_space<vmem_shared>>
      tpu.enqueue_dma source(%arg10 : memref<128x32xf32, #tpu.memory_space<vmem>>) target(%dma_start3A_122 : memref<128x32xf32, #tpu.memory_space<vmem_shared>>) target_semaphore(%run_scoped3A : memref<!tpu.dma_semaphore, #tpu.memory_space<semaphore_mem>>)
      %dma_wait3A_123 = arith.constant 0 : i32
      %dma_wait3A_124 = tpu.memref_slice %arg22[%add3A_102, %dma_wait3A_123] : memref<10240x32xf32, #tpu.memory_space<vmem_shared>> -> memref<128x32xf32, #tpu.memory_space<vmem_shared>>
      %dma_wait3A_125 = arith.constant 0 : i32
      %dma_wait3A_126 = tpu.memref_slice %arg22[%add3A_102, %dma_wait3A_125] : memref<10240x32xf32, #tpu.memory_space<vmem_shared>> -> memref<128x32xf32, #tpu.memory_space<vmem_shared>>
      tpu.wait_dma2 semaphore(%run_scoped3A : memref<!tpu.dma_semaphore, #tpu.memory_space<semaphore_mem>>) src(%arg10 : memref<128x32xf32, #tpu.memory_space<vmem>>) dst(%dma_wait3A_126 : memref<128x32xf32, #tpu.memory_space<vmem_shared>>)
      tpu.yield
    }) : () -> ()
    %add3A_103 = arith.constant 128 : i32
    %add3A_104 = arith.addi %mul3A_0, %add3A_103 : i32
    "tpu.region"() ({
      %run_scoped3A = tpu.sem_alloc : memref<!tpu.dma_semaphore, #tpu.memory_space<semaphore_mem>>
      %dma_start3A_119 = arith.constant 0 : i32
      %dma_start3A_120 = tpu.memref_slice %arg22[%add3A_104, %dma_start3A_119] : memref<10240x32xf32, #tpu.memory_space<vmem_shared>> -> memref<128x32xf32, #tpu.memory_space<vmem_shared>>
      %dma_start3A_121 = arith.constant 0 : i32
      %dma_start3A_122 = tpu.memref_slice %arg22[%add3A_104, %dma_start3A_121] : memref<10240x32xf32, #tpu.memory_space<vmem_shared>> -> memref<128x32xf32, #tpu.memory_space<vmem_shared>>
      tpu.enqueue_dma source(%arg10 : memref<128x32xf32, #tpu.memory_space<vmem>>) target(%dma_start3A_122 : memref<128x32xf32, #tpu.memory_space<vmem_shared>>) target_semaphore(%run_scoped3A : memref<!tpu.dma_semaphore, #tpu.memory_space<semaphore_mem>>)
      %dma_wait3A_123 = arith.constant 0 : i32
      %dma_wait3A_124 = tpu.memref_slice %arg22[%add3A_104, %dma_wait3A_123] : memref<10240x32xf32, #tpu.memory_space<vmem_shared>> -> memref<128x32xf32, #tpu.memory_space<vmem_shared>>
      %dma_wait3A_125 = arith.constant 0 : i32
      %dma_wait3A_126 = tpu.memref_slice %arg22[%add3A_104, %dma_wait3A_125] : memref<10240x32xf32, #tpu.memory_space<vmem_shared>> -> memref<128x32xf32, #tpu.memory_space<vmem_shared>>
      tpu.wait_dma2 semaphore(%run_scoped3A : memref<!tpu.dma_semaphore, #tpu.memory_space<semaphore_mem>>) src(%arg10 : memref<128x32xf32, #tpu.memory_space<vmem>>) dst(%dma_wait3A_126 : memref<128x32xf32, #tpu.memory_space<vmem_shared>>)
      tpu.yield
    }) : () -> ()
    %add3A_105 = arith.constant 256 : i32
    %add3A_106 = arith.addi %mul3A_0, %add3A_105 : i32
    "tpu.region"() ({
      %run_scoped3A = tpu.sem_alloc : memref<!tpu.dma_semaphore, #tpu.memory_space<semaphore_mem>>
      %dma_start3A_119 = arith.constant 0 : i32
      %dma_start3A_120 = tpu.memref_slice %arg22[%add3A_106, %dma_start3A_119] : memref<10240x32xf32, #tpu.memory_space<vmem_shared>> -> memref<128x32xf32, #tpu.memory_space<vmem_shared>>
      %dma_start3A_121 = arith.constant 0 : i32
      %dma_start3A_122 = tpu.memref_slice %arg22[%add3A_106, %dma_start3A_121] : memref<10240x32xf32, #tpu.memory_space<vmem_shared>> -> memref<128x32xf32, #tpu.memory_space<vmem_shared>>
      tpu.enqueue_dma source(%arg10 : memref<128x32xf32, #tpu.memory_space<vmem>>) target(%dma_start3A_122 : memref<128x32xf32, #tpu.memory_space<vmem_shared>>) target_semaphore(%run_scoped3A : memref<!tpu.dma_semaphore, #tpu.memory_space<semaphore_mem>>)
      %dma_wait3A_123 = arith.constant 0 : i32
      %dma_wait3A_124 = tpu.memref_slice %arg22[%add3A_106, %dma_wait3A_123] : memref<10240x32xf32, #tpu.memory_space<vmem_shared>> -> memref<128x32xf32, #tpu.memory_space<vmem_shared>>
      %dma_wait3A_125 = arith.constant 0 : i32
      %dma_wait3A_126 = tpu.memref_slice %arg22[%add3A_106, %dma_wait3A_125] : memref<10240x32xf32, #tpu.memory_space<vmem_shared>> -> memref<128x32xf32, #tpu.memory_space<vmem_shared>>
      tpu.wait_dma2 semaphore(%run_scoped3A : memref<!tpu.dma_semaphore, #tpu.memory_space<semaphore_mem>>) src(%arg10 : memref<128x32xf32, #tpu.memory_space<vmem>>) dst(%dma_wait3A_126 : memref<128x32xf32, #tpu.memory_space<vmem_shared>>)
      tpu.yield
    }) : () -> ()
    %add3A_107 = arith.constant 384 : i32
    %add3A_108 = arith.addi %mul3A_0, %add3A_107 : i32
    "tpu.region"() ({
      %run_scoped3A = tpu.sem_alloc : memref<!tpu.dma_semaphore, #tpu.memory_space<semaphore_mem>>
      %dma_start3A_119 = arith.constant 0 : i32
      %dma_start3A_120 = tpu.memref_slice %arg22[%add3A_108, %dma_start3A_119] : memref<10240x32xf32, #tpu.memory_space<vmem_shared>> -> memref<128x32xf32, #tpu.memory_space<vmem_shared>>
      %dma_start3A_121 = arith.constant 0 : i32
      %dma_start3A_122 = tpu.memref_slice %arg22[%add3A_108, %dma_start3A_121] : memref<10240x32xf32, #tpu.memory_space<vmem_shared>> -> memref<128x32xf32, #tpu.memory_space<vmem_shared>>
      tpu.enqueue_dma source(%arg10 : memref<128x32xf32, #tpu.memory_space<vmem>>) target(%dma_start3A_122 : memref<128x32xf32, #tpu.memory_space<vmem_shared>>) target_semaphore(%run_scoped3A : memref<!tpu.dma_semaphore, #tpu.memory_space<semaphore_mem>>)
      %dma_wait3A_123 = arith.constant 0 : i32
      %dma_wait3A_124 = tpu.memref_slice %arg22[%add3A_108, %dma_wait3A_123] : memref<10240x32xf32, #tpu.memory_space<vmem_shared>> -> memref<128x32xf32, #tpu.memory_space<vmem_shared>>
      %dma_wait3A_125 = arith.constant 0 : i32
      %dma_wait3A_126 = tpu.memref_slice %arg22[%add3A_108, %dma_wait3A_125] : memref<10240x32xf32, #tpu.memory_space<vmem_shared>> -> memref<128x32xf32, #tpu.memory_space<vmem_shared>>
      tpu.wait_dma2 semaphore(%run_scoped3A : memref<!tpu.dma_semaphore, #tpu.memory_space<semaphore_mem>>) src(%arg10 : memref<128x32xf32, #tpu.memory_space<vmem>>) dst(%dma_wait3A_126 : memref<128x32xf32, #tpu.memory_space<vmem_shared>>)
      tpu.yield
    }) : () -> ()
    %add3A_109 = arith.constant 512 : i32
    %add3A_110 = arith.addi %mul3A_0, %add3A_109 : i32
    "tpu.region"() ({
      %run_scoped3A = tpu.sem_alloc : memref<!tpu.dma_semaphore, #tpu.memory_space<semaphore_mem>>
      %dma_start3A_119 = arith.constant 0 : i32
      %dma_start3A_120 = tpu.memref_slice %arg22[%add3A_110, %dma_start3A_119] : memref<10240x32xf32, #tpu.memory_space<vmem_shared>> -> memref<128x32xf32, #tpu.memory_space<vmem_shared>>
      %dma_start3A_121 = arith.constant 0 : i32
      %dma_start3A_122 = tpu.memref_slice %arg22[%add3A_110, %dma_start3A_121] : memref<10240x32xf32, #tpu.memory_space<vmem_shared>> -> memref<128x32xf32, #tpu.memory_space<vmem_shared>>
      tpu.enqueue_dma source(%arg10 : memref<128x32xf32, #tpu.memory_space<vmem>>) target(%dma_start3A_122 : memref<128x32xf32, #tpu.memory_space<vmem_shared>>) target_semaphore(%run_scoped3A : memref<!tpu.dma_semaphore, #tpu.memory_space<semaphore_mem>>)
      %dma_wait3A_123 = arith.constant 0 : i32
      %dma_wait3A_124 = tpu.memref_slice %arg22[%add3A_110, %dma_wait3A_123] : memref<10240x32xf32, #tpu.memory_space<vmem_shared>> -> memref<128x32xf32, #tpu.memory_space<vmem_shared>>
      %dma_wait3A_125 = arith.constant 0 : i32
      %dma_wait3A_126 = tpu.memref_slice %arg22[%add3A_110, %dma_wait3A_125] : memref<10240x32xf32, #tpu.memory_space<vmem_shared>> -> memref<128x32xf32, #tpu.memory_space<vmem_shared>>
      tpu.wait_dma2 semaphore(%run_scoped3A : memref<!tpu.dma_semaphore, #tpu.memory_space<semaphore_mem>>) src(%arg10 : memref<128x32xf32, #tpu.memory_space<vmem>>) dst(%dma_wait3A_126 : memref<128x32xf32, #tpu.memory_space<vmem_shared>>)
      tpu.yield
    }) : () -> ()
    %barrier3A_111 = arith.constant 0 : index
    tpu.barrier barrier_id(%barrier3A_111)
    %scan3A_112 = arith.constant 0 : i32
    %scan3A_113 = arith.constant 0 : i32
    %scan3A_114 = arith.constant 20 : i32
    %scan3A_115 = arith.addi %scan3A_113, %scan3A_114 : i32
    %scan3A_116 = arith.constant 1 : i32
    scf.for %scan3A_119 = %scan3A_113 to %scan3A_115 step %scan3A_116  : i32 {
      %mul3A_120 = arith.constant 8 : i32
      %mul3A_121 = arith.muli %scan3A_119, %mul3A_120 : i32
      %add3A_122 = arith.constant 0 : i32
      %add3A_123 = arith.addi %mul3A_121, %add3A_122 : i32
      %dma_start3A_124 = arith.constant 0 : i32
      %dma_start3A_125 = tpu.memref_slice %arg8[%add3A_123, %dma_start3A_124] : memref<160x128xi32, #tpu.memory_space<vmem>> -> memref<1x128xi32, #tpu.memory_space<vmem>>
      %dma_start3A_126 = tpu.memref_squeeze %dma_start3A_125 : memref<1x128xi32, #tpu.memory_space<vmem>> -> memref<128xi32, #tpu.memory_space<vmem>>
      %dma_start3A_127 = arith.constant 0 : i32
      %dma_start3A_128 = arith.constant 0 : i32
      %dma_start3A_129 = tpu.memref_slice %arg6[%arg0, %dma_start3A_127, %dma_start3A_128] : memref<2x10240x32xf32, #tpu.memory_space<hbm>> -> memref<1x10240x32xf32, #tpu.memory_space<hbm>>
      %dma_start3A_130 = tpu.memref_squeeze %dma_start3A_129 : memref<1x10240x32xf32, #tpu.memory_space<hbm>> -> memref<10240x32xf32, #tpu.memory_space<hbm>>
      %dma_start3A_131 = arith.constant 0 : i32
      %dma_start3A_132 = arith.constant 0 : i32
      %dma_start3A_133 = tpu.memref_slice %dma_start3A_130[%dma_start3A_131, %dma_start3A_132] : memref<10240x32xf32, #tpu.memory_space<hbm>> -> memref<10240x32xf32, #tpu.memory_space<hbm>>
      tpu.enqueue_indirect_dma source(%dma_start3A_133 : memref<10240x32xf32, #tpu.memory_space<hbm>>) target(%arg10 : memref<128x32xf32, #tpu.memory_space<vmem>>) offsets(%dma_start3A_126 : memref<128xi32, #tpu.memory_space<vmem>>) semaphore(%arg24 : memref<!tpu.dma_semaphore, #tpu.memory_space<semaphore_mem>>)
      %mul3A_134 = arith.constant 8 : i32
      %mul3A_135 = arith.muli %scan3A_119, %mul3A_134 : i32
      %add3A_136 = arith.constant 1 : i32
      %add3A_137 = arith.addi %mul3A_135, %add3A_136 : i32
      %dma_start3A_138 = arith.constant 0 : i32
      %dma_start3A_139 = tpu.memref_slice %arg8[%add3A_137, %dma_start3A_138] : memref<160x128xi32, #tpu.memory_space<vmem>> -> memref<1x128xi32, #tpu.memory_space<vmem>>
      %dma_start3A_140 = tpu.memref_squeeze %dma_start3A_139 : memref<1x128xi32, #tpu.memory_space<vmem>> -> memref<128xi32, #tpu.memory_space<vmem>>
      %dma_start3A_141 = arith.constant 0 : i32
      %dma_start3A_142 = arith.constant 0 : i32
      %dma_start3A_143 = tpu.memref_slice %arg6[%arg0, %dma_start3A_141, %dma_start3A_142] : memref<2x10240x32xf32, #tpu.memory_space<hbm>> -> memref<1x10240x32xf32, #tpu.memory_space<hbm>>
      %dma_start3A_144 = tpu.memref_squeeze %dma_start3A_143 : memref<1x10240x32xf32, #tpu.memory_space<hbm>> -> memref<10240x32xf32, #tpu.memory_space<hbm>>
      %dma_start3A_145 = arith.constant 0 : i32
      %dma_start3A_146 = arith.constant 0 : i32
      %dma_start3A_147 = tpu.memref_slice %dma_start3A_144[%dma_start3A_145, %dma_start3A_146] : memref<10240x32xf32, #tpu.memory_space<hbm>> -> memref<10240x32xf32, #tpu.memory_space<hbm>>
      tpu.enqueue_indirect_dma source(%dma_start3A_147 : memref<10240x32xf32, #tpu.memory_space<hbm>>) target(%arg11 : memref<128x32xf32, #tpu.memory_space<vmem>>) offsets(%dma_start3A_140 : memref<128xi32, #tpu.memory_space<vmem>>) semaphore(%arg24 : memref<!tpu.dma_semaphore, #tpu.memory_space<semaphore_mem>>)
      %mul3A_148 = arith.constant 8 : i32
      %mul3A_149 = arith.muli %scan3A_119, %mul3A_148 : i32
      %add3A_150 = arith.constant 2 : i32
      %add3A_151 = arith.addi %mul3A_149, %add3A_150 : i32
      %dma_start3A_152 = arith.constant 0 : i32
      %dma_start3A_153 = tpu.memref_slice %arg8[%add3A_151, %dma_start3A_152] : memref<160x128xi32, #tpu.memory_space<vmem>> -> memref<1x128xi32, #tpu.memory_space<vmem>>
      %dma_start3A_154 = tpu.memref_squeeze %dma_start3A_153 : memref<1x128xi32, #tpu.memory_space<vmem>> -> memref<128xi32, #tpu.memory_space<vmem>>
      %dma_start3A_155 = arith.constant 0 : i32
      %dma_start3A_156 = arith.constant 0 : i32
      %dma_start3A_157 = tpu.memref_slice %arg6[%arg0, %dma_start3A_155, %dma_start3A_156] : memref<2x10240x32xf32, #tpu.memory_space<hbm>> -> memref<1x10240x32xf32, #tpu.memory_space<hbm>>
      %dma_start3A_158 = tpu.memref_squeeze %dma_start3A_157 : memref<1x10240x32xf32, #tpu.memory_space<hbm>> -> memref<10240x32xf32, #tpu.memory_space<hbm>>
      %dma_start3A_159 = arith.constant 0 : i32
      %dma_start3A_160 = arith.constant 0 : i32
      %dma_start3A_161 = tpu.memref_slice %dma_start3A_158[%dma_start3A_159, %dma_start3A_160] : memref<10240x32xf32, #tpu.memory_space<hbm>> -> memref<10240x32xf32, #tpu.memory_space<hbm>>
      tpu.enqueue_indirect_dma source(%dma_start3A_161 : memref<10240x32xf32, #tpu.memory_space<hbm>>) target(%arg12 : memref<128x32xf32, #tpu.memory_space<vmem>>) offsets(%dma_start3A_154 : memref<128xi32, #tpu.memory_space<vmem>>) semaphore(%arg24 : memref<!tpu.dma_semaphore, #tpu.memory_space<semaphore_mem>>)
      %mul3A_162 = arith.constant 8 : i32
      %mul3A_163 = arith.muli %scan3A_119, %mul3A_162 : i32
      %add3A_164 = arith.constant 3 : i32
      %add3A_165 = arith.addi %mul3A_163, %add3A_164 : i32
      %dma_start3A_166 = arith.constant 0 : i32
      %dma_start3A_167 = tpu.memref_slice %arg8[%add3A_165, %dma_start3A_166] : memref<160x128xi32, #tpu.memory_space<vmem>> -> memref<1x128xi32, #tpu.memory_space<vmem>>
      %dma_start3A_168 = tpu.memref_squeeze %dma_start3A_167 : memref<1x128xi32, #tpu.memory_space<vmem>> -> memref<128xi32, #tpu.memory_space<vmem>>
      %dma_start3A_169 = arith.constant 0 : i32
      %dma_start3A_170 = arith.constant 0 : i32
      %dma_start3A_171 = tpu.memref_slice %arg6[%arg0, %dma_start3A_169, %dma_start3A_170] : memref<2x10240x32xf32, #tpu.memory_space<hbm>> -> memref<1x10240x32xf32, #tpu.memory_space<hbm>>
      %dma_start3A_172 = tpu.memref_squeeze %dma_start3A_171 : memref<1x10240x32xf32, #tpu.memory_space<hbm>> -> memref<10240x32xf32, #tpu.memory_space<hbm>>
      %dma_start3A_173 = arith.constant 0 : i32
      %dma_start3A_174 = arith.constant 0 : i32
      %dma_start3A_175 = tpu.memref_slice %dma_start3A_172[%dma_start3A_173, %dma_start3A_174] : memref<10240x32xf32, #tpu.memory_space<hbm>> -> memref<10240x32xf32, #tpu.memory_space<hbm>>
      tpu.enqueue_indirect_dma source(%dma_start3A_175 : memref<10240x32xf32, #tpu.memory_space<hbm>>) target(%arg13 : memref<128x32xf32, #tpu.memory_space<vmem>>) offsets(%dma_start3A_168 : memref<128xi32, #tpu.memory_space<vmem>>) semaphore(%arg24 : memref<!tpu.dma_semaphore, #tpu.memory_space<semaphore_mem>>)
      %mul3A_176 = arith.constant 8 : i32
      %mul3A_177 = arith.muli %scan3A_119, %mul3A_176 : i32
      %add3A_178 = arith.constant 4 : i32
      %add3A_179 = arith.addi %mul3A_177, %add3A_178 : i32
      %dma_start3A_180 = arith.constant 0 : i32
      %dma_start3A_181 = tpu.memref_slice %arg8[%add3A_179, %dma_start3A_180] : memref<160x128xi32, #tpu.memory_space<vmem>> -> memref<1x128xi32, #tpu.memory_space<vmem>>
      %dma_start3A_182 = tpu.memref_squeeze %dma_start3A_181 : memref<1x128xi32, #tpu.memory_space<vmem>> -> memref<128xi32, #tpu.memory_space<vmem>>
      %dma_start3A_183 = arith.constant 0 : i32
      %dma_start3A_184 = arith.constant 0 : i32
      %dma_start3A_185 = tpu.memref_slice %arg6[%arg0, %dma_start3A_183, %dma_start3A_184] : memref<2x10240x32xf32, #tpu.memory_space<hbm>> -> memref<1x10240x32xf32, #tpu.memory_space<hbm>>
      %dma_start3A_186 = tpu.memref_squeeze %dma_start3A_185 : memref<1x10240x32xf32, #tpu.memory_space<hbm>> -> memref<10240x32xf32, #tpu.memory_space<hbm>>
      %dma_start3A_187 = arith.constant 0 : i32
      %dma_start3A_188 = arith.constant 0 : i32
      %dma_start3A_189 = tpu.memref_slice %dma_start3A_186[%dma_start3A_187, %dma_start3A_188] : memref<10240x32xf32, #tpu.memory_space<hbm>> -> memref<10240x32xf32, #tpu.memory_space<hbm>>
      tpu.enqueue_indirect_dma source(%dma_start3A_189 : memref<10240x32xf32, #tpu.memory_space<hbm>>) target(%arg14 : memref<128x32xf32, #tpu.memory_space<vmem>>) offsets(%dma_start3A_182 : memref<128xi32, #tpu.memory_space<vmem>>) semaphore(%arg24 : memref<!tpu.dma_semaphore, #tpu.memory_space<semaphore_mem>>)
      %mul3A_190 = arith.constant 8 : i32
      %mul3A_191 = arith.muli %scan3A_119, %mul3A_190 : i32
      %add3A_192 = arith.constant 5 : i32
      %add3A_193 = arith.addi %mul3A_191, %add3A_192 : i32
      %dma_start3A_194 = arith.constant 0 : i32
      %dma_start3A_195 = tpu.memref_slice %arg8[%add3A_193, %dma_start3A_194] : memref<160x128xi32, #tpu.memory_space<vmem>> -> memref<1x128xi32, #tpu.memory_space<vmem>>
      %dma_start3A_196 = tpu.memref_squeeze %dma_start3A_195 : memref<1x128xi32, #tpu.memory_space<vmem>> -> memref<128xi32, #tpu.memory_space<vmem>>
      %dma_start3A_197 = arith.constant 0 : i32
      %dma_start3A_198 = arith.constant 0 : i32
      %dma_start3A_199 = tpu.memref_slice %arg6[%arg0, %dma_start3A_197, %dma_start3A_198] : memref<2x10240x32xf32, #tpu.memory_space<hbm>> -> memref<1x10240x32xf32, #tpu.memory_space<hbm>>
      %dma_start3A_200 = tpu.memref_squeeze %dma_start3A_199 : memref<1x10240x32xf32, #tpu.memory_space<hbm>> -> memref<10240x32xf32, #tpu.memory_space<hbm>>
      %dma_start3A_201 = arith.constant 0 : i32
      %dma_start3A_202 = arith.constant 0 : i32
      %dma_start3A_203 = tpu.memref_slice %dma_start3A_200[%dma_start3A_201, %dma_start3A_202] : memref<10240x32xf32, #tpu.memory_space<hbm>> -> memref<10240x32xf32, #tpu.memory_space<hbm>>
      tpu.enqueue_indirect_dma source(%dma_start3A_203 : memref<10240x32xf32, #tpu.memory_space<hbm>>) target(%arg15 : memref<128x32xf32, #tpu.memory_space<vmem>>) offsets(%dma_start3A_196 : memref<128xi32, #tpu.memory_space<vmem>>) semaphore(%arg24 : memref<!tpu.dma_semaphore, #tpu.memory_space<semaphore_mem>>)
      %mul3A_204 = arith.constant 8 : i32
      %mul3A_205 = arith.muli %scan3A_119, %mul3A_204 : i32
      %add3A_206 = arith.constant 6 : i32
      %add3A_207 = arith.addi %mul3A_205, %add3A_206 : i32
      %dma_start3A_208 = arith.constant 0 : i32
      %dma_start3A_209 = tpu.memref_slice %arg8[%add3A_207, %dma_start3A_208] : memref<160x128xi32, #tpu.memory_space<vmem>> -> memref<1x128xi32, #tpu.memory_space<vmem>>
      %dma_start3A_210 = tpu.memref_squeeze %dma_start3A_209 : memref<1x128xi32, #tpu.memory_space<vmem>> -> memref<128xi32, #tpu.memory_space<vmem>>
      %dma_start3A_211 = arith.constant 0 : i32
      %dma_start3A_212 = arith.constant 0 : i32
      %dma_start3A_213 = tpu.memref_slice %arg6[%arg0, %dma_start3A_211, %dma_start3A_212] : memref<2x10240x32xf32, #tpu.memory_space<hbm>> -> memref<1x10240x32xf32, #tpu.memory_space<hbm>>
      %dma_start3A_214 = tpu.memref_squeeze %dma_start3A_213 : memref<1x10240x32xf32, #tpu.memory_space<hbm>> -> memref<10240x32xf32, #tpu.memory_space<hbm>>
      %dma_start3A_215 = arith.constant 0 : i32
      %dma_start3A_216 = arith.constant 0 : i32
      %dma_start3A_217 = tpu.memref_slice %dma_start3A_214[%dma_start3A_215, %dma_start3A_216] : memref<10240x32xf32, #tpu.memory_space<hbm>> -> memref<10240x32xf32, #tpu.memory_space<hbm>>
      tpu.enqueue_indirect_dma source(%dma_start3A_217 : memref<10240x32xf32, #tpu.memory_space<hbm>>) target(%arg16 : memref<128x32xf32, #tpu.memory_space<vmem>>) offsets(%dma_start3A_210 : memref<128xi32, #tpu.memory_space<vmem>>) semaphore(%arg24 : memref<!tpu.dma_semaphore, #tpu.memory_space<semaphore_mem>>)
      %mul3A_218 = arith.constant 8 : i32
      %mul3A_219 = arith.muli %scan3A_119, %mul3A_218 : i32
      %add3A_220 = arith.constant 7 : i32
      %add3A_221 = arith.addi %mul3A_219, %add3A_220 : i32
      %dma_start3A_222 = arith.constant 0 : i32
      %dma_start3A_223 = tpu.memref_slice %arg8[%add3A_221, %dma_start3A_222] : memref<160x128xi32, #tpu.memory_space<vmem>> -> memref<1x128xi32, #tpu.memory_space<vmem>>
      %dma_start3A_224 = tpu.memref_squeeze %dma_start3A_223 : memref<1x128xi32, #tpu.memory_space<vmem>> -> memref<128xi32, #tpu.memory_space<vmem>>
      %dma_start3A_225 = arith.constant 0 : i32
      %dma_start3A_226 = arith.constant 0 : i32
      %dma_start3A_227 = tpu.memref_slice %arg6[%arg0, %dma_start3A_225, %dma_start3A_226] : memref<2x10240x32xf32, #tpu.memory_space<hbm>> -> memref<1x10240x32xf32, #tpu.memory_space<hbm>>
      %dma_start3A_228 = tpu.memref_squeeze %dma_start3A_227 : memref<1x10240x32xf32, #tpu.memory_space<hbm>> -> memref<10240x32xf32, #tpu.memory_space<hbm>>
      %dma_start3A_229 = arith.constant 0 : i32
      %dma_start3A_230 = arith.constant 0 : i32
      %dma_start3A_231 = tpu.memref_slice %dma_start3A_228[%dma_start3A_229, %dma_start3A_230] : memref<10240x32xf32, #tpu.memory_space<hbm>> -> memref<10240x32xf32, #tpu.memory_space<hbm>>
      tpu.enqueue_indirect_dma source(%dma_start3A_231 : memref<10240x32xf32, #tpu.memory_space<hbm>>) target(%arg17 : memref<128x32xf32, #tpu.memory_space<vmem>>) offsets(%dma_start3A_224 : memref<128xi32, #tpu.memory_space<vmem>>) semaphore(%arg24 : memref<!tpu.dma_semaphore, #tpu.memory_space<semaphore_mem>>)
      %dma_wait3A_232 = arith.constant 0 : i32
      %dma_wait3A_233 = tpu.memref_slice %arg8[%add3A_123, %dma_wait3A_232] : memref<160x128xi32, #tpu.memory_space<vmem>> -> memref<1x128xi32, #tpu.memory_space<vmem>>
      %dma_wait3A_234 = tpu.memref_squeeze %dma_wait3A_233 : memref<1x128xi32, #tpu.memory_space<vmem>> -> memref<128xi32, #tpu.memory_space<vmem>>
      %dma_wait3A_235 = arith.constant 0 : i32
      %dma_wait3A_236 = arith.constant 0 : i32
      %dma_wait3A_237 = tpu.memref_slice %arg6[%arg0, %dma_wait3A_235, %dma_wait3A_236] : memref<2x10240x32xf32, #tpu.memory_space<hbm>> -> memref<1x10240x32xf32, #tpu.memory_space<hbm>>
      %dma_wait3A_238 = tpu.memref_squeeze %dma_wait3A_237 : memref<1x10240x32xf32, #tpu.memory_space<hbm>> -> memref<10240x32xf32, #tpu.memory_space<hbm>>
      %dma_wait3A_239 = arith.constant 0 : i32
      %dma_wait3A_240 = arith.constant 0 : i32
      %dma_wait3A_241 = tpu.memref_slice %dma_wait3A_238[%dma_wait3A_239, %dma_wait3A_240] : memref<10240x32xf32, #tpu.memory_space<hbm>> -> memref<10240x32xf32, #tpu.memory_space<hbm>>
      tpu.wait_indirect_dma semaphore(%arg24 : memref<!tpu.dma_semaphore, #tpu.memory_space<semaphore_mem>>) src(%dma_wait3A_241 : memref<10240x32xf32, #tpu.memory_space<hbm>>) dst(%arg10 : memref<128x32xf32, #tpu.memory_space<vmem>>)
      %mul3A_242 = arith.constant 8 : i32
      %mul3A_243 = arith.muli %scan3A_119, %mul3A_242 : i32
      %add3A_244 = arith.constant 0 : i32
      %add3A_245 = arith.addi %mul3A_243, %add3A_244 : i32
      "tpu.region"() ({
        %run_scoped3A = tpu.sem_alloc : memref<!tpu.dma_semaphore, #tpu.memory_space<semaphore_mem>>
        %dma_start3A_344 = arith.constant 0 : i32
        %dma_start3A_345 = tpu.memref_slice %arg9[%add3A_245, %dma_start3A_344] : memref<160x128xi32, #tpu.memory_space<vmem>> -> memref<1x128xi32, #tpu.memory_space<vmem>>
        %dma_start3A_346 = tpu.memref_squeeze %dma_start3A_345 : memref<1x128xi32, #tpu.memory_space<vmem>> -> memref<128xi32, #tpu.memory_space<vmem>>
        %dma_start3A_347 = arith.constant 0 : i32
        %dma_start3A_348 = arith.constant 0 : i32
        %dma_start3A_349 = tpu.memref_slice %arg22[%dma_start3A_347, %dma_start3A_348] : memref<10240x32xf32, #tpu.memory_space<vmem_shared>> -> memref<10240x32xf32, #tpu.memory_space<vmem_shared>>
        tpu.enqueue_indirect_dma source(%arg10 : memref<128x32xf32, #tpu.memory_space<vmem>>) target(%dma_start3A_349 : memref<10240x32xf32, #tpu.memory_space<vmem_shared>>) offsets(%dma_start3A_346 : memref<128xi32, #tpu.memory_space<vmem>>) semaphore(%run_scoped3A : memref<!tpu.dma_semaphore, #tpu.memory_space<semaphore_mem>>) {add = true}
        %dma_wait3A_350 = arith.constant 0 : i32
        %dma_wait3A_351 = tpu.memref_slice %arg9[%add3A_245, %dma_wait3A_350] : memref<160x128xi32, #tpu.memory_space<vmem>> -> memref<1x128xi32, #tpu.memory_space<vmem>>
        %dma_wait3A_352 = tpu.memref_squeeze %dma_wait3A_351 : memref<1x128xi32, #tpu.memory_space<vmem>> -> memref<128xi32, #tpu.memory_space<vmem>>
        %dma_wait3A_353 = arith.constant 0 : i32
        %dma_wait3A_354 = arith.constant 0 : i32
        %dma_wait3A_355 = tpu.memref_slice %arg22[%dma_wait3A_353, %dma_wait3A_354] : memref<10240x32xf32, #tpu.memory_space<vmem_shared>> -> memref<10240x32xf32, #tpu.memory_space<vmem_shared>>
        tpu.wait_indirect_dma semaphore(%run_scoped3A : memref<!tpu.dma_semaphore, #tpu.memory_space<semaphore_mem>>) src(%arg10 : memref<128x32xf32, #tpu.memory_space<vmem>>) dst(%dma_wait3A_355 : memref<10240x32xf32, #tpu.memory_space<vmem_shared>>)
        tpu.yield
      }) : () -> ()
      %dma_wait3A_246 = arith.constant 0 : i32
      %dma_wait3A_247 = tpu.memref_slice %arg8[%add3A_137, %dma_wait3A_246] : memref<160x128xi32, #tpu.memory_space<vmem>> -> memref<1x128xi32, #tpu.memory_space<vmem>>
      %dma_wait3A_248 = tpu.memref_squeeze %dma_wait3A_247 : memref<1x128xi32, #tpu.memory_space<vmem>> -> memref<128xi32, #tpu.memory_space<vmem>>
      %dma_wait3A_249 = arith.constant 0 : i32
      %dma_wait3A_250 = arith.constant 0 : i32
      %dma_wait3A_251 = tpu.memref_slice %arg6[%arg0, %dma_wait3A_249, %dma_wait3A_250] : memref<2x10240x32xf32, #tpu.memory_space<hbm>> -> memref<1x10240x32xf32, #tpu.memory_space<hbm>>
      %dma_wait3A_252 = tpu.memref_squeeze %dma_wait3A_251 : memref<1x10240x32xf32, #tpu.memory_space<hbm>> -> memref<10240x32xf32, #tpu.memory_space<hbm>>
      %dma_wait3A_253 = arith.constant 0 : i32
      %dma_wait3A_254 = arith.constant 0 : i32
      %dma_wait3A_255 = tpu.memref_slice %dma_wait3A_252[%dma_wait3A_253, %dma_wait3A_254] : memref<10240x32xf32, #tpu.memory_space<hbm>> -> memref<10240x32xf32, #tpu.memory_space<hbm>>
      tpu.wait_indirect_dma semaphore(%arg24 : memref<!tpu.dma_semaphore, #tpu.memory_space<semaphore_mem>>) src(%dma_wait3A_255 : memref<10240x32xf32, #tpu.memory_space<hbm>>) dst(%arg11 : memref<128x32xf32, #tpu.memory_space<vmem>>)
      %mul3A_256 = arith.constant 8 : i32
      %mul3A_257 = arith.muli %scan3A_119, %mul3A_256 : i32
      %add3A_258 = arith.constant 1 : i32
      %add3A_259 = arith.addi %mul3A_257, %add3A_258 : i32
      "tpu.region"() ({
        %run_scoped3A = tpu.sem_alloc : memref<!tpu.dma_semaphore, #tpu.memory_space<semaphore_mem>>
        %dma_start3A_344 = arith.constant 0 : i32
        %dma_start3A_345 = tpu.memref_slice %arg9[%add3A_259, %dma_start3A_344] : memref<160x128xi32, #tpu.memory_space<vmem>> -> memref<1x128xi32, #tpu.memory_space<vmem>>
        %dma_start3A_346 = tpu.memref_squeeze %dma_start3A_345 : memref<1x128xi32, #tpu.memory_space<vmem>> -> memref<128xi32, #tpu.memory_space<vmem>>
        %dma_start3A_347 = arith.constant 0 : i32
        %dma_start3A_348 = arith.constant 0 : i32
        %dma_start3A_349 = tpu.memref_slice %arg22[%dma_start3A_347, %dma_start3A_348] : memref<10240x32xf32, #tpu.memory_space<vmem_shared>> -> memref<10240x32xf32, #tpu.memory_space<vmem_shared>>
        tpu.enqueue_indirect_dma source(%arg11 : memref<128x32xf32, #tpu.memory_space<vmem>>) target(%dma_start3A_349 : memref<10240x32xf32, #tpu.memory_space<vmem_shared>>) offsets(%dma_start3A_346 : memref<128xi32, #tpu.memory_space<vmem>>) semaphore(%run_scoped3A : memref<!tpu.dma_semaphore, #tpu.memory_space<semaphore_mem>>) {add = true}
        %dma_wait3A_350 = arith.constant 0 : i32
        %dma_wait3A_351 = tpu.memref_slice %arg9[%add3A_259, %dma_wait3A_350] : memref<160x128xi32, #tpu.memory_space<vmem>> -> memref<1x128xi32, #tpu.memory_space<vmem>>
        %dma_wait3A_352 = tpu.memref_squeeze %dma_wait3A_351 : memref<1x128xi32, #tpu.memory_space<vmem>> -> memref<128xi32, #tpu.memory_space<vmem>>
        %dma_wait3A_353 = arith.constant 0 : i32
        %dma_wait3A_354 = arith.constant 0 : i32
        %dma_wait3A_355 = tpu.memref_slice %arg22[%dma_wait3A_353, %dma_wait3A_354] : memref<10240x32xf32, #tpu.memory_space<vmem_shared>> -> memref<10240x32xf32, #tpu.memory_space<vmem_shared>>
        tpu.wait_indirect_dma semaphore(%run_scoped3A : memref<!tpu.dma_semaphore, #tpu.memory_space<semaphore_mem>>) src(%arg11 : memref<128x32xf32, #tpu.memory_space<vmem>>) dst(%dma_wait3A_355 : memref<10240x32xf32, #tpu.memory_space<vmem_shared>>)
        tpu.yield
      }) : () -> ()
      %dma_wait3A_260 = arith.constant 0 : i32
      %dma_wait3A_261 = tpu.memref_slice %arg8[%add3A_151, %dma_wait3A_260] : memref<160x128xi32, #tpu.memory_space<vmem>> -> memref<1x128xi32, #tpu.memory_space<vmem>>
      %dma_wait3A_262 = tpu.memref_squeeze %dma_wait3A_261 : memref<1x128xi32, #tpu.memory_space<vmem>> -> memref<128xi32, #tpu.memory_space<vmem>>
      %dma_wait3A_263 = arith.constant 0 : i32
      %dma_wait3A_264 = arith.constant 0 : i32
      %dma_wait3A_265 = tpu.memref_slice %arg6[%arg0, %dma_wait3A_263, %dma_wait3A_264] : memref<2x10240x32xf32, #tpu.memory_space<hbm>> -> memref<1x10240x32xf32, #tpu.memory_space<hbm>>
      %dma_wait3A_266 = tpu.memref_squeeze %dma_wait3A_265 : memref<1x10240x32xf32, #tpu.memory_space<hbm>> -> memref<10240x32xf32, #tpu.memory_space<hbm>>
      %dma_wait3A_267 = arith.constant 0 : i32
      %dma_wait3A_268 = arith.constant 0 : i32
      %dma_wait3A_269 = tpu.memref_slice %dma_wait3A_266[%dma_wait3A_267, %dma_wait3A_268] : memref<10240x32xf32, #tpu.memory_space<hbm>> -> memref<10240x32xf32, #tpu.memory_space<hbm>>
      tpu.wait_indirect_dma semaphore(%arg24 : memref<!tpu.dma_semaphore, #tpu.memory_space<semaphore_mem>>) src(%dma_wait3A_269 : memref<10240x32xf32, #tpu.memory_space<hbm>>) dst(%arg12 : memref<128x32xf32, #tpu.memory_space<vmem>>)
      %mul3A_270 = arith.constant 8 : i32
      %mul3A_271 = arith.muli %scan3A_119, %mul3A_270 : i32
      %add3A_272 = arith.constant 2 : i32
      %add3A_273 = arith.addi %mul3A_271, %add3A_272 : i32
      "tpu.region"() ({
        %run_scoped3A = tpu.sem_alloc : memref<!tpu.dma_semaphore, #tpu.memory_space<semaphore_mem>>
        %dma_start3A_344 = arith.constant 0 : i32
        %dma_start3A_345 = tpu.memref_slice %arg9[%add3A_273, %dma_start3A_344] : memref<160x128xi32, #tpu.memory_space<vmem>> -> memref<1x128xi32, #tpu.memory_space<vmem>>
        %dma_start3A_346 = tpu.memref_squeeze %dma_start3A_345 : memref<1x128xi32, #tpu.memory_space<vmem>> -> memref<128xi32, #tpu.memory_space<vmem>>
        %dma_start3A_347 = arith.constant 0 : i32
        %dma_start3A_348 = arith.constant 0 : i32
        %dma_start3A_349 = tpu.memref_slice %arg22[%dma_start3A_347, %dma_start3A_348] : memref<10240x32xf32, #tpu.memory_space<vmem_shared>> -> memref<10240x32xf32, #tpu.memory_space<vmem_shared>>
        tpu.enqueue_indirect_dma source(%arg12 : memref<128x32xf32, #tpu.memory_space<vmem>>) target(%dma_start3A_349 : memref<10240x32xf32, #tpu.memory_space<vmem_shared>>) offsets(%dma_start3A_346 : memref<128xi32, #tpu.memory_space<vmem>>) semaphore(%run_scoped3A : memref<!tpu.dma_semaphore, #tpu.memory_space<semaphore_mem>>) {add = true}
        %dma_wait3A_350 = arith.constant 0 : i32
        %dma_wait3A_351 = tpu.memref_slice %arg9[%add3A_273, %dma_wait3A_350] : memref<160x128xi32, #tpu.memory_space<vmem>> -> memref<1x128xi32, #tpu.memory_space<vmem>>
        %dma_wait3A_352 = tpu.memref_squeeze %dma_wait3A_351 : memref<1x128xi32, #tpu.memory_space<vmem>> -> memref<128xi32, #tpu.memory_space<vmem>>
        %dma_wait3A_353 = arith.constant 0 : i32
        %dma_wait3A_354 = arith.constant 0 : i32
        %dma_wait3A_355 = tpu.memref_slice %arg22[%dma_wait3A_353, %dma_wait3A_354] : memref<10240x32xf32, #tpu.memory_space<vmem_shared>> -> memref<10240x32xf32, #tpu.memory_space<vmem_shared>>
        tpu.wait_indirect_dma semaphore(%run_scoped3A : memref<!tpu.dma_semaphore, #tpu.memory_space<semaphore_mem>>) src(%arg12 : memref<128x32xf32, #tpu.memory_space<vmem>>) dst(%dma_wait3A_355 : memref<10240x32xf32, #tpu.memory_space<vmem_shared>>)
        tpu.yield
      }) : () -> ()
      %dma_wait3A_274 = arith.constant 0 : i32
      %dma_wait3A_275 = tpu.memref_slice %arg8[%add3A_165, %dma_wait3A_274] : memref<160x128xi32, #tpu.memory_space<vmem>> -> memref<1x128xi32, #tpu.memory_space<vmem>>
      %dma_wait3A_276 = tpu.memref_squeeze %dma_wait3A_275 : memref<1x128xi32, #tpu.memory_space<vmem>> -> memref<128xi32, #tpu.memory_space<vmem>>
      %dma_wait3A_277 = arith.constant 0 : i32
      %dma_wait3A_278 = arith.constant 0 : i32
      %dma_wait3A_279 = tpu.memref_slice %arg6[%arg0, %dma_wait3A_277, %dma_wait3A_278] : memref<2x10240x32xf32, #tpu.memory_space<hbm>> -> memref<1x10240x32xf32, #tpu.memory_space<hbm>>
      %dma_wait3A_280 = tpu.memref_squeeze %dma_wait3A_279 : memref<1x10240x32xf32, #tpu.memory_space<hbm>> -> memref<10240x32xf32, #tpu.memory_space<hbm>>
      %dma_wait3A_281 = arith.constant 0 : i32
      %dma_wait3A_282 = arith.constant 0 : i32
      %dma_wait3A_283 = tpu.memref_slice %dma_wait3A_280[%dma_wait3A_281, %dma_wait3A_282] : memref<10240x32xf32, #tpu.memory_space<hbm>> -> memref<10240x32xf32, #tpu.memory_space<hbm>>
      tpu.wait_indirect_dma semaphore(%arg24 : memref<!tpu.dma_semaphore, #tpu.memory_space<semaphore_mem>>) src(%dma_wait3A_283 : memref<10240x32xf32, #tpu.memory_space<hbm>>) dst(%arg13 : memref<128x32xf32, #tpu.memory_space<vmem>>)
      %mul3A_284 = arith.constant 8 : i32
      %mul3A_285 = arith.muli %scan3A_119, %mul3A_284 : i32
      %add3A_286 = arith.constant 3 : i32
      %add3A_287 = arith.addi %mul3A_285, %add3A_286 : i32
      "tpu.region"() ({
        %run_scoped3A = tpu.sem_alloc : memref<!tpu.dma_semaphore, #tpu.memory_space<semaphore_mem>>
        %dma_start3A_344 = arith.constant 0 : i32
        %dma_start3A_345 = tpu.memref_slice %arg9[%add3A_287, %dma_start3A_344] : memref<160x128xi32, #tpu.memory_space<vmem>> -> memref<1x128xi32, #tpu.memory_space<vmem>>
        %dma_start3A_346 = tpu.memref_squeeze %dma_start3A_345 : memref<1x128xi32, #tpu.memory_space<vmem>> -> memref<128xi32, #tpu.memory_space<vmem>>
        %dma_start3A_347 = arith.constant 0 : i32
        %dma_start3A_348 = arith.constant 0 : i32
        %dma_start3A_349 = tpu.memref_slice %arg22[%dma_start3A_347, %dma_start3A_348] : memref<10240x32xf32, #tpu.memory_space<vmem_shared>> -> memref<10240x32xf32, #tpu.memory_space<vmem_shared>>
        tpu.enqueue_indirect_dma source(%arg13 : memref<128x32xf32, #tpu.memory_space<vmem>>) target(%dma_start3A_349 : memref<10240x32xf32, #tpu.memory_space<vmem_shared>>) offsets(%dma_start3A_346 : memref<128xi32, #tpu.memory_space<vmem>>) semaphore(%run_scoped3A : memref<!tpu.dma_semaphore, #tpu.memory_space<semaphore_mem>>) {add = true}
        %dma_wait3A_350 = arith.constant 0 : i32
        %dma_wait3A_351 = tpu.memref_slice %arg9[%add3A_287, %dma_wait3A_350] : memref<160x128xi32, #tpu.memory_space<vmem>> -> memref<1x128xi32, #tpu.memory_space<vmem>>
        %dma_wait3A_352 = tpu.memref_squeeze %dma_wait3A_351 : memref<1x128xi32, #tpu.memory_space<vmem>> -> memref<128xi32, #tpu.memory_space<vmem>>
        %dma_wait3A_353 = arith.constant 0 : i32
        %dma_wait3A_354 = arith.constant 0 : i32
        %dma_wait3A_355 = tpu.memref_slice %arg22[%dma_wait3A_353, %dma_wait3A_354] : memref<10240x32xf32, #tpu.memory_space<vmem_shared>> -> memref<10240x32xf32, #tpu.memory_space<vmem_shared>>
        tpu.wait_indirect_dma semaphore(%run_scoped3A : memref<!tpu.dma_semaphore, #tpu.memory_space<semaphore_mem>>) src(%arg13 : memref<128x32xf32, #tpu.memory_space<vmem>>) dst(%dma_wait3A_355 : memref<10240x32xf32, #tpu.memory_space<vmem_shared>>)
        tpu.yield
      }) : () -> ()
      %dma_wait3A_288 = arith.constant 0 : i32
      %dma_wait3A_289 = tpu.memref_slice %arg8[%add3A_179, %dma_wait3A_288] : memref<160x128xi32, #tpu.memory_space<vmem>> -> memref<1x128xi32, #tpu.memory_space<vmem>>
      %dma_wait3A_290 = tpu.memref_squeeze %dma_wait3A_289 : memref<1x128xi32, #tpu.memory_space<vmem>> -> memref<128xi32, #tpu.memory_space<vmem>>
      %dma_wait3A_291 = arith.constant 0 : i32
      %dma_wait3A_292 = arith.constant 0 : i32
      %dma_wait3A_293 = tpu.memref_slice %arg6[%arg0, %dma_wait3A_291, %dma_wait3A_292] : memref<2x10240x32xf32, #tpu.memory_space<hbm>> -> memref<1x10240x32xf32, #tpu.memory_space<hbm>>
      %dma_wait3A_294 = tpu.memref_squeeze %dma_wait3A_293 : memref<1x10240x32xf32, #tpu.memory_space<hbm>> -> memref<10240x32xf32, #tpu.memory_space<hbm>>
      %dma_wait3A_295 = arith.constant 0 : i32
      %dma_wait3A_296 = arith.constant 0 : i32
      %dma_wait3A_297 = tpu.memref_slice %dma_wait3A_294[%dma_wait3A_295, %dma_wait3A_296] : memref<10240x32xf32, #tpu.memory_space<hbm>> -> memref<10240x32xf32, #tpu.memory_space<hbm>>
      tpu.wait_indirect_dma semaphore(%arg24 : memref<!tpu.dma_semaphore, #tpu.memory_space<semaphore_mem>>) src(%dma_wait3A_297 : memref<10240x32xf32, #tpu.memory_space<hbm>>) dst(%arg14 : memref<128x32xf32, #tpu.memory_space<vmem>>)
      %mul3A_298 = arith.constant 8 : i32
      %mul3A_299 = arith.muli %scan3A_119, %mul3A_298 : i32
      %add3A_300 = arith.constant 4 : i32
      %add3A_301 = arith.addi %mul3A_299, %add3A_300 : i32
      "tpu.region"() ({
        %run_scoped3A = tpu.sem_alloc : memref<!tpu.dma_semaphore, #tpu.memory_space<semaphore_mem>>
        %dma_start3A_344 = arith.constant 0 : i32
        %dma_start3A_345 = tpu.memref_slice %arg9[%add3A_301, %dma_start3A_344] : memref<160x128xi32, #tpu.memory_space<vmem>> -> memref<1x128xi32, #tpu.memory_space<vmem>>
        %dma_start3A_346 = tpu.memref_squeeze %dma_start3A_345 : memref<1x128xi32, #tpu.memory_space<vmem>> -> memref<128xi32, #tpu.memory_space<vmem>>
        %dma_start3A_347 = arith.constant 0 : i32
        %dma_start3A_348 = arith.constant 0 : i32
        %dma_start3A_349 = tpu.memref_slice %arg22[%dma_start3A_347, %dma_start3A_348] : memref<10240x32xf32, #tpu.memory_space<vmem_shared>> -> memref<10240x32xf32, #tpu.memory_space<vmem_shared>>
        tpu.enqueue_indirect_dma source(%arg14 : memref<128x32xf32, #tpu.memory_space<vmem>>) target(%dma_start3A_349 : memref<10240x32xf32, #tpu.memory_space<vmem_shared>>) offsets(%dma_start3A_346 : memref<128xi32, #tpu.memory_space<vmem>>) semaphore(%run_scoped3A : memref<!tpu.dma_semaphore, #tpu.memory_space<semaphore_mem>>) {add = true}
        %dma_wait3A_350 = arith.constant 0 : i32
        %dma_wait3A_351 = tpu.memref_slice %arg9[%add3A_301, %dma_wait3A_350] : memref<160x128xi32, #tpu.memory_space<vmem>> -> memref<1x128xi32, #tpu.memory_space<vmem>>
        %dma_wait3A_352 = tpu.memref_squeeze %dma_wait3A_351 : memref<1x128xi32, #tpu.memory_space<vmem>> -> memref<128xi32, #tpu.memory_space<vmem>>
        %dma_wait3A_353 = arith.constant 0 : i32
        %dma_wait3A_354 = arith.constant 0 : i32
        %dma_wait3A_355 = tpu.memref_slice %arg22[%dma_wait3A_353, %dma_wait3A_354] : memref<10240x32xf32, #tpu.memory_space<vmem_shared>> -> memref<10240x32xf32, #tpu.memory_space<vmem_shared>>
        tpu.wait_indirect_dma semaphore(%run_scoped3A : memref<!tpu.dma_semaphore, #tpu.memory_space<semaphore_mem>>) src(%arg14 : memref<128x32xf32, #tpu.memory_space<vmem>>) dst(%dma_wait3A_355 : memref<10240x32xf32, #tpu.memory_space<vmem_shared>>)
        tpu.yield
      }) : () -> ()
      %dma_wait3A_302 = arith.constant 0 : i32
      %dma_wait3A_303 = tpu.memref_slice %arg8[%add3A_193, %dma_wait3A_302] : memref<160x128xi32, #tpu.memory_space<vmem>> -> memref<1x128xi32, #tpu.memory_space<vmem>>
      %dma_wait3A_304 = tpu.memref_squeeze %dma_wait3A_303 : memref<1x128xi32, #tpu.memory_space<vmem>> -> memref<128xi32, #tpu.memory_space<vmem>>
      %dma_wait3A_305 = arith.constant 0 : i32
      %dma_wait3A_306 = arith.constant 0 : i32
      %dma_wait3A_307 = tpu.memref_slice %arg6[%arg0, %dma_wait3A_305, %dma_wait3A_306] : memref<2x10240x32xf32, #tpu.memory_space<hbm>> -> memref<1x10240x32xf32, #tpu.memory_space<hbm>>
      %dma_wait3A_308 = tpu.memref_squeeze %dma_wait3A_307 : memref<1x10240x32xf32, #tpu.memory_space<hbm>> -> memref<10240x32xf32, #tpu.memory_space<hbm>>
      %dma_wait3A_309 = arith.constant 0 : i32
      %dma_wait3A_310 = arith.constant 0 : i32
      %dma_wait3A_311 = tpu.memref_slice %dma_wait3A_308[%dma_wait3A_309, %dma_wait3A_310] : memref<10240x32xf32, #tpu.memory_space<hbm>> -> memref<10240x32xf32, #tpu.memory_space<hbm>>
      tpu.wait_indirect_dma semaphore(%arg24 : memref<!tpu.dma_semaphore, #tpu.memory_space<semaphore_mem>>) src(%dma_wait3A_311 : memref<10240x32xf32, #tpu.memory_space<hbm>>) dst(%arg15 : memref<128x32xf32, #tpu.memory_space<vmem>>)
      %mul3A_312 = arith.constant 8 : i32
      %mul3A_313 = arith.muli %scan3A_119, %mul3A_312 : i32
      %add3A_314 = arith.constant 5 : i32
      %add3A_315 = arith.addi %mul3A_313, %add3A_314 : i32
      "tpu.region"() ({
        %run_scoped3A = tpu.sem_alloc : memref<!tpu.dma_semaphore, #tpu.memory_space<semaphore_mem>>
        %dma_start3A_344 = arith.constant 0 : i32
        %dma_start3A_345 = tpu.memref_slice %arg9[%add3A_315, %dma_start3A_344] : memref<160x128xi32, #tpu.memory_space<vmem>> -> memref<1x128xi32, #tpu.memory_space<vmem>>
        %dma_start3A_346 = tpu.memref_squeeze %dma_start3A_345 : memref<1x128xi32, #tpu.memory_space<vmem>> -> memref<128xi32, #tpu.memory_space<vmem>>
        %dma_start3A_347 = arith.constant 0 : i32
        %dma_start3A_348 = arith.constant 0 : i32
        %dma_start3A_349 = tpu.memref_slice %arg22[%dma_start3A_347, %dma_start3A_348] : memref<10240x32xf32, #tpu.memory_space<vmem_shared>> -> memref<10240x32xf32, #tpu.memory_space<vmem_shared>>
        tpu.enqueue_indirect_dma source(%arg15 : memref<128x32xf32, #tpu.memory_space<vmem>>) target(%dma_start3A_349 : memref<10240x32xf32, #tpu.memory_space<vmem_shared>>) offsets(%dma_start3A_346 : memref<128xi32, #tpu.memory_space<vmem>>) semaphore(%run_scoped3A : memref<!tpu.dma_semaphore, #tpu.memory_space<semaphore_mem>>) {add = true}
        %dma_wait3A_350 = arith.constant 0 : i32
        %dma_wait3A_351 = tpu.memref_slice %arg9[%add3A_315, %dma_wait3A_350] : memref<160x128xi32, #tpu.memory_space<vmem>> -> memref<1x128xi32, #tpu.memory_space<vmem>>
        %dma_wait3A_352 = tpu.memref_squeeze %dma_wait3A_351 : memref<1x128xi32, #tpu.memory_space<vmem>> -> memref<128xi32, #tpu.memory_space<vmem>>
        %dma_wait3A_353 = arith.constant 0 : i32
        %dma_wait3A_354 = arith.constant 0 : i32
        %dma_wait3A_355 = tpu.memref_slice %arg22[%dma_wait3A_353, %dma_wait3A_354] : memref<10240x32xf32, #tpu.memory_space<vmem_shared>> -> memref<10240x32xf32, #tpu.memory_space<vmem_shared>>
        tpu.wait_indirect_dma semaphore(%run_scoped3A : memref<!tpu.dma_semaphore, #tpu.memory_space<semaphore_mem>>) src(%arg15 : memref<128x32xf32, #tpu.memory_space<vmem>>) dst(%dma_wait3A_355 : memref<10240x32xf32, #tpu.memory_space<vmem_shared>>)
        tpu.yield
      }) : () -> ()
      %dma_wait3A_316 = arith.constant 0 : i32
      %dma_wait3A_317 = tpu.memref_slice %arg8[%add3A_207, %dma_wait3A_316] : memref<160x128xi32, #tpu.memory_space<vmem>> -> memref<1x128xi32, #tpu.memory_space<vmem>>
      %dma_wait3A_318 = tpu.memref_squeeze %dma_wait3A_317 : memref<1x128xi32, #tpu.memory_space<vmem>> -> memref<128xi32, #tpu.memory_space<vmem>>
      %dma_wait3A_319 = arith.constant 0 : i32
      %dma_wait3A_320 = arith.constant 0 : i32
      %dma_wait3A_321 = tpu.memref_slice %arg6[%arg0, %dma_wait3A_319, %dma_wait3A_320] : memref<2x10240x32xf32, #tpu.memory_space<hbm>> -> memref<1x10240x32xf32, #tpu.memory_space<hbm>>
      %dma_wait3A_322 = tpu.memref_squeeze %dma_wait3A_321 : memref<1x10240x32xf32, #tpu.memory_space<hbm>> -> memref<10240x32xf32, #tpu.memory_space<hbm>>
      %dma_wait3A_323 = arith.constant 0 : i32
      %dma_wait3A_324 = arith.constant 0 : i32
      %dma_wait3A_325 = tpu.memref_slice %dma_wait3A_322[%dma_wait3A_323, %dma_wait3A_324] : memref<10240x32xf32, #tpu.memory_space<hbm>> -> memref<10240x32xf32, #tpu.memory_space<hbm>>
      tpu.wait_indirect_dma semaphore(%arg24 : memref<!tpu.dma_semaphore, #tpu.memory_space<semaphore_mem>>) src(%dma_wait3A_325 : memref<10240x32xf32, #tpu.memory_space<hbm>>) dst(%arg16 : memref<128x32xf32, #tpu.memory_space<vmem>>)
      %mul3A_326 = arith.constant 8 : i32
      %mul3A_327 = arith.muli %scan3A_119, %mul3A_326 : i32
      %add3A_328 = arith.constant 6 : i32
      %add3A_329 = arith.addi %mul3A_327, %add3A_328 : i32
      "tpu.region"() ({
        %run_scoped3A = tpu.sem_alloc : memref<!tpu.dma_semaphore, #tpu.memory_space<semaphore_mem>>
        %dma_start3A_344 = arith.constant 0 : i32
        %dma_start3A_345 = tpu.memref_slice %arg9[%add3A_329, %dma_start3A_344] : memref<160x128xi32, #tpu.memory_space<vmem>> -> memref<1x128xi32, #tpu.memory_space<vmem>>
        %dma_start3A_346 = tpu.memref_squeeze %dma_start3A_345 : memref<1x128xi32, #tpu.memory_space<vmem>> -> memref<128xi32, #tpu.memory_space<vmem>>
        %dma_start3A_347 = arith.constant 0 : i32
        %dma_start3A_348 = arith.constant 0 : i32
        %dma_start3A_349 = tpu.memref_slice %arg22[%dma_start3A_347, %dma_start3A_348] : memref<10240x32xf32, #tpu.memory_space<vmem_shared>> -> memref<10240x32xf32, #tpu.memory_space<vmem_shared>>
        tpu.enqueue_indirect_dma source(%arg16 : memref<128x32xf32, #tpu.memory_space<vmem>>) target(%dma_start3A_349 : memref<10240x32xf32, #tpu.memory_space<vmem_shared>>) offsets(%dma_start3A_346 : memref<128xi32, #tpu.memory_space<vmem>>) semaphore(%run_scoped3A : memref<!tpu.dma_semaphore, #tpu.memory_space<semaphore_mem>>) {add = true}
        %dma_wait3A_350 = arith.constant 0 : i32
        %dma_wait3A_351 = tpu.memref_slice %arg9[%add3A_329, %dma_wait3A_350] : memref<160x128xi32, #tpu.memory_space<vmem>> -> memref<1x128xi32, #tpu.memory_space<vmem>>
        %dma_wait3A_352 = tpu.memref_squeeze %dma_wait3A_351 : memref<1x128xi32, #tpu.memory_space<vmem>> -> memref<128xi32, #tpu.memory_space<vmem>>
        %dma_wait3A_353 = arith.constant 0 : i32
        %dma_wait3A_354 = arith.constant 0 : i32
        %dma_wait3A_355 = tpu.memref_slice %arg22[%dma_wait3A_353, %dma_wait3A_354] : memref<10240x32xf32, #tpu.memory_space<vmem_shared>> -> memref<10240x32xf32, #tpu.memory_space<vmem_shared>>
        tpu.wait_indirect_dma semaphore(%run_scoped3A : memref<!tpu.dma_semaphore, #tpu.memory_space<semaphore_mem>>) src(%arg16 : memref<128x32xf32, #tpu.memory_space<vmem>>) dst(%dma_wait3A_355 : memref<10240x32xf32, #tpu.memory_space<vmem_shared>>)
        tpu.yield
      }) : () -> ()
      %dma_wait3A_330 = arith.constant 0 : i32
      %dma_wait3A_331 = tpu.memref_slice %arg8[%add3A_221, %dma_wait3A_330] : memref<160x128xi32, #tpu.memory_space<vmem>> -> memref<1x128xi32, #tpu.memory_space<vmem>>
      %dma_wait3A_332 = tpu.memref_squeeze %dma_wait3A_331 : memref<1x128xi32, #tpu.memory_space<vmem>> -> memref<128xi32, #tpu.memory_space<vmem>>
      %dma_wait3A_333 = arith.constant 0 : i32
      %dma_wait3A_334 = arith.constant 0 : i32
      %dma_wait3A_335 = tpu.memref_slice %arg6[%arg0, %dma_wait3A_333, %dma_wait3A_334] : memref<2x10240x32xf32, #tpu.memory_space<hbm>> -> memref<1x10240x32xf32, #tpu.memory_space<hbm>>
      %dma_wait3A_336 = tpu.memref_squeeze %dma_wait3A_335 : memref<1x10240x32xf32, #tpu.memory_space<hbm>> -> memref<10240x32xf32, #tpu.memory_space<hbm>>
      %dma_wait3A_337 = arith.constant 0 : i32
      %dma_wait3A_338 = arith.constant 0 : i32
      %dma_wait3A_339 = tpu.memref_slice %dma_wait3A_336[%dma_wait3A_337, %dma_wait3A_338] : memref<10240x32xf32, #tpu.memory_space<hbm>> -> memref<10240x32xf32, #tpu.memory_space<hbm>>
      tpu.wait_indirect_dma semaphore(%arg24 : memref<!tpu.dma_semaphore, #tpu.memory_space<semaphore_mem>>) src(%dma_wait3A_339 : memref<10240x32xf32, #tpu.memory_space<hbm>>) dst(%arg17 : memref<128x32xf32, #tpu.memory_space<vmem>>)
      %mul3A_340 = arith.constant 8 : i32
      %mul3A_341 = arith.muli %scan3A_119, %mul3A_340 : i32
      %add3A_342 = arith.constant 7 : i32
      %add3A_343 = arith.addi %mul3A_341, %add3A_342 : i32
      "tpu.region"() ({
        %run_scoped3A = tpu.sem_alloc : memref<!tpu.dma_semaphore, #tpu.memory_space<semaphore_mem>>
        %dma_start3A_344 = arith.constant 0 : i32
        %dma_start3A_345 = tpu.memref_slice %arg9[%add3A_343, %dma_start3A_344] : memref<160x128xi32, #tpu.memory_space<vmem>> -> memref<1x128xi32, #tpu.memory_space<vmem>>
        %dma_start3A_346 = tpu.memref_squeeze %dma_start3A_345 : memref<1x128xi32, #tpu.memory_space<vmem>> -> memref<128xi32, #tpu.memory_space<vmem>>
        %dma_start3A_347 = arith.constant 0 : i32
        %dma_start3A_348 = arith.constant 0 : i32
        %dma_start3A_349 = tpu.memref_slice %arg22[%dma_start3A_347, %dma_start3A_348] : memref<10240x32xf32, #tpu.memory_space<vmem_shared>> -> memref<10240x32xf32, #tpu.memory_space<vmem_shared>>
        tpu.enqueue_indirect_dma source(%arg17 : memref<128x32xf32, #tpu.memory_space<vmem>>) target(%dma_start3A_349 : memref<10240x32xf32, #tpu.memory_space<vmem_shared>>) offsets(%dma_start3A_346 : memref<128xi32, #tpu.memory_space<vmem>>) semaphore(%run_scoped3A : memref<!tpu.dma_semaphore, #tpu.memory_space<semaphore_mem>>) {add = true}
        %dma_wait3A_350 = arith.constant 0 : i32
        %dma_wait3A_351 = tpu.memref_slice %arg9[%add3A_343, %dma_wait3A_350] : memref<160x128xi32, #tpu.memory_space<vmem>> -> memref<1x128xi32, #tpu.memory_space<vmem>>
        %dma_wait3A_352 = tpu.memref_squeeze %dma_wait3A_351 : memref<1x128xi32, #tpu.memory_space<vmem>> -> memref<128xi32, #tpu.memory_space<vmem>>
        %dma_wait3A_353 = arith.constant 0 : i32
        %dma_wait3A_354 = arith.constant 0 : i32
        %dma_wait3A_355 = tpu.memref_slice %arg22[%dma_wait3A_353, %dma_wait3A_354] : memref<10240x32xf32, #tpu.memory_space<vmem_shared>> -> memref<10240x32xf32, #tpu.memory_space<vmem_shared>>
        tpu.wait_indirect_dma semaphore(%run_scoped3A : memref<!tpu.dma_semaphore, #tpu.memory_space<semaphore_mem>>) src(%arg17 : memref<128x32xf32, #tpu.memory_space<vmem>>) dst(%dma_wait3A_355 : memref<10240x32xf32, #tpu.memory_space<vmem_shared>>)
        tpu.yield
      }) : () -> ()
    }
    %scan3A_117 = arith.constant 20 : i32
    %barrier3A_118 = arith.constant 0 : index
    tpu.barrier barrier_id(%barrier3A_118)
    "tpu.region"() ({
      %run_scoped3A = tpu.sem_alloc : memref<!tpu.dma_semaphore, #tpu.memory_space<semaphore_mem>>
      %dma_start3A_119 = arith.constant 0 : i32
      %dma_start3A_120 = tpu.memref_slice %arg7[%arg0, %mul3A_0, %dma_start3A_119] : memref<2x10240x32xf32, #tpu.memory_space<hbm>> -> memref<1x640x32xf32, #tpu.memory_space<hbm>>
      %dma_start3A_121 = tpu.memref_squeeze %dma_start3A_120 : memref<1x640x32xf32, #tpu.memory_space<hbm>> -> memref<640x32xf32, #tpu.memory_space<hbm>>
      %dma_start3A_122 = arith.constant 0 : i32
      %dma_start3A_123 = tpu.memref_slice %arg22[%mul3A_0, %dma_start3A_122] : memref<10240x32xf32, #tpu.memory_space<vmem_shared>> -> memref<640x32xf32, #tpu.memory_space<vmem_shared>>
      tpu.enqueue_dma source(%dma_start3A_123 : memref<640x32xf32, #tpu.memory_space<vmem_shared>>) target(%dma_start3A_121 : memref<640x32xf32, #tpu.memory_space<hbm>>) target_semaphore(%run_scoped3A : memref<!tpu.dma_semaphore, #tpu.memory_space<semaphore_mem>>)
      %dma_wait3A_124 = arith.constant 0 : i32
      %dma_wait3A_125 = tpu.memref_slice %arg7[%arg0, %mul3A_0, %dma_wait3A_124] : memref<2x10240x32xf32, #tpu.memory_space<hbm>> -> memref<1x640x32xf32, #tpu.memory_space<hbm>>
      %dma_wait3A_126 = tpu.memref_squeeze %dma_wait3A_125 : memref<1x640x32xf32, #tpu.memory_space<hbm>> -> memref<640x32xf32, #tpu.memory_space<hbm>>
      %dma_wait3A_127 = arith.constant 0 : i32
      %dma_wait3A_128 = tpu.memref_slice %arg22[%mul3A_0, %dma_wait3A_127] : memref<10240x32xf32, #tpu.memory_space<vmem_shared>> -> memref<640x32xf32, #tpu.memory_space<vmem_shared>>
      tpu.wait_dma2 semaphore(%run_scoped3A : memref<!tpu.dma_semaphore, #tpu.memory_space<semaphore_mem>>) src(%dma_wait3A_128 : memref<640x32xf32, #tpu.memory_space<vmem_shared>>) dst(%dma_wait3A_126 : memref<640x32xf32, #tpu.memory_space<hbm>>)
      tpu.yield
    }) : () -> ()
    return
  }
}

module attributes {stable_mosaic.version = 14 : i64} {
  func.func @_tc_a_body(%arg0: memref<2x2500x128xi32, #tpu.memory_space<vmem>>, %arg1: memref<10000x128xf32, #tpu.memory_space<vmem>>, %arg2: memref<128x64xf32, #tpu.memory_space<vmem>>, %arg3: memref<2x2560x128xi32, #tpu.memory_space<vmem>>, %arg4: memref<10000x64xf32, #tpu.memory_space<vmem>>) attributes {dimension_semantics = [], scalar_prefetch = 0 : i64, scratch_operands = 0 : i64, tpu.core_type = #tpu.core_type<tc>} {
    %get3A = arith.constant 0 : index
    %get3A_0 = arith.constant 0 : index
    %get3A_1 = arith.constant 0 : index
    %get3A_2 = vector.load %arg0[%get3A, %get3A_0, %get3A_1] : memref<2x2500x128xi32, #tpu.memory_space<vmem>>, vector<2x2500x128xi32>
    %broadcast_in_dim3A = arith.constant 10000 : i32
    %broadcast_in_dim3A_3 = vector.broadcast %broadcast_in_dim3A : i32 to vector<2x60x128xi32>
    %concatenate3A = tpu.concatenate %get3A_2, %broadcast_in_dim3A_3 in 1 : vector<2x2500x128xi32>, vector<2x60x128xi32> -> vector<2x2560x128xi32>
    %swap3A = arith.constant 0 : index
    %swap3A_4 = arith.constant 0 : index
    %swap3A_5 = arith.constant 0 : index
    %swap3A_6 = vector.load %arg3[%swap3A, %swap3A_4, %swap3A_5] : memref<2x2560x128xi32, #tpu.memory_space<vmem>>, vector<2x2560x128xi32>
    tpu.vector_store %arg3[%swap3A, %swap3A_4, %swap3A_5], %concatenate3A {strides = array<i32>} : memref<2x2560x128xi32, #tpu.memory_space<vmem>>, vector<2x2560x128xi32>,
    %get3A_7 = arith.constant 0 : index
    %get3A_8 = arith.constant 0 : index
    %get3A_9 = vector.load %arg1[%get3A_7, %get3A_8] : memref<10000x128xf32, #tpu.memory_space<vmem>>, vector<10000x128xf32>
    %get3A_10 = arith.constant 0 : index
    %get3A_11 = arith.constant 0 : index
    %get3A_12 = vector.load %arg2[%get3A_10, %get3A_11] : memref<128x64xf32, #tpu.memory_space<vmem>>, vector<128x64xf32>
    %dot_general3A = arith.constant dense<0.000000e+00> : vector<10000x64xf32>
    %dot_general3A_13 = tpu.matmul %get3A_9, %get3A_12, %dot_general3A {dimension_numbers = #tpu.dot_dimension_numbers<[1], [0], [0], [1], [0, 0, 1, 1], [], []>, transpose_lhs_hint = false} : vector<10000x128xf32>, vector<128x64xf32>, vector<10000x64xf32> -> vector<10000x64xf32>
    %swap3A_14 = arith.constant 0 : index
    %swap3A_15 = arith.constant 0 : index
    %swap3A_16 = vector.load %arg4[%swap3A_14, %swap3A_15] : memref<10000x64xf32, #tpu.memory_space<vmem>>, vector<10000x64xf32>
    tpu.vector_store %arg4[%swap3A_14, %swap3A_15], %dot_general3A_13 {strides = array<i32>} : memref<10000x64xf32, #tpu.memory_space<vmem>>, vector<10000x64xf32>,
    return
  }
}

module attributes {stable_mosaic.version = 14 : i64} {
  func.func @_tc1_body(%arg0: memref<2x10240xf32, #tpu.memory_space<vmem>>, %arg1: memref<10000x64xf32, #tpu.memory_space<vmem>>, %arg2: memref<2x10240x32xf32, #tpu.memory_space<vmem>>, %arg3: memref<10240x32xf32, #tpu.memory_space<vmem>>) attributes {dimension_semantics = [], scalar_prefetch = 0 : i64, scratch_operands = 0 : i64, tpu.core_type = #tpu.core_type<tc>} {
    %get3A = arith.constant 0 : index
    %get3A_0 = arith.constant 0 : index
    %get3A_1 = vector.load %arg0[%get3A, %get3A_0] : memref<2x10240xf32, #tpu.memory_space<vmem>>, vector<2x10240xf32>
    %slice3A = vector.extract_strided_slice %get3A_1 {offsets = [0, 0], sizes = [1, 10240], strides = [1, 1]} : vector<2x10240xf32> to vector<1x10240xf32>
    %squeeze3A = vector.shape_cast %slice3A : vector<1x10240xf32> to vector<10240xf32>
    %slice3A_2 = vector.extract_strided_slice %get3A_1 {offsets = [1, 0], sizes = [1, 10240], strides = [1, 1]} : vector<2x10240xf32> to vector<1x10240xf32>
    %squeeze3A_3 = vector.shape_cast %slice3A_2 : vector<1x10240xf32> to vector<10240xf32>
    %add3A = arith.addf %squeeze3A, %squeeze3A_3 : vector<10240xf32>
    %add3A_4 = arith.constant 1.000000e+00 : f32
    %add3A_5 = vector.broadcast %add3A_4 : f32 to vector<10240xf32>
    %add3A_6 = arith.addf %add3A, %add3A_5 : vector<10240xf32>
    %rsqrt3A = math.rsqrt %add3A_6 : vector<10240xf32>
    %slice3A_7 = vector.extract_strided_slice %rsqrt3A {offsets = [0], sizes = [10000], strides = [1]} : vector<10240xf32> to vector<10000xf32>
    %get3A_8 = arith.constant 0 : index
    %get3A_9 = arith.constant 0 : index
    %get3A_10 = vector.load %arg1[%get3A_8, %get3A_9] : memref<10000x64xf32, #tpu.memory_space<vmem>>, vector<10000x64xf32>
    %broadcast_in_dim3A = vector.shape_cast %slice3A_7 : vector<10000xf32> to vector<10000x1xf32>
    %mul3A = vector.broadcast %broadcast_in_dim3A : vector<10000x1xf32> to vector<10000x64xf32>
    %mul3A_11 = arith.mulf %get3A_10, %mul3A : vector<10000x64xf32>
    %broadcast_in_dim3A_12 = arith.constant 0.000000e+00 : f32
    %broadcast_in_dim3A_13 = vector.broadcast %broadcast_in_dim3A_12 : f32 to vector<240x64xf32>
    %concatenate3A = tpu.concatenate %mul3A_11, %broadcast_in_dim3A_13 in 0 : vector<10000x64xf32>, vector<240x64xf32> -> vector<10240x64xf32>
    %slice3A_14 = vector.extract_strided_slice %concatenate3A {offsets = [0, 0], sizes = [10240, 32], strides = [1, 1]} : vector<10240x64xf32> to vector<10240x32xf32>
    %slice3A_15 = vector.extract_strided_slice %concatenate3A {offsets = [0, 32], sizes = [10240, 32], strides = [1, 1]} : vector<10240x64xf32> to vector<10240x32xf32>
    %stack3A = vector.shape_cast %slice3A_14 : vector<10240x32xf32> to vector<1x10240x32xf32>
    %stack3A_16 = vector.shape_cast %slice3A_15 : vector<10240x32xf32> to vector<1x10240x32xf32>
    %stack3A_17 = tpu.concatenate %stack3A, %stack3A_16 in 0 : vector<1x10240x32xf32>, vector<1x10240x32xf32> -> vector<2x10240x32xf32>
    %swap3A = arith.constant 0 : index
    %swap3A_18 = arith.constant 0 : index
    %swap3A_19 = arith.constant 0 : index
    %swap3A_20 = vector.load %arg2[%swap3A, %swap3A_18, %swap3A_19] : memref<2x10240x32xf32, #tpu.memory_space<vmem>>, vector<2x10240x32xf32>
    tpu.vector_store %arg2[%swap3A, %swap3A_18, %swap3A_19], %stack3A_17 {strides = array<i32>} : memref<2x10240x32xf32, #tpu.memory_space<vmem>>, vector<2x10240x32xf32>,
    %broadcast_in_dim3A_21 = vector.shape_cast %slice3A_7 : vector<10000xf32> to vector<10000x1xf32>
    %broadcast_in_dim3A_22 = vector.shape_cast %broadcast_in_dim3A_21 : vector<10000x1xf32> to vector<10000x1xf32>
    %broadcast_in_dim3A_23 = vector.broadcast %broadcast_in_dim3A_22 : vector<10000x1xf32> to vector<10000x32xf32>
    %broadcast_in_dim3A_24 = arith.constant 0.000000e+00 : f32
    %broadcast_in_dim3A_25 = vector.broadcast %broadcast_in_dim3A_24 : f32 to vector<240x32xf32>
    %concatenate3A_26 = tpu.concatenate %broadcast_in_dim3A_23, %broadcast_in_dim3A_25 in 0 : vector<10000x32xf32>, vector<240x32xf32> -> vector<10240x32xf32>
    %swap3A_27 = arith.constant 0 : index
    %swap3A_28 = arith.constant 0 : index
    %swap3A_29 = vector.load %arg3[%swap3A_27, %swap3A_28] : memref<10240x32xf32, #tpu.memory_space<vmem>>, vector<10240x32xf32>
    tpu.vector_store %arg3[%swap3A_27, %swap3A_28], %concatenate3A_26 {strides = array<i32>} : memref<10240x32xf32, #tpu.memory_space<vmem>>, vector<10240x32xf32>,
    return
  }
}

module attributes {stable_mosaic.version = 14 : i64} {
  func.func @_tc3_body(%arg0: memref<2x10240xf32, #tpu.memory_space<vmem>>, %arg1: memref<2x10240x32xf32, #tpu.memory_space<vmem>>, %arg2: memref<2x10240x32xf32, #tpu.memory_space<vmem>>, %arg3: memref<64x128xf32, #tpu.memory_space<vmem>>, %arg4: memref<128xf32, #tpu.memory_space<vmem>>, %arg5: memref<10000x128xf32, #tpu.memory_space<vmem>>) attributes {dimension_semantics = [], scalar_prefetch = 0 : i64, scratch_operands = 0 : i64, tpu.core_type = #tpu.core_type<tc>} {
    %get3A = arith.constant 0 : index
    %get3A_0 = arith.constant 0 : index
    %get3A_1 = vector.load %arg0[%get3A, %get3A_0] : memref<2x10240xf32, #tpu.memory_space<vmem>>, vector<2x10240xf32>
    %slice3A = vector.extract_strided_slice %get3A_1 {offsets = [0, 0], sizes = [1, 10240], strides = [1, 1]} : vector<2x10240xf32> to vector<1x10240xf32>
    %squeeze3A = vector.shape_cast %slice3A : vector<1x10240xf32> to vector<10240xf32>
    %slice3A_2 = vector.extract_strided_slice %get3A_1 {offsets = [1, 0], sizes = [1, 10240], strides = [1, 1]} : vector<2x10240xf32> to vector<1x10240xf32>
    %squeeze3A_3 = vector.shape_cast %slice3A_2 : vector<1x10240xf32> to vector<10240xf32>
    %add3A = arith.addf %squeeze3A, %squeeze3A_3 : vector<10240xf32>
    %add3A_4 = arith.constant 1.000000e+00 : f32
    %add3A_5 = vector.broadcast %add3A_4 : f32 to vector<10240xf32>
    %add3A_6 = arith.addf %add3A, %add3A_5 : vector<10240xf32>
    %rsqrt3A = math.rsqrt %add3A_6 : vector<10240xf32>
    %slice3A_7 = vector.extract_strided_slice %rsqrt3A {offsets = [0], sizes = [10000], strides = [1]} : vector<10240xf32> to vector<10000xf32>
    %get3A_8 = arith.constant 0 : index
    %get3A_9 = arith.constant 0 : index
    %get3A_10 = arith.constant 0 : index
    %get3A_11 = vector.load %arg1[%get3A_8, %get3A_9, %get3A_10] : memref<2x10240x32xf32, #tpu.memory_space<vmem>>, vector<1x10240x32xf32>
    %get3A_12 = vector.shape_cast %get3A_11 : vector<1x10240x32xf32> to vector<10240x32xf32>
    %get3A_13 = arith.constant 1 : index
    %get3A_14 = arith.constant 0 : index
    %get3A_15 = arith.constant 0 : index
    %get3A_16 = vector.load %arg1[%get3A_13, %get3A_14, %get3A_15] : memref<2x10240x32xf32, #tpu.memory_space<vmem>>, vector<1x10240x32xf32>
    %get3A_17 = vector.shape_cast %get3A_16 : vector<1x10240x32xf32> to vector<10240x32xf32>
    %concatenate3A = tpu.concatenate %get3A_12, %get3A_17 in 1 : vector<10240x32xf32>, vector<10240x32xf32> -> vector<10240x64xf32>
    %get3A_18 = arith.constant 0 : index
    %get3A_19 = arith.constant 0 : index
    %get3A_20 = arith.constant 0 : index
    %get3A_21 = vector.load %arg2[%get3A_18, %get3A_19, %get3A_20] : memref<2x10240x32xf32, #tpu.memory_space<vmem>>, vector<1x10240x32xf32>
    %get3A_22 = vector.shape_cast %get3A_21 : vector<1x10240x32xf32> to vector<10240x32xf32>
    %get3A_23 = arith.constant 1 : index
    %get3A_24 = arith.constant 0 : index
    %get3A_25 = arith.constant 0 : index
    %get3A_26 = vector.load %arg2[%get3A_23, %get3A_24, %get3A_25] : memref<2x10240x32xf32, #tpu.memory_space<vmem>>, vector<1x10240x32xf32>
    %get3A_27 = vector.shape_cast %get3A_26 : vector<1x10240x32xf32> to vector<10240x32xf32>
    %concatenate3A_28 = tpu.concatenate %get3A_22, %get3A_27 in 1 : vector<10240x32xf32>, vector<10240x32xf32> -> vector<10240x64xf32>
    %add3A_29 = arith.addf %concatenate3A, %concatenate3A_28 : vector<10240x64xf32>
    %slice3A_30 = vector.extract_strided_slice %add3A_29 {offsets = [0, 0], sizes = [10000, 64], strides = [1, 1]} : vector<10240x64xf32> to vector<10000x64xf32>
    %broadcast_in_dim3A = vector.shape_cast %slice3A_7 : vector<10000xf32> to vector<10000x1xf32>
    %mul3A = vector.broadcast %broadcast_in_dim3A : vector<10000x1xf32> to vector<10000x64xf32>
    %mul3A_31 = arith.mulf %slice3A_30, %mul3A : vector<10000x64xf32>
    %get3A_32 = arith.constant 0 : index
    %get3A_33 = arith.constant 0 : index
    %get3A_34 = vector.load %arg3[%get3A_32, %get3A_33] : memref<64x128xf32, #tpu.memory_space<vmem>>, vector<64x128xf32>
    %dot_general3A = arith.constant dense<0.000000e+00> : vector<10000x128xf32>
    %dot_general3A_35 = tpu.matmul %mul3A_31, %get3A_34, %dot_general3A {dimension_numbers = #tpu.dot_dimension_numbers<[1], [0], [0], [1], [0, 0, 1, 1], [], []>, transpose_lhs_hint = false} : vector<10000x64xf32>, vector<64x128xf32>, vector<10000x128xf32> -> vector<10000x128xf32>
    %get3A_36 = arith.constant 0 : index
    %get3A_37 = vector.load %arg4[%get3A_36] : memref<128xf32, #tpu.memory_space<vmem>>, vector<128xf32>
    %broadcast_in_dim3A_38 = vector.shape_cast %get3A_37 : vector<128xf32> to vector<1x128xf32>
    %add3A_39 = vector.broadcast %broadcast_in_dim3A_38 : vector<1x128xf32> to vector<10000x128xf32>
    %add3A_40 = arith.addf %dot_general3A_35, %add3A_39 : vector<10000x128xf32>
    %swap3A = arith.constant 0 : index
    %swap3A_41 = arith.constant 0 : index
    %swap3A_42 = vector.load %arg5[%swap3A, %swap3A_41] : memref<10000x128xf32, #tpu.memory_space<vmem>>, vector<10000x128xf32>
    tpu.vector_store %arg5[%swap3A, %swap3A_41], %add3A_40 {strides = array<i32>} : memref<10000x128xf32, #tpu.memory_space<vmem>>, vector<10000x128xf32>,
    return
  }
}

</mosaic_0001>

<sc_bundles>
// kernel: kernel.10.cloned.1.call-start
scs
__scs_entry_jumppad:
0x0: {  	(pc) =	sbr.rel $0x88, $3  }
0x1: {  	(tag) =	ssettag $0x0;
	lr =	simm.s32 $0x1  }
0x2: {  	[smem:$0x3F9B] =	sst lr;
	_ =	strace $0xD0000000  }
0x3: {  	_ = 	snop  }
0x4: {  	_ = 	snop  }
0x5: {  	_ = 	snop  }
0x6: {  	_ = 	snop  }
0x7: {  	_ = 	snop  }
__scs_overlays_trampoline_lowered:
0x8: {  	[smem:$0x3FAA] =	sst s0  }
0x9: {  	[smem:$0x3FAB] =	sst s1  }
0xa: {  	[smem:$0x3FAC] =	sst s2  }
0xb: {  	[smem:$0x3FAD] =	sst s3  }
0xc: {  	[smem:$0x3FAE] =	sst s4  }
0xd: {  	[smem:$0x3FAF] =	sst s5  }
0xe: {  	[smem:$0x3FB0] =	sst s6  }
0xf: {  	[smem:$0x3FB1] =	sst s7  }
0x10: {  	[smem:$0x3FB2] =	sst s8  }
0x11: {  	[smem:$0x3FB3] =	sst s9;
	s0 =	simm.s32 @!p0 $0x0  }
0x12: {  	s1 =	sld [smem:$0x3F99];
	s0 =	simm.s32 @p0 $0x1  }
0x13: {  	[smem:$0x3FB4] =	sst s0;
	s0 =	simm.s32 @!p1 $0x0  }
0x14: {  	s2 =	sld [smem:$0x3F98];
	s0 =	simm.s32 @p1 $0x1  }
0x15: {  	[smem:$0x3FB5] =	sst s0;
	s0 =	simm.s32 @!p2 $0x0  }
0x16: {  	s3 =	sld [smem:$0x3FDB];
	s0 =	simm.s32 @p2 $0x1  }
0x17: {  	s4 =	simm.s32 $0x1BF5;
	[smem:$0x3FB7] =	sst s0  }
0x18: {  	s0 =	sld [smem:$0x3F9A];
	_ =	swait.ge [sflag:s4], $0x0  }
0x19: {  	s7 =	sld [smem:$0x3F9B]  }
0x1a: {  	s8 =	sadd.s32 $0xFFFFE003, lr  }
0x1b: {  	s9 =	sadd.s32 $0xFFFFFEF7, lr;
	s5 =	simm.s32 $0xFFFFFFFF;
	p2 =	slt.u32 s8, $0xFFFFF086  }
0x1c: {  	p1 =	slt.u32 s9, $0xF7A;
	s5 =	simm.s32 @!p2 $0x0  }
0x1d: {  	s5 =	simm.s32 @p1 $0x1;
	p0 =	seq.s32 s7, s2  }
0x1e: {  	s7 =	smul.u32 @!p0 $0xF7A, s2;
	p2 =	seq.s32 @!p0 s5, $0x0  }
0x1f: {  	s9 =	smul.u32 $0xF7A, s1;
	s8 =	simm.s32 @!p0 $0x1BF5;
	p2 =	por !p2, p0  }
0x20: {  	[sflag:s8] =	ssyncset.s32 @!p0 $0xFFFFF086;
	s6 =	sadd.s32 @!p0 s3, s7;
	s7 =	simm.s32 @!p0 $0x108  }
0x21: {  	s3 =	sadd.s32 s3, s9;
	s6 =	sadd.s32 @!p0 $0x88, s6;
	s7 =	simm.s32 @p2 $0x1082  }
0x22: {  	[simem:s7], [sflag:s8] =	dma.local @!p0 [hbm:s6], $0xF7A  }
0x23: {  	s9 =	sor.u32 $0xD0000000, s2;
	s6 =	simm.s32 $0x108;
	_ =	swait.ge @!p0 [sflag:s8], $0x0  }
0x24: {  	s3 =	sadd.s32 $0x88, s3;
	s6 =	simm.s32 @!p1 $0x1082;
	[sflag:s4] =	ssyncset.s32 $0xFFFFF086  }
0x25: {  	[simem:s6], [sflag:s4] =	dma.local [hbm:s3], $0xF7A  }
0x26: {  	[smem:$0x3F9B] =	sst s1;
	(tag) =	ssettag s2;
	_ =	strace s9  }
0x27: {  	s1 =	sld [smem:$0x3FAB]  }
0x28: {  	s2 =	sld [smem:$0x3FAC]  }
0x29: {  	s4 =	sld [smem:$0x3FAE]  }
0x2a: {  	p0 =	seq.s32 s5, $0x0;
	s5 =	sld [smem:$0x3FAF]  }
0x2b: {  	s6 =	sld [smem:$0x3FB0]  }
0x2c: {  	s7 =	sld [smem:$0x3FB1]  }
0x2d: {  	s3 =	simm.s32 $0x108;
	s8 =	sld [smem:$0x3FB2]  }
0x2e: {  	s3 =	simm.s32 @!p0 $0x1082;
	s9 =	sld [smem:$0x3FB3]  }
0x2f: {  	lr =	sadd.s32 s0, s3;
	s0 =	sld [smem:$0x3FAA]  }
0x30: {  	s3 =	sld [smem:$0x3FAD]  }
0x31: {  	[smem:$0x3FB6] =	sst s10  }
0x32: {  	s10 =	sld [smem:$0x3FB4];
	_ =	sdelay $0x3  }
0x33: {  	p0 =	seq.s32 s10, $0x1;
	s10 =	sld [smem:$0x3FB6];
	_ =	sdelay $0x3  }
0x34: {  	[smem:$0x3FB6] =	sst s10  }
0x35: {  	s10 =	sld [smem:$0x3FB5];
	_ =	sdelay $0x3  }
0x36: {  	p1 =	seq.s32 s10, $0x1;
	s10 =	sld [smem:$0x3FB6];
	_ =	sdelay $0x3  }
0x37: {  	[smem:$0x3FB6] =	sst s10  }
0x38: {  	s10 =	sld [smem:$0x3FB7]  }
0x39: {  	_ = 	snop;
	(pc) =	sbr.ind lr, $3  }
0x3a: {  	_ = 	snop  }
0x3b: {  	_ = 	snop  }
0x3c: {  	p2 =	seq.s32 s10, $0x1;
	s10 =	sld [smem:$0x3FB6]  }
0x3d: {  	_ =	shalt  }
0x3e: {  	_ =	shalt  }
0x3f: {  	_ =	shalt  }
0x40: {  	_ =	shalt  }
0x41: {  	_ =	shalt  }
0x42: {  	_ =	shalt  }
0x43: {  	_ =	shalt  }
0x44: {  	_ =	shalt  }
0x45: {  	_ =	shalt  }
0x46: {  	_ =	shalt  }
0x47: {  	_ =	shalt  }
0x48: {  	_ =	shalt  }
0x49: {  	_ =	shalt  }
0x4a: {  	_ =	shalt  }
0x4b: {  	_ =	shalt  }
0x4c: {  	_ =	shalt  }
0x4d: {  	_ =	shalt  }
0x4e: {  	_ =	shalt  }
0x4f: {  	_ =	shalt  }
0x50: {  	_ =	shalt  }
0x51: {  	_ =	shalt  }
0x52: {  	_ =	shalt  }
0x53: {  	_ =	shalt  }
0x54: {  	_ =	shalt  }
0x55: {  	_ =	shalt  }
0x56: {  	_ =	shalt  }
0x57: {  	_ =	shalt  }
0x58: {  	_ =	shalt  }
0x59: {  	_ =	shalt  }
0x5a: {  	_ =	shalt  }
0x5b: {  	_ =	shalt  }
0x5c: {  	_ =	shalt  }
0x5d: {  	_ =	shalt  }
0x5e: {  	_ =	shalt  }
0x5f: {  	_ =	shalt  }
0x60: {  	_ =	shalt  }
0x61: {  	_ =	shalt  }
0x62: {  	_ =	shalt  }
0x63: {  	_ =	shalt  }
0x64: {  	_ =	shalt  }
0x65: {  	_ =	shalt  }
0x66: {  	_ =	shalt  }
0x67: {  	_ =	shalt  }
0x68: {  	_ =	shalt  }
0x69: {  	_ =	shalt  }
0x6a: {  	_ =	shalt  }
0x6b: {  	_ =	shalt  }
0x6c: {  	_ =	shalt  }
0x6d: {  	_ =	shalt  }
0x6e: {  	_ =	shalt  }
0x6f: {  	_ =	shalt  }
0x70: {  	_ =	shalt  }
0x71: {  	_ =	shalt  }
0x72: {  	_ =	shalt  }
0x73: {  	_ =	shalt  }
0x74: {  	_ =	shalt  }
0x75: {  	_ =	shalt  }
0x76: {  	_ =	shalt  }
0x77: {  	_ =	shalt  }
0x78: {  	_ =	shalt  }
0x79: {  	_ =	shalt  }
0x7a: {  	_ =	shalt  }
0x7b: {  	_ =	shalt  }
0x7c: {  	_ =	shalt  }
0x7d: {  	_ =	shalt  }
0x7e: {  	_ =	shalt  }
0x7f: {  	_ =	shalt  }
0x80: {  	_ =	shalt  }
0x81: {  	_ =	shalt  }
0x82: {  	_ =	shalt  }
0x83: {  	_ =	shalt  }
0x84: {  	_ =	shalt  }
0x85: {  	_ =	shalt  }
0x86: {  	_ =	shalt  }
0x87: {  	_ =	shalt  }
.Lfunc_end0:
.L_simem_size_0:
called_computation.1_lowered:
.L_overlay_start_0:
0x88: {  	s2 =	sld [smem:$0x3FD9]  }
0x89: {  	s3 =	sld [smem:$0x3FFE];
	_ =	sdelay $0x1  }
0x8a: {  	s1 =	srdreg.scid  }
0x8b: {  	s0 =	sand.u32 $0x1, s1  }
0x8c: {  	s17 =	sshll.u32 s0, $0xA;
	s2 =	sadd.s32 s3, s2  }
0x8d: {  	s2 =	sadd.s32 s2, s17  }
0x8e: {  	[smem:$0x3FC2] =	sst s2  }
0x8f: {  	_ = 	snop  }
0x90: {  	s2 =	sld [smem:$0x3FC6]  }
0x91: {  	s18 =	sld [smem:$0x3FD0];
	(tm) =	ssettm $0x1  }
0x92: {  	s4 =	sld [smem:$0x3FFB];
	_ =	sdelay $0x3  }
0x93: {  	_ =	strace s4  }
0x94: {  	s4 =	sld [smem:$0x3FFC];
	_ =	sdelay $0x3  }
0x95: {  	_ =	strace s4  }
0x96: {  	s4 =	sld [smem:$0x3FFD];
	_ =	sdelay $0x3  }
0x97: {  	_ =	strace s4  }
0x98: {  	_ =	strace $0x8FFFFFFF  }
0x99: {  	s19 =	sld [smem:$0x3FDB];
	_ =	sdelay $0x1  }
0x9a: {  	s5 =	simm.s32 $_scs_section_size  }
0x9b: {  	s6 =	simm.s32 $_size__tile_overlayer_lowered;
	s7 =	simm.s32 $_tile_overlayer_lowered  }
0x9c: {  	s22 =	simm.s32 $0x1BFF;
	s21 =	sshll.u32 s7, $0x1;
	s4 =	sadd.s32 s5, s19  }
0x9d: {  	s8 =	simm.s32 $0x0;
	s20 =	sshll.u32 s6, $0x1;
	s6 =	sadd.s32 s21, s4  }
0x9e: {  	[timem:s8], [sflag:s22] =	dma.local [hbm:s6], s20  }
0x9f: {  	_ =	swait.ge [sflag:s22], s20  }
0xa0: {  	s5 =	ssub.s32 $0x0, s20;
	[sflag:s22] =	ssyncset.done $0x0  }
0xa1: {  	[sflag:s22] =	ssyncadd.s32 s5;
	_ =	sdelay $0x1  }
0xa2: {  	s23 =	simm.s32 $0x1B8B  }
0xa3: {  	_ =	swait.ge [sflag:s23], $0x1  }
0xa4: {  	[sflag:s23] =	ssyncset.done $0x0  }
0xa5: {  	s25 =	simm.s32 $0x1B8E;
	s24 =	sld [smem:$0x3FFE];
	[sflag:s23] =	ssyncadd.s32 $0xFFFFFFFF  }
0xa6: {  	s26 =	simm.s32 $execute0_lowered;
	[smem:$0x3FD2] =	sst s25  }
0xa7: {  	s6 =	sshll.u32 s26, $0x1;
	_ =	strace $0x80000049;
	[dreg:$0x1] =	wrdreg $0xFFFFFFFF  }
0xa8: {  	s28 =	simm.s32 $_size_execute0_lowered;
	s4 =	sadd.s32 s4, s6;
	[dreg:$0x0] =	wrdreg $0x0  }
0xa9: {  	s6 =	sshll.u32 s28, $0x1;
	[dreg:$0x2] =	wrdreg s4  }
0xaa: {  	[dreg:$0x3] =	wrdreg s6  }
0xab: {  	[dreg:$0x4] =	wrdreg $0xC0  }
0xac: {  	_ =	task [dreg:s8], $0x5FFFF  }
0xad: {  	[dreg:$0x1] =	wrdreg $0xFFFFFFFF  }
0xae: {  	[dreg:$0x0] =	wrdreg $0x60  }
0xaf: {  	[dreg:$0x2] =	wrdreg s18  }
0xb0: {  	[dreg:$0x3] =	wrdreg s24  }
0xb1: {  	[dreg:$0x4] =	wrdreg s2  }
0xb2: {  	[dreg:$0x5] =	wrdreg $0x150200  }
0xb3: {  	[dreg:$0x6] =	wrdreg $0x9  }
0xb4: {  	_ =	task.clear_ibuf [dreg:s8], $0x7FFFF;
	_ =	strace $0x90000049  }
0xb5: {  	s29 =	simm.s32 $0x9;
	_ =	strace $0x8000004B  }
0xb6: {  	_ =	swait.ge [sflag:s29], $0x1  }
0xb7: {  	[sflag:s29] =	ssyncadd.s32 $0xFFFFFFFF  }
0xb8: {  	_ =	strace $0x9000004B  }
0xb9: {  	_ =	sfence  }
0xba: {  	s30 =	sld [smem:$0x0];
	_ =	sdelay $0x2  }
0xbb: {  	s31 =	sshll.u32 s1, $0xD;
	s1 =	sshrl.u32 s1, $0x2  }
0xbc: {  	s3 =	sand.u32 $0x4000, s31;
	s1 =	sadd.s32 s1, s30  }
0xbd: {  	s0 =	sor.u32 s3, s0;
	s1 =	sshll.u32 s1, $0x11  }
0xbe: {  	s0 =	sor.u32 s1, s0  }
0xbf: {  	s0 =	sadd.s32 $0x8F2B, s0  }
0xc0: {  	[sflag:s0] =	ssyncadd.remote.s32 $0x1  }
0xc1: {  	_ =	sfence.sel $0xFFFF  }
0xc2: {  	[dreg:$0x0] =	wrdreg $0xFFFFFFFF;
	(pc) =	sbr.abs _section_cstart, $3  }
0xc3: {  	[dreg:$0x1] =	wrdreg $0xFFFFFFFF  }
0xc4: {  	_ =	task.clear_ibuf [dreg:s8], $0x2FFFF;
	_ =	strace $0x9FFFFFFF  }
0xc5: {  	(tm) =	ssettm $0x7FFFFFFF  }
tec
execute0_lowered:
.L_overlay_start_1:
0x0: {  	(tag) =	ssettag $0x1  }
0x1: {  	s0 =	rddreg [dreg:$0x0]  }
0x2: {  	s1 =	rddreg [dreg:$0x1];
	s2 =	stileid.u32  }
0x3: {  	s3 =	srdreg.scid;
	s4 =	rddreg [dreg:$0x2]  }
0x4: {  	s7 =	simm.s32 $0x0;
	s2 =	smul.u32 $0x5000, s2;
	s3 =	sand.u32 $0x1, s3  }
0x5: {  	[smem:$0x7FF] =	sst s7;
	s8 =	sadd.s32 $0x16E00, s1;
	s11 =	sadd.s32 $0x20E00, s1  }
0x6: {  	s6 =	smul.u32 $0x50000, s3;
	s10 =	ssub.s32 $0x2, s3;
	s14 =	sshll.u32 s3, $0x2  }
0x7: {  	s3 =	smul.u32 $0xA000, s3;
	s5 =	sshrl.u32 s2, $0x3;
	s12 =	sshrl.u32 s10, $0x1  }
0x8: {  	s13 =	sadd.s32 $0x2000, s2;
	s15 =	sadd.s32 $0x3000, s2;
	s16 =	sadd.s32 $0x4000, s2  }
0x9: {  	s4 =	sadd.s32 s4, s14;
	s7 =	sadd.s32 s5, s1;
	s9 =	sadd.s32 s2, s6  }
0xa: {  	s10 =	ssub.s32 s10, s12;
	s12 =	sadd.s32 $0x1000, s2;
	[dreg:$0x5] =	wrdreg s4  }
0xb: {  	s3 =	sadd.s32 s0, s3;
	s5 =	sadd.s32 s8, s5;
	s25 =	sadd.s32 s6, s13  }
0xc: {  	s14 =	sshrl.u32 s13, $0x3;
	s17 =	sshrl.u32 s15, $0x3;
	s18 =	sshrl.u32 s16, $0x3  }
0xd: {  	s19 =	sadd.s32 s6, s15;
	s9 =	sshrl.u32 s9, $0x3;
	s21 =	sadd.s32 s6, s12  }
0xe: {  	[dreg:$0x7] =	wrdreg s5;
	s24 =	sshrl.u32 s12, $0x3;
	s20 =	sadd.s32 s0, s9  }
0xf: {  	s26 =	sshrl.u32 s25, $0x3;
	s22 =	sadd.s32 s11, s9;
	[dreg:$0x6] =	wrdreg s20  }
0x10: {  	s25 =	sshrl.u32 s6, $0x3;
	s5 =	sadd.s32 s8, s24;
	[dreg:$0x8] =	wrdreg s22  }
0x11: {  	s1 =	sadd.s32 s9, s1;
	s9 =	sadd.s32 s8, s14;
	[dreg:$0xa] =	wrdreg s5  }
0x12: {  	s4 =	sshrl.u32 s21, $0x3;
	s21 =	sadd.s32 s0, s26;
	[dreg:$0xb] =	wrdreg s9  }
0x13: {  	s31 =	smax.u32 s10, $0x1;
	s23 =	sadd.s32 s0, s4;
	[dreg:$0xf] =	wrdreg s21  }
0x14: {  	s9 =	sadd.s32 s8, s17;
	s8 =	sadd.s32 s8, s18;
	s18 =	rddreg [dreg:$0x3]  }
0x15: {  	s10 =	simm.s32 $0x10000;
	s14 =	simm.s32 $0x14000;
	[dreg:$0x9] =	wrdreg s23  }
0x16: {  	s4 =	sadd.s32 s11, s4;
	s20 =	sshrl.u32 s19, $0x3;
	[dreg:$0xc] =	wrdreg s9  }
0x17: {  	s5 =	sadd.s32 s11, s26;
	s21 =	sadd.s32 s11, s25;
	[dreg:$0xd] =	wrdreg s8  }
0x18: {  	s26 =	sadd.s32 $0x2E00, s7;
	s30 =	sadd.s32 $0x34E00, s1;
	[dreg:$0xe] =	wrdreg s4  }
0x19: {  	s1 =	simm.s32 $0x1;
	[dreg:$0x10] =	wrdreg s5;
	s22 =	sadd.s32 s0, s20  }
0x1a: {  	s23 =	sadd.s32 s6, s16;
	s4 =	sadd.s32 s11, s20;
	s25 =	sadd.s32 s12, s18  }
0x1b: {  	s28 =	sadd.s32 s15, s18;
	s29 =	sadd.s32 s16, s18;
	s16 =	simm.s32 $0xA000  }
0x1c: {  	s5 =	simm.s32 $0xB000;
	s6 =	simm.s32 $0xC000;
	s8 =	simm.s32 $0xE000  }
0x1d: {  	s9 =	simm.s32 $0xF000;
	s12 =	simm.s32 $0x12000;
	[dreg:$0x11] =	wrdreg s22  }
0x1e: {  	s15 =	simm.s32 $0x0;
	[dreg:$0x12] =	wrdreg s4;
	s24 =	sshrl.u32 s23, $0x3  }
0x1f: {  	s23 =	sadd.s32 $0xCE00, s7;
	s7 =	simm.s32 $0xD000;
	s0 =	sadd.s32 s0, s24  }
0x20: {  	s4 =	sadd.s32 s11, s24;
	s24 =	sadd.s32 s2, s18;
	[dreg:$0x13] =	wrdreg s0  }
0x21: {  	s2 =	simm.s32 $0x2;
	s11 =	simm.s32 $0x11000;
	[dreg:$0x14] =	wrdreg s4  }
0x22: {  	s0 =	simm.s32 $0x3;
	s4 =	simm.s32 $0x80;
	_ =	strace $0x8000004A  }
0x23: {  	v0 =	vimm.f32 $0.0e+00;
	[dreg:$0x15] =	wrdreg s26;
	s26 =	sadd.s32 s13, s18;
	s13 =	simm.s32 $0x13000  }
.LBB2_1:
0x24: {  	s17 =	simm.s32 $0x0;
	s19 =	rddreg [dreg:$0x15]  }
0x25: {  	[tilespmem:s17], [sflag:$0x1] =	stream.linear.gather [hbm4b:s19+s17], $0x5000, $0x38;
	[tilespmem:$0x1A020] =	vst v63  }
0x26: {  	s22 =	simm.s32 $0x5000  }
0x27: {  	[tilespmem:s22], [sflag:$0x2] =	stream.linear.gather [hbm4b:s23+s17], $0x5000, $0x38;
	[tilespmem:$0x1A020] =	vst v63  }
0x28: {  	s19 =	simm.s32 $0x0;
	s17 =	simm.s32 $0x80  }
.LBB2_2:
0x29: {  	p0 =	sne.s32 s17, $0x3F80;
	[tilespmem:s19+$0xA000] =	vst v0;
	s20 =	smov.u32 s17;
	s17 =	sadd.s32 $0x80, s17  }
.Ltmp0:
0x2a: {  	[tilespmem:s19+$0xA010] =	vst v0;
	(pc) =	sbr.rel @p0 .LBB2_2-.Ltmp0, $2  }
0x2b: {  	_ =	sdelay $0x2  }
0x2c: {  	s19 =	sshra.s32 s20, $0x2  }
0x2d: {  	[tilespmem:s19+$0xA000] =	vst v0  }
0x2e: {  	[tilespmem:s19+$0xA010] =	vst v0  }
0x2f: {  	[spmem:s24] =	stream.linear.scatter [tilespmem:s16], [sflag:$0x3], $0x1000, $0x38;
	[tilespmem:$0x1A020] =	vst v63  }
0x30: {  	_ =	swait.ge [sflag:s0], $0x1000  }
0x31: {  	[sflag:s0] =	ssyncset.done $0x0  }
0x32: {  	[sflag:s0] =	ssyncadd.s32 $0xFFFFF000  }
0x33: {  	[spmem:s25] =	stream.linear.scatter [tilespmem:s16], [sflag:$0x3], $0x1000, $0x38;
	[tilespmem:$0x1A020] =	vst v63  }
0x34: {  	_ =	swait.ge [sflag:s0], $0x1000  }
0x35: {  	[sflag:s0] =	ssyncset.done $0x0  }
0x36: {  	[sflag:s0] =	ssyncadd.s32 $0xFFFFF000  }
0x37: {  	[spmem:s26] =	stream.linear.scatter [tilespmem:s16], [sflag:$0x3], $0x1000, $0x38;
	[tilespmem:$0x1A020] =	vst v63  }
0x38: {  	_ =	swait.ge [sflag:s0], $0x1000  }
0x39: {  	[sflag:s0] =	ssyncset.done $0x0  }
0x3a: {  	[sflag:s0] =	ssyncadd.s32 $0xFFFFF000  }
0x3b: {  	[spmem:s28] =	stream.linear.scatter [tilespmem:s16], [sflag:$0x3], $0x1000, $0x38;
	[tilespmem:$0x1A020] =	vst v63  }
0x3c: {  	_ =	swait.ge [sflag:s0], $0x1000  }
0x3d: {  	[sflag:s0] =	ssyncset.done $0x0  }
0x3e: {  	[sflag:s0] =	ssyncadd.s32 $0xFFFFF000  }
0x3f: {  	[spmem:s29] =	stream.linear.scatter [tilespmem:s16], [sflag:$0x3], $0x1000, $0x38;
	[tilespmem:$0x1A020] =	vst v63  }
0x40: {  	_ =	swait.ge [sflag:s0], $0x1000  }
0x41: {  	s17 =	simm.s32 $0x0;
	[sflag:s0] =	ssyncset.done $0x0  }
0x42: {  	s20 =	simm.s32 $0x15000;
	s22 =	rddreg [dreg:$0x5];
	[sflag:s0] =	ssyncadd.s32 $0xFFFFF000  }
0x43: {  	[tilespmem:s20], [sflag:$0x3] =	stream.linear.gather [hbm4b:s22+s17], $0x20, $0x38;
	[tilespmem:$0x1A020] =	vst v63  }
0x44: {  	_ =	swait.ge [sflag:s0], $0x20  }
0x45: {  	[sflag:s0] =	ssyncset.done $0x0  }
0x46: {  	[sflag:s0] =	ssyncadd.s32 $0xFFFFFFE0  }
0x47: {  	_ =	swait.ge [sflag:s1], $0x5000  }
0x48: {  	[sflag:s1] =	ssyncset.done $0x0  }
0x49: {  	[sflag:s1] =	ssyncadd.s32 $0xFFFFB000  }
0x4a: {  	_ =	swait.ge [sflag:s2], $0x5000  }
0x4b: {  	[sflag:s2] =	ssyncset.done $0x0  }
0x4c: {  	[sflag:s2] =	ssyncadd.s32 $0xFFFFB000  }
0x4d: {  	s22 =	simm.s32 $0x0;
	[bflag:$0x0] =	sbarrier.arrive $0xFFFF  }
0x4e: {  	[tilespmem:s16], [sflag:$0x1] =	stream.indirect.gather [hbm4b:s3+s4], $0x20, s22, s4, $0xb8;
	[tilespmem:$0x1A020] =	vst v63  }
0x4f: {  	s19 =	simm.s32 $0x80  }
0x50: {  	[tilespmem:s5], [sflag:$0x1] =	stream.indirect.gather [hbm4b:s3+s4], $0x20, s19, s4, $0xb8;
	[tilespmem:$0x1A020] =	vst v63  }
0x51: {  	s20 =	simm.s32 $0x100  }
0x52: {  	[tilespmem:s6], [sflag:$0x1] =	stream.indirect.gather [hbm4b:s3+s4], $0x20, s20, s4, $0xb8;
	[tilespmem:$0x1A020] =	vst v63  }
0x53: {  	s22 =	simm.s32 $0x180  }
0x54: {  	[tilespmem:s7], [sflag:$0x1] =	stream.indirect.gather [hbm4b:s3+s4], $0x20, s22, s4, $0xb8;
	[tilespmem:$0x1A020] =	vst v63  }
0x55: {  	s19 =	simm.s32 $0x200  }
0x56: {  	[tilespmem:s8], [sflag:$0x1] =	stream.indirect.gather [hbm4b:s3+s4], $0x20, s19, s4, $0xb8;
	[tilespmem:$0x1A020] =	vst v63  }
0x57: {  	s20 =	simm.s32 $0x280  }
0x58: {  	[tilespmem:s9], [sflag:$0x1] =	stream.indirect.gather [hbm4b:s3+s4], $0x20, s20, s4, $0xb8;
	[tilespmem:$0x1A020] =	vst v63  }
0x59: {  	s22 =	simm.s32 $0x300  }
0x5a: {  	[tilespmem:s10], [sflag:$0x1] =	stream.indirect.gather [hbm4b:s3+s4], $0x20, s22, s4, $0xb8;
	[tilespmem:$0x1A020] =	vst v63  }
0x5b: {  	s19 =	simm.s32 $0x380  }
0x5c: {  	[tilespmem:s11], [sflag:$0x1] =	stream.indirect.gather [hbm4b:s3+s4], $0x20, s19, s4, $0xb8;
	[tilespmem:$0x1A020] =	vst v63  }
0x5d: {  	_ =	swait.ge [sflag:s1], $0x1000  }
0x5e: {  	[sflag:s1] =	ssyncset.done $0x0  }
0x5f: {  	s20 =	simm.s32 $0x5000;
	[sflag:s1] =	ssyncadd.s32 $0xFFFFF000  }
0x60: {  	[spmem:s18] =	stream.indirect.scatter.add.f32 [tilespmem:s16], [sflag:$0x3], $0x20, s20, s4, $0xb8;
	[tilespmem:$0x1A020] =	vst v63  }
0x61: {  	_ =	swait.ge [sflag:s0], $0x1000  }
0x62: {  	[sflag:s0] =	ssyncset.done $0x0  }
0x63: {  	[sflag:s0] =	ssyncadd.s32 $0xFFFFF000  }
0x64: {  	_ =	swait.ge [sflag:s1], $0x1000  }
0x65: {  	[sflag:s1] =	ssyncset.done $0x0  }
0x66: {  	s22 =	simm.s32 $0x5080;
	[sflag:s1] =	ssyncadd.s32 $0xFFFFF000  }
0x67: {  	[spmem:s18] =	stream.indirect.scatter.add.f32 [tilespmem:s5], [sflag:$0x3], $0x20, s22, s4, $0xb8;
	[tilespmem:$0x1A020] =	vst v63  }
0x68: {  	_ =	swait.ge [sflag:s0], $0x1000  }
0x69: {  	[sflag:s0] =	ssyncset.done $0x0  }
0x6a: {  	[sflag:s0] =	ssyncadd.s32 $0xFFFFF000  }
0x6b: {  	_ =	swait.ge [sflag:s1], $0x1000  }
0x6c: {  	[sflag:s1] =	ssyncset.done $0x0  }
0x6d: {  	s19 =	simm.s32 $0x5100;
	[sflag:s1] =	ssyncadd.s32 $0xFFFFF000  }
0x6e: {  	[spmem:s18] =	stream.indirect.scatter.add.f32 [tilespmem:s6], [sflag:$0x3], $0x20, s19, s4, $0xb8;
	[tilespmem:$0x1A020] =	vst v63  }
0x6f: {  	_ =	swait.ge [sflag:s0], $0x1000  }
0x70: {  	[sflag:s0] =	ssyncset.done $0x0  }
0x71: {  	[sflag:s0] =	ssyncadd.s32 $0xFFFFF000  }
0x72: {  	_ =	swait.ge [sflag:s1], $0x1000  }
0x73: {  	[sflag:s1] =	ssyncset.done $0x0  }
0x74: {  	s20 =	simm.s32 $0x5180;
	[sflag:s1] =	ssyncadd.s32 $0xFFFFF000  }
0x75: {  	[spmem:s18] =	stream.indirect.scatter.add.f32 [tilespmem:s7], [sflag:$0x3], $0x20, s20, s4, $0xb8;
	[tilespmem:$0x1A020] =	vst v63  }
0x76: {  	_ =	swait.ge [sflag:s0], $0x1000  }
0x77: {  	[sflag:s0] =	ssyncset.done $0x0  }
0x78: {  	[sflag:s0] =	ssyncadd.s32 $0xFFFFF000  }
0x79: {  	_ =	swait.ge [sflag:s1], $0x1000  }
0x7a: {  	[sflag:s1] =	ssyncset.done $0x0  }
0x7b: {  	s22 =	simm.s32 $0x5200;
	[sflag:s1] =	ssyncadd.s32 $0xFFFFF000  }
0x7c: {  	[spmem:s18] =	stream.indirect.scatter.add.f32 [tilespmem:s8], [sflag:$0x3], $0x20, s22, s4, $0xb8;
	[tilespmem:$0x1A020] =	vst v63  }
0x7d: {  	_ =	swait.ge [sflag:s0], $0x1000  }
0x7e: {  	[sflag:s0] =	ssyncset.done $0x0  }
0x7f: {  	[sflag:s0] =	ssyncadd.s32 $0xFFFFF000  }
0x80: {  	_ =	swait.ge [sflag:s1], $0x1000  }
0x81: {  	[sflag:s1] =	ssyncset.done $0x0  }
0x82: {  	s19 =	simm.s32 $0x5280;
	[sflag:s1] =	ssyncadd.s32 $0xFFFFF000  }
0x83: {  	[spmem:s18] =	stream.indirect.scatter.add.f32 [tilespmem:s9], [sflag:$0x3], $0x20, s19, s4, $0xb8;
	[tilespmem:$0x1A020] =	vst v63  }
0x84: {  	_ =	swait.ge [sflag:s0], $0x1000  }
0x85: {  	[sflag:s0] =	ssyncset.done $0x0  }
0x86: {  	[sflag:s0] =	ssyncadd.s32 $0xFFFFF000  }
0x87: {  	_ =	swait.ge [sflag:s1], $0x1000  }
0x88: {  	[sflag:s1] =	ssyncset.done $0x0  }
0x89: {  	s20 =	simm.s32 $0x5300;
	[sflag:s1] =	ssyncadd.s32 $0xFFFFF000  }
0x8a: {  	[spmem:s18] =	stream.indirect.scatter.add.f32 [tilespmem:s10], [sflag:$0x3], $0x20, s20, s4, $0xb8;
	[tilespmem:$0x1A020] =	vst v63  }
0x8b: {  	_ =	swait.ge [sflag:s0], $0x1000  }
0x8c: {  	[sflag:s0] =	ssyncset.done $0x0  }
0x8d: {  	[sflag:s0] =	ssyncadd.s32 $0xFFFFF000  }
0x8e: {  	_ =	swait.ge [sflag:s1], $0x1000  }
0x8f: {  	[sflag:s1] =	ssyncset.done $0x0  }
0x90: {  	s22 =	simm.s32 $0x5380;
	[sflag:s1] =	ssyncadd.s32 $0xFFFFF000  }
0x91: {  	[spmem:s18] =	stream.indirect.scatter.add.f32 [tilespmem:s11], [sflag:$0x3], $0x20, s22, s4, $0xb8;
	[tilespmem:$0x1A020] =	vst v63  }
0x92: {  	_ =	swait.ge [sflag:s0], $0x1000  }
0x93: {  	s17 =	simm.s32 $0x1000;
	s19 =	simm.s32 $0x2000;
	[sflag:s0] =	ssyncset.done $0x0  }
.LBB2_4:
0x94: {  	s20 =	sshra.s32 s17, $0x2  }
0x95: {  	[sflag:s0] =	ssyncadd.s32 $0xFFFFF000;
	s17 =	smov.u32 s19;
	s22 =	sadd.s32 $0x1000, s19  }
0x96: {  	[tilespmem:s16], [sflag:$0x1] =	stream.indirect.gather [hbm4b:s3+s4], $0x20, s20, s4, $0xb8;
	[tilespmem:$0x1A020] =	vst v63  }
0x97: {  	p0 =	sne.s32 s19, $0x13000;
	s19 =	sadd.s32 $0x80, s20  }
0x98: {  	[tilespmem:s5], [sflag:$0x1] =	stream.indirect.gather [hbm4b:s3+s4], $0x20, s19, s4, $0xb8;
	[tilespmem:$0x1A020] =	vst v63  }
0x99: {  	s19 =	sadd.s32 $0x100, s20  }
0x9a: {  	[tilespmem:s6], [sflag:$0x1] =	stream.indirect.gather [hbm4b:s3+s4], $0x20, s19, s4, $0xb8;
	[tilespmem:$0x1A020] =	vst v63  }
0x9b: {  	s19 =	sadd.s32 $0x180, s20  }
0x9c: {  	[tilespmem:s7], [sflag:$0x1] =	stream.indirect.gather [hbm4b:s3+s4], $0x20, s19, s4, $0xb8;
	[tilespmem:$0x1A020] =	vst v63  }
0x9d: {  	s19 =	sadd.s32 $0x200, s20  }
0x9e: {  	[tilespmem:s8], [sflag:$0x1] =	stream.indirect.gather [hbm4b:s3+s4], $0x20, s19, s4, $0xb8;
	[tilespmem:$0x1A020] =	vst v63  }
0x9f: {  	s19 =	sadd.s32 $0x280, s20  }
0xa0: {  	[tilespmem:s9], [sflag:$0x1] =	stream.indirect.gather [hbm4b:s3+s4], $0x20, s19, s4, $0xb8;
	[tilespmem:$0x1A020] =	vst v63  }
0xa1: {  	s19 =	sadd.s32 $0x300, s20  }
0xa2: {  	[tilespmem:s10], [sflag:$0x1] =	stream.indirect.gather [hbm4b:s3+s4], $0x20, s19, s4, $0xb8;
	[tilespmem:$0x1A020] =	vst v63  }
0xa3: {  	s19 =	sadd.s32 $0x380, s20  }
0xa4: {  	[tilespmem:s11], [sflag:$0x1] =	stream.indirect.gather [hbm4b:s3+s4], $0x20, s19, s4, $0xb8;
	[tilespmem:$0x1A020] =	vst v63  }
0xa5: {  	_ =	swait.ge [sflag:s1], $0x1000  }
0xa6: {  	[sflag:s1] =	ssyncset.done $0x0  }
0xa7: {  	s19 =	sadd.s32 $0x5000, s20;
	[sflag:s1] =	ssyncadd.s32 $0xFFFFF000  }
0xa8: {  	[spmem:s18] =	stream.indirect.scatter.add.f32 [tilespmem:s16], [sflag:$0x3], $0x20, s19, s4, $0xb8;
	[tilespmem:$0x1A020] =	vst v63  }
0xa9: {  	_ =	swait.ge [sflag:s0], $0x1000  }
0xaa: {  	[sflag:s0] =	ssyncset.done $0x0  }
0xab: {  	[sflag:s0] =	ssyncadd.s32 $0xFFFFF000  }
0xac: {  	_ =	swait.ge [sflag:s1], $0x1000  }
0xad: {  	[sflag:s1] =	ssyncset.done $0x0  }
0xae: {  	s19 =	sadd.s32 $0x5080, s20;
	[sflag:s1] =	ssyncadd.s32 $0xFFFFF000  }
0xaf: {  	[spmem:s18] =	stream.indirect.scatter.add.f32 [tilespmem:s5], [sflag:$0x3], $0x20, s19, s4, $0xb8;
	[tilespmem:$0x1A020] =	vst v63  }
0xb0: {  	_ =	swait.ge [sflag:s0], $0x1000  }
0xb1: {  	[sflag:s0] =	ssyncset.done $0x0  }
0xb2: {  	[sflag:s0] =	ssyncadd.s32 $0xFFFFF000  }
0xb3: {  	_ =	swait.ge [sflag:s1], $0x1000  }
0xb4: {  	[sflag:s1] =	ssyncset.done $0x0  }
0xb5: {  	s19 =	sadd.s32 $0x5100, s20;
	[sflag:s1] =	ssyncadd.s32 $0xFFFFF000  }
0xb6: {  	[spmem:s18] =	stream.indirect.scatter.add.f32 [tilespmem:s6], [sflag:$0x3], $0x20, s19, s4, $0xb8;
	[tilespmem:$0x1A020] =	vst v63  }
0xb7: {  	_ =	swait.ge [sflag:s0], $0x1000  }
0xb8: {  	[sflag:s0] =	ssyncset.done $0x0  }
0xb9: {  	[sflag:s0] =	ssyncadd.s32 $0xFFFFF000  }
0xba: {  	_ =	swait.ge [sflag:s1], $0x1000  }
0xbb: {  	[sflag:s1] =	ssyncset.done $0x0  }
0xbc: {  	s19 =	sadd.s32 $0x5180, s20;
	[sflag:s1] =	ssyncadd.s32 $0xFFFFF000  }
0xbd: {  	[spmem:s18] =	stream.indirect.scatter.add.f32 [tilespmem:s7], [sflag:$0x3], $0x20, s19, s4, $0xb8;
	[tilespmem:$0x1A020] =	vst v63  }
0xbe: {  	_ =	swait.ge [sflag:s0], $0x1000  }
0xbf: {  	[sflag:s0] =	ssyncset.done $0x0  }
0xc0: {  	[sflag:s0] =	ssyncadd.s32 $0xFFFFF000  }
0xc1: {  	_ =	swait.ge [sflag:s1], $0x1000  }
0xc2: {  	[sflag:s1] =	ssyncset.done $0x0  }
0xc3: {  	s19 =	sadd.s32 $0x5200, s20;
	[sflag:s1] =	ssyncadd.s32 $0xFFFFF000  }
0xc4: {  	[spmem:s18] =	stream.indirect.scatter.add.f32 [tilespmem:s8], [sflag:$0x3], $0x20, s19, s4, $0xb8;
	[tilespmem:$0x1A020] =	vst v63  }
0xc5: {  	_ =	swait.ge [sflag:s0], $0x1000  }
0xc6: {  	[sflag:s0] =	ssyncset.done $0x0  }
0xc7: {  	[sflag:s0] =	ssyncadd.s32 $0xFFFFF000  }
0xc8: {  	_ =	swait.ge [sflag:s1], $0x1000  }
0xc9: {  	[sflag:s1] =	ssyncset.done $0x0  }
0xca: {  	s19 =	sadd.s32 $0x5280, s20;
	[sflag:s1] =	ssyncadd.s32 $0xFFFFF000  }
0xcb: {  	[spmem:s18] =	stream.indirect.scatter.add.f32 [tilespmem:s9], [sflag:$0x3], $0x20, s19, s4, $0xb8;
	[tilespmem:$0x1A020] =	vst v63  }
0xcc: {  	_ =	swait.ge [sflag:s0], $0x1000  }
0xcd: {  	[sflag:s0] =	ssyncset.done $0x0  }
0xce: {  	[sflag:s0] =	ssyncadd.s32 $0xFFFFF000  }
0xcf: {  	_ =	swait.ge [sflag:s1], $0x1000  }
0xd0: {  	[sflag:s1] =	ssyncset.done $0x0  }
0xd1: {  	s19 =	sadd.s32 $0x5300, s20;
	[sflag:s1] =	ssyncadd.s32 $0xFFFFF000  }
0xd2: {  	[spmem:s18] =	stream.indirect.scatter.add.f32 [tilespmem:s10], [sflag:$0x3], $0x20, s19, s4, $0xb8;
	[tilespmem:$0x1A020] =	vst v63  }
0xd3: {  	_ =	swait.ge [sflag:s0], $0x1000  }
0xd4: {  	[sflag:s0] =	ssyncset.done $0x0  }
0xd5: {  	[sflag:s0] =	ssyncadd.s32 $0xFFFFF000  }
0xd6: {  	_ =	swait.ge [sflag:s1], $0x1000  }
.Ltmp1:
0xd7: {  	[sflag:s1] =	ssyncset.done $0x0;
	(pc) =	sbr.rel @p0 .LBB2_4-.Ltmp1, $4  }
0xd8: {  	s19 =	sadd.s32 $0x5380, s20;
	[sflag:s1] =	ssyncadd.s32 $0xFFFFF000  }
0xd9: {  	[spmem:s18] =	stream.indirect.scatter.add.f32 [tilespmem:s11], [sflag:$0x3], $0x20, s19, s4, $0xb8;
	[tilespmem:$0x1A020] =	vst v63  }
0xda: {  	_ =	swait.ge [sflag:s0], $0x1000  }
0xdb: {  	s19 =	smov.u32 s22;
	[sflag:s0] =	ssyncset.done $0x0  }
0xdc: {  	s17 =	sshra.s32 s17, $0x2;
	[sflag:s0] =	ssyncadd.s32 $0xFFFFF000  }
0xdd: {  	[tilespmem:s16], [sflag:$0x1] =	stream.indirect.gather [hbm4b:s3+s4], $0x20, s17, s4, $0xb8;
	[tilespmem:$0x1A020] =	vst v63  }
0xde: {  	s19 =	sadd.s32 $0x80, s17  }
0xdf: {  	[tilespmem:s5], [sflag:$0x1] =	stream.indirect.gather [hbm4b:s3+s4], $0x20, s19, s4, $0xb8;
	[tilespmem:$0x1A020] =	vst v63  }
0xe0: {  	s22 =	sadd.s32 $0x100, s17  }
0xe1: {  	[tilespmem:s6], [sflag:$0x1] =	stream.indirect.gather [hbm4b:s3+s4], $0x20, s22, s4, $0xb8;
	[tilespmem:$0x1A020] =	vst v63  }
0xe2: {  	s20 =	sadd.s32 $0x180, s17  }
0xe3: {  	[tilespmem:s7], [sflag:$0x1] =	stream.indirect.gather [hbm4b:s3+s4], $0x20, s20, s4, $0xb8;
	[tilespmem:$0x1A020] =	vst v63  }
0xe4: {  	s22 =	sadd.s32 $0x200, s17  }
0xe5: {  	[tilespmem:s8], [sflag:$0x1] =	stream.indirect.gather [hbm4b:s3+s4], $0x20, s22, s4, $0xb8;
	[tilespmem:$0x1A020] =	vst v63  }
0xe6: {  	s20 =	sadd.s32 $0x280, s17  }
0xe7: {  	[tilespmem:s9], [sflag:$0x1] =	stream.indirect.gather [hbm4b:s3+s4], $0x20, s20, s4, $0xb8;
	[tilespmem:$0x1A020] =	vst v63  }
0xe8: {  	s22 =	sadd.s32 $0x300, s17  }
0xe9: {  	[tilespmem:s10], [sflag:$0x1] =	stream.indirect.gather [hbm4b:s3+s4], $0x20, s22, s4, $0xb8;
	[tilespmem:$0x1A020] =	vst v63  }
0xea: {  	s20 =	sadd.s32 $0x380, s17  }
0xeb: {  	[tilespmem:s11], [sflag:$0x1] =	stream.indirect.gather [hbm4b:s3+s4], $0x20, s20, s4, $0xb8;
	[tilespmem:$0x1A020] =	vst v63  }
0xec: {  	_ =	swait.ge [sflag:s1], $0x1000  }
0xed: {  	[sflag:s1] =	ssyncset.done $0x0  }
0xee: {  	s22 =	sadd.s32 $0x5000, s17;
	[sflag:s1] =	ssyncadd.s32 $0xFFFFF000  }
0xef: {  	[spmem:s18] =	stream.indirect.scatter.add.f32 [tilespmem:s16], [sflag:$0x3], $0x20, s22, s4, $0xb8;
	[tilespmem:$0x1A020] =	vst v63  }
0xf0: {  	_ =	swait.ge [sflag:s0], $0x1000  }
0xf1: {  	[sflag:s0] =	ssyncset.done $0x0  }
0xf2: {  	[sflag:s0] =	ssyncadd.s32 $0xFFFFF000  }
0xf3: {  	_ =	swait.ge [sflag:s1], $0x1000  }
0xf4: {  	[sflag:s1] =	ssyncset.done $0x0  }
0xf5: {  	s20 =	sadd.s32 $0x5080, s17;
	[sflag:s1] =	ssyncadd.s32 $0xFFFFF000  }
0xf6: {  	[spmem:s18] =	stream.indirect.scatter.add.f32 [tilespmem:s5], [sflag:$0x3], $0x20, s20, s4, $0xb8;
	[tilespmem:$0x1A020] =	vst v63  }
0xf7: {  	_ =	swait.ge [sflag:s0], $0x1000  }
0xf8: {  	[sflag:s0] =	ssyncset.done $0x0  }
0xf9: {  	[sflag:s0] =	ssyncadd.s32 $0xFFFFF000  }
0xfa: {  	_ =	swait.ge [sflag:s1], $0x1000  }
0xfb: {  	[sflag:s1] =	ssyncset.done $0x0  }
0xfc: {  	s22 =	sadd.s32 $0x5100, s17;
	[sflag:s1] =	ssyncadd.s32 $0xFFFFF000  }
0xfd: {  	[spmem:s18] =	stream.indirect.scatter.add.f32 [tilespmem:s6], [sflag:$0x3], $0x20, s22, s4, $0xb8;
	[tilespmem:$0x1A020] =	vst v63  }
0xfe: {  	_ =	swait.ge [sflag:s0], $0x1000  }
0xff: {  	[sflag:s0] =	ssyncset.done $0x0  }
0x100: {  	[sflag:s0] =	ssyncadd.s32 $0xFFFFF000  }
0x101: {  	_ =	swait.ge [sflag:s1], $0x1000  }
0x102: {  	[sflag:s1] =	ssyncset.done $0x0  }
0x103: {  	s20 =	sadd.s32 $0x5180, s17;
	[sflag:s1] =	ssyncadd.s32 $0xFFFFF000  }
0x104: {  	[spmem:s18] =	stream.indirect.scatter.add.f32 [tilespmem:s7], [sflag:$0x3], $0x20, s20, s4, $0xb8;
	[tilespmem:$0x1A020] =	vst v63  }
0x105: {  	_ =	swait.ge [sflag:s0], $0x1000  }
0x106: {  	[sflag:s0] =	ssyncset.done $0x0  }
0x107: {  	[sflag:s0] =	ssyncadd.s32 $0xFFFFF000  }
0x108: {  	_ =	swait.ge [sflag:s1], $0x1000  }
0x109: {  	[sflag:s1] =	ssyncset.done $0x0  }
0x10a: {  	s22 =	sadd.s32 $0x5200, s17;
	[sflag:s1] =	ssyncadd.s32 $0xFFFFF000  }
0x10b: {  	[spmem:s18] =	stream.indirect.scatter.add.f32 [tilespmem:s8], [sflag:$0x3], $0x20, s22, s4, $0xb8;
	[tilespmem:$0x1A020] =	vst v63  }
0x10c: {  	_ =	swait.ge [sflag:s0], $0x1000  }
0x10d: {  	[sflag:s0] =	ssyncset.done $0x0  }
0x10e: {  	[sflag:s0] =	ssyncadd.s32 $0xFFFFF000  }
0x10f: {  	_ =	swait.ge [sflag:s1], $0x1000  }
0x110: {  	[sflag:s1] =	ssyncset.done $0x0  }
0x111: {  	s20 =	sadd.s32 $0x5280, s17;
	[sflag:s1] =	ssyncadd.s32 $0xFFFFF000  }
0x112: {  	[spmem:s18] =	stream.indirect.scatter.add.f32 [tilespmem:s9], [sflag:$0x3], $0x20, s20, s4, $0xb8;
	[tilespmem:$0x1A020] =	vst v63  }
0x113: {  	_ =	swait.ge [sflag:s0], $0x1000  }
0x114: {  	[sflag:s0] =	ssyncset.done $0x0  }
0x115: {  	[sflag:s0] =	ssyncadd.s32 $0xFFFFF000  }
0x116: {  	_ =	swait.ge [sflag:s1], $0x1000  }
0x117: {  	[sflag:s1] =	ssyncset.done $0x0  }
0x118: {  	s22 =	sadd.s32 $0x5300, s17;
	[sflag:s1] =	ssyncadd.s32 $0xFFFFF000  }
0x119: {  	[spmem:s18] =	stream.indirect.scatter.add.f32 [tilespmem:s10], [sflag:$0x3], $0x20, s22, s4, $0xb8;
	[tilespmem:$0x1A020] =	vst v63  }
0x11a: {  	_ =	swait.ge [sflag:s0], $0x1000  }
0x11b: {  	[sflag:s0] =	ssyncset.done $0x0  }
0x11c: {  	[sflag:s0] =	ssyncadd.s32 $0xFFFFF000  }
0x11d: {  	_ =	swait.ge [sflag:s1], $0x1000  }
0x11e: {  	[sflag:s1] =	ssyncset.done $0x0  }
0x11f: {  	s17 =	sadd.s32 $0x5380, s17;
	[sflag:s1] =	ssyncadd.s32 $0xFFFFF000  }
0x120: {  	[spmem:s18] =	stream.indirect.scatter.add.f32 [tilespmem:s11], [sflag:$0x3], $0x20, s17, s4, $0xb8;
	[tilespmem:$0x1A020] =	vst v63  }
0x121: {  	_ =	swait.ge [sflag:s0], $0x1000  }
0x122: {  	[sflag:s0] =	ssyncset.done $0x0  }
0x123: {  	[sflag:s0] =	ssyncadd.s32 $0xFFFFF000  }
0x124: {  	[bflag:$0x0] =	sbarrier.arrive $0xFFFF  }
0x125: {  	[tilespmem:s12], [sflag:$0x3] =	stream.linear.gather [spmem:s24], $0x1000, $0x38;
	[tilespmem:$0x1A020] =	vst v63  }
0x126: {  	_ =	swait.ge [sflag:s0], $0x1000  }
0x127: {  	[sflag:s0] =	ssyncset.done $0x0  }
0x128: {  	s17 =	simm.s32 $0x0;
	s20 =	rddreg [dreg:$0x6];
	[sflag:s0] =	ssyncadd.s32 $0xFFFFF000  }
0x129: {  	[tilespmem:s13], [sflag:$0x3] =	stream.linear.gather [hbm4b:s20+s17], $0x1000, $0x38;
	[tilespmem:$0x1A020] =	vst v63  }
0x12a: {  	_ =	swait.ge [sflag:s0], $0x1000  }
0x12b: {  	[sflag:s0] =	ssyncset.done $0x0  }
0x12c: {  	s22 =	rddreg [dreg:$0x7];
	[sflag:s0] =	ssyncadd.s32 $0xFFFFF000  }
0x12d: {  	[tilespmem:s14], [sflag:$0x3] =	stream.linear.gather [hbm4b:s22+s17], $0x1000, $0x38;
	[tilespmem:$0x1A020] =	vst v63  }
0x12e: {  	_ =	swait.ge [sflag:s0], $0x1000  }
0x12f: {  	[sflag:s0] =	ssyncset.done $0x0  }
0x130: {  	s17 =	simm.s32 $0x0;
	[sflag:s0] =	ssyncadd.s32 $0xFFFFF000  }
0x131: {  	v1 =	vld [tilespmem:s17+$0x13000]  }
0x132: {  	v2 =	vld [tilespmem:s17+$0x12000];
	_ =	sdelay $0x1  }
0x133: {  	v3 =	vld [tilespmem:s17+$0x14000];
	_ =	sdelay $0x1  }
0x134: {  	v4 =	vld [tilespmem:$0x15000]  }
0x135: {  	v1 =	vadd.f32 v1, v2;
	_ =	sdelay $0x1  }
0x136: {  	v1 =	vmul.f32 v1, v3;
	_ =	sdelay $0x1  }
0x137: {  	v1 =	vadd.f32 v1, v4  }
0x138: {  	v2 =	vld [tilespmem:s17+$0x13010]  }
0x139: {  	v4 =	vld [tilespmem:s17+$0x12010];
	v1 =	vmax.f32 v1, $0.0e+00  }
0x13a: {  	v3 =	vmul.f32 v1, v3  }
0x13b: {  	v1 =	vld [tilespmem:s17+$0x14010]  }
0x13c: {  	[tilespmem:s17+$0x12000] =	vst v3  }
0x13d: {  	v3 =	vld [tilespmem:$0x15010]  }
0x13e: {  	v2 =	vadd.f32 v2, v4;
	_ =	sdelay $0x1  }
0x13f: {  	v2 =	vmul.f32 v2, v1;
	_ =	sdelay $0x1  }
0x140: {  	s20 =	simm.s32 $0x20;
	v3 =	vadd.f32 v2, v3  }
0x141: {  	s19 =	simm.s32 $0x100;
	v2 =	vld [tilespmem:s20+$0x13000]  }
.LBB2_6:
0x142: {  	p0 =	sne.s32 s19, $0x3F80;
	v4 =	vld [tilespmem:s20+$0x12000];
	v3 =	vmax.f32 v3, $0.0e+00  }
0x143: {  	v1 =	vmul.f32 v3, v1  }
0x144: {  	v3 =	vld [tilespmem:s20+$0x14000]  }
0x145: {  	[tilespmem:s17+$0x12010] =	vst v1;
	s17 =	smov.u32 s20  }
0x146: {  	v1 =	vld [tilespmem:$0x15000]  }
0x147: {  	v2 =	vadd.f32 v2, v4;
	_ =	sdelay $0x1  }
0x148: {  	v2 =	vmul.f32 v2, v3;
	_ =	sdelay $0x1  }
0x149: {  	v1 =	vadd.f32 v2, v1  }
0x14a: {  	v2 =	vld [tilespmem:s17+$0x13010]  }
0x14b: {  	v1 =	vmax.f32 v1, $0.0e+00;
	v4 =	vld [tilespmem:s17+$0x12010]  }
0x14c: {  	v3 =	vmul.f32 v1, v3  }
0x14d: {  	v1 =	vld [tilespmem:s17+$0x14010]  }
0x14e: {  	[tilespmem:s17+$0x12000] =	vst v3  }
0x14f: {  	v3 =	vld [tilespmem:$0x15010]  }
0x150: {  	v2 =	vadd.f32 v2, v4  }
.Ltmp2:
0x151: {  	(pc) =	sbr.rel @p0 .LBB2_6-.Ltmp2, $3  }
0x152: {  	v2 =	vmul.f32 v2, v1;
	_ =	sdelay $0x1  }
0x153: {  	s20 =	sshra.s32 s19, $0x2;
	v3 =	vadd.f32 v2, v3  }
0x154: {  	s19 =	sadd.s32 $0x80, s19;
	v2 =	vld [tilespmem:s20+$0x13000]  }
0x155: {  	v4 =	vld [tilespmem:s20+$0x12000];
	v3 =	vmax.f32 v3, $0.0e+00  }
0x156: {  	v1 =	vmul.f32 v3, v1  }
0x157: {  	v3 =	vld [tilespmem:s20+$0x14000]  }
0x158: {  	[tilespmem:s17+$0x12010] =	vst v1  }
0x159: {  	v1 =	vld [tilespmem:$0x15000]  }
0x15a: {  	v2 =	vadd.f32 v2, v4;
	_ =	sdelay $0x1  }
0x15b: {  	v2 =	vmul.f32 v2, v3;
	_ =	sdelay $0x1  }
0x15c: {  	v1 =	vadd.f32 v2, v1  }
0x15d: {  	v4 =	vld [tilespmem:s20+$0x12010]  }
0x15e: {  	v2 =	vld [tilespmem:s20+$0x13010];
	v1 =	vmax.f32 v1, $0.0e+00  }
0x15f: {  	v1 =	vmul.f32 v1, v3  }
0x160: {  	v3 =	vld [tilespmem:s20+$0x14010]  }
0x161: {  	[tilespmem:s20+$0x12000] =	vst v1  }
0x162: {  	v1 =	vld [tilespmem:$0x15010]  }
0x163: {  	v2 =	vadd.f32 v2, v4;
	_ =	sdelay $0x1  }
0x164: {  	v2 =	vmul.f32 v2, v3;
	_ =	sdelay $0x1  }
0x165: {  	v1 =	vadd.f32 v2, v1;
	_ =	sdelay $0x1  }
0x166: {  	v1 =	vmax.f32 v1, $0.0e+00  }
0x167: {  	v1 =	vmul.f32 v1, v3;
	_ =	sdelay $0x1  }
0x168: {  	s19 =	rddreg [dreg:$0x8];
	s17 =	simm.s32 $0x0;
	[tilespmem:s20+$0x12010] =	vst v1  }
0x169: {  	[hbm4b:s19+s17] =	stream.linear.scatter [tilespmem:s12], [sflag:$0x3], $0x1000, $0x38;
	[tilespmem:$0x1A020] =	vst v63  }
0x16a: {  	_ =	swait.ge [sflag:s0], $0x1000  }
0x16b: {  	[sflag:s0] =	ssyncset.done $0x0  }
0x16c: {  	[sflag:s0] =	ssyncadd.s32 $0xFFFFF000  }
0x16d: {  	[tilespmem:s12], [sflag:$0x3] =	stream.linear.gather [spmem:s25], $0x1000, $0x38;
	[tilespmem:$0x1A020] =	vst v63  }
0x16e: {  	_ =	swait.ge [sflag:s0], $0x1000  }
0x16f: {  	[sflag:s0] =	ssyncset.done $0x0  }
0x170: {  	s20 =	rddreg [dreg:$0x9];
	[sflag:s0] =	ssyncadd.s32 $0xFFFFF000  }
0x171: {  	[tilespmem:s13], [sflag:$0x3] =	stream.linear.gather [hbm4b:s20+s17], $0x1000, $0x38;
	[tilespmem:$0x1A020] =	vst v63  }
0x172: {  	_ =	swait.ge [sflag:s0], $0x1000  }
0x173: {  	[sflag:s0] =	ssyncset.done $0x0  }
0x174: {  	s22 =	rddreg [dreg:$0xa];
	[sflag:s0] =	ssyncadd.s32 $0xFFFFF000  }
0x175: {  	[tilespmem:s14], [sflag:$0x3] =	stream.linear.gather [hbm4b:s22+s17], $0x1000, $0x38;
	[tilespmem:$0x1A020] =	vst v63  }
0x176: {  	_ =	swait.ge [sflag:s0], $0x1000  }
0x177: {  	[sflag:s0] =	ssyncset.done $0x0  }
0x178: {  	s17 =	simm.s32 $0x0;
	[sflag:s0] =	ssyncadd.s32 $0xFFFFF000  }
0x179: {  	v1 =	vld [tilespmem:s17+$0x13000]  }
0x17a: {  	v2 =	vld [tilespmem:s17+$0x12000];
	_ =	sdelay $0x1  }
0x17b: {  	v3 =	vld [tilespmem:s17+$0x14000];
	_ =	sdelay $0x1  }
0x17c: {  	v4 =	vld [tilespmem:$0x15000]  }
0x17d: {  	v1 =	vadd.f32 v1, v2;
	_ =	sdelay $0x1  }
0x17e: {  	v1 =	vmul.f32 v1, v3;
	_ =	sdelay $0x1  }
0x17f: {  	v1 =	vadd.f32 v1, v4  }
0x180: {  	v2 =	vld [tilespmem:s17+$0x13010]  }
0x181: {  	v4 =	vld [tilespmem:s17+$0x12010];
	v1 =	vmax.f32 v1, $0.0e+00  }
0x182: {  	v3 =	vmul.f32 v1, v3  }
0x183: {  	v1 =	vld [tilespmem:s17+$0x14010]  }
0x184: {  	[tilespmem:s17+$0x12000] =	vst v3  }
0x185: {  	v3 =	vld [tilespmem:$0x15010]  }
0x186: {  	v2 =	vadd.f32 v2, v4;
	_ =	sdelay $0x1  }
0x187: {  	v2 =	vmul.f32 v2, v1;
	_ =	sdelay $0x1  }
0x188: {  	s20 =	simm.s32 $0x20;
	v3 =	vadd.f32 v2, v3  }
0x189: {  	s19 =	simm.s32 $0x100;
	v2 =	vld [tilespmem:s20+$0x13000]  }
.LBB2_8:
0x18a: {  	p0 =	sne.s32 s19, $0x3F80;
	v4 =	vld [tilespmem:s20+$0x12000];
	v3 =	vmax.f32 v3, $0.0e+00  }
0x18b: {  	v1 =	vmul.f32 v3, v1  }
0x18c: {  	v3 =	vld [tilespmem:s20+$0x14000]  }
0x18d: {  	[tilespmem:s17+$0x12010] =	vst v1;
	s17 =	smov.u32 s20  }
0x18e: {  	v1 =	vld [tilespmem:$0x15000]  }
0x18f: {  	v2 =	vadd.f32 v2, v4;
	_ =	sdelay $0x1  }
0x190: {  	v2 =	vmul.f32 v2, v3;
	_ =	sdelay $0x1  }
0x191: {  	v1 =	vadd.f32 v2, v1  }
0x192: {  	v2 =	vld [tilespmem:s17+$0x13010]  }
0x193: {  	v1 =	vmax.f32 v1, $0.0e+00;
	v4 =	vld [tilespmem:s17+$0x12010]  }
0x194: {  	v3 =	vmul.f32 v1, v3  }
0x195: {  	v1 =	vld [tilespmem:s17+$0x14010]  }
0x196: {  	[tilespmem:s17+$0x12000] =	vst v3  }
0x197: {  	v3 =	vld [tilespmem:$0x15010]  }
0x198: {  	v2 =	vadd.f32 v2, v4  }
.Ltmp3:
0x199: {  	(pc) =	sbr.rel @p0 .LBB2_8-.Ltmp3, $3  }
0x19a: {  	v2 =	vmul.f32 v2, v1;
	_ =	sdelay $0x1  }
0x19b: {  	s20 =	sshra.s32 s19, $0x2;
	v3 =	vadd.f32 v2, v3  }
0x19c: {  	s19 =	sadd.s32 $0x80, s19;
	v2 =	vld [tilespmem:s20+$0x13000]  }
0x19d: {  	v4 =	vld [tilespmem:s20+$0x12000];
	v3 =	vmax.f32 v3, $0.0e+00  }
0x19e: {  	v1 =	vmul.f32 v3, v1  }
0x19f: {  	v3 =	vld [tilespmem:s20+$0x14000]  }
0x1a0: {  	[tilespmem:s17+$0x12010] =	vst v1  }
0x1a1: {  	v1 =	vld [tilespmem:$0x15000]  }
0x1a2: {  	v2 =	vadd.f32 v2, v4;
	_ =	sdelay $0x1  }
0x1a3: {  	v2 =	vmul.f32 v2, v3;
	_ =	sdelay $0x1  }
0x1a4: {  	v1 =	vadd.f32 v2, v1  }
0x1a5: {  	v4 =	vld [tilespmem:s20+$0x12010]  }
0x1a6: {  	v2 =	vld [tilespmem:s20+$0x13010];
	v1 =	vmax.f32 v1, $0.0e+00  }
0x1a7: {  	v1 =	vmul.f32 v1, v3  }
0x1a8: {  	v3 =	vld [tilespmem:s20+$0x14010]  }
0x1a9: {  	[tilespmem:s20+$0x12000] =	vst v1  }
0x1aa: {  	v1 =	vld [tilespmem:$0x15010]  }
0x1ab: {  	v2 =	vadd.f32 v2, v4;
	_ =	sdelay $0x1  }
0x1ac: {  	v2 =	vmul.f32 v2, v3;
	_ =	sdelay $0x1  }
0x1ad: {  	v1 =	vadd.f32 v2, v1;
	_ =	sdelay $0x1  }
0x1ae: {  	v1 =	vmax.f32 v1, $0.0e+00  }
0x1af: {  	v1 =	vmul.f32 v1, v3;
	_ =	sdelay $0x1  }
0x1b0: {  	s19 =	rddreg [dreg:$0xe];
	s17 =	simm.s32 $0x0;
	[tilespmem:s20+$0x12010] =	vst v1  }
0x1b1: {  	[hbm4b:s19+s17] =	stream.linear.scatter [tilespmem:s12], [sflag:$0x3], $0x1000, $0x38;
	[tilespmem:$0x1A020] =	vst v63  }
0x1b2: {  	_ =	swait.ge [sflag:s0], $0x1000  }
0x1b3: {  	[sflag:s0] =	ssyncset.done $0x0  }
0x1b4: {  	[sflag:s0] =	ssyncadd.s32 $0xFFFFF000  }
0x1b5: {  	[tilespmem:s12], [sflag:$0x3] =	stream.linear.gather [spmem:s26], $0x1000, $0x38;
	[tilespmem:$0x1A020] =	vst v63  }
0x1b6: {  	_ =	swait.ge [sflag:s0], $0x1000  }
0x1b7: {  	[sflag:s0] =	ssyncset.done $0x0  }
0x1b8: {  	s20 =	rddreg [dreg:$0xf];
	[sflag:s0] =	ssyncadd.s32 $0xFFFFF000  }
0x1b9: {  	[tilespmem:s13], [sflag:$0x3] =	stream.linear.gather [hbm4b:s20+s17], $0x1000, $0x38;
	[tilespmem:$0x1A020] =	vst v63  }
0x1ba: {  	_ =	swait.ge [sflag:s0], $0x1000  }
0x1bb: {  	[sflag:s0] =	ssyncset.done $0x0  }
0x1bc: {  	s22 =	rddreg [dreg:$0xb];
	[sflag:s0] =	ssyncadd.s32 $0xFFFFF000  }
0x1bd: {  	[tilespmem:s14], [sflag:$0x3] =	stream.linear.gather [hbm4b:s22+s17], $0x1000, $0x38;
	[tilespmem:$0x1A020] =	vst v63  }
0x1be: {  	_ =	swait.ge [sflag:s0], $0x1000  }
0x1bf: {  	[sflag:s0] =	ssyncset.done $0x0  }
0x1c0: {  	s17 =	simm.s32 $0x0;
	[sflag:s0] =	ssyncadd.s32 $0xFFFFF000  }
0x1c1: {  	v1 =	vld [tilespmem:s17+$0x13000]  }
0x1c2: {  	v2 =	vld [tilespmem:s17+$0x12000];
	_ =	sdelay $0x1  }
0x1c3: {  	v3 =	vld [tilespmem:s17+$0x14000];
	_ =	sdelay $0x1  }
0x1c4: {  	v4 =	vld [tilespmem:$0x15000]  }
0x1c5: {  	v1 =	vadd.f32 v1, v2;
	_ =	sdelay $0x1  }
0x1c6: {  	v1 =	vmul.f32 v1, v3;
	_ =	sdelay $0x1  }
0x1c7: {  	v1 =	vadd.f32 v1, v4  }
0x1c8: {  	v2 =	vld [tilespmem:s17+$0x13010]  }
0x1c9: {  	v4 =	vld [tilespmem:s17+$0x12010];
	v1 =	vmax.f32 v1, $0.0e+00  }
0x1ca: {  	v3 =	vmul.f32 v1, v3  }
0x1cb: {  	v1 =	vld [tilespmem:s17+$0x14010]  }
0x1cc: {  	[tilespmem:s17+$0x12000] =	vst v3  }
0x1cd: {  	v3 =	vld [tilespmem:$0x15010]  }
0x1ce: {  	v2 =	vadd.f32 v2, v4;
	_ =	sdelay $0x1  }
0x1cf: {  	v2 =	vmul.f32 v2, v1;
	_ =	sdelay $0x1  }
0x1d0: {  	s20 =	simm.s32 $0x20;
	v3 =	vadd.f32 v2, v3  }
0x1d1: {  	s19 =	simm.s32 $0x100;
	v2 =	vld [tilespmem:s20+$0x13000]  }
.LBB2_10:
0x1d2: {  	p0 =	sne.s32 s19, $0x3F80;
	v4 =	vld [tilespmem:s20+$0x12000];
	v3 =	vmax.f32 v3, $0.0e+00  }
0x1d3: {  	v1 =	vmul.f32 v3, v1  }
0x1d4: {  	v3 =	vld [tilespmem:s20+$0x14000]  }
0x1d5: {  	[tilespmem:s17+$0x12010] =	vst v1;
	s17 =	smov.u32 s20  }
0x1d6: {  	v1 =	vld [tilespmem:$0x15000]  }
0x1d7: {  	v2 =	vadd.f32 v2, v4;
	_ =	sdelay $0x1  }
0x1d8: {  	v2 =	vmul.f32 v2, v3;
	_ =	sdelay $0x1  }
0x1d9: {  	v1 =	vadd.f32 v2, v1  }
0x1da: {  	v2 =	vld [tilespmem:s17+$0x13010]  }
0x1db: {  	v1 =	vmax.f32 v1, $0.0e+00;
	v4 =	vld [tilespmem:s17+$0x12010]  }
0x1dc: {  	v3 =	vmul.f32 v1, v3  }
0x1dd: {  	v1 =	vld [tilespmem:s17+$0x14010]  }
0x1de: {  	[tilespmem:s17+$0x12000] =	vst v3  }
0x1df: {  	v3 =	vld [tilespmem:$0x15010]  }
0x1e0: {  	v2 =	vadd.f32 v2, v4  }
.Ltmp4:
0x1e1: {  	(pc) =	sbr.rel @p0 .LBB2_10-.Ltmp4, $3  }
0x1e2: {  	v2 =	vmul.f32 v2, v1;
	_ =	sdelay $0x1  }
0x1e3: {  	s20 =	sshra.s32 s19, $0x2;
	v3 =	vadd.f32 v2, v3  }
0x1e4: {  	s19 =	sadd.s32 $0x80, s19;
	v2 =	vld [tilespmem:s20+$0x13000]  }
0x1e5: {  	v4 =	vld [tilespmem:s20+$0x12000];
	v3 =	vmax.f32 v3, $0.0e+00  }
0x1e6: {  	v1 =	vmul.f32 v3, v1  }
0x1e7: {  	v3 =	vld [tilespmem:s20+$0x14000]  }
0x1e8: {  	[tilespmem:s17+$0x12010] =	vst v1  }
0x1e9: {  	v1 =	vld [tilespmem:$0x15000]  }
0x1ea: {  	v2 =	vadd.f32 v2, v4;
	_ =	sdelay $0x1  }
0x1eb: {  	v2 =	vmul.f32 v2, v3;
	_ =	sdelay $0x1  }
0x1ec: {  	v1 =	vadd.f32 v2, v1  }
0x1ed: {  	v4 =	vld [tilespmem:s20+$0x12010]  }
0x1ee: {  	v2 =	vld [tilespmem:s20+$0x13010];
	v1 =	vmax.f32 v1, $0.0e+00  }
0x1ef: {  	v1 =	vmul.f32 v1, v3  }
0x1f0: {  	v3 =	vld [tilespmem:s20+$0x14010]  }
0x1f1: {  	[tilespmem:s20+$0x12000] =	vst v1  }
0x1f2: {  	v1 =	vld [tilespmem:$0x15010]  }
0x1f3: {  	v2 =	vadd.f32 v2, v4;
	_ =	sdelay $0x1  }
0x1f4: {  	v2 =	vmul.f32 v2, v3;
	_ =	sdelay $0x1  }
0x1f5: {  	v1 =	vadd.f32 v2, v1;
	_ =	sdelay $0x1  }
0x1f6: {  	v1 =	vmax.f32 v1, $0.0e+00  }
0x1f7: {  	v1 =	vmul.f32 v1, v3;
	_ =	sdelay $0x1  }
0x1f8: {  	s19 =	rddreg [dreg:$0x10];
	s17 =	simm.s32 $0x0;
	[tilespmem:s20+$0x12010] =	vst v1  }
0x1f9: {  	[hbm4b:s19+s17] =	stream.linear.scatter [tilespmem:s12], [sflag:$0x3], $0x1000, $0x38;
	[tilespmem:$0x1A020] =	vst v63  }
0x1fa: {  	_ =	swait.ge [sflag:s0], $0x1000  }
0x1fb: {  	[sflag:s0] =	ssyncset.done $0x0  }
0x1fc: {  	[sflag:s0] =	ssyncadd.s32 $0xFFFFF000  }
0x1fd: {  	[tilespmem:s12], [sflag:$0x3] =	stream.linear.gather [spmem:s28], $0x1000, $0x38;
	[tilespmem:$0x1A020] =	vst v63  }
0x1fe: {  	_ =	swait.ge [sflag:s0], $0x1000  }
0x1ff: {  	[sflag:s0] =	ssyncset.done $0x0  }
0x200: {  	s20 =	rddreg [dreg:$0x11];
	[sflag:s0] =	ssyncadd.s32 $0xFFFFF000  }
0x201: {  	[tilespmem:s13], [sflag:$0x3] =	stream.linear.gather [hbm4b:s20+s17], $0x1000, $0x38;
	[tilespmem:$0x1A020] =	vst v63  }
0x202: {  	_ =	swait.ge [sflag:s0], $0x1000  }
0x203: {  	[sflag:s0] =	ssyncset.done $0x0  }
0x204: {  	s22 =	rddreg [dreg:$0xc];
	[sflag:s0] =	ssyncadd.s32 $0xFFFFF000  }
0x205: {  	[tilespmem:s14], [sflag:$0x3] =	stream.linear.gather [hbm4b:s22+s17], $0x1000, $0x38;
	[tilespmem:$0x1A020] =	vst v63  }
0x206: {  	_ =	swait.ge [sflag:s0], $0x1000  }
0x207: {  	[sflag:s0] =	ssyncset.done $0x0  }
0x208: {  	s17 =	simm.s32 $0x0;
	[sflag:s0] =	ssyncadd.s32 $0xFFFFF000  }
0x209: {  	v1 =	vld [tilespmem:s17+$0x13000]  }
0x20a: {  	v2 =	vld [tilespmem:s17+$0x12000];
	_ =	sdelay $0x1  }
0x20b: {  	v3 =	vld [tilespmem:s17+$0x14000];
	_ =	sdelay $0x1  }
0x20c: {  	v4 =	vld [tilespmem:$0x15000]  }
0x20d: {  	v1 =	vadd.f32 v1, v2;
	_ =	sdelay $0x1  }
0x20e: {  	v1 =	vmul.f32 v1, v3;
	_ =	sdelay $0x1  }
0x20f: {  	v1 =	vadd.f32 v1, v4  }
0x210: {  	v2 =	vld [tilespmem:s17+$0x13010]  }
0x211: {  	v4 =	vld [tilespmem:s17+$0x12010];
	v1 =	vmax.f32 v1, $0.0e+00  }
0x212: {  	v3 =	vmul.f32 v1, v3  }
0x213: {  	v1 =	vld [tilespmem:s17+$0x14010]  }
0x214: {  	[tilespmem:s17+$0x12000] =	vst v3  }
0x215: {  	v3 =	vld [tilespmem:$0x15010]  }
0x216: {  	v2 =	vadd.f32 v2, v4;
	_ =	sdelay $0x1  }
0x217: {  	v2 =	vmul.f32 v2, v1;
	_ =	sdelay $0x1  }
0x218: {  	s20 =	simm.s32 $0x20;
	v3 =	vadd.f32 v2, v3  }
0x219: {  	s19 =	simm.s32 $0x100;
	v2 =	vld [tilespmem:s20+$0x13000]  }
.LBB2_12:
0x21a: {  	p0 =	sne.s32 s19, $0x3F80;
	v4 =	vld [tilespmem:s20+$0x12000];
	v3 =	vmax.f32 v3, $0.0e+00  }
0x21b: {  	v1 =	vmul.f32 v3, v1  }
0x21c: {  	v3 =	vld [tilespmem:s20+$0x14000]  }
0x21d: {  	[tilespmem:s17+$0x12010] =	vst v1;
	s17 =	smov.u32 s20  }
0x21e: {  	v1 =	vld [tilespmem:$0x15000]  }
0x21f: {  	v2 =	vadd.f32 v2, v4;
	_ =	sdelay $0x1  }
0x220: {  	v2 =	vmul.f32 v2, v3;
	_ =	sdelay $0x1  }
0x221: {  	v1 =	vadd.f32 v2, v1  }
0x222: {  	v2 =	vld [tilespmem:s17+$0x13010]  }
0x223: {  	v1 =	vmax.f32 v1, $0.0e+00;
	v4 =	vld [tilespmem:s17+$0x12010]  }
0x224: {  	v3 =	vmul.f32 v1, v3  }
0x225: {  	v1 =	vld [tilespmem:s17+$0x14010]  }
0x226: {  	[tilespmem:s17+$0x12000] =	vst v3  }
0x227: {  	v3 =	vld [tilespmem:$0x15010]  }
0x228: {  	v2 =	vadd.f32 v2, v4  }
.Ltmp5:
0x229: {  	(pc) =	sbr.rel @p0 .LBB2_12-.Ltmp5, $3  }
0x22a: {  	v2 =	vmul.f32 v2, v1;
	_ =	sdelay $0x1  }
0x22b: {  	s20 =	sshra.s32 s19, $0x2;
	v3 =	vadd.f32 v2, v3  }
0x22c: {  	s19 =	sadd.s32 $0x80, s19;
	v2 =	vld [tilespmem:s20+$0x13000]  }
0x22d: {  	v4 =	vld [tilespmem:s20+$0x12000];
	v3 =	vmax.f32 v3, $0.0e+00  }
0x22e: {  	v1 =	vmul.f32 v3, v1  }
0x22f: {  	v3 =	vld [tilespmem:s20+$0x14000]  }
0x230: {  	[tilespmem:s17+$0x12010] =	vst v1  }
0x231: {  	v1 =	vld [tilespmem:$0x15000]  }
0x232: {  	v2 =	vadd.f32 v2, v4;
	_ =	sdelay $0x1  }
0x233: {  	v2 =	vmul.f32 v2, v3;
	_ =	sdelay $0x1  }
0x234: {  	v1 =	vadd.f32 v2, v1  }
0x235: {  	v4 =	vld [tilespmem:s20+$0x12010]  }
0x236: {  	v2 =	vld [tilespmem:s20+$0x13010];
	v1 =	vmax.f32 v1, $0.0e+00  }
0x237: {  	v1 =	vmul.f32 v1, v3  }
0x238: {  	v3 =	vld [tilespmem:s20+$0x14010]  }
0x239: {  	[tilespmem:s20+$0x12000] =	vst v1  }
0x23a: {  	v1 =	vld [tilespmem:$0x15010]  }
0x23b: {  	v2 =	vadd.f32 v2, v4;
	_ =	sdelay $0x1  }
0x23c: {  	v2 =	vmul.f32 v2, v3;
	_ =	sdelay $0x1  }
0x23d: {  	v1 =	vadd.f32 v2, v1;
	_ =	sdelay $0x1  }
0x23e: {  	v1 =	vmax.f32 v1, $0.0e+00  }
0x23f: {  	v1 =	vmul.f32 v1, v3;
	_ =	sdelay $0x1  }
0x240: {  	s19 =	rddreg [dreg:$0x12];
	s17 =	simm.s32 $0x0;
	[tilespmem:s20+$0x12010] =	vst v1  }
0x241: {  	[hbm4b:s19+s17] =	stream.linear.scatter [tilespmem:s12], [sflag:$0x3], $0x1000, $0x38;
	[tilespmem:$0x1A020] =	vst v63  }
0x242: {  	_ =	swait.ge [sflag:s0], $0x1000  }
0x243: {  	[sflag:s0] =	ssyncset.done $0x0  }
0x244: {  	[sflag:s0] =	ssyncadd.s32 $0xFFFFF000  }
0x245: {  	[tilespmem:s12], [sflag:$0x3] =	stream.linear.gather [spmem:s29], $0x1000, $0x38;
	[tilespmem:$0x1A020] =	vst v63  }
0x246: {  	_ =	swait.ge [sflag:s0], $0x1000  }
0x247: {  	[sflag:s0] =	ssyncset.done $0x0  }
0x248: {  	s20 =	rddreg [dreg:$0x13];
	[sflag:s0] =	ssyncadd.s32 $0xFFFFF000  }
0x249: {  	[tilespmem:s13], [sflag:$0x3] =	stream.linear.gather [hbm4b:s20+s17], $0x1000, $0x38;
	[tilespmem:$0x1A020] =	vst v63  }
0x24a: {  	_ =	swait.ge [sflag:s0], $0x1000  }
0x24b: {  	[sflag:s0] =	ssyncset.done $0x0  }
0x24c: {  	s22 =	rddreg [dreg:$0xd];
	[sflag:s0] =	ssyncadd.s32 $0xFFFFF000  }
0x24d: {  	[tilespmem:s14], [sflag:$0x3] =	stream.linear.gather [hbm4b:s22+s17], $0x1000, $0x38;
	[tilespmem:$0x1A020] =	vst v63  }
0x24e: {  	_ =	swait.ge [sflag:s0], $0x1000  }
0x24f: {  	[sflag:s0] =	ssyncset.done $0x0  }
0x250: {  	s17 =	simm.s32 $0x0;
	[sflag:s0] =	ssyncadd.s32 $0xFFFFF000  }
0x251: {  	v1 =	vld [tilespmem:s17+$0x13000]  }
0x252: {  	v2 =	vld [tilespmem:s17+$0x12000];
	_ =	sdelay $0x1  }
0x253: {  	v3 =	vld [tilespmem:s17+$0x14000];
	_ =	sdelay $0x1  }
0x254: {  	v4 =	vld [tilespmem:$0x15000]  }
0x255: {  	v1 =	vadd.f32 v1, v2;
	_ =	sdelay $0x1  }
0x256: {  	v1 =	vmul.f32 v1, v3;
	_ =	sdelay $0x1  }
0x257: {  	v1 =	vadd.f32 v1, v4  }
0x258: {  	v2 =	vld [tilespmem:s17+$0x13010]  }
0x259: {  	v4 =	vld [tilespmem:s17+$0x12010];
	v1 =	vmax.f32 v1, $0.0e+00  }
0x25a: {  	v3 =	vmul.f32 v1, v3  }
0x25b: {  	v1 =	vld [tilespmem:s17+$0x14010]  }
0x25c: {  	[tilespmem:s17+$0x12000] =	vst v3  }
0x25d: {  	v3 =	vld [tilespmem:$0x15010]  }
0x25e: {  	v2 =	vadd.f32 v2, v4;
	_ =	sdelay $0x1  }
0x25f: {  	v2 =	vmul.f32 v2, v1;
	_ =	sdelay $0x1  }
0x260: {  	s20 =	simm.s32 $0x20;
	v3 =	vadd.f32 v2, v3  }
0x261: {  	s19 =	simm.s32 $0x100;
	v2 =	vld [tilespmem:s20+$0x13000]  }
.LBB2_14:
0x262: {  	p0 =	sne.s32 s19, $0x3F80;
	v4 =	vld [tilespmem:s20+$0x12000];
	v3 =	vmax.f32 v3, $0.0e+00  }
0x263: {  	v1 =	vmul.f32 v3, v1  }
0x264: {  	v3 =	vld [tilespmem:s20+$0x14000]  }
0x265: {  	[tilespmem:s17+$0x12010] =	vst v1;
	s17 =	smov.u32 s20  }
0x266: {  	v1 =	vld [tilespmem:$0x15000]  }
0x267: {  	v2 =	vadd.f32 v2, v4;
	_ =	sdelay $0x1  }
0x268: {  	v2 =	vmul.f32 v2, v3;
	_ =	sdelay $0x1  }
0x269: {  	v1 =	vadd.f32 v2, v1  }
0x26a: {  	v2 =	vld [tilespmem:s17+$0x13010]  }
0x26b: {  	v1 =	vmax.f32 v1, $0.0e+00;
	v4 =	vld [tilespmem:s17+$0x12010]  }
0x26c: {  	v3 =	vmul.f32 v1, v3  }
0x26d: {  	v1 =	vld [tilespmem:s17+$0x14010]  }
0x26e: {  	[tilespmem:s17+$0x12000] =	vst v3  }
0x26f: {  	v3 =	vld [tilespmem:$0x15010]  }
0x270: {  	v2 =	vadd.f32 v2, v4  }
.Ltmp6:
0x271: {  	(pc) =	sbr.rel @p0 .LBB2_14-.Ltmp6, $3  }
0x272: {  	v2 =	vmul.f32 v2, v1;
	_ =	sdelay $0x1  }
0x273: {  	s20 =	sshra.s32 s19, $0x2;
	v3 =	vadd.f32 v2, v3  }
0x274: {  	s19 =	sadd.s32 $0x80, s19;
	v2 =	vld [tilespmem:s20+$0x13000]  }
0x275: {  	v4 =	vld [tilespmem:s20+$0x12000];
	v3 =	vmax.f32 v3, $0.0e+00  }
0x276: {  	v1 =	vmul.f32 v3, v1  }
0x277: {  	v3 =	vld [tilespmem:s20+$0x14000]  }
0x278: {  	[tilespmem:s17+$0x12010] =	vst v1  }
0x279: {  	v1 =	vld [tilespmem:$0x15000]  }
0x27a: {  	v2 =	vadd.f32 v2, v4;
	_ =	sdelay $0x1  }
0x27b: {  	v2 =	vmul.f32 v2, v3;
	_ =	sdelay $0x1  }
0x27c: {  	v1 =	vadd.f32 v2, v1  }
0x27d: {  	v63 =	vld [tilespmem:s20+$0x12010]  }
0x27e: {  	v2 =	vld [tilespmem:s20+$0x13010];
	v1 =	vmax.f32 v1, $0.0e+00  }
0x27f: {  	v1 =	vmul.f32 v1, v3  }
0x280: {  	v3 =	vld [tilespmem:s20+$0x14010]  }
0x281: {  	[tilespmem:s20+$0x12000] =	vst v1  }
0x282: {  	v1 =	vld [tilespmem:$0x15010]  }
0x283: {  	v2 =	vadd.f32 v2, v63;
	_ =	sdelay $0x1  }
0x284: {  	v2 =	vmul.f32 v2, v3;
	_ =	sdelay $0x1  }
0x285: {  	v1 =	vadd.f32 v2, v1;
	_ =	sdelay $0x1  }
0x286: {  	v1 =	vmax.f32 v1, $0.0e+00  }
0x287: {  	v1 =	vmul.f32 v1, v3;
	_ =	sdelay $0x1  }
0x288: {  	s22 =	simm.s32 $0x0;
	s19 =	rddreg [dreg:$0x14];
	[tilespmem:s20+$0x12010] =	vst v1  }
0x289: {  	[hbm4b:s19+s22] =	stream.linear.scatter [tilespmem:s12], [sflag:$0x3], $0x1000, $0x38;
	[tilespmem:$0x1A020] =	vst v63  }
0x28a: {  	_ =	swait.ge [sflag:s0], $0x1000  }
0x28b: {  	[sflag:s0] =	ssyncset.done $0x0  }
0x28c: {  	[sflag:s0] =	ssyncadd.s32 $0xFFFFF000  }
0x28d: {  	s17 =	simm.s32 $0x80;
	s19 =	simm.s32 $0x0;
	[bflag:$0x0] =	sbarrier.arrive $0xFFFF  }
.LBB2_16:
0x28e: {  	p0 =	sne.s32 s17, $0x3F80;
	[tilespmem:s19+$0xA000] =	vst v0;
	s20 =	smov.u32 s17;
	s17 =	sadd.s32 $0x80, s17  }
.Ltmp7:
0x28f: {  	[tilespmem:s19+$0xA010] =	vst v0;
	(pc) =	sbr.rel @p0 .LBB2_16-.Ltmp7, $2  }
0x290: {  	_ =	sdelay $0x2  }
0x291: {  	s19 =	sshra.s32 s20, $0x2  }
0x292: {  	[tilespmem:s19+$0xA000] =	vst v0  }
0x293: {  	[tilespmem:s19+$0xA010] =	vst v0  }
0x294: {  	[spmem:s24] =	stream.linear.scatter [tilespmem:s16], [sflag:$0x3], $0x1000, $0x38;
	[tilespmem:$0x1A020] =	vst v63  }
0x295: {  	_ =	swait.ge [sflag:s0], $0x1000  }
0x296: {  	[sflag:s0] =	ssyncset.done $0x0  }
0x297: {  	[sflag:s0] =	ssyncadd.s32 $0xFFFFF000  }
0x298: {  	[spmem:s25] =	stream.linear.scatter [tilespmem:s16], [sflag:$0x3], $0x1000, $0x38;
	[tilespmem:$0x1A020] =	vst v63  }
0x299: {  	_ =	swait.ge [sflag:s0], $0x1000  }
0x29a: {  	[sflag:s0] =	ssyncset.done $0x0  }
0x29b: {  	[sflag:s0] =	ssyncadd.s32 $0xFFFFF000  }
0x29c: {  	[spmem:s26] =	stream.linear.scatter [tilespmem:s16], [sflag:$0x3], $0x1000, $0x38;
	[tilespmem:$0x1A020] =	vst v63  }
0x29d: {  	_ =	swait.ge [sflag:s0], $0x1000  }
0x29e: {  	[sflag:s0] =	ssyncset.done $0x0  }
0x29f: {  	[sflag:s0] =	ssyncadd.s32 $0xFFFFF000  }
0x2a0: {  	[spmem:s28] =	stream.linear.scatter [tilespmem:s16], [sflag:$0x3], $0x1000, $0x38;
	[tilespmem:$0x1A020] =	vst v63  }
0x2a1: {  	_ =	swait.ge [sflag:s0], $0x1000  }
0x2a2: {  	[sflag:s0] =	ssyncset.done $0x0  }
0x2a3: {  	[sflag:s0] =	ssyncadd.s32 $0xFFFFF000  }
0x2a4: {  	[spmem:s29] =	stream.linear.scatter [tilespmem:s16], [sflag:$0x3], $0x1000, $0x38;
	[tilespmem:$0x1A020] =	vst v63  }
0x2a5: {  	_ =	swait.ge [sflag:s0], $0x1000  }
0x2a6: {  	[sflag:s0] =	ssyncset.done $0x0  }
0x2a7: {  	[sflag:s0] =	ssyncadd.s32 $0xFFFFF000  }
0x2a8: {  	s17 =	simm.s32 $0x0;
	[bflag:$0x0] =	sbarrier.arrive $0xFFFF  }
0x2a9: {  	[tilespmem:s16], [sflag:$0x2] =	stream.indirect.gather [hbm4b:s21+s4], $0x20, s17, s4, $0xb8;
	[tilespmem:$0x1A020] =	vst v63  }
0x2aa: {  	s19 =	simm.s32 $0x80  }
0x2ab: {  	[tilespmem:s5], [sflag:$0x2] =	stream.indirect.gather [hbm4b:s21+s4], $0x20, s19, s4, $0xb8;
	[tilespmem:$0x1A020] =	vst v63  }
0x2ac: {  	s20 =	simm.s32 $0x100  }
0x2ad: {  	[tilespmem:s6], [sflag:$0x2] =	stream.indirect.gather [hbm4b:s21+s4], $0x20, s20, s4, $0xb8;
	[tilespmem:$0x1A020] =	vst v63  }
0x2ae: {  	s22 =	simm.s32 $0x180  }
0x2af: {  	[tilespmem:s7], [sflag:$0x2] =	stream.indirect.gather [hbm4b:s21+s4], $0x20, s22, s4, $0xb8;
	[tilespmem:$0x1A020] =	vst v63  }
0x2b0: {  	s19 =	simm.s32 $0x200  }
0x2b1: {  	[tilespmem:s8], [sflag:$0x2] =	stream.indirect.gather [hbm4b:s21+s4], $0x20, s19, s4, $0xb8;
	[tilespmem:$0x1A020] =	vst v63  }
0x2b2: {  	s20 =	simm.s32 $0x280  }
0x2b3: {  	[tilespmem:s9], [sflag:$0x2] =	stream.indirect.gather [hbm4b:s21+s4], $0x20, s20, s4, $0xb8;
	[tilespmem:$0x1A020] =	vst v63  }
0x2b4: {  	s22 =	simm.s32 $0x300  }
0x2b5: {  	[tilespmem:s10], [sflag:$0x2] =	stream.indirect.gather [hbm4b:s21+s4], $0x20, s22, s4, $0xb8;
	[tilespmem:$0x1A020] =	vst v63  }
0x2b6: {  	s19 =	simm.s32 $0x380  }
0x2b7: {  	[tilespmem:s11], [sflag:$0x2] =	stream.indirect.gather [hbm4b:s21+s4], $0x20, s19, s4, $0xb8;
	[tilespmem:$0x1A020] =	vst v63  }
0x2b8: {  	_ =	swait.ge [sflag:s2], $0x1000  }
0x2b9: {  	[sflag:s2] =	ssyncset.done $0x0  }
0x2ba: {  	s20 =	simm.s32 $0x5000;
	[sflag:s2] =	ssyncadd.s32 $0xFFFFF000  }
0x2bb: {  	[spmem:s18] =	stream.indirect.scatter.add.f32 [tilespmem:s16], [sflag:$0x3], $0x20, s20, s4, $0xb8;
	[tilespmem:$0x1A020] =	vst v63  }
0x2bc: {  	_ =	swait.ge [sflag:s0], $0x1000  }
0x2bd: {  	[sflag:s0] =	ssyncset.done $0x0  }
0x2be: {  	[sflag:s0] =	ssyncadd.s32 $0xFFFFF000  }
0x2bf: {  	_ =	swait.ge [sflag:s2], $0x1000  }
0x2c0: {  	[sflag:s2] =	ssyncset.done $0x0  }
0x2c1: {  	s22 =	simm.s32 $0x5080;
	[sflag:s2] =	ssyncadd.s32 $0xFFFFF000  }
0x2c2: {  	[spmem:s18] =	stream.indirect.scatter.add.f32 [tilespmem:s5], [sflag:$0x3], $0x20, s22, s4, $0xb8;
	[tilespmem:$0x1A020] =	vst v63  }
0x2c3: {  	_ =	swait.ge [sflag:s0], $0x1000  }
0x2c4: {  	[sflag:s0] =	ssyncset.done $0x0  }
0x2c5: {  	[sflag:s0] =	ssyncadd.s32 $0xFFFFF000  }
0x2c6: {  	_ =	swait.ge [sflag:s2], $0x1000  }
0x2c7: {  	[sflag:s2] =	ssyncset.done $0x0  }
0x2c8: {  	s19 =	simm.s32 $0x5100;
	[sflag:s2] =	ssyncadd.s32 $0xFFFFF000  }
0x2c9: {  	[spmem:s18] =	stream.indirect.scatter.add.f32 [tilespmem:s6], [sflag:$0x3], $0x20, s19, s4, $0xb8;
	[tilespmem:$0x1A020] =	vst v63  }
0x2ca: {  	_ =	swait.ge [sflag:s0], $0x1000  }
0x2cb: {  	[sflag:s0] =	ssyncset.done $0x0  }
0x2cc: {  	[sflag:s0] =	ssyncadd.s32 $0xFFFFF000  }
0x2cd: {  	_ =	swait.ge [sflag:s2], $0x1000  }
0x2ce: {  	[sflag:s2] =	ssyncset.done $0x0  }
0x2cf: {  	s20 =	simm.s32 $0x5180;
	[sflag:s2] =	ssyncadd.s32 $0xFFFFF000  }
0x2d0: {  	[spmem:s18] =	stream.indirect.scatter.add.f32 [tilespmem:s7], [sflag:$0x3], $0x20, s20, s4, $0xb8;
	[tilespmem:$0x1A020] =	vst v63  }
0x2d1: {  	_ =	swait.ge [sflag:s0], $0x1000  }
0x2d2: {  	[sflag:s0] =	ssyncset.done $0x0  }
0x2d3: {  	[sflag:s0] =	ssyncadd.s32 $0xFFFFF000  }
0x2d4: {  	_ =	swait.ge [sflag:s2], $0x1000  }
0x2d5: {  	[sflag:s2] =	ssyncset.done $0x0  }
0x2d6: {  	s22 =	simm.s32 $0x5200;
	[sflag:s2] =	ssyncadd.s32 $0xFFFFF000  }
0x2d7: {  	[spmem:s18] =	stream.indirect.scatter.add.f32 [tilespmem:s8], [sflag:$0x3], $0x20, s22, s4, $0xb8;
	[tilespmem:$0x1A020] =	vst v63  }
0x2d8: {  	_ =	swait.ge [sflag:s0], $0x1000  }
0x2d9: {  	[sflag:s0] =	ssyncset.done $0x0  }
0x2da: {  	[sflag:s0] =	ssyncadd.s32 $0xFFFFF000  }
0x2db: {  	_ =	swait.ge [sflag:s2], $0x1000  }
0x2dc: {  	[sflag:s2] =	ssyncset.done $0x0  }
0x2dd: {  	s19 =	simm.s32 $0x5280;
	[sflag:s2] =	ssyncadd.s32 $0xFFFFF000  }
0x2de: {  	[spmem:s18] =	stream.indirect.scatter.add.f32 [tilespmem:s9], [sflag:$0x3], $0x20, s19, s4, $0xb8;
	[tilespmem:$0x1A020] =	vst v63  }
0x2df: {  	_ =	swait.ge [sflag:s0], $0x1000  }
0x2e0: {  	[sflag:s0] =	ssyncset.done $0x0  }
0x2e1: {  	[sflag:s0] =	ssyncadd.s32 $0xFFFFF000  }
0x2e2: {  	_ =	swait.ge [sflag:s2], $0x1000  }
0x2e3: {  	[sflag:s2] =	ssyncset.done $0x0  }
0x2e4: {  	s20 =	simm.s32 $0x5300;
	[sflag:s2] =	ssyncadd.s32 $0xFFFFF000  }
0x2e5: {  	[spmem:s18] =	stream.indirect.scatter.add.f32 [tilespmem:s10], [sflag:$0x3], $0x20, s20, s4, $0xb8;
	[tilespmem:$0x1A020] =	vst v63  }
0x2e6: {  	_ =	swait.ge [sflag:s0], $0x1000  }
0x2e7: {  	[sflag:s0] =	ssyncset.done $0x0  }
0x2e8: {  	[sflag:s0] =	ssyncadd.s32 $0xFFFFF000  }
0x2e9: {  	_ =	swait.ge [sflag:s2], $0x1000  }
0x2ea: {  	[sflag:s2] =	ssyncset.done $0x0  }
0x2eb: {  	s22 =	simm.s32 $0x5380;
	[sflag:s2] =	ssyncadd.s32 $0xFFFFF000  }
0x2ec: {  	[spmem:s18] =	stream.indirect.scatter.add.f32 [tilespmem:s11], [sflag:$0x3], $0x20, s22, s4, $0xb8;
	[tilespmem:$0x1A020] =	vst v63  }
0x2ed: {  	_ =	swait.ge [sflag:s0], $0x1000  }
0x2ee: {  	s17 =	simm.s32 $0x1000;
	s22 =	simm.s32 $0x2000;
	[sflag:s0] =	ssyncset.done $0x0  }
.LBB2_18:
0x2ef: {  	s20 =	sshra.s32 s17, $0x2  }
0x2f0: {  	[sflag:s0] =	ssyncadd.s32 $0xFFFFF000;
	s17 =	smov.u32 s22;
	s19 =	sadd.s32 $0x1000, s22  }
0x2f1: {  	[tilespmem:s16], [sflag:$0x2] =	stream.indirect.gather [hbm4b:s21+s4], $0x20, s20, s4, $0xb8;
	[tilespmem:$0x1A020] =	vst v63  }
0x2f2: {  	p0 =	sne.s32 s22, $0x13000;
	s22 =	sadd.s32 $0x80, s20  }
0x2f3: {  	[tilespmem:s5], [sflag:$0x2] =	stream.indirect.gather [hbm4b:s21+s4], $0x20, s22, s4, $0xb8;
	[tilespmem:$0x1A020] =	vst v63  }
0x2f4: {  	s22 =	sadd.s32 $0x100, s20  }
0x2f5: {  	[tilespmem:s6], [sflag:$0x2] =	stream.indirect.gather [hbm4b:s21+s4], $0x20, s22, s4, $0xb8;
	[tilespmem:$0x1A020] =	vst v63  }
0x2f6: {  	s22 =	sadd.s32 $0x180, s20  }
0x2f7: {  	[tilespmem:s7], [sflag:$0x2] =	stream.indirect.gather [hbm4b:s21+s4], $0x20, s22, s4, $0xb8;
	[tilespmem:$0x1A020] =	vst v63  }
0x2f8: {  	s22 =	sadd.s32 $0x200, s20  }
0x2f9: {  	[tilespmem:s8], [sflag:$0x2] =	stream.indirect.gather [hbm4b:s21+s4], $0x20, s22, s4, $0xb8;
	[tilespmem:$0x1A020] =	vst v63  }
0x2fa: {  	s22 =	sadd.s32 $0x280, s20  }
0x2fb: {  	[tilespmem:s9], [sflag:$0x2] =	stream.indirect.gather [hbm4b:s21+s4], $0x20, s22, s4, $0xb8;
	[tilespmem:$0x1A020] =	vst v63  }
0x2fc: {  	s22 =	sadd.s32 $0x300, s20  }
0x2fd: {  	[tilespmem:s10], [sflag:$0x2] =	stream.indirect.gather [hbm4b:s21+s4], $0x20, s22, s4, $0xb8;
	[tilespmem:$0x1A020] =	vst v63  }
0x2fe: {  	s22 =	sadd.s32 $0x380, s20  }
0x2ff: {  	[tilespmem:s11], [sflag:$0x2] =	stream.indirect.gather [hbm4b:s21+s4], $0x20, s22, s4, $0xb8;
	[tilespmem:$0x1A020] =	vst v63  }
0x300: {  	_ =	swait.ge [sflag:s2], $0x1000  }
0x301: {  	[sflag:s2] =	ssyncset.done $0x0  }
0x302: {  	s22 =	sadd.s32 $0x5000, s20;
	[sflag:s2] =	ssyncadd.s32 $0xFFFFF000  }
0x303: {  	[spmem:s18] =	stream.indirect.scatter.add.f32 [tilespmem:s16], [sflag:$0x3], $0x20, s22, s4, $0xb8;
	[tilespmem:$0x1A020] =	vst v63  }
0x304: {  	_ =	swait.ge [sflag:s0], $0x1000  }
0x305: {  	[sflag:s0] =	ssyncset.done $0x0  }
0x306: {  	[sflag:s0] =	ssyncadd.s32 $0xFFFFF000  }
0x307: {  	_ =	swait.ge [sflag:s2], $0x1000  }
0x308: {  	[sflag:s2] =	ssyncset.done $0x0  }
0x309: {  	s22 =	sadd.s32 $0x5080, s20;
	[sflag:s2] =	ssyncadd.s32 $0xFFFFF000  }
0x30a: {  	[spmem:s18] =	stream.indirect.scatter.add.f32 [tilespmem:s5], [sflag:$0x3], $0x20, s22, s4, $0xb8;
	[tilespmem:$0x1A020] =	vst v63  }
0x30b: {  	_ =	swait.ge [sflag:s0], $0x1000  }
0x30c: {  	[sflag:s0] =	ssyncset.done $0x0  }
0x30d: {  	[sflag:s0] =	ssyncadd.s32 $0xFFFFF000  }
0x30e: {  	_ =	swait.ge [sflag:s2], $0x1000  }
0x30f: {  	[sflag:s2] =	ssyncset.done $0x0  }
0x310: {  	s22 =	sadd.s32 $0x5100, s20;
	[sflag:s2] =	ssyncadd.s32 $0xFFFFF000  }
0x311: {  	[spmem:s18] =	stream.indirect.scatter.add.f32 [tilespmem:s6], [sflag:$0x3], $0x20, s22, s4, $0xb8;
	[tilespmem:$0x1A020] =	vst v63  }
0x312: {  	_ =	swait.ge [sflag:s0], $0x1000  }
0x313: {  	[sflag:s0] =	ssyncset.done $0x0  }
0x314: {  	[sflag:s0] =	ssyncadd.s32 $0xFFFFF000  }
0x315: {  	_ =	swait.ge [sflag:s2], $0x1000  }
0x316: {  	[sflag:s2] =	ssyncset.done $0x0  }
0x317: {  	s22 =	sadd.s32 $0x5180, s20;
	[sflag:s2] =	ssyncadd.s32 $0xFFFFF000  }
0x318: {  	[spmem:s18] =	stream.indirect.scatter.add.f32 [tilespmem:s7], [sflag:$0x3], $0x20, s22, s4, $0xb8;
	[tilespmem:$0x1A020] =	vst v63  }
0x319: {  	_ =	swait.ge [sflag:s0], $0x1000  }
0x31a: {  	[sflag:s0] =	ssyncset.done $0x0  }
0x31b: {  	[sflag:s0] =	ssyncadd.s32 $0xFFFFF000  }
0x31c: {  	_ =	swait.ge [sflag:s2], $0x1000  }
0x31d: {  	[sflag:s2] =	ssyncset.done $0x0  }
0x31e: {  	s22 =	sadd.s32 $0x5200, s20;
	[sflag:s2] =	ssyncadd.s32 $0xFFFFF000  }
0x31f: {  	[spmem:s18] =	stream.indirect.scatter.add.f32 [tilespmem:s8], [sflag:$0x3], $0x20, s22, s4, $0xb8;
	[tilespmem:$0x1A020] =	vst v63  }
0x320: {  	_ =	swait.ge [sflag:s0], $0x1000  }
0x321: {  	[sflag:s0] =	ssyncset.done $0x0  }
0x322: {  	[sflag:s0] =	ssyncadd.s32 $0xFFFFF000  }
0x323: {  	_ =	swait.ge [sflag:s2], $0x1000  }
0x324: {  	[sflag:s2] =	ssyncset.done $0x0  }
0x325: {  	s22 =	sadd.s32 $0x5280, s20;
	[sflag:s2] =	ssyncadd.s32 $0xFFFFF000  }
0x326: {  	[spmem:s18] =	stream.indirect.scatter.add.f32 [tilespmem:s9], [sflag:$0x3], $0x20, s22, s4, $0xb8;
	[tilespmem:$0x1A020] =	vst v63  }
0x327: {  	_ =	swait.ge [sflag:s0], $0x1000  }
0x328: {  	[sflag:s0] =	ssyncset.done $0x0  }
0x329: {  	[sflag:s0] =	ssyncadd.s32 $0xFFFFF000  }
0x32a: {  	_ =	swait.ge [sflag:s2], $0x1000  }
0x32b: {  	[sflag:s2] =	ssyncset.done $0x0  }
0x32c: {  	s22 =	sadd.s32 $0x5300, s20;
	[sflag:s2] =	ssyncadd.s32 $0xFFFFF000  }
0x32d: {  	[spmem:s18] =	stream.indirect.scatter.add.f32 [tilespmem:s10], [sflag:$0x3], $0x20, s22, s4, $0xb8;
	[tilespmem:$0x1A020] =	vst v63  }
0x32e: {  	_ =	swait.ge [sflag:s0], $0x1000  }
0x32f: {  	[sflag:s0] =	ssyncset.done $0x0  }
0x330: {  	[sflag:s0] =	ssyncadd.s32 $0xFFFFF000  }
0x331: {  	_ =	swait.ge [sflag:s2], $0x1000  }
.Ltmp8:
0x332: {  	[sflag:s2] =	ssyncset.done $0x0;
	(pc) =	sbr.rel @p0 .LBB2_18-.Ltmp8, $4  }
0x333: {  	s20 =	sadd.s32 $0x5380, s20;
	[sflag:s2] =	ssyncadd.s32 $0xFFFFF000  }
0x334: {  	[spmem:s18] =	stream.indirect.scatter.add.f32 [tilespmem:s11], [sflag:$0x3], $0x20, s20, s4, $0xb8;
	[tilespmem:$0x1A020] =	vst v63  }
0x335: {  	_ =	swait.ge [sflag:s0], $0x1000  }
0x336: {  	s22 =	smov.u32 s19;
	[sflag:s0] =	ssyncset.done $0x0  }
0x337: {  	s17 =	sshra.s32 s17, $0x2;
	[sflag:s0] =	ssyncadd.s32 $0xFFFFF000  }
0x338: {  	[tilespmem:s16], [sflag:$0x2] =	stream.indirect.gather [hbm4b:s21+s4], $0x20, s17, s4, $0xb8;
	[tilespmem:$0x1A020] =	vst v63  }
0x339: {  	s19 =	sadd.s32 $0x80, s17  }
0x33a: {  	[tilespmem:s5], [sflag:$0x2] =	stream.indirect.gather [hbm4b:s21+s4], $0x20, s19, s4, $0xb8;
	[tilespmem:$0x1A020] =	vst v63  }
0x33b: {  	s22 =	sadd.s32 $0x100, s17  }
0x33c: {  	[tilespmem:s6], [sflag:$0x2] =	stream.indirect.gather [hbm4b:s21+s4], $0x20, s22, s4, $0xb8;
	[tilespmem:$0x1A020] =	vst v63  }
0x33d: {  	s20 =	sadd.s32 $0x180, s17  }
0x33e: {  	[tilespmem:s7], [sflag:$0x2] =	stream.indirect.gather [hbm4b:s21+s4], $0x20, s20, s4, $0xb8;
	[tilespmem:$0x1A020] =	vst v63  }
0x33f: {  	s22 =	sadd.s32 $0x200, s17  }
0x340: {  	[tilespmem:s8], [sflag:$0x2] =	stream.indirect.gather [hbm4b:s21+s4], $0x20, s22, s4, $0xb8;
	[tilespmem:$0x1A020] =	vst v63  }
0x341: {  	s20 =	sadd.s32 $0x280, s17  }
0x342: {  	[tilespmem:s9], [sflag:$0x2] =	stream.indirect.gather [hbm4b:s21+s4], $0x20, s20, s4, $0xb8;
	[tilespmem:$0x1A020] =	vst v63  }
0x343: {  	s22 =	sadd.s32 $0x300, s17  }
0x344: {  	[tilespmem:s10], [sflag:$0x2] =	stream.indirect.gather [hbm4b:s21+s4], $0x20, s22, s4, $0xb8;
	[tilespmem:$0x1A020] =	vst v63  }
0x345: {  	s20 =	sadd.s32 $0x380, s17  }
0x346: {  	[tilespmem:s11], [sflag:$0x2] =	stream.indirect.gather [hbm4b:s21+s4], $0x20, s20, s4, $0xb8;
	[tilespmem:$0x1A020] =	vst v63  }
0x347: {  	_ =	swait.ge [sflag:s2], $0x1000  }
0x348: {  	[sflag:s2] =	ssyncset.done $0x0  }
0x349: {  	s22 =	sadd.s32 $0x5000, s17;
	[sflag:s2] =	ssyncadd.s32 $0xFFFFF000  }
0x34a: {  	[spmem:s18] =	stream.indirect.scatter.add.f32 [tilespmem:s16], [sflag:$0x3], $0x20, s22, s4, $0xb8;
	[tilespmem:$0x1A020] =	vst v63  }
0x34b: {  	_ =	swait.ge [sflag:s0], $0x1000  }
0x34c: {  	[sflag:s0] =	ssyncset.done $0x0  }
0x34d: {  	[sflag:s0] =	ssyncadd.s32 $0xFFFFF000  }
0x34e: {  	_ =	swait.ge [sflag:s2], $0x1000  }
0x34f: {  	[sflag:s2] =	ssyncset.done $0x0  }
0x350: {  	s20 =	sadd.s32 $0x5080, s17;
	[sflag:s2] =	ssyncadd.s32 $0xFFFFF000  }
0x351: {  	[spmem:s18] =	stream.indirect.scatter.add.f32 [tilespmem:s5], [sflag:$0x3], $0x20, s20, s4, $0xb8;
	[tilespmem:$0x1A020] =	vst v63  }
0x352: {  	_ =	swait.ge [sflag:s0], $0x1000  }
0x353: {  	[sflag:s0] =	ssyncset.done $0x0  }
0x354: {  	[sflag:s0] =	ssyncadd.s32 $0xFFFFF000  }
0x355: {  	_ =	swait.ge [sflag:s2], $0x1000  }
0x356: {  	[sflag:s2] =	ssyncset.done $0x0  }
0x357: {  	s22 =	sadd.s32 $0x5100, s17;
	[sflag:s2] =	ssyncadd.s32 $0xFFFFF000  }
0x358: {  	[spmem:s18] =	stream.indirect.scatter.add.f32 [tilespmem:s6], [sflag:$0x3], $0x20, s22, s4, $0xb8;
	[tilespmem:$0x1A020] =	vst v63  }
0x359: {  	_ =	swait.ge [sflag:s0], $0x1000  }
0x35a: {  	[sflag:s0] =	ssyncset.done $0x0  }
0x35b: {  	[sflag:s0] =	ssyncadd.s32 $0xFFFFF000  }
0x35c: {  	_ =	swait.ge [sflag:s2], $0x1000  }
0x35d: {  	[sflag:s2] =	ssyncset.done $0x0  }
0x35e: {  	s20 =	sadd.s32 $0x5180, s17;
	[sflag:s2] =	ssyncadd.s32 $0xFFFFF000  }
0x35f: {  	[spmem:s18] =	stream.indirect.scatter.add.f32 [tilespmem:s7], [sflag:$0x3], $0x20, s20, s4, $0xb8;
	[tilespmem:$0x1A020] =	vst v63  }
0x360: {  	_ =	swait.ge [sflag:s0], $0x1000  }
0x361: {  	[sflag:s0] =	ssyncset.done $0x0  }
0x362: {  	[sflag:s0] =	ssyncadd.s32 $0xFFFFF000  }
0x363: {  	_ =	swait.ge [sflag:s2], $0x1000  }
0x364: {  	[sflag:s2] =	ssyncset.done $0x0  }
0x365: {  	s22 =	sadd.s32 $0x5200, s17;
	[sflag:s2] =	ssyncadd.s32 $0xFFFFF000  }
0x366: {  	[spmem:s18] =	stream.indirect.scatter.add.f32 [tilespmem:s8], [sflag:$0x3], $0x20, s22, s4, $0xb8;
	[tilespmem:$0x1A020] =	vst v63  }
0x367: {  	_ =	swait.ge [sflag:s0], $0x1000  }
0x368: {  	[sflag:s0] =	ssyncset.done $0x0  }
0x369: {  	[sflag:s0] =	ssyncadd.s32 $0xFFFFF000  }
0x36a: {  	_ =	swait.ge [sflag:s2], $0x1000  }
0x36b: {  	[sflag:s2] =	ssyncset.done $0x0  }
0x36c: {  	s20 =	sadd.s32 $0x5280, s17;
	[sflag:s2] =	ssyncadd.s32 $0xFFFFF000  }
0x36d: {  	[spmem:s18] =	stream.indirect.scatter.add.f32 [tilespmem:s9], [sflag:$0x3], $0x20, s20, s4, $0xb8;
	[tilespmem:$0x1A020] =	vst v63  }
0x36e: {  	_ =	swait.ge [sflag:s0], $0x1000  }
0x36f: {  	[sflag:s0] =	ssyncset.done $0x0  }
0x370: {  	[sflag:s0] =	ssyncadd.s32 $0xFFFFF000  }
0x371: {  	_ =	swait.ge [sflag:s2], $0x1000  }
0x372: {  	[sflag:s2] =	ssyncset.done $0x0  }
0x373: {  	s22 =	sadd.s32 $0x5300, s17;
	[sflag:s2] =	ssyncadd.s32 $0xFFFFF000  }
0x374: {  	[spmem:s18] =	stream.indirect.scatter.add.f32 [tilespmem:s10], [sflag:$0x3], $0x20, s22, s4, $0xb8;
	[tilespmem:$0x1A020] =	vst v63  }
0x375: {  	_ =	swait.ge [sflag:s0], $0x1000  }
0x376: {  	[sflag:s0] =	ssyncset.done $0x0  }
0x377: {  	[sflag:s0] =	ssyncadd.s32 $0xFFFFF000  }
0x378: {  	_ =	swait.ge [sflag:s2], $0x1000  }
0x379: {  	[sflag:s2] =	ssyncset.done $0x0  }
0x37a: {  	s17 =	sadd.s32 $0x5380, s17;
	[sflag:s2] =	ssyncadd.s32 $0xFFFFF000  }
0x37b: {  	[spmem:s18] =	stream.indirect.scatter.add.f32 [tilespmem:s11], [sflag:$0x3], $0x20, s17, s4, $0xb8;
	[tilespmem:$0x1A020] =	vst v63  }
0x37c: {  	s15 =	sadd.s32 $0x1, s15;
	_ =	swait.ge [sflag:s0], $0x1000  }
0x37d: {  	p0 =	sne.s32 s15, s31;
	s20 =	stileid.u32;
	[sflag:s0] =	ssyncset.done $0x0  }
0x37e: {  	s22 =	sshrl.u32 s24, $0x3;
	s17 =	sshll.u32 s20, $0x6;
	[sflag:s0] =	ssyncadd.s32 $0xFFFFF000  }
.Ltmp9:
0x37f: {  	s17 =	sor.u32 $0x1C03, s17;
	[bflag:$0x0] =	sbarrier.arrive $0xFFFF;
	(pc) =	sbr.rel @p0 .LBB2_1-.Ltmp9, $4  }
0x380: {  	[hbm:s30], [sflag:s17] =	dma.local [spmem:s22], $0xA00  }
0x381: {  	_ =	swait.ge [sflag:s0], $0xA00  }
0x382: {  	[sflag:s0] =	ssyncset.done $0x0  }
0x383: {  	[sflag:s0] =	ssyncadd.s32 $0xFFFFF600  }
0x384: {  	_ =	sfence.sel $0x180000  }
0x385: {  	[bflag:$0x0] =	sbarrier.arrive $0xFFFF  }
0x386: {  	_ =	strace $0x9000004A  }
0x387: {  	s0 =	stileid.u32;
	[bflag:$0x2] =	sbarrier.arrive $0xFFFF  }
0x388: {  	p0 =	sne.s32 s0, $0x0;
	s0 =	rddreg [dreg:$0x4]  }
0x389: {  	s0 =	sadd.s32 @!p0 $0x100000, s0  }
0x38a: {  	[sflag:s0] =	ssyncadd.tile.s32 @!p0 $0x1;
	_ =	shalt  }
.Lfunc_end2:
_tile_overlayer_lowered:
.L_overlay_start_2:
0x38b: {  	(tag) =	ssettag $0x2  }
0x38c: {  	s0 =	rddreg [dreg:$0x0];
	s2 =	stileid.u32  }
0x38d: {  	s1 =	rddreg [dreg:$0x1];
	p0 =	sne.s32 s2, $0x0  }
0x38e: {  	s3 =	rddreg [dreg:$0x2];
	[bflag:$0x3] =	sbarrier.arrive $0xFFFF;
	s2 =	simm.s32 @!p0 $0x1C03  }
0x38f: {  	[timem:s3], [sflag:s2] =	dma.local @!p0 [hbm:s0], s1  }
0x390: {  	s0 =	simm.s32 @!p0 $0x3  }
0x391: {  	_ =	swait.ge @!p0 [sflag:s0], s1  }
0x392: {  	s1 =	ssub.s32 @!p0 $0x0, s1;
	[sflag:s0] =	ssyncset.done @!p0 $0x0  }
0x393: {  	[sflag:s0] =	ssyncadd.s32 @!p0 s1  }
0x394: {  	[bflag:$0x3] =	sbarrier.arrive $0xFFFF  }
0x395: {  	_ =	shalt  }

// kernel: kernel.7.cloned.1.call-start
scs
__scs_entry_jumppad:
0x0: {  	(pc) =	sbr.rel $0x88, $3  }
0x1: {  	(tag) =	ssettag $0x0;
	lr =	simm.s32 $0x1  }
0x2: {  	[smem:$0x3F9B] =	sst lr;
	_ =	strace $0xD0000000  }
0x3: {  	_ = 	snop  }
0x4: {  	_ = 	snop  }
0x5: {  	_ = 	snop  }
0x6: {  	_ = 	snop  }
0x7: {  	_ = 	snop  }
__scs_overlays_trampoline_lowered:
0x8: {  	[smem:$0x3FAA] =	sst s0  }
0x9: {  	[smem:$0x3FAB] =	sst s1  }
0xa: {  	[smem:$0x3FAC] =	sst s2  }
0xb: {  	[smem:$0x3FAD] =	sst s3  }
0xc: {  	[smem:$0x3FAE] =	sst s4  }
0xd: {  	[smem:$0x3FAF] =	sst s5  }
0xe: {  	[smem:$0x3FB0] =	sst s6  }
0xf: {  	[smem:$0x3FB1] =	sst s7  }
0x10: {  	[smem:$0x3FB2] =	sst s8  }
0x11: {  	[smem:$0x3FB3] =	sst s9;
	s0 =	simm.s32 @!p0 $0x0  }
0x12: {  	s1 =	sld [smem:$0x3F99];
	s0 =	simm.s32 @p0 $0x1  }
0x13: {  	[smem:$0x3FB4] =	sst s0;
	s0 =	simm.s32 @!p1 $0x0  }
0x14: {  	s2 =	sld [smem:$0x3F98];
	s0 =	simm.s32 @p1 $0x1  }
0x15: {  	[smem:$0x3FB5] =	sst s0;
	s0 =	simm.s32 @!p2 $0x0  }
0x16: {  	s3 =	sld [smem:$0x3FDB];
	s0 =	simm.s32 @p2 $0x1  }
0x17: {  	s4 =	simm.s32 $0x1BF5;
	[smem:$0x3FB7] =	sst s0  }
0x18: {  	s0 =	sld [smem:$0x3F9A];
	_ =	swait.ge [sflag:s4], $0x0  }
0x19: {  	s7 =	sld [smem:$0x3F9B]  }
0x1a: {  	s8 =	sadd.s32 $0xFFFFE003, lr  }
0x1b: {  	s9 =	sadd.s32 $0xFFFFFEF7, lr;
	s5 =	simm.s32 $0xFFFFFFFF;
	p2 =	slt.u32 s8, $0xFFFFF086  }
0x1c: {  	p1 =	slt.u32 s9, $0xF7A;
	s5 =	simm.s32 @!p2 $0x0  }
0x1d: {  	s5 =	simm.s32 @p1 $0x1;
	p0 =	seq.s32 s7, s2  }
0x1e: {  	s7 =	smul.u32 @!p0 $0xF7A, s2;
	p2 =	seq.s32 @!p0 s5, $0x0  }
0x1f: {  	s9 =	smul.u32 $0xF7A, s1;
	s8 =	simm.s32 @!p0 $0x1BF5;
	p2 =	por !p2, p0  }
0x20: {  	[sflag:s8] =	ssyncset.s32 @!p0 $0xFFFFF086;
	s6 =	sadd.s32 @!p0 s3, s7;
	s7 =	simm.s32 @!p0 $0x108  }
0x21: {  	s3 =	sadd.s32 s3, s9;
	s6 =	sadd.s32 @!p0 $0x88, s6;
	s7 =	simm.s32 @p2 $0x1082  }
0x22: {  	[simem:s7], [sflag:s8] =	dma.local @!p0 [hbm:s6], $0xF7A  }
0x23: {  	s9 =	sor.u32 $0xD0000000, s2;
	s6 =	simm.s32 $0x108;
	_ =	swait.ge @!p0 [sflag:s8], $0x0  }
0x24: {  	s3 =	sadd.s32 $0x88, s3;
	s6 =	simm.s32 @!p1 $0x1082;
	[sflag:s4] =	ssyncset.s32 $0xFFFFF086  }
0x25: {  	[simem:s6], [sflag:s4] =	dma.local [hbm:s3], $0xF7A  }
0x26: {  	[smem:$0x3F9B] =	sst s1;
	(tag) =	ssettag s2;
	_ =	strace s9  }
0x27: {  	s1 =	sld [smem:$0x3FAB]  }
0x28: {  	s2 =	sld [smem:$0x3FAC]  }
0x29: {  	s4 =	sld [smem:$0x3FAE]  }
0x2a: {  	p0 =	seq.s32 s5, $0x0;
	s5 =	sld [smem:$0x3FAF]  }
0x2b: {  	s6 =	sld [smem:$0x3FB0]  }
0x2c: {  	s7 =	sld [smem:$0x3FB1]  }
0x2d: {  	s3 =	simm.s32 $0x108;
	s8 =	sld [smem:$0x3FB2]  }
0x2e: {  	s3 =	simm.s32 @!p0 $0x1082;
	s9 =	sld [smem:$0x3FB3]  }
0x2f: {  	lr =	sadd.s32 s0, s3;
	s0 =	sld [smem:$0x3FAA]  }
0x30: {  	s3 =	sld [smem:$0x3FAD]  }
0x31: {  	[smem:$0x3FB6] =	sst s10  }
0x32: {  	s10 =	sld [smem:$0x3FB4];
	_ =	sdelay $0x3  }
0x33: {  	p0 =	seq.s32 s10, $0x1;
	s10 =	sld [smem:$0x3FB6];
	_ =	sdelay $0x3  }
0x34: {  	[smem:$0x3FB6] =	sst s10  }
0x35: {  	s10 =	sld [smem:$0x3FB5];
	_ =	sdelay $0x3  }
0x36: {  	p1 =	seq.s32 s10, $0x1;
	s10 =	sld [smem:$0x3FB6];
	_ =	sdelay $0x3  }
0x37: {  	[smem:$0x3FB6] =	sst s10  }
0x38: {  	s10 =	sld [smem:$0x3FB7]  }
0x39: {  	_ = 	snop;
	(pc) =	sbr.ind lr, $3  }
0x3a: {  	_ = 	snop  }
0x3b: {  	_ = 	snop  }
0x3c: {  	p2 =	seq.s32 s10, $0x1;
	s10 =	sld [smem:$0x3FB6]  }
0x3d: {  	_ =	shalt  }
0x3e: {  	_ =	shalt  }
0x3f: {  	_ =	shalt  }
0x40: {  	_ =	shalt  }
0x41: {  	_ =	shalt  }
0x42: {  	_ =	shalt  }
0x43: {  	_ =	shalt  }
0x44: {  	_ =	shalt  }
0x45: {  	_ =	shalt  }
0x46: {  	_ =	shalt  }
0x47: {  	_ =	shalt  }
0x48: {  	_ =	shalt  }
0x49: {  	_ =	shalt  }
0x4a: {  	_ =	shalt  }
0x4b: {  	_ =	shalt  }
0x4c: {  	_ =	shalt  }
0x4d: {  	_ =	shalt  }
0x4e: {  	_ =	shalt  }
0x4f: {  	_ =	shalt  }
0x50: {  	_ =	shalt  }
0x51: {  	_ =	shalt  }
0x52: {  	_ =	shalt  }
0x53: {  	_ =	shalt  }
0x54: {  	_ =	shalt  }
0x55: {  	_ =	shalt  }
0x56: {  	_ =	shalt  }
0x57: {  	_ =	shalt  }
0x58: {  	_ =	shalt  }
0x59: {  	_ =	shalt  }
0x5a: {  	_ =	shalt  }
0x5b: {  	_ =	shalt  }
0x5c: {  	_ =	shalt  }
0x5d: {  	_ =	shalt  }
0x5e: {  	_ =	shalt  }
0x5f: {  	_ =	shalt  }
0x60: {  	_ =	shalt  }
0x61: {  	_ =	shalt  }
0x62: {  	_ =	shalt  }
0x63: {  	_ =	shalt  }
0x64: {  	_ =	shalt  }
0x65: {  	_ =	shalt  }
0x66: {  	_ =	shalt  }
0x67: {  	_ =	shalt  }
0x68: {  	_ =	shalt  }
0x69: {  	_ =	shalt  }
0x6a: {  	_ =	shalt  }
0x6b: {  	_ =	shalt  }
0x6c: {  	_ =	shalt  }
0x6d: {  	_ =	shalt  }
0x6e: {  	_ =	shalt  }
0x6f: {  	_ =	shalt  }
0x70: {  	_ =	shalt  }
0x71: {  	_ =	shalt  }
0x72: {  	_ =	shalt  }
0x73: {  	_ =	shalt  }
0x74: {  	_ =	shalt  }
0x75: {  	_ =	shalt  }
0x76: {  	_ =	shalt  }
0x77: {  	_ =	shalt  }
0x78: {  	_ =	shalt  }
0x79: {  	_ =	shalt  }
0x7a: {  	_ =	shalt  }
0x7b: {  	_ =	shalt  }
0x7c: {  	_ =	shalt  }
0x7d: {  	_ =	shalt  }
0x7e: {  	_ =	shalt  }
0x7f: {  	_ =	shalt  }
0x80: {  	_ =	shalt  }
0x81: {  	_ =	shalt  }
0x82: {  	_ =	shalt  }
0x83: {  	_ =	shalt  }
0x84: {  	_ =	shalt  }
0x85: {  	_ =	shalt  }
0x86: {  	_ =	shalt  }
0x87: {  	_ =	shalt  }
.Lfunc_end0:
.L_simem_size_0:
called_computation_lowered:
.L_overlay_start_0:
0x88: {  	s2 =	sld [smem:$0x3FD9]  }
0x89: {  	s3 =	sld [smem:$0x3FFE];
	_ =	sdelay $0x1  }
0x8a: {  	s1 =	srdreg.scid  }
0x8b: {  	s0 =	sand.u32 $0x1, s1  }
0x8c: {  	s17 =	sshll.u32 s0, $0xA;
	s2 =	sadd.s32 s3, s2  }
0x8d: {  	s2 =	sadd.s32 s2, s17  }
0x8e: {  	[smem:$0x3FC2] =	sst s2  }
0x8f: {  	_ = 	snop  }
0x90: {  	s2 =	sld [smem:$0x3FD0];
	(tm) =	ssettm $0x1  }
0x91: {  	s18 =	sld [smem:$0x3FFB];
	_ =	sdelay $0x3  }
0x92: {  	_ =	strace s18  }
0x93: {  	s3 =	sld [smem:$0x3FFC];
	_ =	sdelay $0x3  }
0x94: {  	_ =	strace s3  }
0x95: {  	s3 =	sld [smem:$0x3FFD];
	_ =	sdelay $0x3  }
0x96: {  	_ =	strace s3  }
0x97: {  	_ =	strace $0x8FFFFFFF  }
0x98: {  	s19 =	sld [smem:$0x3FDB];
	_ =	sdelay $0x1  }
0x99: {  	s4 =	simm.s32 $_scs_section_size  }
0x9a: {  	s5 =	simm.s32 $_size__tile_overlayer_lowered;
	s6 =	simm.s32 $_tile_overlayer_lowered  }
0x9b: {  	s22 =	simm.s32 $0x1BFF;
	s21 =	sshll.u32 s6, $0x1;
	s3 =	sadd.s32 s4, s19  }
0x9c: {  	s7 =	simm.s32 $0x0;
	s20 =	sshll.u32 s5, $0x1;
	s5 =	sadd.s32 s21, s3  }
0x9d: {  	[timem:s7], [sflag:s22] =	dma.local [hbm:s5], s20  }
0x9e: {  	_ =	swait.ge [sflag:s22], s20  }
0x9f: {  	s4 =	ssub.s32 $0x0, s20;
	[sflag:s22] =	ssyncset.done $0x0  }
0xa0: {  	[sflag:s22] =	ssyncadd.s32 s4;
	_ =	sdelay $0x1  }
0xa1: {  	s23 =	simm.s32 $0x1B8B  }
0xa2: {  	_ =	swait.ge [sflag:s23], $0x1  }
0xa3: {  	[sflag:s23] =	ssyncset.done $0x0  }
0xa4: {  	s25 =	simm.s32 $0x1B8E;
	s24 =	sld [smem:$0x3FFE];
	[sflag:s23] =	ssyncadd.s32 $0xFFFFFFFF  }
0xa5: {  	s26 =	simm.s32 $execute0_lowered;
	[smem:$0x3FD2] =	sst s25  }
0xa6: {  	s5 =	sshll.u32 s26, $0x1;
	_ =	strace $0x80000046;
	[dreg:$0x1] =	wrdreg $0xFFFFFFFF  }
0xa7: {  	s28 =	simm.s32 $_size_execute0_lowered;
	s3 =	sadd.s32 s3, s5;
	[dreg:$0x0] =	wrdreg $0x0  }
0xa8: {  	s5 =	sshll.u32 s28, $0x1;
	[dreg:$0x2] =	wrdreg s3  }
0xa9: {  	[dreg:$0x3] =	wrdreg s5  }
0xaa: {  	[dreg:$0x4] =	wrdreg $0xC0  }
0xab: {  	_ =	task [dreg:s7], $0x5FFFF  }
0xac: {  	[dreg:$0x1] =	wrdreg $0xFFFFFFFF  }
0xad: {  	[dreg:$0x0] =	wrdreg $0x60  }
0xae: {  	[dreg:$0x2] =	wrdreg s2  }
0xaf: {  	[dreg:$0x3] =	wrdreg s24  }
0xb0: {  	[dreg:$0x4] =	wrdreg $0x2B000  }
0xb1: {  	[dreg:$0x5] =	wrdreg $0x9  }
0xb2: {  	_ =	task.clear_ibuf [dreg:s7], $0x6FFFF;
	_ =	strace $0x90000046  }
0xb3: {  	s29 =	simm.s32 $0x9;
	_ =	strace $0x80000048  }
0xb4: {  	_ =	swait.ge [sflag:s29], $0x1  }
0xb5: {  	[sflag:s29] =	ssyncadd.s32 $0xFFFFFFFF  }
0xb6: {  	_ =	strace $0x90000048  }
0xb7: {  	_ =	sfence  }
0xb8: {  	s30 =	sld [smem:$0x0];
	_ =	sdelay $0x2  }
0xb9: {  	s31 =	sshll.u32 s1, $0xD;
	s1 =	sshrl.u32 s1, $0x2  }
0xba: {  	s3 =	sand.u32 $0x4000, s31;
	s1 =	sadd.s32 s1, s30  }
0xbb: {  	s0 =	sor.u32 s3, s0;
	s1 =	sshll.u32 s1, $0x11  }
0xbc: {  	s0 =	sor.u32 s1, s0  }
0xbd: {  	s0 =	sadd.s32 $0x8F2B, s0  }
0xbe: {  	[sflag:s0] =	ssyncadd.remote.s32 $0x1  }
0xbf: {  	_ =	sfence.sel $0xFFFF  }
0xc0: {  	[dreg:$0x0] =	wrdreg $0xFFFFFFFF;
	(pc) =	sbr.abs _section_cstart, $3  }
0xc1: {  	[dreg:$0x1] =	wrdreg $0xFFFFFFFF  }
0xc2: {  	_ =	task.clear_ibuf [dreg:s7], $0x2FFFF;
	_ =	strace $0x9FFFFFFF  }
0xc3: {  	(tm) =	ssettm $0x7FFFFFFF  }
tec
execute0_lowered:
.L_overlay_start_1:
0x0: {  	(tag) =	ssettag $0x1  }
0x1: {  	s7 =	rddreg [dreg:$0x0]  }
0x2: {  	s4 =	rddreg [dreg:$0x1];
	s1 =	srdreg.scid  }
0x3: {  	s0 =	stileid.u32;
	s2 =	rddreg [dreg:$0x2];
	s3 =	simm.s32 $0x0  }
0x4: {  	s12 =	simm.s32 $0x80;
	s13 =	simm.s32 $0x2800;
	s14 =	simm.s32 $0x0  }
0x5: {  	s5 =	sand.u32 $0x1, s1;
	s6 =	smul.u32 $0x280, s0;
	s1 =	rddreg [dreg:$0x3]  }
0x6: {  	[smem:$0x7FF] =	sst s3;
	s8 =	smul.u32 $0x2800, s5;
	s9 =	sshll.u32 s5, $0x4  }
0x7: {  	s5 =	ssub.s32 $0x2, s5;
	_ =	strace $0x80000047;
	s9 =	sor.u32 s0, s9  }
0x8: {  	s10 =	sshrl.u32 s5, $0x1;
	s8 =	sadd.s32 s6, s8;
	s11 =	smul.u32 $0x2800, s9  }
0x9: {  	s10 =	ssub.s32 s5, s10;
	p0 =	seq.s32 s9, $0x1F;
	s5 =	sadd.s32 s6, s2  }
0xa: {  	s8 =	sshrl.u32 s8, $0x3;
	s9 =	smax.u32 s10, $0x1;
	s10 =	simm.s32 $0x2880  }
0xb: {  	s8 =	sadd.s32 s8, s4;
	s4 =	simm.s32 $0x14;
	s30 =	sshrl.u32 s11, $0x3  }
0xc: {  	s11 =	simm.s32 $0x1;
	s4 =	simm.s32 @!p0 $0x50;
	s31 =	sadd.s32 s7, s30  }
0xd: {  	v0 =	vimm.f32 $1.000000000e+00;
	v1 =	vimm.f32 $0.0e+00;
	s7 =	sadd.s32 $0x13740, s7;
	s8 =	sadd.s32 $0x2400, s8;
	s6 =	sadd.s32 $0x9C40, s31  }
.LBB2_1:
0xe: {  	[tilespmem:$0x2800] =	vst v0  }
0xf: {  	[tilespmem:$0x2810] =	vst v0  }
0x10: {  	[tilespmem:$0x2820] =	vst v0  }
0x11: {  	[tilespmem:$0x2830] =	vst v0  }
0x12: {  	[tilespmem:$0x2840] =	vst v0  }
0x13: {  	[tilespmem:$0x2850] =	vst v0  }
0x14: {  	[tilespmem:$0x2860] =	vst v0  }
0x15: {  	[tilespmem:$0x2870] =	vst v0  }
0x16: {  	[tilespmem:$0x2880] =	vst v1  }
0x17: {  	[tilespmem:$0x2890] =	vst v1  }
0x18: {  	[tilespmem:$0x28A0] =	vst v1  }
0x19: {  	[tilespmem:$0x28B0] =	vst v1  }
0x1a: {  	[tilespmem:$0x28C0] =	vst v1  }
0x1b: {  	[tilespmem:$0x28D0] =	vst v1  }
0x1c: {  	[tilespmem:$0x28E0] =	vst v1  }
0x1d: {  	[tilespmem:$0x28F0] =	vst v1  }
0x1e: {  	[tilespmem:$0x2900] =	vst v1  }
0x1f: {  	[tilespmem:$0x2910] =	vst v1  }
0x20: {  	[tilespmem:$0x2920] =	vst v1  }
0x21: {  	[tilespmem:$0x2930] =	vst v1  }
0x22: {  	[tilespmem:$0x2940] =	vst v1  }
0x23: {  	[tilespmem:$0x2950] =	vst v1  }
0x24: {  	[tilespmem:$0x2960] =	vst v1  }
0x25: {  	[tilespmem:$0x2970] =	vst v1  }
0x26: {  	[tilespmem:$0x2980] =	vst v1  }
0x27: {  	[tilespmem:$0x2990] =	vst v1  }
0x28: {  	[tilespmem:$0x29A0] =	vst v1  }
0x29: {  	[tilespmem:$0x29B0] =	vst v1  }
0x2a: {  	[tilespmem:$0x29C0] =	vst v1  }
0x2b: {  	[tilespmem:$0x29D0] =	vst v1  }
0x2c: {  	[tilespmem:$0x29E0] =	vst v1  }
0x2d: {  	[tilespmem:$0x29F0] =	vst v1  }
0x2e: {  	[tilespmem:$0x2A00] =	vst v1  }
0x2f: {  	[tilespmem:$0x2A10] =	vst v1  }
0x30: {  	[tilespmem:$0x2A20] =	vst v1  }
0x31: {  	[tilespmem:$0x2A30] =	vst v1  }
0x32: {  	[tilespmem:$0x2A40] =	vst v1  }
0x33: {  	[tilespmem:$0x2A50] =	vst v1  }
0x34: {  	[tilespmem:$0x2A60] =	vst v1  }
0x35: {  	[tilespmem:$0x2A70] =	vst v1  }
0x36: {  	[tilespmem:$0x2A80] =	vst v1  }
0x37: {  	[tilespmem:$0x2A90] =	vst v1  }
0x38: {  	[tilespmem:$0x2AA0] =	vst v1  }
0x39: {  	[tilespmem:$0x2AB0] =	vst v1  }
0x3a: {  	[tilespmem:$0x2AC0] =	vst v1  }
0x3b: {  	[tilespmem:$0x2AD0] =	vst v1  }
0x3c: {  	[tilespmem:$0x2AE0] =	vst v1  }
0x3d: {  	[tilespmem:$0x2AF0] =	vst v1  }
0x3e: {  	[spmem:s5] =	stream.linear.scatter [tilespmem:s10], [sflag:$0x1], $0x280, $0x38;
	[tilespmem:$0x2D80] =	vst v63  }
0x3f: {  	_ =	swait.ge [sflag:s11], $0x280  }
0x40: {  	[sflag:s11] =	ssyncset.done $0x0  }
0x41: {  	s15 =	simm.s32 @p0 $0x0;
	[sflag:s11] =	ssyncadd.s32 $0xFFFFFD80  }
0x42: {  	[tilespmem:s15], [sflag:$0x1] =	stream.linear.gather @p0 [hbm4b:s7+s15], $0xA00, $0x38;
	[tilespmem:$0x2D80] =	vst v63  }
0x43: {  	s15 =	simm.s32 @p0 $0x1  }
0x44: {  	_ =	swait.ge @p0 [sflag:s15], $0xA00  }
0x45: {  	[sflag:s15] =	ssyncset.done @p0 $0x0  }
0x46: {  	[sflag:s15] =	ssyncadd.s32 @p0 $0xFFFFF600;
	s15 =	simm.s32 @!p0 $0x0  }
0x47: {  	[tilespmem:s15], [sflag:$0x1] =	stream.linear.gather @!p0 [hbm4b:s6+s15], $0x2800, $0x38;
	[tilespmem:$0x2D80] =	vst v63  }
0x48: {  	s15 =	simm.s32 @!p0 $0x1  }
0x49: {  	_ =	swait.ge @!p0 [sflag:s15], $0x2800  }
0x4a: {  	p1 =	sne.s32 s4, $0x1;
	[sflag:s15] =	ssyncset.done @!p0 $0x0  }
.Ltmp0:
0x4b: {  	[sflag:s15] =	ssyncadd.s32 @!p0 $0xFFFFD800;
	(pc) =	sbr.rel @!p1 .LBB2_3-.Ltmp0, $4  }
0x4c: {  	[bflag:$0x0] =	sbarrier.arrive $0xFFFF  }
0x4d: {  	[spmem:s2] =	stream.indirect.scatter.add.f32 [tilespmem:s13], [sflag:$0x1], $0x1, s3, s12, $0xb8;
	[tilespmem:$0x2D80] =	vst v63  }
0x4e: {  	_ =	swait.ge [sflag:s11], $0x80  }
0x4f: {  	s16 =	simm.s32 $0x0;
	s15 =	sadd.s32 $0xFFFFFFFF, s4;
	[sflag:s11] =	ssyncset.done $0x0  }
.LBB2_2:
0x50: {  	p1 =	sne.s32 s15, $0x1;
	[sflag:s11] =	ssyncadd.s32 $0xFFFFFF80;
	s16 =	sadd.s32 $0x80, s16  }
.Ltmp1:
0x51: {  	s15 =	sadd.s32 $0xFFFFFFFF, s15;
	(pc) =	sbr.rel @p1 .LBB2_2-.Ltmp1, $4  }
0x52: {  	_ = 	snop  }
0x53: {  	[spmem:s2] =	stream.indirect.scatter.add.f32 [tilespmem:s13], [sflag:$0x1], $0x1, s16, s12, $0xb8;
	[tilespmem:$0x2D80] =	vst v63  }
0x54: {  	_ =	swait.ge [sflag:s11], $0x80  }
0x55: {  	[sflag:s11] =	ssyncset.done $0x0  }
.LBB2_3:
0x56: {  	[sflag:s11] =	ssyncadd.s32 $0xFFFFFF80  }
0x57: {  	[bflag:$0x0] =	sbarrier.arrive $0xFFFF  }
0x58: {  	[tilespmem:s10], [sflag:$0x1] =	stream.linear.gather [spmem:s5], $0x280, $0x38;
	[tilespmem:$0x2D80] =	vst v63  }
0x59: {  	s14 =	sadd.s32 $0x1, s14;
	_ =	swait.ge [sflag:s11], $0x280  }
0x5a: {  	p1 =	sne.s32 s14, s9;
	[sflag:s11] =	ssyncset.done $0x0  }
.Ltmp2:
0x5b: {  	[sflag:s11] =	ssyncadd.s32 $0xFFFFFD80;
	(pc) =	sbr.rel @p1 .LBB2_1-.Ltmp2, $4  }
0x5c: {  	[hbm4b:s8+s3] =	stream.linear.scatter [tilespmem:s10], [sflag:$0x1], $0x280, $0x38;
	[tilespmem:$0x2D80] =	vst v63  }
0x5d: {  	_ =	swait.ge [sflag:s11], $0x280  }
0x5e: {  	[sflag:s11] =	ssyncset.done $0x0  }
0x5f: {  	[sflag:s11] =	ssyncadd.s32 $0xFFFFFD80  }
0x60: {  	_ =	sfence.sel $0x180000  }
0x61: {  	[bflag:$0x0] =	sbarrier.arrive $0xFFFF  }
0x62: {  	p0 =	sne.s32 s0, $0x0;
	_ =	strace $0x90000047  }
0x63: {  	s0 =	sadd.s32 @!p0 $0x100000, s1;
	[bflag:$0x2] =	sbarrier.arrive $0xFFFF  }
0x64: {  	[sflag:s0] =	ssyncadd.tile.s32 @!p0 $0x1;
	_ =	shalt  }
.Lfunc_end2:
_tile_overlayer_lowered:
.L_overlay_start_2:
0x65: {  	(tag) =	ssettag $0x2  }
0x66: {  	s0 =	rddreg [dreg:$0x0];
	s2 =	stileid.u32  }
0x67: {  	s1 =	rddreg [dreg:$0x1];
	p0 =	sne.s32 s2, $0x0  }
0x68: {  	s3 =	rddreg [dreg:$0x2];
	[bflag:$0x3] =	sbarrier.arrive $0xFFFF;
	s2 =	simm.s32 @!p0 $0x1C01  }
0x69: {  	[timem:s3], [sflag:s2] =	dma.local @!p0 [hbm:s0], s1  }
0x6a: {  	s0 =	simm.s32 @!p0 $0x1  }
0x6b: {  	_ =	swait.ge @!p0 [sflag:s0], s1  }
0x6c: {  	s1 =	ssub.s32 @!p0 $0x0, s1;
	[sflag:s0] =	ssyncset.done @!p0 $0x0  }
0x6d: {  	[sflag:s0] =	ssyncadd.s32 @!p0 s1  }
0x6e: {  	[bflag:$0x3] =	sbarrier.arrive $0xFFFF  }
0x6f: {  	_ =	shalt  }

</sc_bundles>
